<compile_context>
chip_gen: v7x
topology: tpu7x:2x2x1
jax: 0.10.2.dev20260603
libtpu: 0.0.44.dev20260713+nightly
codegen_flags: <defaults>
</compile_context>

<pallas_src>
import functools

import jax
import jax.numpy as jnp
from jax import lax
from jax.experimental import pallas as pl
from jax.experimental.pallas import tpu as pltpu
from jax.experimental.pallas import tpu_sc as plsc

NUM_NODES = 100000
N_SUB = 20000
N_EDGES = 200000
N_EVENTS = 200000
BATCH = 8192
MEM_DIM = 172
MEM_PAD = 256
TIME_DIM = 100
HID = 128
HEADS = 2
DH = 64
AGG_W = 128
DEN_W = 16

NC, NS = 2, 16
NW = NC * NS

E_PAD = 200704
N_SUB_PAD = 20480

f32 = jnp.float32


def _sc_mesh():
    return plsc.VectorSubcoreMesh(core_axis_name="c", subcore_axis_name="s",
                                  num_cores=NC, num_subcores=NS)


_RB1 = 2000


def _event_proj_body(t_ref, wt_ref, bt_ref, msg_ref, wet_ref, wem_ref, out_ref):
    te = jnp.cos(t_ref[...] * wt_ref[...] + bt_ref[...])
    out_ref[...] = (
        jnp.dot(te, wet_ref[...], preferred_element_type=f32)
        + jnp.dot(msg_ref[...], wem_ref[...], preferred_element_type=f32))


def _event_proj(t2, wt2, bt2, msg, wet, wem):
    grid = (N_EVENTS // _RB1,)
    return pl.pallas_call(
        _event_proj_body,
        grid=grid,
        in_specs=[
            pl.BlockSpec((_RB1, 1), lambda i: (i, 0)),
            pl.BlockSpec((1, TIME_DIM), lambda i: (0, 0)),
            pl.BlockSpec((1, TIME_DIM), lambda i: (0, 0)),
            pl.BlockSpec((_RB1, MEM_DIM), lambda i: (i, 0)),
            pl.BlockSpec((TIME_DIM, HID), lambda i: (0, 0)),
            pl.BlockSpec((MEM_DIM, HID), lambda i: (0, 0)),
        ],
        out_specs=pl.BlockSpec((_RB1, HID), lambda i: (i, 0)),
        out_shape=jax.ShapeDtypeStruct((N_EVENTS, HID), f32),
    )(t2, wt2, bt2, msg, wet, wem)


_RB2 = 2000


def _node_proj_body(mem_ref, wq_ref, wk_ref, wv_ref, ws_ref,
                    kv_ref, q_ref, s_ref):
    m = mem_ref[...]
    kv_ref[:, :HID] = jnp.dot(m, wk_ref[...], preferred_element_type=f32)
    kv_ref[:, HID:] = jnp.dot(m, wv_ref[...], preferred_element_type=f32)
    q_ref[...] = jnp.dot(m, wq_ref[...], preferred_element_type=f32)
    s_ref[...] = jnp.dot(m, ws_ref[...], preferred_element_type=f32)


def _node_proj(memory, wq, wk, wv, ws):
    grid = (NUM_NODES // _RB2,)
    wspec = pl.BlockSpec((MEM_DIM, HID), lambda i: (0, 0))
    return pl.pallas_call(
        _node_proj_body,
        grid=grid,
        in_specs=[pl.BlockSpec((_RB2, MEM_DIM), lambda i: (i, 0)),
                  wspec, wspec, wspec, wspec],
        out_specs=(pl.BlockSpec((_RB2, 2 * HID), lambda i: (i, 0)),
                   pl.BlockSpec((_RB2, HID), lambda i: (i, 0)),
                   pl.BlockSpec((_RB2, HID), lambda i: (i, 0))),
        out_shape=(jax.ShapeDtypeStruct((NUM_NODES, 2 * HID), f32),
                   jax.ShapeDtypeStruct((NUM_NODES, HID), f32),
                   jax.ShapeDtypeStruct((NUM_NODES, HID), f32)),
    )(memory, wq, wk, wv, ws)


def _sc_gather2(ta, tb, idx, d):
    n = idx.shape[0]
    chunks = n // 128
    idx2 = idx.reshape(1, n)

    @functools.partial(
        pl.kernel,
        mesh=_sc_mesh(),
        out_type=(jax.ShapeDtypeStruct((n, d), f32),
                  jax.ShapeDtypeStruct((n, d), f32)),
    )
    def k(ta_hbm, tb_hbm, idx_hbm, oa_hbm, ob_hbm):
        def body(i_vmem, oa_v, ob_v):
            pltpu.sync_copy(ta_hbm.at[i_vmem.at[0]], oa_v)
            pltpu.sync_copy(tb_hbm.at[i_vmem.at[0]], ob_v)

        pltpu.emit_pipeline(
            body,
            grid=(chunks,),
            in_specs=[pl.BlockSpec((1, 128), lambda i: (0, i))],
            out_specs=[pl.BlockSpec((128, d), lambda i: (i, 0)),
                       pl.BlockSpec((128, d), lambda i: (i, 0))],
            core_axis_name=("c", "s"),
            dimension_semantics=(pltpu.PARALLEL,),
        )(idx_hbm, oa_hbm, ob_hbm)

    return k(ta, tb, idx2)


def _sc_gather(table, idx, d):
    n = idx.shape[0]
    chunks = n // 128
    idx2 = idx.reshape(1, n)

    @functools.partial(
        pl.kernel,
        mesh=_sc_mesh(),
        out_type=jax.ShapeDtypeStruct((n, d), f32),
    )
    def k(table_hbm, idx_hbm, out_hbm):
        def body(i_vmem, o_vmem):
            pltpu.sync_copy(table_hbm.at[i_vmem.at[0]], o_vmem)

        pltpu.emit_pipeline(
            body,
            grid=(chunks,),
            in_specs=[pl.BlockSpec((1, 128), lambda i: (0, i))],
            out_specs=[pl.BlockSpec((128, d), lambda i: (i, 0))],
            core_axis_name=("c", "s"),
            dimension_semantics=(pltpu.PARALLEL,),
        )(idx_hbm, out_hbm)

    return k(table, idx2)


_CH4 = 128


def _edge_gather_kv(kvt, src2):
    @functools.partial(
        pl.kernel,
        mesh=_sc_mesh(),
        out_type=jax.ShapeDtypeStruct((E_PAD, 2 * HID), f32),
    )
    def kern(kv_h, src_h, okv):
        def body(is_v, okv_v):
            pltpu.sync_copy(kv_h.at[is_v.at[0]], okv_v)

        pltpu.emit_pipeline(
            body,
            grid=(E_PAD // _CH4,),
            in_specs=[pl.BlockSpec((1, _CH4), lambda i: (0, i))],
            out_specs=[pl.BlockSpec((_CH4, 2 * HID), lambda i: (i, 0))],
            core_axis_name=("c", "s"),
            dimension_semantics=(pltpu.PARALLEL,),
        )(src_h, okv)

    return kern(kvt, src2)


def _edge_gather_qe(qt, evt, dst2, eid2):
    row_t = jax.ShapeDtypeStruct((E_PAD, HID), f32)

    @functools.partial(
        pl.kernel,
        mesh=_sc_mesh(),
        out_type=(row_t, row_t),
    )
    def kern(q_h, ev_h, dst_h, eid_h, oq, oe):
        def body(id_v, ie_v, oq_v, oe_v):
            pltpu.sync_copy(q_h.at[id_v.at[0]], oq_v)
            pltpu.sync_copy(ev_h.at[ie_v.at[0]], oe_v)

        ispec = pl.BlockSpec((1, _CH4), lambda i: (0, i))
        ospec = pl.BlockSpec((_CH4, HID), lambda i: (i, 0))
        pltpu.emit_pipeline(
            body,
            grid=(E_PAD // _CH4,),
            in_specs=[ispec, ispec],
            out_specs=[ospec, ospec],
            core_axis_name=("c", "s"),
            dimension_semantics=(pltpu.PARALLEL,),
        )(dst_h, eid_h, oq, oe)

    return kern(qt, evt, dst2, eid2)


_RB5 = 2048


def _edge_math_body(kv_ref, qd_ref, ee_ref, out_ref):
    i = pl.program_id(0)
    ee = ee_ref[...]
    ke = kv_ref[:, :HID] + ee
    ve = kv_ref[:, HID:] + ee
    prod = qd_ref[...] * ke
    a0 = jnp.sum(prod[:, :DH], axis=1, keepdims=True) * 0.125
    a1 = jnp.sum(prod[:, DH:], axis=1, keepdims=True) * 0.125
    rowid = lax.broadcasted_iota(jnp.int32, (_RB5, 1), 0) + i * _RB5
    valid = rowid < N_EDGES
    e0 = jnp.where(valid, jnp.exp(a0), 0.0)
    e1 = jnp.where(valid, jnp.exp(a1), 0.0)
    pad = jnp.zeros((_RB5, AGG_W - DH - 1), f32)
    h0 = jnp.concatenate([e0 * ve[:, :DH], e0, pad], axis=1)
    h1 = jnp.concatenate([e1 * ve[:, DH:], e1, pad], axis=1)
    out_ref[...] = jnp.stack([h0, h1], axis=0)


def _edge_math(kvse, qdst, ee):
    grid = (E_PAD // _RB5,)
    espec = pl.BlockSpec((_RB5, HID), lambda i: (i, 0))
    return pl.pallas_call(
        _edge_math_body,
        grid=grid,
        in_specs=[pl.BlockSpec((_RB5, 2 * HID), lambda i: (i, 0)), espec, espec],
        out_specs=pl.BlockSpec((HEADS, _RB5, AGG_W), lambda i: (0, i, 0)),
        out_shape=jax.ShapeDtypeStruct((HEADS, E_PAD, AGG_W), f32),
    )(kvse, qdst, ee)


_CH6 = 128
_CPT6 = E_PAD // (NS * _CH6)
_HALF_N = 10240
_TRASH = _HALF_N
_AGG_ROWS = _HALF_N + 8
N_AGG = 2 * _HALF_N
_ZR6 = _HALF_N // NS


def _seg_scatter(evw, dst3, zrows):
    @functools.partial(
        pl.kernel,
        mesh=_sc_mesh(),
        out_type=jax.ShapeDtypeStruct((HEADS, N_AGG, AGG_W), f32),
        scratch_types=[
            pltpu.VMEM((_CPT6, _CH6), jnp.int32),
            pltpu.VMEM((_CH6, AGG_W), f32),
            pltpu.VMEM((_CH6, AGG_W), f32),
            pltpu.VMEM_SHARED((_AGG_ROWS, AGG_W), f32),
        ],
    )
    def kern(evw_h, dst_h, z_h, out_h, idx_v, buf, zbuf, agg):
        c = lax.axis_index("c")
        s = lax.axis_index("s")
        pltpu.sync_copy(z_h, zbuf)

        for p in range(2):
            lo = p * _HALF_N
            pltpu.sync_copy(dst_h.at[s], idx_v)

            @pl.loop(0, _CPT6 * (_CH6 // 16))
            def _(t):
                j = t // (_CH6 // 16)
                k = t % (_CH6 // 16)
                v = idx_v[j, pl.ds(k * 16, 16)]
                m = (v >= lo) & (v < lo + _HALF_N)
                idx_v[j, pl.ds(k * 16, 16)] = jnp.where(m, v - lo, _TRASH)

            @pl.loop(0, _ZR6 // _CH6)
            def _(r):
                pltpu.sync_copy(zbuf, agg.at[pl.ds(s * _ZR6 + r * _CH6, _CH6)])

            @pl.when(s == 0)
            def _():
                pltpu.sync_copy(zbuf.at[pl.ds(0, 8)],
                                agg.at[pl.ds(_HALF_N, 8)])

            plsc.subcore_barrier()

            @pl.loop(0, _CPT6)
            def _(j):
                pltpu.sync_copy(
                    evw_h.at[c, pl.ds(s * _CPT6 * _CH6 + j * _CH6, _CH6)], buf)
                pltpu.sync_copy(buf, agg.at[idx_v.at[j]], add=True)

            plsc.subcore_barrier()

            @pl.loop(0, _ZR6 // _CH6)
            def _(r):
                pltpu.sync_copy(agg.at[pl.ds(s * _ZR6 + r * _CH6, _CH6)], zbuf)
                pltpu.sync_copy(
                    zbuf, out_h.at[c, pl.ds(lo + s * _ZR6 + r * _CH6, _CH6)])

            pltpu.sync_copy(z_h, zbuf)

    return kern(evw, dst3, zrows)


_RB7 = 2000


def _z_comb_body(agg_ref, skip_ref, z_ref):
    a0 = agg_ref[0]
    a1 = agg_ref[1]
    z0 = a0[:, :DH] / (a0[:, DH:DH + 1] + 1e-16)
    z1 = a1[:, :DH] / (a1[:, DH:DH + 1] + 1e-16)
    z_ref[...] = jnp.concatenate([z0, z1], axis=1) + skip_ref[...]


def _z_comb(agg, skip):
    grid = (N_SUB // _RB7,)
    return pl.pallas_call(
        _z_comb_body,
        grid=grid,
        in_specs=[pl.BlockSpec((HEADS, _RB7, AGG_W), lambda i: (0, i, 0)),
                  pl.BlockSpec((_RB7, HID), lambda i: (i, 0))],
        out_specs=pl.BlockSpec((_RB7, HID), lambda i: (i, 0)),
        out_shape=jax.ShapeDtypeStruct((N_SUB, HID), f32),
    )(agg, skip)


def _softplus(x):
    return jnp.maximum(x, 0.0) + jnp.log1p(jnp.exp(-jnp.abs(x)))


def _pred_body(z3_ref, w1_ref, w2_ref, b1_ref, wf_ref, bf_ref, out_ref):
    zs = z3_ref[:BATCH]
    zd = z3_ref[BATCH:2 * BATCH]
    zn = z3_ref[2 * BATCH:]
    zw1 = jnp.dot(zs, w1_ref[...], preferred_element_type=f32)
    w2 = w2_ref[...]
    b1 = b1_ref[...]
    wf = wf_ref[...]
    bf = bf_ref[0, 0]
    hp = jax.nn.relu(zw1 + jnp.dot(zd, w2, preferred_element_type=f32) + b1)
    hn = jax.nn.relu(zw1 + jnp.dot(zn, w2, preferred_element_type=f32) + b1)
    pos = jnp.dot(hp, wf, preferred_element_type=f32) + bf
    neg = jnp.dot(hn, wf, preferred_element_type=f32) + bf
    loss = jnp.mean(_softplus(-pos)) + jnp.mean(_softplus(neg))
    out_ref[...] = loss[None, None]


def _predictor(z3, w1, w2, b12, wf, bf2):
    return pl.pallas_call(
        _pred_body,
        out_shape=jax.ShapeDtypeStruct((1, 1), f32),
    )(z3, w1, w2, b12, wf, bf2)


def kernel(src, dst, neg_dst, n_id, edge_index, e_id, t, msg, memory,
           w_t, b_t, Wq, Wk, Wv, We, Wskip, W1, W2, b1, Wf, bf):
    i32 = jnp.int32
    src_l = edge_index[0].astype(i32)
    dst_l = edge_index[1].astype(i32)
    epad = E_PAD - N_EDGES

    ev = _event_proj(t.reshape(N_EVENTS, 1), w_t.reshape(1, TIME_DIM),
                     b_t.reshape(1, TIME_DIM), msg,
                     We[:TIME_DIM], We[TIME_DIM:])

    kv_all, q_all, skip_all = _node_proj(memory, Wq, Wk, Wv, Wskip)

    nidp = jnp.pad(n_id.astype(i32), (0, N_SUB_PAD - N_SUB))
    kv = _sc_gather(kv_all, nidp, 2 * HID)
    q, skip = _sc_gather2(q_all, skip_all, nidp, HID)

    src2 = jnp.pad(src_l, (0, epad)).reshape(1, E_PAD)
    dst2 = jnp.pad(dst_l, (0, epad)).reshape(1, E_PAD)
    eid2 = jnp.pad(e_id.astype(i32), (0, epad)).reshape(1, E_PAD)
    kvse = _edge_gather_kv(kv, src2)
    qdst, ee = _edge_gather_qe(q, ev, dst2, eid2)

    evw = _edge_math(kvse, qdst, ee)

    dstt = jnp.pad(dst_l, (0, epad)).reshape(NS, _CPT6, _CH6)
    agg = _seg_scatter(evw, dstt, jnp.zeros((_CH6, AGG_W), f32))

    z = _z_comb(agg, skip)

    assoc = jnp.zeros((NUM_NODES,), i32).at[n_id].set(
        jnp.arange(N_SUB, dtype=i32))
    loc = assoc[jnp.concatenate([src, dst, neg_dst])].astype(i32)
    z3 = _sc_gather(z, loc, HID)

    loss = _predictor(z3, W1, W2, b1.reshape(1, HID), Wf, bf.reshape(1, 1))
    return loss[0, 0]

# --- scband reference (transcript-rebuilt; emitter-appended) ---
"""Pipeline reference for scband-pretrain-38439957299941 (READ-ONLY COPY).

The authoritative reference and input builder live on the scoring server;
editing this copy changes nothing except your own understanding.
"""

import jax, jax.numpy as jnp
import numpy as np

NUM_NODES = 100000
N_SUB = 20000
N_EDGES = 200000
N_EVENTS = 200000
B = 8192
MEM_DIM = 172
TIME_DIM = 100
HID = 128
HEADS = 2
DH = HID // HEADS
EDGE_DIM = TIME_DIM + MEM_DIM


def setup_inputs(seed: int = 0) -> dict:
    key = jax.random.key(seed)
    ks = jax.random.split(key, 24)
    inp = {}
    inp['src'] = jax.random.randint(ks[0], (B,), 0, NUM_NODES, dtype=jnp.int64) if jax.config.jax_enable_x64 else jax.random.randint(ks[0], (B,), 0, NUM_NODES).astype(jnp.int32)
    inp['dst'] = jax.random.randint(ks[1], (B,), 0, NUM_NODES).astype(inp['src'].dtype)
    inp['neg_dst'] = jax.random.randint(ks[2], (B,), 0, NUM_NODES).astype(inp['src'].dtype)
    inp['n_id'] = jax.random.randint(ks[3], (N_SUB,), 0, NUM_NODES).astype(inp['src'].dtype)
    inp['edge_index'] = jax.random.randint(ks[4], (2, N_EDGES), 0, N_SUB).astype(inp['src'].dtype)
    inp['e_id'] = jax.random.randint(ks[5], (N_EDGES,), 0, N_EVENTS).astype(inp['src'].dtype)
    inp['t'] = jax.random.uniform(ks[6], (N_EVENTS,), dtype=jnp.float32)
    inp['msg'] = jax.random.normal(ks[7], (N_EVENTS, MEM_DIM), dtype=jnp.float32)
    inp['memory'] = jax.random.normal(ks[8], (NUM_NODES, MEM_DIM), dtype=jnp.float32)
    inp['w_t'] = jax.random.normal(ks[9], (TIME_DIM,), dtype=jnp.float32)
    inp['b_t'] = jax.random.normal(ks[10], (TIME_DIM,), dtype=jnp.float32)
    s = 1.0 / np.sqrt(MEM_DIM)
    inp['Wq'] = jax.random.normal(ks[11], (MEM_DIM, HID), dtype=jnp.float32) * s
    inp['Wk'] = jax.random.normal(ks[12], (MEM_DIM, HID), dtype=jnp.float32) * s
    inp['Wv'] = jax.random.normal(ks[13], (MEM_DIM, HID), dtype=jnp.float32) * s
    inp['We'] = jax.random.normal(ks[14], (EDGE_DIM, HID), dtype=jnp.float32) * (1.0 / np.sqrt(EDGE_DIM))
    inp['Wskip'] = jax.random.normal(ks[15], (MEM_DIM, HID), dtype=jnp.float32) * s
    sh = 1.0 / np.sqrt(HID)
    inp['W1'] = jax.random.normal(ks[16], (HID, HID), dtype=jnp.float32) * sh
    inp['W2'] = jax.random.normal(ks[17], (HID, HID), dtype=jnp.float32) * sh
    inp['b1'] = jnp.zeros((HID,), dtype=jnp.float32)
    inp['Wf'] = jax.random.normal(ks[18], (HID, 1), dtype=jnp.float32) * sh
    inp['bf'] = jnp.zeros((1,), dtype=jnp.float32)
    return inp


def _tgn_forward(src, dst, neg_dst, n_id, edge_index, e_id, t, msg, memory,
                 w_t, b_t, Wq, Wk, Wv, We, Wskip, W1, W2, b1, Wf, bf):
    n_sub = n_id.shape[0]
    # memory gather for the sampled subgraph nodes
    mem = memory[n_id]  # [N_sub, MEM_DIM]
    # time encoding of the gathered events
    rel_t = t[e_id]  # [E]
    time_enc = jnp.cos(rel_t[:, None] * w_t[None, :] + b_t[None, :])  # [E, TIME_DIM]
    edge_attr = jnp.concatenate([time_enc, msg[e_id]], axis=1)  # [E, EDGE_DIM]
    # TransformerConv with edge features (PyG-style)
    q = (mem @ Wq).reshape(n_sub, HEADS, DH)
    k = (mem @ Wk).reshape(n_sub, HEADS, DH)
    v = (mem @ Wv).reshape(n_sub, HEADS, DH)
    e = (edge_attr @ We).reshape(-1, HEADS, DH)
    src_l = edge_index[0]
    dst_l = edge_index[1]
    k_e = k[src_l] + e  # [E, H, DH]
    v_e = v[src_l] + e
    alpha = jnp.sum(q[dst_l] * k_e, axis=-1) / jnp.sqrt(jnp.float32(DH))  # [E, H]
    seg_max = jax.ops.segment_max(alpha, dst_l, num_segments=n_sub)
    seg_max = jnp.where(jnp.isfinite(seg_max), seg_max, 0.0)
    ex = jnp.exp(alpha - seg_max[dst_l])  # [E, H]
    denom = jax.ops.segment_sum(ex, dst_l, num_segments=n_sub) + 1e-16  # [N_sub, H]
    agg = jax.ops.segment_sum(ex[:, :, None] * v_e, dst_l, num_segments=n_sub)  # [N_sub, H, DH]
    out = agg / denom[:, :, None]
    z = out.reshape(n_sub, HID) + mem @ Wskip  # [N_sub, HID]
    # assoc scatter: global node id -> local row of z
    assoc = jnp.zeros((NUM_NODES,), dtype=jnp.int32).at[n_id].set(
        jnp.arange(n_sub, dtype=jnp.int32))
    z_src = z[assoc[src]]
    z_dst = z[assoc[dst]]
    z_neg = z[assoc[neg_dst]]
    def predictor(a, b):
        h = jax.nn.relu(a @ W1 + b @ W2 + b1)
        return (h @ Wf + bf)[:, 0]
    pos_out = predictor(z_src, z_dst)
    neg_out = predictor(z_src, z_neg)
    # BCEWithLogitsLoss(pos, 1) + BCEWithLogitsLoss(neg, 0)
    loss = jnp.mean(jax.nn.softplus(-pos_out)) + jnp.mean(jax.nn.softplus(neg_out))
    return loss


def reference(src, dst, neg_dst, n_id, edge_index, e_id, t, msg, memory,
              w_t, b_t, Wq, Wk, Wv, We, Wskip, W1, W2, b1, Wf, bf):
    return _tgn_forward(src, dst, neg_dst, n_id, edge_index, e_id, t, msg, memory,
                        w_t, b_t, Wq, Wk, Wv, We, Wskip, W1, W2, b1, Wf, bf)

if __name__ == "__main__":
    import jax
    _d = setup_inputs()
    print(jax.jit(kernel)(*tuple(_d.values())))

</pallas_src>

<mosaic_0001>
#map = affine_map<(d0, d1) -> (0, 0)>
module attributes {stable_mosaic.version = 14 : i64} {
  func.func @kern(%arg0: i32, %arg1: i32, %arg2: memref<20480x256xf32, #tpu.memory_space<hbm>>, %arg3: memref<1x200704xi32, #tpu.memory_space<hbm>>, %arg4: memref<200704x256xf32, #tpu.memory_space<hbm>>) attributes {dimension_semantics = [#tpu.dimension_semantics<core_parallel>, #tpu.dimension_semantics<subcore_parallel>], iteration_bounds = array<i64: 2, 16>, scalar_prefetch = 0 : i64, scratch_operands = 0 : i64, tpu.core_type = #tpu.core_type<sc_vector_subcore>, window_params = [{transform_indices = #map}, {transform_indices = #map}, {transform_indices = #map}]} {
    %mul3A = arith.constant 1 : i32
    %mul3A_0 = arith.muli %arg1, %mul3A : i32
    %add3A = arith.constant 0 : i32
    %add3A_1 = arith.addi %add3A, %mul3A_0 : i32
    %mul3A_2 = arith.constant 16 : i32
    %mul3A_3 = arith.muli %arg0, %mul3A_2 : i32
    %add3A_4 = arith.addi %add3A_1, %mul3A_3 : i32
    %mul3A_5 = arith.constant 49 : i32
    %mul3A_6 = arith.muli %add3A_4, %mul3A_5 : i32
    "tpu.region"() ({
      %run_scoped3A = memref.alloca() : memref<2x1x128xi32, #tpu.memory_space<vmem>>
      %run_scoped3A_7 = tpu.sem_alloc : memref<2x!tpu.dma_semaphore, #tpu.memory_space<semaphore_mem>>
      %run_scoped3A_8 = memref.alloca() : memref<2x128x256xf32, #tpu.memory_space<vmem>>
      %run_scoped3A_9 = tpu.sem_alloc : memref<2x!tpu.dma_semaphore, #tpu.memory_space<semaphore_mem>>
      %add3A_10 = arith.constant 0 : i32
      %add3A_11 = arith.addi %add3A_10, %mul3A_6 : i32
      %select_n3A = arith.constant true
      %select_n3A_12 = arith.constant 0 : i32
      %select_n3A_13 = arith.constant -1 : i32
      %select_n3A_14 = arith.select %select_n3A, %select_n3A_13, %select_n3A_12 : i32
      %eq3A = arith.constant -1 : i32
      %eq3A_15 = arith.cmpi eq, %select_n3A_14, %eq3A : i32
      %select_n3A_16 = arith.constant 48 : i32
      %select_n3A_17 = arith.select %eq3A_15, %select_n3A_16, %select_n3A_14 : i32
      %add3A_18 = arith.addi %select_n3A_17, %mul3A_6 : i32
      %select_n3A_19 = arith.constant true
      %select_n3A_20 = arith.constant 0 : i32
      %select_n3A_21 = arith.constant 1 : i32
      %select_n3A_22 = arith.select %select_n3A_19, %select_n3A_21, %select_n3A_20 : i32
      %eq3A_23 = arith.constant 49 : i32
      %eq3A_24 = arith.cmpi eq, %select_n3A_22, %eq3A_23 : i32
      %select_n3A_25 = arith.constant 0 : i32
      %select_n3A_26 = arith.select %eq3A_24, %select_n3A_25, %select_n3A_22 : i32
      %add3A_27 = arith.addi %select_n3A_26, %mul3A_6 : i32
      %add3A_28 = arith.constant 1 : i32
      %add3A_29 = arith.addi %select_n3A_26, %add3A_28 : i32
      %select_n3A_30 = arith.constant true
      %select_n3A_31 = arith.select %select_n3A_30, %add3A_29, %select_n3A_26 : i32
      %eq3A_32 = arith.constant 49 : i32
      %eq3A_33 = arith.cmpi eq, %select_n3A_31, %eq3A_32 : i32
      %select_n3A_34 = arith.constant 0 : i32
      %select_n3A_35 = arith.select %eq3A_33, %select_n3A_34, %select_n3A_31 : i32
      %add3A_36 = arith.addi %select_n3A_35, %mul3A_6 : i32
      "tpu.trace_start"() <{level = 10 : i32, message = "ep_initialize_0"}> : () -> ()
      %rem3A = arith.constant 0 : i32
      %rem3A_37 = arith.constant 2 : i32
      %rem3A_38 = arith.remui %rem3A, %rem3A_37 : i32
      %mul3A_39 = arith.constant 128 : i32
      %mul3A_40 = arith.muli %mul3A_39, %add3A_11 : i32
      %dma_start3A = arith.constant 0 : i32
      %dma_start3A_41 = arith.constant 0 : i32
      %dma_start3A_42 = tpu.memref_slice %run_scoped3A[%rem3A_38, %dma_start3A, %dma_start3A_41] : memref<2x1x128xi32, #tpu.memory_space<vmem>> -> memref<1x1x128xi32, #tpu.memory_space<vmem>>
      %dma_start3A_43 = tpu.memref_squeeze %dma_start3A_42 : memref<1x1x128xi32, #tpu.memory_space<vmem>> -> memref<1x128xi32, #tpu.memory_space<vmem>>
      %dma_start3A_44 = arith.constant 0 : i32
      %dma_start3A_45 = tpu.memref_slice %arg3[%dma_start3A_44, %mul3A_40] : memref<1x200704xi32, #tpu.memory_space<hbm>> -> memref<1x128xi32, #tpu.memory_space<hbm>>
      %dma_start3A_46 = tpu.memref_slice %run_scoped3A_7[%rem3A_38] : memref<2x!tpu.dma_semaphore, #tpu.memory_space<semaphore_mem>> -> memref<1x!tpu.dma_semaphore, #tpu.memory_space<semaphore_mem>>
      %dma_start3A_47 = tpu.memref_squeeze %dma_start3A_46 : memref<1x!tpu.dma_semaphore, #tpu.memory_space<semaphore_mem>> -> memref<!tpu.dma_semaphore, #tpu.memory_space<semaphore_mem>>
      %dma_start3A_48 = arith.constant 0 : i32
      %dma_start3A_49 = arith.constant 0 : i32
      %dma_start3A_50 = tpu.memref_slice %run_scoped3A[%rem3A_38, %dma_start3A_48, %dma_start3A_49] : memref<2x1x128xi32, #tpu.memory_space<vmem>> -> memref<1x1x128xi32, #tpu.memory_space<vmem>>
      %dma_start3A_51 = tpu.memref_squeeze %dma_start3A_50 : memref<1x1x128xi32, #tpu.memory_space<vmem>> -> memref<1x128xi32, #tpu.memory_space<vmem>>
      %dma_start3A_52 = arith.constant 0 : i32
      %dma_start3A_53 = tpu.memref_slice %arg3[%dma_start3A_52, %mul3A_40] : memref<1x200704xi32, #tpu.memory_space<hbm>> -> memref<1x128xi32, #tpu.memory_space<hbm>>
      tpu.enqueue_dma source(%dma_start3A_53 : memref<1x128xi32, #tpu.memory_space<hbm>>) target(%dma_start3A_51 : memref<1x128xi32, #tpu.memory_space<vmem>>) target_semaphore(%dma_start3A_47 : memref<!tpu.dma_semaphore, #tpu.memory_space<semaphore_mem>>)
      %add3A_54 = arith.constant 0 : i32
      %add3A_55 = arith.constant 1 : i32
      %add3A_56 = arith.addi %add3A_54, %add3A_55 : i32
      %select_n3A_57 = arith.constant true
      %select_n3A_58 = arith.constant 0 : i32
      %select_n3A_59 = arith.select %select_n3A_57, %add3A_56, %select_n3A_58 : i32
      "tpu.trace_stop"() : () -> ()
      %scan3A = arith.constant 0 : i32
      %scan3A_60 = arith.constant 0 : i32
      %scan3A_61 = arith.constant 0 : i32
      %scan3A_62 = arith.constant 0 : i32
      %scan3A_63 = arith.constant 0 : i32
      %scan3A_64 = arith.constant 49 : i32
      %scan3A_65 = arith.addi %scan3A_63, %scan3A_64 : i32
      %scan3A_66 = arith.constant 1 : i32
      %scan3A_67:5 = scf.for %scan3A_121 = %scan3A_63 to %scan3A_65 step %scan3A_66 iter_args(%scan3A_122 = %select_n3A_59, %scan3A_123 = %scan3A, %scan3A_124 = %scan3A_60, %scan3A_125 = %scan3A_61, %scan3A_126 = %scan3A_62) -> (i32, i32, i32, i32, i32)  : i32 {
        %eq3A_127 = arith.constant 0 : i32
        %eq3A_128 = arith.cmpi eq, %scan3A_121, %eq3A_127 : i32
        %eq3A_129 = arith.constant 48 : i32
        %eq3A_130 = arith.cmpi eq, %scan3A_121, %eq3A_129 : i32
        %add3A_131 = arith.addi %scan3A_126, %mul3A_6 : i32
        %sub3A_132 = arith.constant 1 : i32
        %sub3A_133 = arith.subi %scan3A_126, %sub3A_132 : i32
        %select_n3A_134 = arith.constant true
        %select_n3A_135 = arith.select %select_n3A_134, %sub3A_133, %scan3A_126 : i32
        %eq3A_136 = arith.constant -1 : i32
        %eq3A_137 = arith.cmpi eq, %select_n3A_135, %eq3A_136 : i32
        %select_n3A_138 = arith.constant 48 : i32
        %select_n3A_139 = arith.select %eq3A_137, %select_n3A_138, %select_n3A_135 : i32
        %add3A_140 = arith.addi %select_n3A_139, %mul3A_6 : i32
        %add3A_141 = arith.constant 1 : i32
        %add3A_142 = arith.addi %scan3A_126, %add3A_141 : i32
        %select_n3A_143 = arith.constant true
        %select_n3A_144 = arith.select %select_n3A_143, %add3A_142, %scan3A_126 : i32
        %eq3A_145 = arith.constant 49 : i32
        %eq3A_146 = arith.cmpi eq, %select_n3A_144, %eq3A_145 : i32
        %select_n3A_147 = arith.constant 0 : i32
        %select_n3A_148 = arith.select %eq3A_146, %select_n3A_147, %select_n3A_144 : i32
        %add3A_149 = arith.addi %select_n3A_148, %mul3A_6 : i32
        %add3A_150 = arith.constant 1 : i32
        %add3A_151 = arith.addi %select_n3A_148, %add3A_150 : i32
        %select_n3A_152 = arith.constant true
        %select_n3A_153 = arith.select %select_n3A_152, %add3A_151, %select_n3A_148 : i32
        %eq3A_154 = arith.constant 49 : i32
        %eq3A_155 = arith.cmpi eq, %select_n3A_153, %eq3A_154 : i32
        %select_n3A_156 = arith.constant 0 : i32
        %select_n3A_157 = arith.select %eq3A_155, %select_n3A_156, %select_n3A_153 : i32
        %add3A_158 = arith.addi %select_n3A_157, %mul3A_6 : i32
        %ne3A = arith.cmpi ne, %add3A_131, %add3A_149 : i32
        %or3A = arith.constant false
        %or3A_159 = arith.ori %or3A, %ne3A : i1
        %ge3A = arith.constant 48 : i32
        %ge3A_160 = arith.cmpi sge, %scan3A_121, %ge3A : i32
        %not3A = arith.constant true
        %not3A_161 = arith.xori %ge3A_160, %not3A : i1
        %and3A = arith.andi %or3A_159, %not3A_161 : i1
        %convert_element_type3A = arith.extui %and3A : i1 to i32
        %cond3A = arith.constant 0 : i32
        %cond3A_162 = arith.cmpi ne, %convert_element_type3A, %cond3A : i32
        scf.if %cond3A_162 {
          "tpu.trace_start"() <{level = 10 : i32, message = "ep_copy_in"}> : () -> ()
          %rem3A_264 = arith.constant 2 : i32
          %rem3A_265 = arith.remui %scan3A_122, %rem3A_264 : i32
          %mul3A_266 = arith.constant 128 : i32
          %mul3A_267 = arith.muli %mul3A_266, %add3A_149 : i32
          %dma_start3A_268 = arith.constant 0 : i32
          %dma_start3A_269 = arith.constant 0 : i32
          %dma_start3A_270 = tpu.memref_slice %run_scoped3A[%rem3A_265, %dma_start3A_268, %dma_start3A_269] : memref<2x1x128xi32, #tpu.memory_space<vmem>> -> memref<1x1x128xi32, #tpu.memory_space<vmem>>
          %dma_start3A_271 = tpu.memref_squeeze %dma_start3A_270 : memref<1x1x128xi32, #tpu.memory_space<vmem>> -> memref<1x128xi32, #tpu.memory_space<vmem>>
          %dma_start3A_272 = arith.constant 0 : i32
          %dma_start3A_273 = tpu.memref_slice %arg3[%dma_start3A_272, %mul3A_267] : memref<1x200704xi32, #tpu.memory_space<hbm>> -> memref<1x128xi32, #tpu.memory_space<hbm>>
          %dma_start3A_274 = tpu.memref_slice %run_scoped3A_7[%rem3A_265] : memref<2x!tpu.dma_semaphore, #tpu.memory_space<semaphore_mem>> -> memref<1x!tpu.dma_semaphore, #tpu.memory_space<semaphore_mem>>
          %dma_start3A_275 = tpu.memref_squeeze %dma_start3A_274 : memref<1x!tpu.dma_semaphore, #tpu.memory_space<semaphore_mem>> -> memref<!tpu.dma_semaphore, #tpu.memory_space<semaphore_mem>>
          %dma_start3A_276 = arith.constant 0 : i32
          %dma_start3A_277 = arith.constant 0 : i32
          %dma_start3A_278 = tpu.memref_slice %run_scoped3A[%rem3A_265, %dma_start3A_276, %dma_start3A_277] : memref<2x1x128xi32, #tpu.memory_space<vmem>> -> memref<1x1x128xi32, #tpu.memory_space<vmem>>
          %dma_start3A_279 = tpu.memref_squeeze %dma_start3A_278 : memref<1x1x128xi32, #tpu.memory_space<vmem>> -> memref<1x128xi32, #tpu.memory_space<vmem>>
          %dma_start3A_280 = arith.constant 0 : i32
          %dma_start3A_281 = tpu.memref_slice %arg3[%dma_start3A_280, %mul3A_267] : memref<1x200704xi32, #tpu.memory_space<hbm>> -> memref<1x128xi32, #tpu.memory_space<hbm>>
          tpu.enqueue_dma source(%dma_start3A_281 : memref<1x128xi32, #tpu.memory_space<hbm>>) target(%dma_start3A_279 : memref<1x128xi32, #tpu.memory_space<vmem>>) target_semaphore(%dma_start3A_275 : memref<!tpu.dma_semaphore, #tpu.memory_space<semaphore_mem>>)
          "tpu.trace_stop"() : () -> ()
        } else {
        }
        %and3A_163 = arith.constant true
        %and3A_164 = arith.andi %and3A, %and3A_163 : i1
        %add3A_165 = arith.constant 1 : i32
        %add3A_166 = arith.addi %scan3A_122, %add3A_165 : i32
        %select_n3A_167 = arith.select %and3A_164, %add3A_166, %scan3A_122 : i32
        %ne3A_168 = arith.cmpi ne, %add3A_131, %add3A_149 : i32
        %or3A_169 = arith.constant false
        %or3A_170 = arith.ori %or3A_169, %ne3A_168 : i1
        %or3A_171 = arith.constant false
        %or3A_172 = arith.ori %or3A_170, %or3A_171 : i1
        %ge3A_173 = arith.constant 48 : i32
        %ge3A_174 = arith.cmpi sge, %scan3A_121, %ge3A_173 : i32
        %not3A_175 = arith.constant true
        %not3A_176 = arith.xori %ge3A_174, %not3A_175 : i1
        %and3A_177 = arith.andi %or3A_172, %not3A_176 : i1
        %ne3A_178 = arith.cmpi ne, %add3A_131, %add3A_140 : i32
        %or3A_179 = arith.constant false
        %or3A_180 = arith.ori %or3A_179, %ne3A_178 : i1
        %or3A_181 = arith.ori %or3A_180, %eq3A_128 : i1
        %convert_element_type3A_182 = arith.extui %or3A_181 : i1 to i32
        %cond3A_183 = arith.constant 0 : i32
        %cond3A_184 = arith.cmpi ne, %convert_element_type3A_182, %cond3A_183 : i32
        scf.if %cond3A_184 {
          "tpu.trace_start"() <{level = 10 : i32, message = "ep_wait_in"}> : () -> ()
          %mul3A_264 = arith.constant 128 : i32
          %mul3A_265 = arith.muli %mul3A_264, %add3A_131 : i32
          %rem3A_266 = arith.constant 2 : i32
          %rem3A_267 = arith.remui %scan3A_123, %rem3A_266 : i32
          %dma_wait3A_268 = arith.constant 0 : i32
          %dma_wait3A_269 = arith.constant 0 : i32
          %dma_wait3A_270 = tpu.memref_slice %run_scoped3A[%rem3A_267, %dma_wait3A_268, %dma_wait3A_269] : memref<2x1x128xi32, #tpu.memory_space<vmem>> -> memref<1x1x128xi32, #tpu.memory_space<vmem>>
          %dma_wait3A_271 = tpu.memref_squeeze %dma_wait3A_270 : memref<1x1x128xi32, #tpu.memory_space<vmem>> -> memref<1x128xi32, #tpu.memory_space<vmem>>
          %dma_wait3A_272 = arith.constant 0 : i32
          %dma_wait3A_273 = tpu.memref_slice %arg3[%dma_wait3A_272, %mul3A_265] : memref<1x200704xi32, #tpu.memory_space<hbm>> -> memref<1x128xi32, #tpu.memory_space<hbm>>
          %dma_wait3A_274 = tpu.memref_slice %run_scoped3A_7[%rem3A_267] : memref<2x!tpu.dma_semaphore, #tpu.memory_space<semaphore_mem>> -> memref<1x!tpu.dma_semaphore, #tpu.memory_space<semaphore_mem>>
          %dma_wait3A_275 = tpu.memref_squeeze %dma_wait3A_274 : memref<1x!tpu.dma_semaphore, #tpu.memory_space<semaphore_mem>> -> memref<!tpu.dma_semaphore, #tpu.memory_space<semaphore_mem>>
          %dma_wait3A_276 = arith.constant 0 : i32
          %dma_wait3A_277 = arith.constant 0 : i32
          %dma_wait3A_278 = tpu.memref_slice %run_scoped3A[%rem3A_267, %dma_wait3A_276, %dma_wait3A_277] : memref<2x1x128xi32, #tpu.memory_space<vmem>> -> memref<1x1x128xi32, #tpu.memory_space<vmem>>
          %dma_wait3A_279 = tpu.memref_squeeze %dma_wait3A_278 : memref<1x1x128xi32, #tpu.memory_space<vmem>> -> memref<1x128xi32, #tpu.memory_space<vmem>>
          %dma_wait3A_280 = arith.constant 0 : i32
          %dma_wait3A_281 = tpu.memref_slice %arg3[%dma_wait3A_280, %mul3A_265] : memref<1x200704xi32, #tpu.memory_space<hbm>> -> memref<1x128xi32, #tpu.memory_space<hbm>>
          tpu.wait_dma2 semaphore(%dma_wait3A_275 : memref<!tpu.dma_semaphore, #tpu.memory_space<semaphore_mem>>) src(%dma_wait3A_281 : memref<1x128xi32, #tpu.memory_space<hbm>>) dst(%dma_wait3A_279 : memref<1x128xi32, #tpu.memory_space<vmem>>)
          "tpu.trace_stop"() : () -> ()
        } else {
        }
        %ne3A_185 = arith.cmpi ne, %add3A_131, %add3A_140 : i32
        %or3A_186 = arith.constant false
        %or3A_187 = arith.ori %or3A_186, %ne3A_185 : i1
        %or3A_188 = arith.constant false
        %or3A_189 = arith.ori %or3A_187, %or3A_188 : i1
        %or3A_190 = arith.ori %or3A_189, %eq3A_128 : i1
        %convert_element_type3A_191 = arith.extui %or3A_190 : i1 to i32
        %cond3A_192 = arith.constant 0 : i32
        %cond3A_193 = arith.cmpi ne, %convert_element_type3A_191, %cond3A_192 : i32
        scf.if %cond3A_193 {
        } else {
        }
        %rem3A_194 = arith.constant 2 : i32
        %rem3A_195 = arith.remui %scan3A_123, %rem3A_194 : i32
        %rem3A_196 = arith.constant 2 : i32
        %rem3A_197 = arith.remui %scan3A_124, %rem3A_196 : i32
        %run_scoped3A_198 = arith.constant 0 : i32
        "tpu.trace_start"() <{level = 10 : i32, message = "ep_run_kernel"}> : () -> ()
        "tpu.region"() ({
          %run_scoped3A_264 = tpu.sem_alloc : memref<!tpu.dma_semaphore, #tpu.memory_space<semaphore_mem>>
          %dma_start3A_265 = arith.constant 0 : i32
          %dma_start3A_266 = arith.constant 0 : i32
          %dma_start3A_267 = tpu.memref_slice %run_scoped3A_8[%rem3A_197, %dma_start3A_265, %dma_start3A_266] : memref<2x128x256xf32, #tpu.memory_space<vmem>> -> memref<1x128x256xf32, #tpu.memory_space<vmem>>
          %dma_start3A_268 = tpu.memref_squeeze %dma_start3A_267 : memref<1x128x256xf32, #tpu.memory_space<vmem>> -> memref<128x256xf32, #tpu.memory_space<vmem>>
          %dma_start3A_269 = arith.constant 0 : i32
          %dma_start3A_270 = arith.constant 0 : i32
          %dma_start3A_271 = tpu.memref_slice %run_scoped3A[%rem3A_195, %dma_start3A_269, %dma_start3A_270] : memref<2x1x128xi32, #tpu.memory_space<vmem>> -> memref<1x1x128xi32, #tpu.memory_space<vmem>>
          %dma_start3A_272 = tpu.memref_squeeze %dma_start3A_271 : memref<1x1x128xi32, #tpu.memory_space<vmem>> -> memref<1x128xi32, #tpu.memory_space<vmem>>
          %dma_start3A_273 = arith.constant 0 : i32
          %dma_start3A_274 = tpu.memref_slice %dma_start3A_272[%run_scoped3A_198, %dma_start3A_273] : memref<1x128xi32, #tpu.memory_space<vmem>> -> memref<1x128xi32, #tpu.memory_space<vmem>>
          %dma_start3A_275 = tpu.memref_squeeze %dma_start3A_274 : memref<1x128xi32, #tpu.memory_space<vmem>> -> memref<128xi32, #tpu.memory_space<vmem>>
          %dma_start3A_276 = arith.constant 0 : i32
          %dma_start3A_277 = arith.constant 0 : i32
          %dma_start3A_278 = tpu.memref_slice %arg2[%dma_start3A_276, %dma_start3A_277] : memref<20480x256xf32, #tpu.memory_space<hbm>> -> memref<20480x256xf32, #tpu.memory_space<hbm>>
          tpu.enqueue_indirect_dma source(%dma_start3A_278 : memref<20480x256xf32, #tpu.memory_space<hbm>>) target(%dma_start3A_268 : memref<128x256xf32, #tpu.memory_space<vmem>>) offsets(%dma_start3A_275 : memref<128xi32, #tpu.memory_space<vmem>>) semaphore(%run_scoped3A_264 : memref<!tpu.dma_semaphore, #tpu.memory_space<semaphore_mem>>)
          %dma_wait3A_279 = arith.constant 0 : i32
          %dma_wait3A_280 = arith.constant 0 : i32
          %dma_wait3A_281 = tpu.memref_slice %run_scoped3A_8[%rem3A_197, %dma_wait3A_279, %dma_wait3A_280] : memref<2x128x256xf32, #tpu.memory_space<vmem>> -> memref<1x128x256xf32, #tpu.memory_space<vmem>>
          %dma_wait3A_282 = tpu.memref_squeeze %dma_wait3A_281 : memref<1x128x256xf32, #tpu.memory_space<vmem>> -> memref<128x256xf32, #tpu.memory_space<vmem>>
          %dma_wait3A_283 = arith.constant 0 : i32
          %dma_wait3A_284 = arith.constant 0 : i32
          %dma_wait3A_285 = tpu.memref_slice %run_scoped3A[%rem3A_195, %dma_wait3A_283, %dma_wait3A_284] : memref<2x1x128xi32, #tpu.memory_space<vmem>> -> memref<1x1x128xi32, #tpu.memory_space<vmem>>
          %dma_wait3A_286 = tpu.memref_squeeze %dma_wait3A_285 : memref<1x1x128xi32, #tpu.memory_space<vmem>> -> memref<1x128xi32, #tpu.memory_space<vmem>>
          %dma_wait3A_287 = arith.constant 0 : i32
          %dma_wait3A_288 = tpu.memref_slice %dma_wait3A_286[%run_scoped3A_198, %dma_wait3A_287] : memref<1x128xi32, #tpu.memory_space<vmem>> -> memref<1x128xi32, #tpu.memory_space<vmem>>
          %dma_wait3A_289 = tpu.memref_squeeze %dma_wait3A_288 : memref<1x128xi32, #tpu.memory_space<vmem>> -> memref<128xi32, #tpu.memory_space<vmem>>
          %dma_wait3A_290 = arith.constant 0 : i32
          %dma_wait3A_291 = arith.constant 0 : i32
          %dma_wait3A_292 = tpu.memref_slice %arg2[%dma_wait3A_290, %dma_wait3A_291] : memref<20480x256xf32, #tpu.memory_space<hbm>> -> memref<20480x256xf32, #tpu.memory_space<hbm>>
          tpu.wait_indirect_dma semaphore(%run_scoped3A_264 : memref<!tpu.dma_semaphore, #tpu.memory_space<semaphore_mem>>) src(%dma_wait3A_292 : memref<20480x256xf32, #tpu.memory_space<hbm>>) dst(%dma_wait3A_282 : memref<128x256xf32, #tpu.memory_space<vmem>>)
          tpu.yield
        }) : () -> ()
        "tpu.trace_stop"() : () -> ()
        %ne3A_199 = arith.cmpi ne, %add3A_131, %add3A_149 : i32
        %or3A_200 = arith.constant false
        %or3A_201 = arith.ori %or3A_200, %ne3A_199 : i1
        %or3A_202 = arith.ori %or3A_201, %eq3A_130 : i1
        %convert_element_type3A_203 = arith.extui %or3A_202 : i1 to i32
        %cond3A_204 = arith.constant 0 : i32
        %cond3A_205 = arith.cmpi ne, %convert_element_type3A_203, %cond3A_204 : i32
        scf.if %cond3A_205 {
        } else {
        }
        %and3A_206 = arith.constant false
        %and3A_207 = arith.andi %or3A_202, %and3A_206 : i1
        %ne3A_208 = arith.cmpi ne, %add3A_131, %add3A_149 : i32
        %or3A_209 = arith.constant false
        %or3A_210 = arith.ori %or3A_209, %ne3A_208 : i1
        %or3A_211 = arith.constant false
        %or3A_212 = arith.ori %or3A_210, %or3A_211 : i1
        %or3A_213 = arith.ori %or3A_212, %eq3A_130 : i1
        %convert_element_type3A_214 = arith.extui %or3A_213 : i1 to i32
        %cond3A_215 = arith.constant 0 : i32
        %cond3A_216 = arith.cmpi ne, %convert_element_type3A_214, %cond3A_215 : i32
        scf.if %cond3A_216 {
          "tpu.trace_start"() <{level = 10 : i32, message = "ep_copy_out"}> : () -> ()
          %rem3A_264 = arith.constant 2 : i32
          %rem3A_265 = arith.remui %scan3A_124, %rem3A_264 : i32
          %mul3A_266 = arith.constant 128 : i32
          %mul3A_267 = arith.muli %mul3A_266, %add3A_131 : i32
          %dma_start3A_268 = arith.constant 0 : i32
          %dma_start3A_269 = arith.constant 0 : i32
          %dma_start3A_270 = tpu.memref_slice %run_scoped3A_8[%rem3A_265, %dma_start3A_268, %dma_start3A_269] : memref<2x128x256xf32, #tpu.memory_space<vmem>> -> memref<1x128x256xf32, #tpu.memory_space<vmem>>
          %dma_start3A_271 = tpu.memref_squeeze %dma_start3A_270 : memref<1x128x256xf32, #tpu.memory_space<vmem>> -> memref<128x256xf32, #tpu.memory_space<vmem>>
          %dma_start3A_272 = arith.constant 0 : i32
          %dma_start3A_273 = tpu.memref_slice %arg4[%mul3A_267, %dma_start3A_272] : memref<200704x256xf32, #tpu.memory_space<hbm>> -> memref<128x256xf32, #tpu.memory_space<hbm>>
          %dma_start3A_274 = tpu.memref_slice %run_scoped3A_9[%rem3A_265] : memref<2x!tpu.dma_semaphore, #tpu.memory_space<semaphore_mem>> -> memref<1x!tpu.dma_semaphore, #tpu.memory_space<semaphore_mem>>
          %dma_start3A_275 = tpu.memref_squeeze %dma_start3A_274 : memref<1x!tpu.dma_semaphore, #tpu.memory_space<semaphore_mem>> -> memref<!tpu.dma_semaphore, #tpu.memory_space<semaphore_mem>>
          %dma_start3A_276 = arith.constant 0 : i32
          %dma_start3A_277 = tpu.memref_slice %arg4[%mul3A_267, %dma_start3A_276] : memref<200704x256xf32, #tpu.memory_space<hbm>> -> memref<128x256xf32, #tpu.memory_space<hbm>>
          %dma_start3A_278 = arith.constant 0 : i32
          %dma_start3A_279 = arith.constant 0 : i32
          %dma_start3A_280 = tpu.memref_slice %run_scoped3A_8[%rem3A_265, %dma_start3A_278, %dma_start3A_279] : memref<2x128x256xf32, #tpu.memory_space<vmem>> -> memref<1x128x256xf32, #tpu.memory_space<vmem>>
          %dma_start3A_281 = tpu.memref_squeeze %dma_start3A_280 : memref<1x128x256xf32, #tpu.memory_space<vmem>> -> memref<128x256xf32, #tpu.memory_space<vmem>>
          tpu.enqueue_dma source(%dma_start3A_281 : memref<128x256xf32, #tpu.memory_space<vmem>>) target(%dma_start3A_277 : memref<128x256xf32, #tpu.memory_space<hbm>>) target_semaphore(%dma_start3A_275 : memref<!tpu.dma_semaphore, #tpu.memory_space<semaphore_mem>>)
          "tpu.trace_stop"() : () -> ()
        } else {
        }
        %and3A_217 = arith.constant true
        %and3A_218 = arith.andi %or3A_213, %and3A_217 : i1
        %add3A_219 = arith.constant 1 : i32
        %add3A_220 = arith.addi %scan3A_124, %add3A_219 : i32
        %select_n3A_221 = arith.select %and3A_218, %add3A_220, %scan3A_124 : i32
        %ne3A_222 = arith.cmpi ne, %add3A_131, %add3A_140 : i32
        %or3A_223 = arith.constant false
        %or3A_224 = arith.ori %or3A_223, %ne3A_222 : i1
        %not3A_225 = arith.constant true
        %not3A_226 = arith.xori %eq3A_128, %not3A_225 : i1
        %and3A_227 = arith.andi %or3A_224, %not3A_226 : i1
        %convert_element_type3A_228 = arith.extui %and3A_227 : i1 to i32
        %cond3A_229 = arith.constant 0 : i32
        %cond3A_230 = arith.cmpi ne, %convert_element_type3A_228, %cond3A_229 : i32
        scf.if %cond3A_230 {
        } else {
        }
        %and3A_231 = arith.constant false
        %and3A_232 = arith.andi %and3A_227, %and3A_231 : i1
        %ne3A_233 = arith.cmpi ne, %add3A_131, %add3A_140 : i32
        %or3A_234 = arith.constant false
        %or3A_235 = arith.ori %or3A_234, %ne3A_233 : i1
        %or3A_236 = arith.constant false
        %or3A_237 = arith.ori %or3A_235, %or3A_236 : i1
        %not3A_238 = arith.constant true
        %not3A_239 = arith.xori %eq3A_128, %not3A_238 : i1
        %and3A_240 = arith.andi %or3A_237, %not3A_239 : i1
        %convert_element_type3A_241 = arith.extui %and3A_240 : i1 to i32
        %cond3A_242 = arith.constant 0 : i32
        %cond3A_243 = arith.cmpi ne, %convert_element_type3A_241, %cond3A_242 : i32
        scf.if %cond3A_243 {
          "tpu.trace_start"() <{level = 10 : i32, message = "ep_wait_out"}> : () -> ()
          %rem3A_264 = arith.constant 2 : i32
          %rem3A_265 = arith.remui %scan3A_125, %rem3A_264 : i32
          %mul3A_266 = arith.constant 128 : i32
          %mul3A_267 = arith.muli %mul3A_266, %add3A_140 : i32
          %dma_wait3A_268 = arith.constant 0 : i32
          %dma_wait3A_269 = arith.constant 0 : i32
          %dma_wait3A_270 = tpu.memref_slice %run_scoped3A_8[%rem3A_265, %dma_wait3A_268, %dma_wait3A_269] : memref<2x128x256xf32, #tpu.memory_space<vmem>> -> memref<1x128x256xf32, #tpu.memory_space<vmem>>
          %dma_wait3A_271 = tpu.memref_squeeze %dma_wait3A_270 : memref<1x128x256xf32, #tpu.memory_space<vmem>> -> memref<128x256xf32, #tpu.memory_space<vmem>>
          %dma_wait3A_272 = arith.constant 0 : i32
          %dma_wait3A_273 = tpu.memref_slice %arg4[%mul3A_267, %dma_wait3A_272] : memref<200704x256xf32, #tpu.memory_space<hbm>> -> memref<128x256xf32, #tpu.memory_space<hbm>>
          %dma_wait3A_274 = tpu.memref_slice %run_scoped3A_9[%rem3A_265] : memref<2x!tpu.dma_semaphore, #tpu.memory_space<semaphore_mem>> -> memref<1x!tpu.dma_semaphore, #tpu.memory_space<semaphore_mem>>
          %dma_wait3A_275 = tpu.memref_squeeze %dma_wait3A_274 : memref<1x!tpu.dma_semaphore, #tpu.memory_space<semaphore_mem>> -> memref<!tpu.dma_semaphore, #tpu.memory_space<semaphore_mem>>
          %dma_wait3A_276 = arith.constant 0 : i32
          %dma_wait3A_277 = tpu.memref_slice %arg4[%mul3A_267, %dma_wait3A_276] : memref<200704x256xf32, #tpu.memory_space<hbm>> -> memref<128x256xf32, #tpu.memory_space<hbm>>
          %dma_wait3A_278 = arith.constant 0 : i32
          %dma_wait3A_279 = arith.constant 0 : i32
          %dma_wait3A_280 = tpu.memref_slice %run_scoped3A_8[%rem3A_265, %dma_wait3A_278, %dma_wait3A_279] : memref<2x128x256xf32, #tpu.memory_space<vmem>> -> memref<1x128x256xf32, #tpu.memory_space<vmem>>
          %dma_wait3A_281 = tpu.memref_squeeze %dma_wait3A_280 : memref<1x128x256xf32, #tpu.memory_space<vmem>> -> memref<128x256xf32, #tpu.memory_space<vmem>>
          tpu.wait_dma2 semaphore(%dma_wait3A_275 : memref<!tpu.dma_semaphore, #tpu.memory_space<semaphore_mem>>) src(%dma_wait3A_281 : memref<128x256xf32, #tpu.memory_space<vmem>>) dst(%dma_wait3A_277 : memref<128x256xf32, #tpu.memory_space<hbm>>)
          "tpu.trace_stop"() : () -> ()
        } else {
        }
        %and3A_244 = arith.constant true
        %and3A_245 = arith.andi %and3A_240, %and3A_244 : i1
        %add3A_246 = arith.constant 1 : i32
        %add3A_247 = arith.addi %scan3A_125, %add3A_246 : i32
        %select_n3A_248 = arith.select %and3A_245, %add3A_247, %scan3A_125 : i32
        %ne3A_249 = arith.cmpi ne, %add3A_131, %add3A_149 : i32
        %or3A_250 = arith.constant false
        %or3A_251 = arith.ori %or3A_250, %ne3A_249 : i1
        %or3A_252 = arith.ori %or3A_251, %eq3A_130 : i1
        %add3A_253 = arith.constant 1 : i32
        %add3A_254 = arith.addi %scan3A_123, %add3A_253 : i32
        %select_n3A_255 = arith.select %or3A_252, %add3A_254, %scan3A_123 : i32
        %add3A_256 = arith.constant 1 : i32
        %add3A_257 = arith.addi %scan3A_126, %add3A_256 : i32
        %select_n3A_258 = arith.constant true
        %select_n3A_259 = arith.select %select_n3A_258, %add3A_257, %scan3A_126 : i32
        %eq3A_260 = arith.constant 49 : i32
        %eq3A_261 = arith.cmpi eq, %select_n3A_259, %eq3A_260 : i32
        %select_n3A_262 = arith.constant 0 : i32
        %select_n3A_263 = arith.select %eq3A_261, %select_n3A_262, %select_n3A_259 : i32
        scf.yield %select_n3A_167, %select_n3A_255, %select_n3A_221, %select_n3A_248, %select_n3A_263 : i32, i32, i32, i32, i32
      }
      %scan3A_68 = arith.constant 49 : i32
      %sub3A = arith.constant 1 : i32
      %sub3A_69 = arith.subi %scan3A_67#4, %sub3A : i32
      %select_n3A_70 = arith.constant true
      %select_n3A_71 = arith.select %select_n3A_70, %sub3A_69, %scan3A_67#4 : i32
      %eq3A_72 = arith.constant -1 : i32
      %eq3A_73 = arith.cmpi eq, %select_n3A_71, %eq3A_72 : i32
      %select_n3A_74 = arith.constant 48 : i32
      %select_n3A_75 = arith.select %eq3A_73, %select_n3A_74, %select_n3A_71 : i32
      %add3A_76 = arith.addi %select_n3A_75, %mul3A_6 : i32
      %sub3A_77 = arith.constant 1 : i32
      %sub3A_78 = arith.subi %select_n3A_75, %sub3A_77 : i32
      %select_n3A_79 = arith.constant true
      %select_n3A_80 = arith.select %select_n3A_79, %sub3A_78, %select_n3A_75 : i32
      %eq3A_81 = arith.constant -1 : i32
      %eq3A_82 = arith.cmpi eq, %select_n3A_80, %eq3A_81 : i32
      %select_n3A_83 = arith.constant 48 : i32
      %select_n3A_84 = arith.select %eq3A_82, %select_n3A_83, %select_n3A_80 : i32
      %add3A_85 = arith.addi %select_n3A_84, %mul3A_6 : i32
      %add3A_86 = arith.constant 1 : i32
      %add3A_87 = arith.addi %select_n3A_75, %add3A_86 : i32
      %select_n3A_88 = arith.constant true
      %select_n3A_89 = arith.select %select_n3A_88, %add3A_87, %select_n3A_75 : i32
      %eq3A_90 = arith.constant 49 : i32
      %eq3A_91 = arith.cmpi eq, %select_n3A_89, %eq3A_90 : i32
      %select_n3A_92 = arith.constant 0 : i32
      %select_n3A_93 = arith.select %eq3A_91, %select_n3A_92, %select_n3A_89 : i32
      %add3A_94 = arith.addi %select_n3A_93, %mul3A_6 : i32
      %add3A_95 = arith.constant 1 : i32
      %add3A_96 = arith.addi %select_n3A_93, %add3A_95 : i32
      %select_n3A_97 = arith.constant true
      %select_n3A_98 = arith.select %select_n3A_97, %add3A_96, %select_n3A_93 : i32
      %eq3A_99 = arith.constant 49 : i32
      %eq3A_100 = arith.cmpi eq, %select_n3A_98, %eq3A_99 : i32
      %select_n3A_101 = arith.constant 0 : i32
      %select_n3A_102 = arith.select %eq3A_100, %select_n3A_101, %select_n3A_98 : i32
      %add3A_103 = arith.addi %select_n3A_102, %mul3A_6 : i32
      "tpu.trace_start"() <{level = 10 : i32, message = "ep_finalize"}> : () -> ()
      %rem3A_104 = arith.constant 2 : i32
      %rem3A_105 = arith.remui %scan3A_67#3, %rem3A_104 : i32
      %mul3A_106 = arith.constant 128 : i32
      %mul3A_107 = arith.muli %mul3A_106, %add3A_76 : i32
      %dma_wait3A = arith.constant 0 : i32
      %dma_wait3A_108 = arith.constant 0 : i32
      %dma_wait3A_109 = tpu.memref_slice %run_scoped3A_8[%rem3A_105, %dma_wait3A, %dma_wait3A_108] : memref<2x128x256xf32, #tpu.memory_space<vmem>> -> memref<1x128x256xf32, #tpu.memory_space<vmem>>
      %dma_wait3A_110 = tpu.memref_squeeze %dma_wait3A_109 : memref<1x128x256xf32, #tpu.memory_space<vmem>> -> memref<128x256xf32, #tpu.memory_space<vmem>>
      %dma_wait3A_111 = arith.constant 0 : i32
      %dma_wait3A_112 = tpu.memref_slice %arg4[%mul3A_107, %dma_wait3A_111] : memref<200704x256xf32, #tpu.memory_space<hbm>> -> memref<128x256xf32, #tpu.memory_space<hbm>>
      %dma_wait3A_113 = tpu.memref_slice %run_scoped3A_9[%rem3A_105] : memref<2x!tpu.dma_semaphore, #tpu.memory_space<semaphore_mem>> -> memref<1x!tpu.dma_semaphore, #tpu.memory_space<semaphore_mem>>
      %dma_wait3A_114 = tpu.memref_squeeze %dma_wait3A_113 : memref<1x!tpu.dma_semaphore, #tpu.memory_space<semaphore_mem>> -> memref<!tpu.dma_semaphore, #tpu.memory_space<semaphore_mem>>
      %dma_wait3A_115 = arith.constant 0 : i32
      %dma_wait3A_116 = tpu.memref_slice %arg4[%mul3A_107, %dma_wait3A_115] : memref<200704x256xf32, #tpu.memory_space<hbm>> -> memref<128x256xf32, #tpu.memory_space<hbm>>
      %dma_wait3A_117 = arith.constant 0 : i32
      %dma_wait3A_118 = arith.constant 0 : i32
      %dma_wait3A_119 = tpu.memref_slice %run_scoped3A_8[%rem3A_105, %dma_wait3A_117, %dma_wait3A_118] : memref<2x128x256xf32, #tpu.memory_space<vmem>> -> memref<1x128x256xf32, #tpu.memory_space<vmem>>
      %dma_wait3A_120 = tpu.memref_squeeze %dma_wait3A_119 : memref<1x128x256xf32, #tpu.memory_space<vmem>> -> memref<128x256xf32, #tpu.memory_space<vmem>>
      tpu.wait_dma2 semaphore(%dma_wait3A_114 : memref<!tpu.dma_semaphore, #tpu.memory_space<semaphore_mem>>) src(%dma_wait3A_120 : memref<128x256xf32, #tpu.memory_space<vmem>>) dst(%dma_wait3A_116 : memref<128x256xf32, #tpu.memory_space<hbm>>)
      "tpu.trace_stop"() : () -> ()
      tpu.yield
    }) : () -> ()
    return
  }
}

#map = affine_map<(d0, d1) -> (0, 0)>
module attributes {stable_mosaic.version = 14 : i64} {
  func.func @k(%arg0: i32, %arg1: i32, %arg2: memref<100000x256xf32, #tpu.memory_space<hbm>>, %arg3: memref<1x20480xi32, #tpu.memory_space<hbm>>, %arg4: memref<20480x256xf32, #tpu.memory_space<hbm>>) attributes {dimension_semantics = [#tpu.dimension_semantics<core_parallel>, #tpu.dimension_semantics<subcore_parallel>], iteration_bounds = array<i64: 2, 16>, scalar_prefetch = 0 : i64, scratch_operands = 0 : i64, tpu.core_type = #tpu.core_type<sc_vector_subcore>, window_params = [{transform_indices = #map}, {transform_indices = #map}, {transform_indices = #map}]} {
    %mul3A = arith.constant 1 : i32
    %mul3A_0 = arith.muli %arg1, %mul3A : i32
    %add3A = arith.constant 0 : i32
    %add3A_1 = arith.addi %add3A, %mul3A_0 : i32
    %mul3A_2 = arith.constant 16 : i32
    %mul3A_3 = arith.muli %arg0, %mul3A_2 : i32
    %add3A_4 = arith.addi %add3A_1, %mul3A_3 : i32
    %mul3A_5 = arith.constant 5 : i32
    %mul3A_6 = arith.muli %add3A_4, %mul3A_5 : i32
    "tpu.region"() ({
      %run_scoped3A = memref.alloca() : memref<2x1x128xi32, #tpu.memory_space<vmem>>
      %run_scoped3A_7 = tpu.sem_alloc : memref<2x!tpu.dma_semaphore, #tpu.memory_space<semaphore_mem>>
      %run_scoped3A_8 = memref.alloca() : memref<2x128x256xf32, #tpu.memory_space<vmem>>
      %run_scoped3A_9 = tpu.sem_alloc : memref<2x!tpu.dma_semaphore, #tpu.memory_space<semaphore_mem>>
      %add3A_10 = arith.constant 0 : i32
      %add3A_11 = arith.addi %add3A_10, %mul3A_6 : i32
      %select_n3A = arith.constant true
      %select_n3A_12 = arith.constant 0 : i32
      %select_n3A_13 = arith.constant -1 : i32
      %select_n3A_14 = arith.select %select_n3A, %select_n3A_13, %select_n3A_12 : i32
      %eq3A = arith.constant -1 : i32
      %eq3A_15 = arith.cmpi eq, %select_n3A_14, %eq3A : i32
      %select_n3A_16 = arith.constant 4 : i32
      %select_n3A_17 = arith.select %eq3A_15, %select_n3A_16, %select_n3A_14 : i32
      %add3A_18 = arith.addi %select_n3A_17, %mul3A_6 : i32
      %select_n3A_19 = arith.constant true
      %select_n3A_20 = arith.constant 0 : i32
      %select_n3A_21 = arith.constant 1 : i32
      %select_n3A_22 = arith.select %select_n3A_19, %select_n3A_21, %select_n3A_20 : i32
      %eq3A_23 = arith.constant 5 : i32
      %eq3A_24 = arith.cmpi eq, %select_n3A_22, %eq3A_23 : i32
      %select_n3A_25 = arith.constant 0 : i32
      %select_n3A_26 = arith.select %eq3A_24, %select_n3A_25, %select_n3A_22 : i32
      %add3A_27 = arith.addi %select_n3A_26, %mul3A_6 : i32
      %add3A_28 = arith.constant 1 : i32
      %add3A_29 = arith.addi %select_n3A_26, %add3A_28 : i32
      %select_n3A_30 = arith.constant true
      %select_n3A_31 = arith.select %select_n3A_30, %add3A_29, %select_n3A_26 : i32
      %eq3A_32 = arith.constant 5 : i32
      %eq3A_33 = arith.cmpi eq, %select_n3A_31, %eq3A_32 : i32
      %select_n3A_34 = arith.constant 0 : i32
      %select_n3A_35 = arith.select %eq3A_33, %select_n3A_34, %select_n3A_31 : i32
      %add3A_36 = arith.addi %select_n3A_35, %mul3A_6 : i32
      "tpu.trace_start"() <{level = 10 : i32, message = "ep_initialize_0"}> : () -> ()
      %rem3A = arith.constant 0 : i32
      %rem3A_37 = arith.constant 2 : i32
      %rem3A_38 = arith.remui %rem3A, %rem3A_37 : i32
      %mul3A_39 = arith.constant 128 : i32
      %mul3A_40 = arith.muli %mul3A_39, %add3A_11 : i32
      %dma_start3A = arith.constant 0 : i32
      %dma_start3A_41 = arith.constant 0 : i32
      %dma_start3A_42 = tpu.memref_slice %run_scoped3A[%rem3A_38, %dma_start3A, %dma_start3A_41] : memref<2x1x128xi32, #tpu.memory_space<vmem>> -> memref<1x1x128xi32, #tpu.memory_space<vmem>>
      %dma_start3A_43 = tpu.memref_squeeze %dma_start3A_42 : memref<1x1x128xi32, #tpu.memory_space<vmem>> -> memref<1x128xi32, #tpu.memory_space<vmem>>
      %dma_start3A_44 = arith.constant 0 : i32
      %dma_start3A_45 = tpu.memref_slice %arg3[%dma_start3A_44, %mul3A_40] : memref<1x20480xi32, #tpu.memory_space<hbm>> -> memref<1x128xi32, #tpu.memory_space<hbm>>
      %dma_start3A_46 = tpu.memref_slice %run_scoped3A_7[%rem3A_38] : memref<2x!tpu.dma_semaphore, #tpu.memory_space<semaphore_mem>> -> memref<1x!tpu.dma_semaphore, #tpu.memory_space<semaphore_mem>>
      %dma_start3A_47 = tpu.memref_squeeze %dma_start3A_46 : memref<1x!tpu.dma_semaphore, #tpu.memory_space<semaphore_mem>> -> memref<!tpu.dma_semaphore, #tpu.memory_space<semaphore_mem>>
      %dma_start3A_48 = arith.constant 0 : i32
      %dma_start3A_49 = arith.constant 0 : i32
      %dma_start3A_50 = tpu.memref_slice %run_scoped3A[%rem3A_38, %dma_start3A_48, %dma_start3A_49] : memref<2x1x128xi32, #tpu.memory_space<vmem>> -> memref<1x1x128xi32, #tpu.memory_space<vmem>>
      %dma_start3A_51 = tpu.memref_squeeze %dma_start3A_50 : memref<1x1x128xi32, #tpu.memory_space<vmem>> -> memref<1x128xi32, #tpu.memory_space<vmem>>
      %dma_start3A_52 = arith.constant 0 : i32
      %dma_start3A_53 = tpu.memref_slice %arg3[%dma_start3A_52, %mul3A_40] : memref<1x20480xi32, #tpu.memory_space<hbm>> -> memref<1x128xi32, #tpu.memory_space<hbm>>
      tpu.enqueue_dma source(%dma_start3A_53 : memref<1x128xi32, #tpu.memory_space<hbm>>) target(%dma_start3A_51 : memref<1x128xi32, #tpu.memory_space<vmem>>) target_semaphore(%dma_start3A_47 : memref<!tpu.dma_semaphore, #tpu.memory_space<semaphore_mem>>)
      %add3A_54 = arith.constant 0 : i32
      %add3A_55 = arith.constant 1 : i32
      %add3A_56 = arith.addi %add3A_54, %add3A_55 : i32
      %select_n3A_57 = arith.constant true
      %select_n3A_58 = arith.constant 0 : i32
      %select_n3A_59 = arith.select %select_n3A_57, %add3A_56, %select_n3A_58 : i32
      "tpu.trace_stop"() : () -> ()
      %scan3A = arith.constant 0 : i32
      %scan3A_60 = arith.constant 0 : i32
      %scan3A_61 = arith.constant 0 : i32
      %scan3A_62 = arith.constant 0 : i32
      %scan3A_63 = arith.constant 0 : i32
      %scan3A_64 = arith.constant 5 : i32
      %scan3A_65 = arith.addi %scan3A_63, %scan3A_64 : i32
      %scan3A_66 = arith.constant 1 : i32
      %scan3A_67:5 = scf.for %scan3A_121 = %scan3A_63 to %scan3A_65 step %scan3A_66 iter_args(%scan3A_122 = %select_n3A_59, %scan3A_123 = %scan3A, %scan3A_124 = %scan3A_60, %scan3A_125 = %scan3A_61, %scan3A_126 = %scan3A_62) -> (i32, i32, i32, i32, i32)  : i32 {
        %eq3A_127 = arith.constant 0 : i32
        %eq3A_128 = arith.cmpi eq, %scan3A_121, %eq3A_127 : i32
        %eq3A_129 = arith.constant 4 : i32
        %eq3A_130 = arith.cmpi eq, %scan3A_121, %eq3A_129 : i32
        %add3A_131 = arith.addi %scan3A_126, %mul3A_6 : i32
        %sub3A_132 = arith.constant 1 : i32
        %sub3A_133 = arith.subi %scan3A_126, %sub3A_132 : i32
        %select_n3A_134 = arith.constant true
        %select_n3A_135 = arith.select %select_n3A_134, %sub3A_133, %scan3A_126 : i32
        %eq3A_136 = arith.constant -1 : i32
        %eq3A_137 = arith.cmpi eq, %select_n3A_135, %eq3A_136 : i32
        %select_n3A_138 = arith.constant 4 : i32
        %select_n3A_139 = arith.select %eq3A_137, %select_n3A_138, %select_n3A_135 : i32
        %add3A_140 = arith.addi %select_n3A_139, %mul3A_6 : i32
        %add3A_141 = arith.constant 1 : i32
        %add3A_142 = arith.addi %scan3A_126, %add3A_141 : i32
        %select_n3A_143 = arith.constant true
        %select_n3A_144 = arith.select %select_n3A_143, %add3A_142, %scan3A_126 : i32
        %eq3A_145 = arith.constant 5 : i32
        %eq3A_146 = arith.cmpi eq, %select_n3A_144, %eq3A_145 : i32
        %select_n3A_147 = arith.constant 0 : i32
        %select_n3A_148 = arith.select %eq3A_146, %select_n3A_147, %select_n3A_144 : i32
        %add3A_149 = arith.addi %select_n3A_148, %mul3A_6 : i32
        %add3A_150 = arith.constant 1 : i32
        %add3A_151 = arith.addi %select_n3A_148, %add3A_150 : i32
        %select_n3A_152 = arith.constant true
        %select_n3A_153 = arith.select %select_n3A_152, %add3A_151, %select_n3A_148 : i32
        %eq3A_154 = arith.constant 5 : i32
        %eq3A_155 = arith.cmpi eq, %select_n3A_153, %eq3A_154 : i32
        %select_n3A_156 = arith.constant 0 : i32
        %select_n3A_157 = arith.select %eq3A_155, %select_n3A_156, %select_n3A_153 : i32
        %add3A_158 = arith.addi %select_n3A_157, %mul3A_6 : i32
        %ne3A = arith.cmpi ne, %add3A_131, %add3A_149 : i32
        %or3A = arith.constant false
        %or3A_159 = arith.ori %or3A, %ne3A : i1
        %ge3A = arith.constant 4 : i32
        %ge3A_160 = arith.cmpi sge, %scan3A_121, %ge3A : i32
        %not3A = arith.constant true
        %not3A_161 = arith.xori %ge3A_160, %not3A : i1
        %and3A = arith.andi %or3A_159, %not3A_161 : i1
        %convert_element_type3A = arith.extui %and3A : i1 to i32
        %cond3A = arith.constant 0 : i32
        %cond3A_162 = arith.cmpi ne, %convert_element_type3A, %cond3A : i32
        scf.if %cond3A_162 {
          "tpu.trace_start"() <{level = 10 : i32, message = "ep_copy_in"}> : () -> ()
          %rem3A_264 = arith.constant 2 : i32
          %rem3A_265 = arith.remui %scan3A_122, %rem3A_264 : i32
          %mul3A_266 = arith.constant 128 : i32
          %mul3A_267 = arith.muli %mul3A_266, %add3A_149 : i32
          %dma_start3A_268 = arith.constant 0 : i32
          %dma_start3A_269 = arith.constant 0 : i32
          %dma_start3A_270 = tpu.memref_slice %run_scoped3A[%rem3A_265, %dma_start3A_268, %dma_start3A_269] : memref<2x1x128xi32, #tpu.memory_space<vmem>> -> memref<1x1x128xi32, #tpu.memory_space<vmem>>
          %dma_start3A_271 = tpu.memref_squeeze %dma_start3A_270 : memref<1x1x128xi32, #tpu.memory_space<vmem>> -> memref<1x128xi32, #tpu.memory_space<vmem>>
          %dma_start3A_272 = arith.constant 0 : i32
          %dma_start3A_273 = tpu.memref_slice %arg3[%dma_start3A_272, %mul3A_267] : memref<1x20480xi32, #tpu.memory_space<hbm>> -> memref<1x128xi32, #tpu.memory_space<hbm>>
          %dma_start3A_274 = tpu.memref_slice %run_scoped3A_7[%rem3A_265] : memref<2x!tpu.dma_semaphore, #tpu.memory_space<semaphore_mem>> -> memref<1x!tpu.dma_semaphore, #tpu.memory_space<semaphore_mem>>
          %dma_start3A_275 = tpu.memref_squeeze %dma_start3A_274 : memref<1x!tpu.dma_semaphore, #tpu.memory_space<semaphore_mem>> -> memref<!tpu.dma_semaphore, #tpu.memory_space<semaphore_mem>>
          %dma_start3A_276 = arith.constant 0 : i32
          %dma_start3A_277 = arith.constant 0 : i32
          %dma_start3A_278 = tpu.memref_slice %run_scoped3A[%rem3A_265, %dma_start3A_276, %dma_start3A_277] : memref<2x1x128xi32, #tpu.memory_space<vmem>> -> memref<1x1x128xi32, #tpu.memory_space<vmem>>
          %dma_start3A_279 = tpu.memref_squeeze %dma_start3A_278 : memref<1x1x128xi32, #tpu.memory_space<vmem>> -> memref<1x128xi32, #tpu.memory_space<vmem>>
          %dma_start3A_280 = arith.constant 0 : i32
          %dma_start3A_281 = tpu.memref_slice %arg3[%dma_start3A_280, %mul3A_267] : memref<1x20480xi32, #tpu.memory_space<hbm>> -> memref<1x128xi32, #tpu.memory_space<hbm>>
          tpu.enqueue_dma source(%dma_start3A_281 : memref<1x128xi32, #tpu.memory_space<hbm>>) target(%dma_start3A_279 : memref<1x128xi32, #tpu.memory_space<vmem>>) target_semaphore(%dma_start3A_275 : memref<!tpu.dma_semaphore, #tpu.memory_space<semaphore_mem>>)
          "tpu.trace_stop"() : () -> ()
        } else {
        }
        %and3A_163 = arith.constant true
        %and3A_164 = arith.andi %and3A, %and3A_163 : i1
        %add3A_165 = arith.constant 1 : i32
        %add3A_166 = arith.addi %scan3A_122, %add3A_165 : i32
        %select_n3A_167 = arith.select %and3A_164, %add3A_166, %scan3A_122 : i32
        %ne3A_168 = arith.cmpi ne, %add3A_131, %add3A_149 : i32
        %or3A_169 = arith.constant false
        %or3A_170 = arith.ori %or3A_169, %ne3A_168 : i1
        %or3A_171 = arith.constant false
        %or3A_172 = arith.ori %or3A_170, %or3A_171 : i1
        %ge3A_173 = arith.constant 4 : i32
        %ge3A_174 = arith.cmpi sge, %scan3A_121, %ge3A_173 : i32
        %not3A_175 = arith.constant true
        %not3A_176 = arith.xori %ge3A_174, %not3A_175 : i1
        %and3A_177 = arith.andi %or3A_172, %not3A_176 : i1
        %ne3A_178 = arith.cmpi ne, %add3A_131, %add3A_140 : i32
        %or3A_179 = arith.constant false
        %or3A_180 = arith.ori %or3A_179, %ne3A_178 : i1
        %or3A_181 = arith.ori %or3A_180, %eq3A_128 : i1
        %convert_element_type3A_182 = arith.extui %or3A_181 : i1 to i32
        %cond3A_183 = arith.constant 0 : i32
        %cond3A_184 = arith.cmpi ne, %convert_element_type3A_182, %cond3A_183 : i32
        scf.if %cond3A_184 {
          "tpu.trace_start"() <{level = 10 : i32, message = "ep_wait_in"}> : () -> ()
          %mul3A_264 = arith.constant 128 : i32
          %mul3A_265 = arith.muli %mul3A_264, %add3A_131 : i32
          %rem3A_266 = arith.constant 2 : i32
          %rem3A_267 = arith.remui %scan3A_123, %rem3A_266 : i32
          %dma_wait3A_268 = arith.constant 0 : i32
          %dma_wait3A_269 = arith.constant 0 : i32
          %dma_wait3A_270 = tpu.memref_slice %run_scoped3A[%rem3A_267, %dma_wait3A_268, %dma_wait3A_269] : memref<2x1x128xi32, #tpu.memory_space<vmem>> -> memref<1x1x128xi32, #tpu.memory_space<vmem>>
          %dma_wait3A_271 = tpu.memref_squeeze %dma_wait3A_270 : memref<1x1x128xi32, #tpu.memory_space<vmem>> -> memref<1x128xi32, #tpu.memory_space<vmem>>
          %dma_wait3A_272 = arith.constant 0 : i32
          %dma_wait3A_273 = tpu.memref_slice %arg3[%dma_wait3A_272, %mul3A_265] : memref<1x20480xi32, #tpu.memory_space<hbm>> -> memref<1x128xi32, #tpu.memory_space<hbm>>
          %dma_wait3A_274 = tpu.memref_slice %run_scoped3A_7[%rem3A_267] : memref<2x!tpu.dma_semaphore, #tpu.memory_space<semaphore_mem>> -> memref<1x!tpu.dma_semaphore, #tpu.memory_space<semaphore_mem>>
          %dma_wait3A_275 = tpu.memref_squeeze %dma_wait3A_274 : memref<1x!tpu.dma_semaphore, #tpu.memory_space<semaphore_mem>> -> memref<!tpu.dma_semaphore, #tpu.memory_space<semaphore_mem>>
          %dma_wait3A_276 = arith.constant 0 : i32
          %dma_wait3A_277 = arith.constant 0 : i32
          %dma_wait3A_278 = tpu.memref_slice %run_scoped3A[%rem3A_267, %dma_wait3A_276, %dma_wait3A_277] : memref<2x1x128xi32, #tpu.memory_space<vmem>> -> memref<1x1x128xi32, #tpu.memory_space<vmem>>
          %dma_wait3A_279 = tpu.memref_squeeze %dma_wait3A_278 : memref<1x1x128xi32, #tpu.memory_space<vmem>> -> memref<1x128xi32, #tpu.memory_space<vmem>>
          %dma_wait3A_280 = arith.constant 0 : i32
          %dma_wait3A_281 = tpu.memref_slice %arg3[%dma_wait3A_280, %mul3A_265] : memref<1x20480xi32, #tpu.memory_space<hbm>> -> memref<1x128xi32, #tpu.memory_space<hbm>>
          tpu.wait_dma2 semaphore(%dma_wait3A_275 : memref<!tpu.dma_semaphore, #tpu.memory_space<semaphore_mem>>) src(%dma_wait3A_281 : memref<1x128xi32, #tpu.memory_space<hbm>>) dst(%dma_wait3A_279 : memref<1x128xi32, #tpu.memory_space<vmem>>)
          "tpu.trace_stop"() : () -> ()
        } else {
        }
        %ne3A_185 = arith.cmpi ne, %add3A_131, %add3A_140 : i32
        %or3A_186 = arith.constant false
        %or3A_187 = arith.ori %or3A_186, %ne3A_185 : i1
        %or3A_188 = arith.constant false
        %or3A_189 = arith.ori %or3A_187, %or3A_188 : i1
        %or3A_190 = arith.ori %or3A_189, %eq3A_128 : i1
        %convert_element_type3A_191 = arith.extui %or3A_190 : i1 to i32
        %cond3A_192 = arith.constant 0 : i32
        %cond3A_193 = arith.cmpi ne, %convert_element_type3A_191, %cond3A_192 : i32
        scf.if %cond3A_193 {
        } else {
        }
        %rem3A_194 = arith.constant 2 : i32
        %rem3A_195 = arith.remui %scan3A_123, %rem3A_194 : i32
        %rem3A_196 = arith.constant 2 : i32
        %rem3A_197 = arith.remui %scan3A_124, %rem3A_196 : i32
        %run_scoped3A_198 = arith.constant 0 : i32
        "tpu.trace_start"() <{level = 10 : i32, message = "ep_run_kernel"}> : () -> ()
        "tpu.region"() ({
          %run_scoped3A_264 = tpu.sem_alloc : memref<!tpu.dma_semaphore, #tpu.memory_space<semaphore_mem>>
          %dma_start3A_265 = arith.constant 0 : i32
          %dma_start3A_266 = arith.constant 0 : i32
          %dma_start3A_267 = tpu.memref_slice %run_scoped3A_8[%rem3A_197, %dma_start3A_265, %dma_start3A_266] : memref<2x128x256xf32, #tpu.memory_space<vmem>> -> memref<1x128x256xf32, #tpu.memory_space<vmem>>
          %dma_start3A_268 = tpu.memref_squeeze %dma_start3A_267 : memref<1x128x256xf32, #tpu.memory_space<vmem>> -> memref<128x256xf32, #tpu.memory_space<vmem>>
          %dma_start3A_269 = arith.constant 0 : i32
          %dma_start3A_270 = arith.constant 0 : i32
          %dma_start3A_271 = tpu.memref_slice %run_scoped3A[%rem3A_195, %dma_start3A_269, %dma_start3A_270] : memref<2x1x128xi32, #tpu.memory_space<vmem>> -> memref<1x1x128xi32, #tpu.memory_space<vmem>>
          %dma_start3A_272 = tpu.memref_squeeze %dma_start3A_271 : memref<1x1x128xi32, #tpu.memory_space<vmem>> -> memref<1x128xi32, #tpu.memory_space<vmem>>
          %dma_start3A_273 = arith.constant 0 : i32
          %dma_start3A_274 = tpu.memref_slice %dma_start3A_272[%run_scoped3A_198, %dma_start3A_273] : memref<1x128xi32, #tpu.memory_space<vmem>> -> memref<1x128xi32, #tpu.memory_space<vmem>>
          %dma_start3A_275 = tpu.memref_squeeze %dma_start3A_274 : memref<1x128xi32, #tpu.memory_space<vmem>> -> memref<128xi32, #tpu.memory_space<vmem>>
          %dma_start3A_276 = arith.constant 0 : i32
          %dma_start3A_277 = arith.constant 0 : i32
          %dma_start3A_278 = tpu.memref_slice %arg2[%dma_start3A_276, %dma_start3A_277] : memref<100000x256xf32, #tpu.memory_space<hbm>> -> memref<100000x256xf32, #tpu.memory_space<hbm>>
          tpu.enqueue_indirect_dma source(%dma_start3A_278 : memref<100000x256xf32, #tpu.memory_space<hbm>>) target(%dma_start3A_268 : memref<128x256xf32, #tpu.memory_space<vmem>>) offsets(%dma_start3A_275 : memref<128xi32, #tpu.memory_space<vmem>>) semaphore(%run_scoped3A_264 : memref<!tpu.dma_semaphore, #tpu.memory_space<semaphore_mem>>)
          %dma_wait3A_279 = arith.constant 0 : i32
          %dma_wait3A_280 = arith.constant 0 : i32
          %dma_wait3A_281 = tpu.memref_slice %run_scoped3A_8[%rem3A_197, %dma_wait3A_279, %dma_wait3A_280] : memref<2x128x256xf32, #tpu.memory_space<vmem>> -> memref<1x128x256xf32, #tpu.memory_space<vmem>>
          %dma_wait3A_282 = tpu.memref_squeeze %dma_wait3A_281 : memref<1x128x256xf32, #tpu.memory_space<vmem>> -> memref<128x256xf32, #tpu.memory_space<vmem>>
          %dma_wait3A_283 = arith.constant 0 : i32
          %dma_wait3A_284 = arith.constant 0 : i32
          %dma_wait3A_285 = tpu.memref_slice %run_scoped3A[%rem3A_195, %dma_wait3A_283, %dma_wait3A_284] : memref<2x1x128xi32, #tpu.memory_space<vmem>> -> memref<1x1x128xi32, #tpu.memory_space<vmem>>
          %dma_wait3A_286 = tpu.memref_squeeze %dma_wait3A_285 : memref<1x1x128xi32, #tpu.memory_space<vmem>> -> memref<1x128xi32, #tpu.memory_space<vmem>>
          %dma_wait3A_287 = arith.constant 0 : i32
          %dma_wait3A_288 = tpu.memref_slice %dma_wait3A_286[%run_scoped3A_198, %dma_wait3A_287] : memref<1x128xi32, #tpu.memory_space<vmem>> -> memref<1x128xi32, #tpu.memory_space<vmem>>
          %dma_wait3A_289 = tpu.memref_squeeze %dma_wait3A_288 : memref<1x128xi32, #tpu.memory_space<vmem>> -> memref<128xi32, #tpu.memory_space<vmem>>
          %dma_wait3A_290 = arith.constant 0 : i32
          %dma_wait3A_291 = arith.constant 0 : i32
          %dma_wait3A_292 = tpu.memref_slice %arg2[%dma_wait3A_290, %dma_wait3A_291] : memref<100000x256xf32, #tpu.memory_space<hbm>> -> memref<100000x256xf32, #tpu.memory_space<hbm>>
          tpu.wait_indirect_dma semaphore(%run_scoped3A_264 : memref<!tpu.dma_semaphore, #tpu.memory_space<semaphore_mem>>) src(%dma_wait3A_292 : memref<100000x256xf32, #tpu.memory_space<hbm>>) dst(%dma_wait3A_282 : memref<128x256xf32, #tpu.memory_space<vmem>>)
          tpu.yield
        }) : () -> ()
        "tpu.trace_stop"() : () -> ()
        %ne3A_199 = arith.cmpi ne, %add3A_131, %add3A_149 : i32
        %or3A_200 = arith.constant false
        %or3A_201 = arith.ori %or3A_200, %ne3A_199 : i1
        %or3A_202 = arith.ori %or3A_201, %eq3A_130 : i1
        %convert_element_type3A_203 = arith.extui %or3A_202 : i1 to i32
        %cond3A_204 = arith.constant 0 : i32
        %cond3A_205 = arith.cmpi ne, %convert_element_type3A_203, %cond3A_204 : i32
        scf.if %cond3A_205 {
        } else {
        }
        %and3A_206 = arith.constant false
        %and3A_207 = arith.andi %or3A_202, %and3A_206 : i1
        %ne3A_208 = arith.cmpi ne, %add3A_131, %add3A_149 : i32
        %or3A_209 = arith.constant false
        %or3A_210 = arith.ori %or3A_209, %ne3A_208 : i1
        %or3A_211 = arith.constant false
        %or3A_212 = arith.ori %or3A_210, %or3A_211 : i1
        %or3A_213 = arith.ori %or3A_212, %eq3A_130 : i1
        %convert_element_type3A_214 = arith.extui %or3A_213 : i1 to i32
        %cond3A_215 = arith.constant 0 : i32
        %cond3A_216 = arith.cmpi ne, %convert_element_type3A_214, %cond3A_215 : i32
        scf.if %cond3A_216 {
          "tpu.trace_start"() <{level = 10 : i32, message = "ep_copy_out"}> : () -> ()
          %rem3A_264 = arith.constant 2 : i32
          %rem3A_265 = arith.remui %scan3A_124, %rem3A_264 : i32
          %mul3A_266 = arith.constant 128 : i32
          %mul3A_267 = arith.muli %mul3A_266, %add3A_131 : i32
          %dma_start3A_268 = arith.constant 0 : i32
          %dma_start3A_269 = arith.constant 0 : i32
          %dma_start3A_270 = tpu.memref_slice %run_scoped3A_8[%rem3A_265, %dma_start3A_268, %dma_start3A_269] : memref<2x128x256xf32, #tpu.memory_space<vmem>> -> memref<1x128x256xf32, #tpu.memory_space<vmem>>
          %dma_start3A_271 = tpu.memref_squeeze %dma_start3A_270 : memref<1x128x256xf32, #tpu.memory_space<vmem>> -> memref<128x256xf32, #tpu.memory_space<vmem>>
          %dma_start3A_272 = arith.constant 0 : i32
          %dma_start3A_273 = tpu.memref_slice %arg4[%mul3A_267, %dma_start3A_272] : memref<20480x256xf32, #tpu.memory_space<hbm>> -> memref<128x256xf32, #tpu.memory_space<hbm>>
          %dma_start3A_274 = tpu.memref_slice %run_scoped3A_9[%rem3A_265] : memref<2x!tpu.dma_semaphore, #tpu.memory_space<semaphore_mem>> -> memref<1x!tpu.dma_semaphore, #tpu.memory_space<semaphore_mem>>
          %dma_start3A_275 = tpu.memref_squeeze %dma_start3A_274 : memref<1x!tpu.dma_semaphore, #tpu.memory_space<semaphore_mem>> -> memref<!tpu.dma_semaphore, #tpu.memory_space<semaphore_mem>>
          %dma_start3A_276 = arith.constant 0 : i32
          %dma_start3A_277 = tpu.memref_slice %arg4[%mul3A_267, %dma_start3A_276] : memref<20480x256xf32, #tpu.memory_space<hbm>> -> memref<128x256xf32, #tpu.memory_space<hbm>>
          %dma_start3A_278 = arith.constant 0 : i32
          %dma_start3A_279 = arith.constant 0 : i32
          %dma_start3A_280 = tpu.memref_slice %run_scoped3A_8[%rem3A_265, %dma_start3A_278, %dma_start3A_279] : memref<2x128x256xf32, #tpu.memory_space<vmem>> -> memref<1x128x256xf32, #tpu.memory_space<vmem>>
          %dma_start3A_281 = tpu.memref_squeeze %dma_start3A_280 : memref<1x128x256xf32, #tpu.memory_space<vmem>> -> memref<128x256xf32, #tpu.memory_space<vmem>>
          tpu.enqueue_dma source(%dma_start3A_281 : memref<128x256xf32, #tpu.memory_space<vmem>>) target(%dma_start3A_277 : memref<128x256xf32, #tpu.memory_space<hbm>>) target_semaphore(%dma_start3A_275 : memref<!tpu.dma_semaphore, #tpu.memory_space<semaphore_mem>>)
          "tpu.trace_stop"() : () -> ()
        } else {
        }
        %and3A_217 = arith.constant true
        %and3A_218 = arith.andi %or3A_213, %and3A_217 : i1
        %add3A_219 = arith.constant 1 : i32
        %add3A_220 = arith.addi %scan3A_124, %add3A_219 : i32
        %select_n3A_221 = arith.select %and3A_218, %add3A_220, %scan3A_124 : i32
        %ne3A_222 = arith.cmpi ne, %add3A_131, %add3A_140 : i32
        %or3A_223 = arith.constant false
        %or3A_224 = arith.ori %or3A_223, %ne3A_222 : i1
        %not3A_225 = arith.constant true
        %not3A_226 = arith.xori %eq3A_128, %not3A_225 : i1
        %and3A_227 = arith.andi %or3A_224, %not3A_226 : i1
        %convert_element_type3A_228 = arith.extui %and3A_227 : i1 to i32
        %cond3A_229 = arith.constant 0 : i32
        %cond3A_230 = arith.cmpi ne, %convert_element_type3A_228, %cond3A_229 : i32
        scf.if %cond3A_230 {
        } else {
        }
        %and3A_231 = arith.constant false
        %and3A_232 = arith.andi %and3A_227, %and3A_231 : i1
        %ne3A_233 = arith.cmpi ne, %add3A_131, %add3A_140 : i32
        %or3A_234 = arith.constant false
        %or3A_235 = arith.ori %or3A_234, %ne3A_233 : i1
        %or3A_236 = arith.constant false
        %or3A_237 = arith.ori %or3A_235, %or3A_236 : i1
        %not3A_238 = arith.constant true
        %not3A_239 = arith.xori %eq3A_128, %not3A_238 : i1
        %and3A_240 = arith.andi %or3A_237, %not3A_239 : i1
        %convert_element_type3A_241 = arith.extui %and3A_240 : i1 to i32
        %cond3A_242 = arith.constant 0 : i32
        %cond3A_243 = arith.cmpi ne, %convert_element_type3A_241, %cond3A_242 : i32
        scf.if %cond3A_243 {
          "tpu.trace_start"() <{level = 10 : i32, message = "ep_wait_out"}> : () -> ()
          %rem3A_264 = arith.constant 2 : i32
          %rem3A_265 = arith.remui %scan3A_125, %rem3A_264 : i32
          %mul3A_266 = arith.constant 128 : i32
          %mul3A_267 = arith.muli %mul3A_266, %add3A_140 : i32
          %dma_wait3A_268 = arith.constant 0 : i32
          %dma_wait3A_269 = arith.constant 0 : i32
          %dma_wait3A_270 = tpu.memref_slice %run_scoped3A_8[%rem3A_265, %dma_wait3A_268, %dma_wait3A_269] : memref<2x128x256xf32, #tpu.memory_space<vmem>> -> memref<1x128x256xf32, #tpu.memory_space<vmem>>
          %dma_wait3A_271 = tpu.memref_squeeze %dma_wait3A_270 : memref<1x128x256xf32, #tpu.memory_space<vmem>> -> memref<128x256xf32, #tpu.memory_space<vmem>>
          %dma_wait3A_272 = arith.constant 0 : i32
          %dma_wait3A_273 = tpu.memref_slice %arg4[%mul3A_267, %dma_wait3A_272] : memref<20480x256xf32, #tpu.memory_space<hbm>> -> memref<128x256xf32, #tpu.memory_space<hbm>>
          %dma_wait3A_274 = tpu.memref_slice %run_scoped3A_9[%rem3A_265] : memref<2x!tpu.dma_semaphore, #tpu.memory_space<semaphore_mem>> -> memref<1x!tpu.dma_semaphore, #tpu.memory_space<semaphore_mem>>
          %dma_wait3A_275 = tpu.memref_squeeze %dma_wait3A_274 : memref<1x!tpu.dma_semaphore, #tpu.memory_space<semaphore_mem>> -> memref<!tpu.dma_semaphore, #tpu.memory_space<semaphore_mem>>
          %dma_wait3A_276 = arith.constant 0 : i32
          %dma_wait3A_277 = tpu.memref_slice %arg4[%mul3A_267, %dma_wait3A_276] : memref<20480x256xf32, #tpu.memory_space<hbm>> -> memref<128x256xf32, #tpu.memory_space<hbm>>
          %dma_wait3A_278 = arith.constant 0 : i32
          %dma_wait3A_279 = arith.constant 0 : i32
          %dma_wait3A_280 = tpu.memref_slice %run_scoped3A_8[%rem3A_265, %dma_wait3A_278, %dma_wait3A_279] : memref<2x128x256xf32, #tpu.memory_space<vmem>> -> memref<1x128x256xf32, #tpu.memory_space<vmem>>
          %dma_wait3A_281 = tpu.memref_squeeze %dma_wait3A_280 : memref<1x128x256xf32, #tpu.memory_space<vmem>> -> memref<128x256xf32, #tpu.memory_space<vmem>>
          tpu.wait_dma2 semaphore(%dma_wait3A_275 : memref<!tpu.dma_semaphore, #tpu.memory_space<semaphore_mem>>) src(%dma_wait3A_281 : memref<128x256xf32, #tpu.memory_space<vmem>>) dst(%dma_wait3A_277 : memref<128x256xf32, #tpu.memory_space<hbm>>)
          "tpu.trace_stop"() : () -> ()
        } else {
        }
        %and3A_244 = arith.constant true
        %and3A_245 = arith.andi %and3A_240, %and3A_244 : i1
        %add3A_246 = arith.constant 1 : i32
        %add3A_247 = arith.addi %scan3A_125, %add3A_246 : i32
        %select_n3A_248 = arith.select %and3A_245, %add3A_247, %scan3A_125 : i32
        %ne3A_249 = arith.cmpi ne, %add3A_131, %add3A_149 : i32
        %or3A_250 = arith.constant false
        %or3A_251 = arith.ori %or3A_250, %ne3A_249 : i1
        %or3A_252 = arith.ori %or3A_251, %eq3A_130 : i1
        %add3A_253 = arith.constant 1 : i32
        %add3A_254 = arith.addi %scan3A_123, %add3A_253 : i32
        %select_n3A_255 = arith.select %or3A_252, %add3A_254, %scan3A_123 : i32
        %add3A_256 = arith.constant 1 : i32
        %add3A_257 = arith.addi %scan3A_126, %add3A_256 : i32
        %select_n3A_258 = arith.constant true
        %select_n3A_259 = arith.select %select_n3A_258, %add3A_257, %scan3A_126 : i32
        %eq3A_260 = arith.constant 5 : i32
        %eq3A_261 = arith.cmpi eq, %select_n3A_259, %eq3A_260 : i32
        %select_n3A_262 = arith.constant 0 : i32
        %select_n3A_263 = arith.select %eq3A_261, %select_n3A_262, %select_n3A_259 : i32
        scf.yield %select_n3A_167, %select_n3A_255, %select_n3A_221, %select_n3A_248, %select_n3A_263 : i32, i32, i32, i32, i32
      }
      %scan3A_68 = arith.constant 5 : i32
      %sub3A = arith.constant 1 : i32
      %sub3A_69 = arith.subi %scan3A_67#4, %sub3A : i32
      %select_n3A_70 = arith.constant true
      %select_n3A_71 = arith.select %select_n3A_70, %sub3A_69, %scan3A_67#4 : i32
      %eq3A_72 = arith.constant -1 : i32
      %eq3A_73 = arith.cmpi eq, %select_n3A_71, %eq3A_72 : i32
      %select_n3A_74 = arith.constant 4 : i32
      %select_n3A_75 = arith.select %eq3A_73, %select_n3A_74, %select_n3A_71 : i32
      %add3A_76 = arith.addi %select_n3A_75, %mul3A_6 : i32
      %sub3A_77 = arith.constant 1 : i32
      %sub3A_78 = arith.subi %select_n3A_75, %sub3A_77 : i32
      %select_n3A_79 = arith.constant true
      %select_n3A_80 = arith.select %select_n3A_79, %sub3A_78, %select_n3A_75 : i32
      %eq3A_81 = arith.constant -1 : i32
      %eq3A_82 = arith.cmpi eq, %select_n3A_80, %eq3A_81 : i32
      %select_n3A_83 = arith.constant 4 : i32
      %select_n3A_84 = arith.select %eq3A_82, %select_n3A_83, %select_n3A_80 : i32
      %add3A_85 = arith.addi %select_n3A_84, %mul3A_6 : i32
      %add3A_86 = arith.constant 1 : i32
      %add3A_87 = arith.addi %select_n3A_75, %add3A_86 : i32
      %select_n3A_88 = arith.constant true
      %select_n3A_89 = arith.select %select_n3A_88, %add3A_87, %select_n3A_75 : i32
      %eq3A_90 = arith.constant 5 : i32
      %eq3A_91 = arith.cmpi eq, %select_n3A_89, %eq3A_90 : i32
      %select_n3A_92 = arith.constant 0 : i32
      %select_n3A_93 = arith.select %eq3A_91, %select_n3A_92, %select_n3A_89 : i32
      %add3A_94 = arith.addi %select_n3A_93, %mul3A_6 : i32
      %add3A_95 = arith.constant 1 : i32
      %add3A_96 = arith.addi %select_n3A_93, %add3A_95 : i32
      %select_n3A_97 = arith.constant true
      %select_n3A_98 = arith.select %select_n3A_97, %add3A_96, %select_n3A_93 : i32
      %eq3A_99 = arith.constant 5 : i32
      %eq3A_100 = arith.cmpi eq, %select_n3A_98, %eq3A_99 : i32
      %select_n3A_101 = arith.constant 0 : i32
      %select_n3A_102 = arith.select %eq3A_100, %select_n3A_101, %select_n3A_98 : i32
      %add3A_103 = arith.addi %select_n3A_102, %mul3A_6 : i32
      "tpu.trace_start"() <{level = 10 : i32, message = "ep_finalize"}> : () -> ()
      %rem3A_104 = arith.constant 2 : i32
      %rem3A_105 = arith.remui %scan3A_67#3, %rem3A_104 : i32
      %mul3A_106 = arith.constant 128 : i32
      %mul3A_107 = arith.muli %mul3A_106, %add3A_76 : i32
      %dma_wait3A = arith.constant 0 : i32
      %dma_wait3A_108 = arith.constant 0 : i32
      %dma_wait3A_109 = tpu.memref_slice %run_scoped3A_8[%rem3A_105, %dma_wait3A, %dma_wait3A_108] : memref<2x128x256xf32, #tpu.memory_space<vmem>> -> memref<1x128x256xf32, #tpu.memory_space<vmem>>
      %dma_wait3A_110 = tpu.memref_squeeze %dma_wait3A_109 : memref<1x128x256xf32, #tpu.memory_space<vmem>> -> memref<128x256xf32, #tpu.memory_space<vmem>>
      %dma_wait3A_111 = arith.constant 0 : i32
      %dma_wait3A_112 = tpu.memref_slice %arg4[%mul3A_107, %dma_wait3A_111] : memref<20480x256xf32, #tpu.memory_space<hbm>> -> memref<128x256xf32, #tpu.memory_space<hbm>>
      %dma_wait3A_113 = tpu.memref_slice %run_scoped3A_9[%rem3A_105] : memref<2x!tpu.dma_semaphore, #tpu.memory_space<semaphore_mem>> -> memref<1x!tpu.dma_semaphore, #tpu.memory_space<semaphore_mem>>
      %dma_wait3A_114 = tpu.memref_squeeze %dma_wait3A_113 : memref<1x!tpu.dma_semaphore, #tpu.memory_space<semaphore_mem>> -> memref<!tpu.dma_semaphore, #tpu.memory_space<semaphore_mem>>
      %dma_wait3A_115 = arith.constant 0 : i32
      %dma_wait3A_116 = tpu.memref_slice %arg4[%mul3A_107, %dma_wait3A_115] : memref<20480x256xf32, #tpu.memory_space<hbm>> -> memref<128x256xf32, #tpu.memory_space<hbm>>
      %dma_wait3A_117 = arith.constant 0 : i32
      %dma_wait3A_118 = arith.constant 0 : i32
      %dma_wait3A_119 = tpu.memref_slice %run_scoped3A_8[%rem3A_105, %dma_wait3A_117, %dma_wait3A_118] : memref<2x128x256xf32, #tpu.memory_space<vmem>> -> memref<1x128x256xf32, #tpu.memory_space<vmem>>
      %dma_wait3A_120 = tpu.memref_squeeze %dma_wait3A_119 : memref<1x128x256xf32, #tpu.memory_space<vmem>> -> memref<128x256xf32, #tpu.memory_space<vmem>>
      tpu.wait_dma2 semaphore(%dma_wait3A_114 : memref<!tpu.dma_semaphore, #tpu.memory_space<semaphore_mem>>) src(%dma_wait3A_120 : memref<128x256xf32, #tpu.memory_space<vmem>>) dst(%dma_wait3A_116 : memref<128x256xf32, #tpu.memory_space<hbm>>)
      "tpu.trace_stop"() : () -> ()
      tpu.yield
    }) : () -> ()
    return
  }
}

#map = affine_map<(d0, d1) -> (0, 0)>
module attributes {stable_mosaic.version = 14 : i64} {
  func.func @k(%arg0: i32, %arg1: i32, %arg2: memref<100000x128xf32, #tpu.memory_space<hbm>>, %arg3: memref<100000x128xf32, #tpu.memory_space<hbm>>, %arg4: memref<1x20480xi32, #tpu.memory_space<hbm>>, %arg5: memref<20480x128xf32, #tpu.memory_space<hbm>>, %arg6: memref<20480x128xf32, #tpu.memory_space<hbm>>) attributes {dimension_semantics = [#tpu.dimension_semantics<core_parallel>, #tpu.dimension_semantics<subcore_parallel>], iteration_bounds = array<i64: 2, 16>, scalar_prefetch = 0 : i64, scratch_operands = 0 : i64, tpu.core_type = #tpu.core_type<sc_vector_subcore>, window_params = [{transform_indices = #map}, {transform_indices = #map}, {transform_indices = #map}, {transform_indices = #map}, {transform_indices = #map}]} {
    %mul3A = arith.constant 1 : i32
    %mul3A_0 = arith.muli %arg1, %mul3A : i32
    %add3A = arith.constant 0 : i32
    %add3A_1 = arith.addi %add3A, %mul3A_0 : i32
    %mul3A_2 = arith.constant 16 : i32
    %mul3A_3 = arith.muli %arg0, %mul3A_2 : i32
    %add3A_4 = arith.addi %add3A_1, %mul3A_3 : i32
    %mul3A_5 = arith.constant 5 : i32
    %mul3A_6 = arith.muli %add3A_4, %mul3A_5 : i32
    "tpu.region"() ({
      %run_scoped3A = memref.alloca() : memref<2x1x128xi32, #tpu.memory_space<vmem>>
      %run_scoped3A_7 = tpu.sem_alloc : memref<2x!tpu.dma_semaphore, #tpu.memory_space<semaphore_mem>>
      %run_scoped3A_8 = memref.alloca() : memref<2x128x128xf32, #tpu.memory_space<vmem>>
      %run_scoped3A_9 = tpu.sem_alloc : memref<2x!tpu.dma_semaphore, #tpu.memory_space<semaphore_mem>>
      %run_scoped3A_10 = memref.alloca() : memref<2x128x128xf32, #tpu.memory_space<vmem>>
      %run_scoped3A_11 = tpu.sem_alloc : memref<2x!tpu.dma_semaphore, #tpu.memory_space<semaphore_mem>>
      %add3A_12 = arith.constant 0 : i32
      %add3A_13 = arith.addi %add3A_12, %mul3A_6 : i32
      %select_n3A = arith.constant true
      %select_n3A_14 = arith.constant 0 : i32
      %select_n3A_15 = arith.constant -1 : i32
      %select_n3A_16 = arith.select %select_n3A, %select_n3A_15, %select_n3A_14 : i32
      %eq3A = arith.constant -1 : i32
      %eq3A_17 = arith.cmpi eq, %select_n3A_16, %eq3A : i32
      %select_n3A_18 = arith.constant 4 : i32
      %select_n3A_19 = arith.select %eq3A_17, %select_n3A_18, %select_n3A_16 : i32
      %add3A_20 = arith.addi %select_n3A_19, %mul3A_6 : i32
      %select_n3A_21 = arith.constant true
      %select_n3A_22 = arith.constant 0 : i32
      %select_n3A_23 = arith.constant 1 : i32
      %select_n3A_24 = arith.select %select_n3A_21, %select_n3A_23, %select_n3A_22 : i32
      %eq3A_25 = arith.constant 5 : i32
      %eq3A_26 = arith.cmpi eq, %select_n3A_24, %eq3A_25 : i32
      %select_n3A_27 = arith.constant 0 : i32
      %select_n3A_28 = arith.select %eq3A_26, %select_n3A_27, %select_n3A_24 : i32
      %add3A_29 = arith.addi %select_n3A_28, %mul3A_6 : i32
      %add3A_30 = arith.constant 1 : i32
      %add3A_31 = arith.addi %select_n3A_28, %add3A_30 : i32
      %select_n3A_32 = arith.constant true
      %select_n3A_33 = arith.select %select_n3A_32, %add3A_31, %select_n3A_28 : i32
      %eq3A_34 = arith.constant 5 : i32
      %eq3A_35 = arith.cmpi eq, %select_n3A_33, %eq3A_34 : i32
      %select_n3A_36 = arith.constant 0 : i32
      %select_n3A_37 = arith.select %eq3A_35, %select_n3A_36, %select_n3A_33 : i32
      %add3A_38 = arith.addi %select_n3A_37, %mul3A_6 : i32
      "tpu.trace_start"() <{level = 10 : i32, message = "ep_initialize_0"}> : () -> ()
      %rem3A = arith.constant 0 : i32
      %rem3A_39 = arith.constant 2 : i32
      %rem3A_40 = arith.remui %rem3A, %rem3A_39 : i32
      %mul3A_41 = arith.constant 128 : i32
      %mul3A_42 = arith.muli %mul3A_41, %add3A_13 : i32
      %dma_start3A = arith.constant 0 : i32
      %dma_start3A_43 = arith.constant 0 : i32
      %dma_start3A_44 = tpu.memref_slice %run_scoped3A[%rem3A_40, %dma_start3A, %dma_start3A_43] : memref<2x1x128xi32, #tpu.memory_space<vmem>> -> memref<1x1x128xi32, #tpu.memory_space<vmem>>
      %dma_start3A_45 = tpu.memref_squeeze %dma_start3A_44 : memref<1x1x128xi32, #tpu.memory_space<vmem>> -> memref<1x128xi32, #tpu.memory_space<vmem>>
      %dma_start3A_46 = arith.constant 0 : i32
      %dma_start3A_47 = tpu.memref_slice %arg4[%dma_start3A_46, %mul3A_42] : memref<1x20480xi32, #tpu.memory_space<hbm>> -> memref<1x128xi32, #tpu.memory_space<hbm>>
      %dma_start3A_48 = tpu.memref_slice %run_scoped3A_7[%rem3A_40] : memref<2x!tpu.dma_semaphore, #tpu.memory_space<semaphore_mem>> -> memref<1x!tpu.dma_semaphore, #tpu.memory_space<semaphore_mem>>
      %dma_start3A_49 = tpu.memref_squeeze %dma_start3A_48 : memref<1x!tpu.dma_semaphore, #tpu.memory_space<semaphore_mem>> -> memref<!tpu.dma_semaphore, #tpu.memory_space<semaphore_mem>>
      %dma_start3A_50 = arith.constant 0 : i32
      %dma_start3A_51 = arith.constant 0 : i32
      %dma_start3A_52 = tpu.memref_slice %run_scoped3A[%rem3A_40, %dma_start3A_50, %dma_start3A_51] : memref<2x1x128xi32, #tpu.memory_space<vmem>> -> memref<1x1x128xi32, #tpu.memory_space<vmem>>
      %dma_start3A_53 = tpu.memref_squeeze %dma_start3A_52 : memref<1x1x128xi32, #tpu.memory_space<vmem>> -> memref<1x128xi32, #tpu.memory_space<vmem>>
      %dma_start3A_54 = arith.constant 0 : i32
      %dma_start3A_55 = tpu.memref_slice %arg4[%dma_start3A_54, %mul3A_42] : memref<1x20480xi32, #tpu.memory_space<hbm>> -> memref<1x128xi32, #tpu.memory_space<hbm>>
      tpu.enqueue_dma source(%dma_start3A_55 : memref<1x128xi32, #tpu.memory_space<hbm>>) target(%dma_start3A_53 : memref<1x128xi32, #tpu.memory_space<vmem>>) target_semaphore(%dma_start3A_49 : memref<!tpu.dma_semaphore, #tpu.memory_space<semaphore_mem>>)
      %add3A_56 = arith.constant 0 : i32
      %add3A_57 = arith.constant 1 : i32
      %add3A_58 = arith.addi %add3A_56, %add3A_57 : i32
      %select_n3A_59 = arith.constant true
      %select_n3A_60 = arith.constant 0 : i32
      %select_n3A_61 = arith.select %select_n3A_59, %add3A_58, %select_n3A_60 : i32
      "tpu.trace_stop"() : () -> ()
      %scan3A = arith.constant 0 : i32
      %scan3A_62 = arith.constant 0 : i32
      %scan3A_63 = arith.constant 0 : i32
      %scan3A_64 = arith.constant 0 : i32
      %scan3A_65 = arith.constant 0 : i32
      %scan3A_66 = arith.constant 0 : i32
      %scan3A_67 = arith.constant 0 : i32
      %scan3A_68 = arith.constant 5 : i32
      %scan3A_69 = arith.addi %scan3A_67, %scan3A_68 : i32
      %scan3A_70 = arith.constant 1 : i32
      %scan3A_71:7 = scf.for %scan3A_143 = %scan3A_67 to %scan3A_69 step %scan3A_70 iter_args(%scan3A_144 = %select_n3A_61, %scan3A_145 = %scan3A, %scan3A_146 = %scan3A_62, %scan3A_147 = %scan3A_63, %scan3A_148 = %scan3A_64, %scan3A_149 = %scan3A_65, %scan3A_150 = %scan3A_66) -> (i32, i32, i32, i32, i32, i32, i32)  : i32 {
        %eq3A_151 = arith.constant 0 : i32
        %eq3A_152 = arith.cmpi eq, %scan3A_143, %eq3A_151 : i32
        %eq3A_153 = arith.constant 4 : i32
        %eq3A_154 = arith.cmpi eq, %scan3A_143, %eq3A_153 : i32
        %add3A_155 = arith.addi %scan3A_150, %mul3A_6 : i32
        %sub3A_156 = arith.constant 1 : i32
        %sub3A_157 = arith.subi %scan3A_150, %sub3A_156 : i32
        %select_n3A_158 = arith.constant true
        %select_n3A_159 = arith.select %select_n3A_158, %sub3A_157, %scan3A_150 : i32
        %eq3A_160 = arith.constant -1 : i32
        %eq3A_161 = arith.cmpi eq, %select_n3A_159, %eq3A_160 : i32
        %select_n3A_162 = arith.constant 4 : i32
        %select_n3A_163 = arith.select %eq3A_161, %select_n3A_162, %select_n3A_159 : i32
        %add3A_164 = arith.addi %select_n3A_163, %mul3A_6 : i32
        %add3A_165 = arith.constant 1 : i32
        %add3A_166 = arith.addi %scan3A_150, %add3A_165 : i32
        %select_n3A_167 = arith.constant true
        %select_n3A_168 = arith.select %select_n3A_167, %add3A_166, %scan3A_150 : i32
        %eq3A_169 = arith.constant 5 : i32
        %eq3A_170 = arith.cmpi eq, %select_n3A_168, %eq3A_169 : i32
        %select_n3A_171 = arith.constant 0 : i32
        %select_n3A_172 = arith.select %eq3A_170, %select_n3A_171, %select_n3A_168 : i32
        %add3A_173 = arith.addi %select_n3A_172, %mul3A_6 : i32
        %add3A_174 = arith.constant 1 : i32
        %add3A_175 = arith.addi %select_n3A_172, %add3A_174 : i32
        %select_n3A_176 = arith.constant true
        %select_n3A_177 = arith.select %select_n3A_176, %add3A_175, %select_n3A_172 : i32
        %eq3A_178 = arith.constant 5 : i32
        %eq3A_179 = arith.cmpi eq, %select_n3A_177, %eq3A_178 : i32
        %select_n3A_180 = arith.constant 0 : i32
        %select_n3A_181 = arith.select %eq3A_179, %select_n3A_180, %select_n3A_177 : i32
        %add3A_182 = arith.addi %select_n3A_181, %mul3A_6 : i32
        %ne3A = arith.cmpi ne, %add3A_155, %add3A_173 : i32
        %or3A = arith.constant false
        %or3A_183 = arith.ori %or3A, %ne3A : i1
        %ge3A = arith.constant 4 : i32
        %ge3A_184 = arith.cmpi sge, %scan3A_143, %ge3A : i32
        %not3A = arith.constant true
        %not3A_185 = arith.xori %ge3A_184, %not3A : i1
        %and3A = arith.andi %or3A_183, %not3A_185 : i1
        %convert_element_type3A = arith.extui %and3A : i1 to i32
        %cond3A = arith.constant 0 : i32
        %cond3A_186 = arith.cmpi ne, %convert_element_type3A, %cond3A : i32
        scf.if %cond3A_186 {
          "tpu.trace_start"() <{level = 10 : i32, message = "ep_copy_in"}> : () -> ()
          %rem3A_340 = arith.constant 2 : i32
          %rem3A_341 = arith.remui %scan3A_144, %rem3A_340 : i32
          %mul3A_342 = arith.constant 128 : i32
          %mul3A_343 = arith.muli %mul3A_342, %add3A_173 : i32
          %dma_start3A_344 = arith.constant 0 : i32
          %dma_start3A_345 = arith.constant 0 : i32
          %dma_start3A_346 = tpu.memref_slice %run_scoped3A[%rem3A_341, %dma_start3A_344, %dma_start3A_345] : memref<2x1x128xi32, #tpu.memory_space<vmem>> -> memref<1x1x128xi32, #tpu.memory_space<vmem>>
          %dma_start3A_347 = tpu.memref_squeeze %dma_start3A_346 : memref<1x1x128xi32, #tpu.memory_space<vmem>> -> memref<1x128xi32, #tpu.memory_space<vmem>>
          %dma_start3A_348 = arith.constant 0 : i32
          %dma_start3A_349 = tpu.memref_slice %arg4[%dma_start3A_348, %mul3A_343] : memref<1x20480xi32, #tpu.memory_space<hbm>> -> memref<1x128xi32, #tpu.memory_space<hbm>>
          %dma_start3A_350 = tpu.memref_slice %run_scoped3A_7[%rem3A_341] : memref<2x!tpu.dma_semaphore, #tpu.memory_space<semaphore_mem>> -> memref<1x!tpu.dma_semaphore, #tpu.memory_space<semaphore_mem>>
          %dma_start3A_351 = tpu.memref_squeeze %dma_start3A_350 : memref<1x!tpu.dma_semaphore, #tpu.memory_space<semaphore_mem>> -> memref<!tpu.dma_semaphore, #tpu.memory_space<semaphore_mem>>
          %dma_start3A_352 = arith.constant 0 : i32
          %dma_start3A_353 = arith.constant 0 : i32
          %dma_start3A_354 = tpu.memref_slice %run_scoped3A[%rem3A_341, %dma_start3A_352, %dma_start3A_353] : memref<2x1x128xi32, #tpu.memory_space<vmem>> -> memref<1x1x128xi32, #tpu.memory_space<vmem>>
          %dma_start3A_355 = tpu.memref_squeeze %dma_start3A_354 : memref<1x1x128xi32, #tpu.memory_space<vmem>> -> memref<1x128xi32, #tpu.memory_space<vmem>>
          %dma_start3A_356 = arith.constant 0 : i32
          %dma_start3A_357 = tpu.memref_slice %arg4[%dma_start3A_356, %mul3A_343] : memref<1x20480xi32, #tpu.memory_space<hbm>> -> memref<1x128xi32, #tpu.memory_space<hbm>>
          tpu.enqueue_dma source(%dma_start3A_357 : memref<1x128xi32, #tpu.memory_space<hbm>>) target(%dma_start3A_355 : memref<1x128xi32, #tpu.memory_space<vmem>>) target_semaphore(%dma_start3A_351 : memref<!tpu.dma_semaphore, #tpu.memory_space<semaphore_mem>>)
          "tpu.trace_stop"() : () -> ()
        } else {
        }
        %and3A_187 = arith.constant true
        %and3A_188 = arith.andi %and3A, %and3A_187 : i1
        %add3A_189 = arith.constant 1 : i32
        %add3A_190 = arith.addi %scan3A_144, %add3A_189 : i32
        %select_n3A_191 = arith.select %and3A_188, %add3A_190, %scan3A_144 : i32
        %ne3A_192 = arith.cmpi ne, %add3A_155, %add3A_173 : i32
        %or3A_193 = arith.constant false
        %or3A_194 = arith.ori %or3A_193, %ne3A_192 : i1
        %or3A_195 = arith.constant false
        %or3A_196 = arith.ori %or3A_194, %or3A_195 : i1
        %ge3A_197 = arith.constant 4 : i32
        %ge3A_198 = arith.cmpi sge, %scan3A_143, %ge3A_197 : i32
        %not3A_199 = arith.constant true
        %not3A_200 = arith.xori %ge3A_198, %not3A_199 : i1
        %and3A_201 = arith.andi %or3A_196, %not3A_200 : i1
        %ne3A_202 = arith.cmpi ne, %add3A_155, %add3A_173 : i32
        %or3A_203 = arith.constant false
        %or3A_204 = arith.ori %or3A_203, %ne3A_202 : i1
        %or3A_205 = arith.constant false
        %or3A_206 = arith.ori %or3A_204, %or3A_205 : i1
        %ge3A_207 = arith.constant 4 : i32
        %ge3A_208 = arith.cmpi sge, %scan3A_143, %ge3A_207 : i32
        %not3A_209 = arith.constant true
        %not3A_210 = arith.xori %ge3A_208, %not3A_209 : i1
        %and3A_211 = arith.andi %or3A_206, %not3A_210 : i1
        %ne3A_212 = arith.cmpi ne, %add3A_155, %add3A_164 : i32
        %or3A_213 = arith.constant false
        %or3A_214 = arith.ori %or3A_213, %ne3A_212 : i1
        %or3A_215 = arith.ori %or3A_214, %eq3A_152 : i1
        %convert_element_type3A_216 = arith.extui %or3A_215 : i1 to i32
        %cond3A_217 = arith.constant 0 : i32
        %cond3A_218 = arith.cmpi ne, %convert_element_type3A_216, %cond3A_217 : i32
        scf.if %cond3A_218 {
          "tpu.trace_start"() <{level = 10 : i32, message = "ep_wait_in"}> : () -> ()
          %mul3A_340 = arith.constant 128 : i32
          %mul3A_341 = arith.muli %mul3A_340, %add3A_155 : i32
          %rem3A_342 = arith.constant 2 : i32
          %rem3A_343 = arith.remui %scan3A_145, %rem3A_342 : i32
          %dma_wait3A_344 = arith.constant 0 : i32
          %dma_wait3A_345 = arith.constant 0 : i32
          %dma_wait3A_346 = tpu.memref_slice %run_scoped3A[%rem3A_343, %dma_wait3A_344, %dma_wait3A_345] : memref<2x1x128xi32, #tpu.memory_space<vmem>> -> memref<1x1x128xi32, #tpu.memory_space<vmem>>
          %dma_wait3A_347 = tpu.memref_squeeze %dma_wait3A_346 : memref<1x1x128xi32, #tpu.memory_space<vmem>> -> memref<1x128xi32, #tpu.memory_space<vmem>>
          %dma_wait3A_348 = arith.constant 0 : i32
          %dma_wait3A_349 = tpu.memref_slice %arg4[%dma_wait3A_348, %mul3A_341] : memref<1x20480xi32, #tpu.memory_space<hbm>> -> memref<1x128xi32, #tpu.memory_space<hbm>>
          %dma_wait3A_350 = tpu.memref_slice %run_scoped3A_7[%rem3A_343] : memref<2x!tpu.dma_semaphore, #tpu.memory_space<semaphore_mem>> -> memref<1x!tpu.dma_semaphore, #tpu.memory_space<semaphore_mem>>
          %dma_wait3A_351 = tpu.memref_squeeze %dma_wait3A_350 : memref<1x!tpu.dma_semaphore, #tpu.memory_space<semaphore_mem>> -> memref<!tpu.dma_semaphore, #tpu.memory_space<semaphore_mem>>
          %dma_wait3A_352 = arith.constant 0 : i32
          %dma_wait3A_353 = arith.constant 0 : i32
          %dma_wait3A_354 = tpu.memref_slice %run_scoped3A[%rem3A_343, %dma_wait3A_352, %dma_wait3A_353] : memref<2x1x128xi32, #tpu.memory_space<vmem>> -> memref<1x1x128xi32, #tpu.memory_space<vmem>>
          %dma_wait3A_355 = tpu.memref_squeeze %dma_wait3A_354 : memref<1x1x128xi32, #tpu.memory_space<vmem>> -> memref<1x128xi32, #tpu.memory_space<vmem>>
          %dma_wait3A_356 = arith.constant 0 : i32
          %dma_wait3A_357 = tpu.memref_slice %arg4[%dma_wait3A_356, %mul3A_341] : memref<1x20480xi32, #tpu.memory_space<hbm>> -> memref<1x128xi32, #tpu.memory_space<hbm>>
          tpu.wait_dma2 semaphore(%dma_wait3A_351 : memref<!tpu.dma_semaphore, #tpu.memory_space<semaphore_mem>>) src(%dma_wait3A_357 : memref<1x128xi32, #tpu.memory_space<hbm>>) dst(%dma_wait3A_355 : memref<1x128xi32, #tpu.memory_space<vmem>>)
          "tpu.trace_stop"() : () -> ()
        } else {
        }
        %ne3A_219 = arith.cmpi ne, %add3A_155, %add3A_164 : i32
        %or3A_220 = arith.constant false
        %or3A_221 = arith.ori %or3A_220, %ne3A_219 : i1
        %or3A_222 = arith.constant false
        %or3A_223 = arith.ori %or3A_221, %or3A_222 : i1
        %or3A_224 = arith.ori %or3A_223, %eq3A_152 : i1
        %convert_element_type3A_225 = arith.extui %or3A_224 : i1 to i32
        %cond3A_226 = arith.constant 0 : i32
        %cond3A_227 = arith.cmpi ne, %convert_element_type3A_225, %cond3A_226 : i32
        scf.if %cond3A_227 {
        } else {
        }
        %ne3A_228 = arith.cmpi ne, %add3A_155, %add3A_164 : i32
        %or3A_229 = arith.constant false
        %or3A_230 = arith.ori %or3A_229, %ne3A_228 : i1
        %or3A_231 = arith.constant false
        %or3A_232 = arith.ori %or3A_230, %or3A_231 : i1
        %or3A_233 = arith.ori %or3A_232, %eq3A_152 : i1
        %convert_element_type3A_234 = arith.extui %or3A_233 : i1 to i32
        %cond3A_235 = arith.constant 0 : i32
        %cond3A_236 = arith.cmpi ne, %convert_element_type3A_234, %cond3A_235 : i32
        scf.if %cond3A_236 {
        } else {
        }
        %rem3A_237 = arith.constant 2 : i32
        %rem3A_238 = arith.remui %scan3A_145, %rem3A_237 : i32
        %rem3A_239 = arith.constant 2 : i32
        %rem3A_240 = arith.remui %scan3A_146, %rem3A_239 : i32
        %rem3A_241 = arith.constant 2 : i32
        %rem3A_242 = arith.remui %scan3A_148, %rem3A_241 : i32
        %run_scoped3A_243 = arith.constant 0 : i32
        "tpu.trace_start"() <{level = 10 : i32, message = "ep_run_kernel"}> : () -> ()
        "tpu.region"() ({
          %run_scoped3A_340 = tpu.sem_alloc : memref<!tpu.dma_semaphore, #tpu.memory_space<semaphore_mem>>
          %dma_start3A_341 = arith.constant 0 : i32
          %dma_start3A_342 = arith.constant 0 : i32
          %dma_start3A_343 = tpu.memref_slice %run_scoped3A_8[%rem3A_240, %dma_start3A_341, %dma_start3A_342] : memref<2x128x128xf32, #tpu.memory_space<vmem>> -> memref<1x128x128xf32, #tpu.memory_space<vmem>>
          %dma_start3A_344 = tpu.memref_squeeze %dma_start3A_343 : memref<1x128x128xf32, #tpu.memory_space<vmem>> -> memref<128x128xf32, #tpu.memory_space<vmem>>
          %dma_start3A_345 = arith.constant 0 : i32
          %dma_start3A_346 = arith.constant 0 : i32
          %dma_start3A_347 = tpu.memref_slice %run_scoped3A[%rem3A_238, %dma_start3A_345, %dma_start3A_346] : memref<2x1x128xi32, #tpu.memory_space<vmem>> -> memref<1x1x128xi32, #tpu.memory_space<vmem>>
          %dma_start3A_348 = tpu.memref_squeeze %dma_start3A_347 : memref<1x1x128xi32, #tpu.memory_space<vmem>> -> memref<1x128xi32, #tpu.memory_space<vmem>>
          %dma_start3A_349 = arith.constant 0 : i32
          %dma_start3A_350 = tpu.memref_slice %dma_start3A_348[%run_scoped3A_243, %dma_start3A_349] : memref<1x128xi32, #tpu.memory_space<vmem>> -> memref<1x128xi32, #tpu.memory_space<vmem>>
          %dma_start3A_351 = tpu.memref_squeeze %dma_start3A_350 : memref<1x128xi32, #tpu.memory_space<vmem>> -> memref<128xi32, #tpu.memory_space<vmem>>
          %dma_start3A_352 = arith.constant 0 : i32
          %dma_start3A_353 = arith.constant 0 : i32
          %dma_start3A_354 = tpu.memref_slice %arg2[%dma_start3A_352, %dma_start3A_353] : memref<100000x128xf32, #tpu.memory_space<hbm>> -> memref<100000x128xf32, #tpu.memory_space<hbm>>
          tpu.enqueue_indirect_dma source(%dma_start3A_354 : memref<100000x128xf32, #tpu.memory_space<hbm>>) target(%dma_start3A_344 : memref<128x128xf32, #tpu.memory_space<vmem>>) offsets(%dma_start3A_351 : memref<128xi32, #tpu.memory_space<vmem>>) semaphore(%run_scoped3A_340 : memref<!tpu.dma_semaphore, #tpu.memory_space<semaphore_mem>>)
          %dma_wait3A_355 = arith.constant 0 : i32
          %dma_wait3A_356 = arith.constant 0 : i32
          %dma_wait3A_357 = tpu.memref_slice %run_scoped3A_8[%rem3A_240, %dma_wait3A_355, %dma_wait3A_356] : memref<2x128x128xf32, #tpu.memory_space<vmem>> -> memref<1x128x128xf32, #tpu.memory_space<vmem>>
          %dma_wait3A_358 = tpu.memref_squeeze %dma_wait3A_357 : memref<1x128x128xf32, #tpu.memory_space<vmem>> -> memref<128x128xf32, #tpu.memory_space<vmem>>
          %dma_wait3A_359 = arith.constant 0 : i32
          %dma_wait3A_360 = arith.constant 0 : i32
          %dma_wait3A_361 = tpu.memref_slice %run_scoped3A[%rem3A_238, %dma_wait3A_359, %dma_wait3A_360] : memref<2x1x128xi32, #tpu.memory_space<vmem>> -> memref<1x1x128xi32, #tpu.memory_space<vmem>>
          %dma_wait3A_362 = tpu.memref_squeeze %dma_wait3A_361 : memref<1x1x128xi32, #tpu.memory_space<vmem>> -> memref<1x128xi32, #tpu.memory_space<vmem>>
          %dma_wait3A_363 = arith.constant 0 : i32
          %dma_wait3A_364 = tpu.memref_slice %dma_wait3A_362[%run_scoped3A_243, %dma_wait3A_363] : memref<1x128xi32, #tpu.memory_space<vmem>> -> memref<1x128xi32, #tpu.memory_space<vmem>>
          %dma_wait3A_365 = tpu.memref_squeeze %dma_wait3A_364 : memref<1x128xi32, #tpu.memory_space<vmem>> -> memref<128xi32, #tpu.memory_space<vmem>>
          %dma_wait3A_366 = arith.constant 0 : i32
          %dma_wait3A_367 = arith.constant 0 : i32
          %dma_wait3A_368 = tpu.memref_slice %arg2[%dma_wait3A_366, %dma_wait3A_367] : memref<100000x128xf32, #tpu.memory_space<hbm>> -> memref<100000x128xf32, #tpu.memory_space<hbm>>
          tpu.wait_indirect_dma semaphore(%run_scoped3A_340 : memref<!tpu.dma_semaphore, #tpu.memory_space<semaphore_mem>>) src(%dma_wait3A_368 : memref<100000x128xf32, #tpu.memory_space<hbm>>) dst(%dma_wait3A_358 : memref<128x128xf32, #tpu.memory_space<vmem>>)
          tpu.yield
        }) : () -> ()
        %run_scoped3A_244 = arith.constant 0 : i32
        "tpu.region"() ({
          %run_scoped3A_340 = tpu.sem_alloc : memref<!tpu.dma_semaphore, #tpu.memory_space<semaphore_mem>>
          %dma_start3A_341 = arith.constant 0 : i32
          %dma_start3A_342 = arith.constant 0 : i32
          %dma_start3A_343 = tpu.memref_slice %run_scoped3A_10[%rem3A_242, %dma_start3A_341, %dma_start3A_342] : memref<2x128x128xf32, #tpu.memory_space<vmem>> -> memref<1x128x128xf32, #tpu.memory_space<vmem>>
          %dma_start3A_344 = tpu.memref_squeeze %dma_start3A_343 : memref<1x128x128xf32, #tpu.memory_space<vmem>> -> memref<128x128xf32, #tpu.memory_space<vmem>>
          %dma_start3A_345 = arith.constant 0 : i32
          %dma_start3A_346 = arith.constant 0 : i32
          %dma_start3A_347 = tpu.memref_slice %run_scoped3A[%rem3A_238, %dma_start3A_345, %dma_start3A_346] : memref<2x1x128xi32, #tpu.memory_space<vmem>> -> memref<1x1x128xi32, #tpu.memory_space<vmem>>
          %dma_start3A_348 = tpu.memref_squeeze %dma_start3A_347 : memref<1x1x128xi32, #tpu.memory_space<vmem>> -> memref<1x128xi32, #tpu.memory_space<vmem>>
          %dma_start3A_349 = arith.constant 0 : i32
          %dma_start3A_350 = tpu.memref_slice %dma_start3A_348[%run_scoped3A_244, %dma_start3A_349] : memref<1x128xi32, #tpu.memory_space<vmem>> -> memref<1x128xi32, #tpu.memory_space<vmem>>
          %dma_start3A_351 = tpu.memref_squeeze %dma_start3A_350 : memref<1x128xi32, #tpu.memory_space<vmem>> -> memref<128xi32, #tpu.memory_space<vmem>>
          %dma_start3A_352 = arith.constant 0 : i32
          %dma_start3A_353 = arith.constant 0 : i32
          %dma_start3A_354 = tpu.memref_slice %arg3[%dma_start3A_352, %dma_start3A_353] : memref<100000x128xf32, #tpu.memory_space<hbm>> -> memref<100000x128xf32, #tpu.memory_space<hbm>>
          tpu.enqueue_indirect_dma source(%dma_start3A_354 : memref<100000x128xf32, #tpu.memory_space<hbm>>) target(%dma_start3A_344 : memref<128x128xf32, #tpu.memory_space<vmem>>) offsets(%dma_start3A_351 : memref<128xi32, #tpu.memory_space<vmem>>) semaphore(%run_scoped3A_340 : memref<!tpu.dma_semaphore, #tpu.memory_space<semaphore_mem>>)
          %dma_wait3A_355 = arith.constant 0 : i32
          %dma_wait3A_356 = arith.constant 0 : i32
          %dma_wait3A_357 = tpu.memref_slice %run_scoped3A_10[%rem3A_242, %dma_wait3A_355, %dma_wait3A_356] : memref<2x128x128xf32, #tpu.memory_space<vmem>> -> memref<1x128x128xf32, #tpu.memory_space<vmem>>
          %dma_wait3A_358 = tpu.memref_squeeze %dma_wait3A_357 : memref<1x128x128xf32, #tpu.memory_space<vmem>> -> memref<128x128xf32, #tpu.memory_space<vmem>>
          %dma_wait3A_359 = arith.constant 0 : i32
          %dma_wait3A_360 = arith.constant 0 : i32
          %dma_wait3A_361 = tpu.memref_slice %run_scoped3A[%rem3A_238, %dma_wait3A_359, %dma_wait3A_360] : memref<2x1x128xi32, #tpu.memory_space<vmem>> -> memref<1x1x128xi32, #tpu.memory_space<vmem>>
          %dma_wait3A_362 = tpu.memref_squeeze %dma_wait3A_361 : memref<1x1x128xi32, #tpu.memory_space<vmem>> -> memref<1x128xi32, #tpu.memory_space<vmem>>
          %dma_wait3A_363 = arith.constant 0 : i32
          %dma_wait3A_364 = tpu.memref_slice %dma_wait3A_362[%run_scoped3A_244, %dma_wait3A_363] : memref<1x128xi32, #tpu.memory_space<vmem>> -> memref<1x128xi32, #tpu.memory_space<vmem>>
          %dma_wait3A_365 = tpu.memref_squeeze %dma_wait3A_364 : memref<1x128xi32, #tpu.memory_space<vmem>> -> memref<128xi32, #tpu.memory_space<vmem>>
          %dma_wait3A_366 = arith.constant 0 : i32
          %dma_wait3A_367 = arith.constant 0 : i32
          %dma_wait3A_368 = tpu.memref_slice %arg3[%dma_wait3A_366, %dma_wait3A_367] : memref<100000x128xf32, #tpu.memory_space<hbm>> -> memref<100000x128xf32, #tpu.memory_space<hbm>>
          tpu.wait_indirect_dma semaphore(%run_scoped3A_340 : memref<!tpu.dma_semaphore, #tpu.memory_space<semaphore_mem>>) src(%dma_wait3A_368 : memref<100000x128xf32, #tpu.memory_space<hbm>>) dst(%dma_wait3A_358 : memref<128x128xf32, #tpu.memory_space<vmem>>)
          tpu.yield
        }) : () -> ()
        "tpu.trace_stop"() : () -> ()
        %ne3A_245 = arith.cmpi ne, %add3A_155, %add3A_173 : i32
        %or3A_246 = arith.constant false
        %or3A_247 = arith.ori %or3A_246, %ne3A_245 : i1
        %or3A_248 = arith.ori %or3A_247, %eq3A_154 : i1
        %convert_element_type3A_249 = arith.extui %or3A_248 : i1 to i32
        %cond3A_250 = arith.constant 0 : i32
        %cond3A_251 = arith.cmpi ne, %convert_element_type3A_249, %cond3A_250 : i32
        scf.if %cond3A_251 {
        } else {
        }
        %and3A_252 = arith.constant false
        %and3A_253 = arith.andi %or3A_248, %and3A_252 : i1
        %ne3A_254 = arith.cmpi ne, %add3A_155, %add3A_173 : i32
        %or3A_255 = arith.constant false
        %or3A_256 = arith.ori %or3A_255, %ne3A_254 : i1
        %or3A_257 = arith.constant false
        %or3A_258 = arith.ori %or3A_256, %or3A_257 : i1
        %or3A_259 = arith.ori %or3A_258, %eq3A_154 : i1
        %convert_element_type3A_260 = arith.extui %or3A_259 : i1 to i32
        %cond3A_261 = arith.constant 0 : i32
        %cond3A_262 = arith.cmpi ne, %convert_element_type3A_260, %cond3A_261 : i32
        scf.if %cond3A_262 {
          "tpu.trace_start"() <{level = 10 : i32, message = "ep_copy_out"}> : () -> ()
          %rem3A_340 = arith.constant 2 : i32
          %rem3A_341 = arith.remui %scan3A_146, %rem3A_340 : i32
          %mul3A_342 = arith.constant 128 : i32
          %mul3A_343 = arith.muli %mul3A_342, %add3A_155 : i32
          %dma_start3A_344 = arith.constant 0 : i32
          %dma_start3A_345 = arith.constant 0 : i32
          %dma_start3A_346 = tpu.memref_slice %run_scoped3A_8[%rem3A_341, %dma_start3A_344, %dma_start3A_345] : memref<2x128x128xf32, #tpu.memory_space<vmem>> -> memref<1x128x128xf32, #tpu.memory_space<vmem>>
          %dma_start3A_347 = tpu.memref_squeeze %dma_start3A_346 : memref<1x128x128xf32, #tpu.memory_space<vmem>> -> memref<128x128xf32, #tpu.memory_space<vmem>>
          %dma_start3A_348 = arith.constant 0 : i32
          %dma_start3A_349 = tpu.memref_slice %arg5[%mul3A_343, %dma_start3A_348] : memref<20480x128xf32, #tpu.memory_space<hbm>> -> memref<128x128xf32, #tpu.memory_space<hbm>>
          %dma_start3A_350 = tpu.memref_slice %run_scoped3A_9[%rem3A_341] : memref<2x!tpu.dma_semaphore, #tpu.memory_space<semaphore_mem>> -> memref<1x!tpu.dma_semaphore, #tpu.memory_space<semaphore_mem>>
          %dma_start3A_351 = tpu.memref_squeeze %dma_start3A_350 : memref<1x!tpu.dma_semaphore, #tpu.memory_space<semaphore_mem>> -> memref<!tpu.dma_semaphore, #tpu.memory_space<semaphore_mem>>
          %dma_start3A_352 = arith.constant 0 : i32
          %dma_start3A_353 = tpu.memref_slice %arg5[%mul3A_343, %dma_start3A_352] : memref<20480x128xf32, #tpu.memory_space<hbm>> -> memref<128x128xf32, #tpu.memory_space<hbm>>
          %dma_start3A_354 = arith.constant 0 : i32
          %dma_start3A_355 = arith.constant 0 : i32
          %dma_start3A_356 = tpu.memref_slice %run_scoped3A_8[%rem3A_341, %dma_start3A_354, %dma_start3A_355] : memref<2x128x128xf32, #tpu.memory_space<vmem>> -> memref<1x128x128xf32, #tpu.memory_space<vmem>>
          %dma_start3A_357 = tpu.memref_squeeze %dma_start3A_356 : memref<1x128x128xf32, #tpu.memory_space<vmem>> -> memref<128x128xf32, #tpu.memory_space<vmem>>
          tpu.enqueue_dma source(%dma_start3A_357 : memref<128x128xf32, #tpu.memory_space<vmem>>) target(%dma_start3A_353 : memref<128x128xf32, #tpu.memory_space<hbm>>) target_semaphore(%dma_start3A_351 : memref<!tpu.dma_semaphore, #tpu.memory_space<semaphore_mem>>)
          "tpu.trace_stop"() : () -> ()
        } else {
        }
        %and3A_263 = arith.constant true
        %and3A_264 = arith.andi %or3A_259, %and3A_263 : i1
        %add3A_265 = arith.constant 1 : i32
        %add3A_266 = arith.addi %scan3A_146, %add3A_265 : i32
        %select_n3A_267 = arith.select %and3A_264, %add3A_266, %scan3A_146 : i32
        %ne3A_268 = arith.cmpi ne, %add3A_155, %add3A_173 : i32
        %or3A_269 = arith.constant false
        %or3A_270 = arith.ori %or3A_269, %ne3A_268 : i1
        %or3A_271 = arith.constant false
        %or3A_272 = arith.ori %or3A_270, %or3A_271 : i1
        %or3A_273 = arith.ori %or3A_272, %eq3A_154 : i1
        %convert_element_type3A_274 = arith.extui %or3A_273 : i1 to i32
        %cond3A_275 = arith.constant 0 : i32
        %cond3A_276 = arith.cmpi ne, %convert_element_type3A_274, %cond3A_275 : i32
        scf.if %cond3A_276 {
          "tpu.trace_start"() <{level = 10 : i32, message = "ep_copy_out"}> : () -> ()
          %rem3A_340 = arith.constant 2 : i32
          %rem3A_341 = arith.remui %scan3A_148, %rem3A_340 : i32
          %mul3A_342 = arith.constant 128 : i32
          %mul3A_343 = arith.muli %mul3A_342, %add3A_155 : i32
          %dma_start3A_344 = arith.constant 0 : i32
          %dma_start3A_345 = arith.constant 0 : i32
          %dma_start3A_346 = tpu.memref_slice %run_scoped3A_10[%rem3A_341, %dma_start3A_344, %dma_start3A_345] : memref<2x128x128xf32, #tpu.memory_space<vmem>> -> memref<1x128x128xf32, #tpu.memory_space<vmem>>
          %dma_start3A_347 = tpu.memref_squeeze %dma_start3A_346 : memref<1x128x128xf32, #tpu.memory_space<vmem>> -> memref<128x128xf32, #tpu.memory_space<vmem>>
          %dma_start3A_348 = arith.constant 0 : i32
          %dma_start3A_349 = tpu.memref_slice %arg6[%mul3A_343, %dma_start3A_348] : memref<20480x128xf32, #tpu.memory_space<hbm>> -> memref<128x128xf32, #tpu.memory_space<hbm>>
          %dma_start3A_350 = tpu.memref_slice %run_scoped3A_11[%rem3A_341] : memref<2x!tpu.dma_semaphore, #tpu.memory_space<semaphore_mem>> -> memref<1x!tpu.dma_semaphore, #tpu.memory_space<semaphore_mem>>
          %dma_start3A_351 = tpu.memref_squeeze %dma_start3A_350 : memref<1x!tpu.dma_semaphore, #tpu.memory_space<semaphore_mem>> -> memref<!tpu.dma_semaphore, #tpu.memory_space<semaphore_mem>>
          %dma_start3A_352 = arith.constant 0 : i32
          %dma_start3A_353 = tpu.memref_slice %arg6[%mul3A_343, %dma_start3A_352] : memref<20480x128xf32, #tpu.memory_space<hbm>> -> memref<128x128xf32, #tpu.memory_space<hbm>>
          %dma_start3A_354 = arith.constant 0 : i32
          %dma_start3A_355 = arith.constant 0 : i32
          %dma_start3A_356 = tpu.memref_slice %run_scoped3A_10[%rem3A_341, %dma_start3A_354, %dma_start3A_355] : memref<2x128x128xf32, #tpu.memory_space<vmem>> -> memref<1x128x128xf32, #tpu.memory_space<vmem>>
          %dma_start3A_357 = tpu.memref_squeeze %dma_start3A_356 : memref<1x128x128xf32, #tpu.memory_space<vmem>> -> memref<128x128xf32, #tpu.memory_space<vmem>>
          tpu.enqueue_dma source(%dma_start3A_357 : memref<128x128xf32, #tpu.memory_space<vmem>>) target(%dma_start3A_353 : memref<128x128xf32, #tpu.memory_space<hbm>>) target_semaphore(%dma_start3A_351 : memref<!tpu.dma_semaphore, #tpu.memory_space<semaphore_mem>>)
          "tpu.trace_stop"() : () -> ()
        } else {
        }
        %and3A_277 = arith.constant true
        %and3A_278 = arith.andi %or3A_273, %and3A_277 : i1
        %add3A_279 = arith.constant 1 : i32
        %add3A_280 = arith.addi %scan3A_148, %add3A_279 : i32
        %select_n3A_281 = arith.select %and3A_278, %add3A_280, %scan3A_148 : i32
        %ne3A_282 = arith.cmpi ne, %add3A_155, %add3A_164 : i32
        %or3A_283 = arith.constant false
        %or3A_284 = arith.ori %or3A_283, %ne3A_282 : i1
        %not3A_285 = arith.constant true
        %not3A_286 = arith.xori %eq3A_152, %not3A_285 : i1
        %and3A_287 = arith.andi %or3A_284, %not3A_286 : i1
        %convert_element_type3A_288 = arith.extui %and3A_287 : i1 to i32
        %cond3A_289 = arith.constant 0 : i32
        %cond3A_290 = arith.cmpi ne, %convert_element_type3A_288, %cond3A_289 : i32
        scf.if %cond3A_290 {
        } else {
        }
        %and3A_291 = arith.constant false
        %and3A_292 = arith.andi %and3A_287, %and3A_291 : i1
        %ne3A_293 = arith.cmpi ne, %add3A_155, %add3A_164 : i32
        %or3A_294 = arith.constant false
        %or3A_295 = arith.ori %or3A_294, %ne3A_293 : i1
        %or3A_296 = arith.constant false
        %or3A_297 = arith.ori %or3A_295, %or3A_296 : i1
        %not3A_298 = arith.constant true
        %not3A_299 = arith.xori %eq3A_152, %not3A_298 : i1
        %and3A_300 = arith.andi %or3A_297, %not3A_299 : i1
        %convert_element_type3A_301 = arith.extui %and3A_300 : i1 to i32
        %cond3A_302 = arith.constant 0 : i32
        %cond3A_303 = arith.cmpi ne, %convert_element_type3A_301, %cond3A_302 : i32
        scf.if %cond3A_303 {
          "tpu.trace_start"() <{level = 10 : i32, message = "ep_wait_out"}> : () -> ()
          %rem3A_340 = arith.constant 2 : i32
          %rem3A_341 = arith.remui %scan3A_147, %rem3A_340 : i32
          %mul3A_342 = arith.constant 128 : i32
          %mul3A_343 = arith.muli %mul3A_342, %add3A_164 : i32
          %dma_wait3A_344 = arith.constant 0 : i32
          %dma_wait3A_345 = arith.constant 0 : i32
          %dma_wait3A_346 = tpu.memref_slice %run_scoped3A_8[%rem3A_341, %dma_wait3A_344, %dma_wait3A_345] : memref<2x128x128xf32, #tpu.memory_space<vmem>> -> memref<1x128x128xf32, #tpu.memory_space<vmem>>
          %dma_wait3A_347 = tpu.memref_squeeze %dma_wait3A_346 : memref<1x128x128xf32, #tpu.memory_space<vmem>> -> memref<128x128xf32, #tpu.memory_space<vmem>>
          %dma_wait3A_348 = arith.constant 0 : i32
          %dma_wait3A_349 = tpu.memref_slice %arg5[%mul3A_343, %dma_wait3A_348] : memref<20480x128xf32, #tpu.memory_space<hbm>> -> memref<128x128xf32, #tpu.memory_space<hbm>>
          %dma_wait3A_350 = tpu.memref_slice %run_scoped3A_9[%rem3A_341] : memref<2x!tpu.dma_semaphore, #tpu.memory_space<semaphore_mem>> -> memref<1x!tpu.dma_semaphore, #tpu.memory_space<semaphore_mem>>
          %dma_wait3A_351 = tpu.memref_squeeze %dma_wait3A_350 : memref<1x!tpu.dma_semaphore, #tpu.memory_space<semaphore_mem>> -> memref<!tpu.dma_semaphore, #tpu.memory_space<semaphore_mem>>
          %dma_wait3A_352 = arith.constant 0 : i32
          %dma_wait3A_353 = tpu.memref_slice %arg5[%mul3A_343, %dma_wait3A_352] : memref<20480x128xf32, #tpu.memory_space<hbm>> -> memref<128x128xf32, #tpu.memory_space<hbm>>
          %dma_wait3A_354 = arith.constant 0 : i32
          %dma_wait3A_355 = arith.constant 0 : i32
          %dma_wait3A_356 = tpu.memref_slice %run_scoped3A_8[%rem3A_341, %dma_wait3A_354, %dma_wait3A_355] : memref<2x128x128xf32, #tpu.memory_space<vmem>> -> memref<1x128x128xf32, #tpu.memory_space<vmem>>
          %dma_wait3A_357 = tpu.memref_squeeze %dma_wait3A_356 : memref<1x128x128xf32, #tpu.memory_space<vmem>> -> memref<128x128xf32, #tpu.memory_space<vmem>>
          tpu.wait_dma2 semaphore(%dma_wait3A_351 : memref<!tpu.dma_semaphore, #tpu.memory_space<semaphore_mem>>) src(%dma_wait3A_357 : memref<128x128xf32, #tpu.memory_space<vmem>>) dst(%dma_wait3A_353 : memref<128x128xf32, #tpu.memory_space<hbm>>)
          "tpu.trace_stop"() : () -> ()
        } else {
        }
        %and3A_304 = arith.constant true
        %and3A_305 = arith.andi %and3A_300, %and3A_304 : i1
        %add3A_306 = arith.constant 1 : i32
        %add3A_307 = arith.addi %scan3A_147, %add3A_306 : i32
        %select_n3A_308 = arith.select %and3A_305, %add3A_307, %scan3A_147 : i32
        %ne3A_309 = arith.cmpi ne, %add3A_155, %add3A_164 : i32
        %or3A_310 = arith.constant false
        %or3A_311 = arith.ori %or3A_310, %ne3A_309 : i1
        %or3A_312 = arith.constant false
        %or3A_313 = arith.ori %or3A_311, %or3A_312 : i1
        %not3A_314 = arith.constant true
        %not3A_315 = arith.xori %eq3A_152, %not3A_314 : i1
        %and3A_316 = arith.andi %or3A_313, %not3A_315 : i1
        %convert_element_type3A_317 = arith.extui %and3A_316 : i1 to i32
        %cond3A_318 = arith.constant 0 : i32
        %cond3A_319 = arith.cmpi ne, %convert_element_type3A_317, %cond3A_318 : i32
        scf.if %cond3A_319 {
          "tpu.trace_start"() <{level = 10 : i32, message = "ep_wait_out"}> : () -> ()
          %rem3A_340 = arith.constant 2 : i32
          %rem3A_341 = arith.remui %scan3A_149, %rem3A_340 : i32
          %mul3A_342 = arith.constant 128 : i32
          %mul3A_343 = arith.muli %mul3A_342, %add3A_164 : i32
          %dma_wait3A_344 = arith.constant 0 : i32
          %dma_wait3A_345 = arith.constant 0 : i32
          %dma_wait3A_346 = tpu.memref_slice %run_scoped3A_10[%rem3A_341, %dma_wait3A_344, %dma_wait3A_345] : memref<2x128x128xf32, #tpu.memory_space<vmem>> -> memref<1x128x128xf32, #tpu.memory_space<vmem>>
          %dma_wait3A_347 = tpu.memref_squeeze %dma_wait3A_346 : memref<1x128x128xf32, #tpu.memory_space<vmem>> -> memref<128x128xf32, #tpu.memory_space<vmem>>
          %dma_wait3A_348 = arith.constant 0 : i32
          %dma_wait3A_349 = tpu.memref_slice %arg6[%mul3A_343, %dma_wait3A_348] : memref<20480x128xf32, #tpu.memory_space<hbm>> -> memref<128x128xf32, #tpu.memory_space<hbm>>
          %dma_wait3A_350 = tpu.memref_slice %run_scoped3A_11[%rem3A_341] : memref<2x!tpu.dma_semaphore, #tpu.memory_space<semaphore_mem>> -> memref<1x!tpu.dma_semaphore, #tpu.memory_space<semaphore_mem>>
          %dma_wait3A_351 = tpu.memref_squeeze %dma_wait3A_350 : memref<1x!tpu.dma_semaphore, #tpu.memory_space<semaphore_mem>> -> memref<!tpu.dma_semaphore, #tpu.memory_space<semaphore_mem>>
          %dma_wait3A_352 = arith.constant 0 : i32
          %dma_wait3A_353 = tpu.memref_slice %arg6[%mul3A_343, %dma_wait3A_352] : memref<20480x128xf32, #tpu.memory_space<hbm>> -> memref<128x128xf32, #tpu.memory_space<hbm>>
          %dma_wait3A_354 = arith.constant 0 : i32
          %dma_wait3A_355 = arith.constant 0 : i32
          %dma_wait3A_356 = tpu.memref_slice %run_scoped3A_10[%rem3A_341, %dma_wait3A_354, %dma_wait3A_355] : memref<2x128x128xf32, #tpu.memory_space<vmem>> -> memref<1x128x128xf32, #tpu.memory_space<vmem>>
          %dma_wait3A_357 = tpu.memref_squeeze %dma_wait3A_356 : memref<1x128x128xf32, #tpu.memory_space<vmem>> -> memref<128x128xf32, #tpu.memory_space<vmem>>
          tpu.wait_dma2 semaphore(%dma_wait3A_351 : memref<!tpu.dma_semaphore, #tpu.memory_space<semaphore_mem>>) src(%dma_wait3A_357 : memref<128x128xf32, #tpu.memory_space<vmem>>) dst(%dma_wait3A_353 : memref<128x128xf32, #tpu.memory_space<hbm>>)
          "tpu.trace_stop"() : () -> ()
        } else {
        }
        %and3A_320 = arith.constant true
        %and3A_321 = arith.andi %and3A_316, %and3A_320 : i1
        %add3A_322 = arith.constant 1 : i32
        %add3A_323 = arith.addi %scan3A_149, %add3A_322 : i32
        %select_n3A_324 = arith.select %and3A_321, %add3A_323, %scan3A_149 : i32
        %ne3A_325 = arith.cmpi ne, %add3A_155, %add3A_173 : i32
        %or3A_326 = arith.constant false
        %or3A_327 = arith.ori %or3A_326, %ne3A_325 : i1
        %or3A_328 = arith.ori %or3A_327, %eq3A_154 : i1
        %add3A_329 = arith.constant 1 : i32
        %add3A_330 = arith.addi %scan3A_145, %add3A_329 : i32
        %select_n3A_331 = arith.select %or3A_328, %add3A_330, %scan3A_145 : i32
        %add3A_332 = arith.constant 1 : i32
        %add3A_333 = arith.addi %scan3A_150, %add3A_332 : i32
        %select_n3A_334 = arith.constant true
        %select_n3A_335 = arith.select %select_n3A_334, %add3A_333, %scan3A_150 : i32
        %eq3A_336 = arith.constant 5 : i32
        %eq3A_337 = arith.cmpi eq, %select_n3A_335, %eq3A_336 : i32
        %select_n3A_338 = arith.constant 0 : i32
        %select_n3A_339 = arith.select %eq3A_337, %select_n3A_338, %select_n3A_335 : i32
        scf.yield %select_n3A_191, %select_n3A_331, %select_n3A_267, %select_n3A_308, %select_n3A_281, %select_n3A_324, %select_n3A_339 : i32, i32, i32, i32, i32, i32, i32
      }
      %scan3A_72 = arith.constant 5 : i32
      %sub3A = arith.constant 1 : i32
      %sub3A_73 = arith.subi %scan3A_71#6, %sub3A : i32
      %select_n3A_74 = arith.constant true
      %select_n3A_75 = arith.select %select_n3A_74, %sub3A_73, %scan3A_71#6 : i32
      %eq3A_76 = arith.constant -1 : i32
      %eq3A_77 = arith.cmpi eq, %select_n3A_75, %eq3A_76 : i32
      %select_n3A_78 = arith.constant 4 : i32
      %select_n3A_79 = arith.select %eq3A_77, %select_n3A_78, %select_n3A_75 : i32
      %add3A_80 = arith.addi %select_n3A_79, %mul3A_6 : i32
      %sub3A_81 = arith.constant 1 : i32
      %sub3A_82 = arith.subi %select_n3A_79, %sub3A_81 : i32
      %select_n3A_83 = arith.constant true
      %select_n3A_84 = arith.select %select_n3A_83, %sub3A_82, %select_n3A_79 : i32
      %eq3A_85 = arith.constant -1 : i32
      %eq3A_86 = arith.cmpi eq, %select_n3A_84, %eq3A_85 : i32
      %select_n3A_87 = arith.constant 4 : i32
      %select_n3A_88 = arith.select %eq3A_86, %select_n3A_87, %select_n3A_84 : i32
      %add3A_89 = arith.addi %select_n3A_88, %mul3A_6 : i32
      %add3A_90 = arith.constant 1 : i32
      %add3A_91 = arith.addi %select_n3A_79, %add3A_90 : i32
      %select_n3A_92 = arith.constant true
      %select_n3A_93 = arith.select %select_n3A_92, %add3A_91, %select_n3A_79 : i32
      %eq3A_94 = arith.constant 5 : i32
      %eq3A_95 = arith.cmpi eq, %select_n3A_93, %eq3A_94 : i32
      %select_n3A_96 = arith.constant 0 : i32
      %select_n3A_97 = arith.select %eq3A_95, %select_n3A_96, %select_n3A_93 : i32
      %add3A_98 = arith.addi %select_n3A_97, %mul3A_6 : i32
      %add3A_99 = arith.constant 1 : i32
      %add3A_100 = arith.addi %select_n3A_97, %add3A_99 : i32
      %select_n3A_101 = arith.constant true
      %select_n3A_102 = arith.select %select_n3A_101, %add3A_100, %select_n3A_97 : i32
      %eq3A_103 = arith.constant 5 : i32
      %eq3A_104 = arith.cmpi eq, %select_n3A_102, %eq3A_103 : i32
      %select_n3A_105 = arith.constant 0 : i32
      %select_n3A_106 = arith.select %eq3A_104, %select_n3A_105, %select_n3A_102 : i32
      %add3A_107 = arith.addi %select_n3A_106, %mul3A_6 : i32
      "tpu.trace_start"() <{level = 10 : i32, message = "ep_finalize"}> : () -> ()
      %rem3A_108 = arith.constant 2 : i32
      %rem3A_109 = arith.remui %scan3A_71#3, %rem3A_108 : i32
      %mul3A_110 = arith.constant 128 : i32
      %mul3A_111 = arith.muli %mul3A_110, %add3A_80 : i32
      %dma_wait3A = arith.constant 0 : i32
      %dma_wait3A_112 = arith.constant 0 : i32
      %dma_wait3A_113 = tpu.memref_slice %run_scoped3A_8[%rem3A_109, %dma_wait3A, %dma_wait3A_112] : memref<2x128x128xf32, #tpu.memory_space<vmem>> -> memref<1x128x128xf32, #tpu.memory_space<vmem>>
      %dma_wait3A_114 = tpu.memref_squeeze %dma_wait3A_113 : memref<1x128x128xf32, #tpu.memory_space<vmem>> -> memref<128x128xf32, #tpu.memory_space<vmem>>
      %dma_wait3A_115 = arith.constant 0 : i32
      %dma_wait3A_116 = tpu.memref_slice %arg5[%mul3A_111, %dma_wait3A_115] : memref<20480x128xf32, #tpu.memory_space<hbm>> -> memref<128x128xf32, #tpu.memory_space<hbm>>
      %dma_wait3A_117 = tpu.memref_slice %run_scoped3A_9[%rem3A_109] : memref<2x!tpu.dma_semaphore, #tpu.memory_space<semaphore_mem>> -> memref<1x!tpu.dma_semaphore, #tpu.memory_space<semaphore_mem>>
      %dma_wait3A_118 = tpu.memref_squeeze %dma_wait3A_117 : memref<1x!tpu.dma_semaphore, #tpu.memory_space<semaphore_mem>> -> memref<!tpu.dma_semaphore, #tpu.memory_space<semaphore_mem>>
      %dma_wait3A_119 = arith.constant 0 : i32
      %dma_wait3A_120 = tpu.memref_slice %arg5[%mul3A_111, %dma_wait3A_119] : memref<20480x128xf32, #tpu.memory_space<hbm>> -> memref<128x128xf32, #tpu.memory_space<hbm>>
      %dma_wait3A_121 = arith.constant 0 : i32
      %dma_wait3A_122 = arith.constant 0 : i32
      %dma_wait3A_123 = tpu.memref_slice %run_scoped3A_8[%rem3A_109, %dma_wait3A_121, %dma_wait3A_122] : memref<2x128x128xf32, #tpu.memory_space<vmem>> -> memref<1x128x128xf32, #tpu.memory_space<vmem>>
      %dma_wait3A_124 = tpu.memref_squeeze %dma_wait3A_123 : memref<1x128x128xf32, #tpu.memory_space<vmem>> -> memref<128x128xf32, #tpu.memory_space<vmem>>
      tpu.wait_dma2 semaphore(%dma_wait3A_118 : memref<!tpu.dma_semaphore, #tpu.memory_space<semaphore_mem>>) src(%dma_wait3A_124 : memref<128x128xf32, #tpu.memory_space<vmem>>) dst(%dma_wait3A_120 : memref<128x128xf32, #tpu.memory_space<hbm>>)
      %rem3A_125 = arith.constant 2 : i32
      %rem3A_126 = arith.remui %scan3A_71#5, %rem3A_125 : i32
      %mul3A_127 = arith.constant 128 : i32
      %mul3A_128 = arith.muli %mul3A_127, %add3A_80 : i32
      %dma_wait3A_129 = arith.constant 0 : i32
      %dma_wait3A_130 = arith.constant 0 : i32
      %dma_wait3A_131 = tpu.memref_slice %run_scoped3A_10[%rem3A_126, %dma_wait3A_129, %dma_wait3A_130] : memref<2x128x128xf32, #tpu.memory_space<vmem>> -> memref<1x128x128xf32, #tpu.memory_space<vmem>>
      %dma_wait3A_132 = tpu.memref_squeeze %dma_wait3A_131 : memref<1x128x128xf32, #tpu.memory_space<vmem>> -> memref<128x128xf32, #tpu.memory_space<vmem>>
      %dma_wait3A_133 = arith.constant 0 : i32
      %dma_wait3A_134 = tpu.memref_slice %arg6[%mul3A_128, %dma_wait3A_133] : memref<20480x128xf32, #tpu.memory_space<hbm>> -> memref<128x128xf32, #tpu.memory_space<hbm>>
      %dma_wait3A_135 = tpu.memref_slice %run_scoped3A_11[%rem3A_126] : memref<2x!tpu.dma_semaphore, #tpu.memory_space<semaphore_mem>> -> memref<1x!tpu.dma_semaphore, #tpu.memory_space<semaphore_mem>>
      %dma_wait3A_136 = tpu.memref_squeeze %dma_wait3A_135 : memref<1x!tpu.dma_semaphore, #tpu.memory_space<semaphore_mem>> -> memref<!tpu.dma_semaphore, #tpu.memory_space<semaphore_mem>>
      %dma_wait3A_137 = arith.constant 0 : i32
      %dma_wait3A_138 = tpu.memref_slice %arg6[%mul3A_128, %dma_wait3A_137] : memref<20480x128xf32, #tpu.memory_space<hbm>> -> memref<128x128xf32, #tpu.memory_space<hbm>>
      %dma_wait3A_139 = arith.constant 0 : i32
      %dma_wait3A_140 = arith.constant 0 : i32
      %dma_wait3A_141 = tpu.memref_slice %run_scoped3A_10[%rem3A_126, %dma_wait3A_139, %dma_wait3A_140] : memref<2x128x128xf32, #tpu.memory_space<vmem>> -> memref<1x128x128xf32, #tpu.memory_space<vmem>>
      %dma_wait3A_142 = tpu.memref_squeeze %dma_wait3A_141 : memref<1x128x128xf32, #tpu.memory_space<vmem>> -> memref<128x128xf32, #tpu.memory_space<vmem>>
      tpu.wait_dma2 semaphore(%dma_wait3A_136 : memref<!tpu.dma_semaphore, #tpu.memory_space<semaphore_mem>>) src(%dma_wait3A_142 : memref<128x128xf32, #tpu.memory_space<vmem>>) dst(%dma_wait3A_138 : memref<128x128xf32, #tpu.memory_space<hbm>>)
      "tpu.trace_stop"() : () -> ()
      tpu.yield
    }) : () -> ()
    return
  }
}

#map = affine_map<(d0, d1) -> (0, 0)>
module attributes {stable_mosaic.version = 14 : i64} {
  func.func @kern(%arg0: i32, %arg1: i32, %arg2: memref<20480x128xf32, #tpu.memory_space<hbm>>, %arg3: memref<200000x128xf32, #tpu.memory_space<hbm>>, %arg4: memref<1x200704xi32, #tpu.memory_space<hbm>>, %arg5: memref<1x200704xi32, #tpu.memory_space<hbm>>, %arg6: memref<200704x128xf32, #tpu.memory_space<hbm>>, %arg7: memref<200704x128xf32, #tpu.memory_space<hbm>>) attributes {dimension_semantics = [#tpu.dimension_semantics<core_parallel>, #tpu.dimension_semantics<subcore_parallel>], iteration_bounds = array<i64: 2, 16>, scalar_prefetch = 0 : i64, scratch_operands = 0 : i64, tpu.core_type = #tpu.core_type<sc_vector_subcore>, window_params = [{transform_indices = #map}, {transform_indices = #map}, {transform_indices = #map}, {transform_indices = #map}, {transform_indices = #map}, {transform_indices = #map}]} {
    %mul3A = arith.constant 1 : i32
    %mul3A_0 = arith.muli %arg1, %mul3A : i32
    %add3A = arith.constant 0 : i32
    %add3A_1 = arith.addi %add3A, %mul3A_0 : i32
    %mul3A_2 = arith.constant 16 : i32
    %mul3A_3 = arith.muli %arg0, %mul3A_2 : i32
    %add3A_4 = arith.addi %add3A_1, %mul3A_3 : i32
    %mul3A_5 = arith.constant 49 : i32
    %mul3A_6 = arith.muli %add3A_4, %mul3A_5 : i32
    "tpu.region"() ({
      %run_scoped3A = memref.alloca() : memref<2x1x128xi32, #tpu.memory_space<vmem>>
      %run_scoped3A_7 = tpu.sem_alloc : memref<2x!tpu.dma_semaphore, #tpu.memory_space<semaphore_mem>>
      %run_scoped3A_8 = memref.alloca() : memref<2x1x128xi32, #tpu.memory_space<vmem>>
      %run_scoped3A_9 = tpu.sem_alloc : memref<2x!tpu.dma_semaphore, #tpu.memory_space<semaphore_mem>>
      %run_scoped3A_10 = memref.alloca() : memref<2x128x128xf32, #tpu.memory_space<vmem>>
      %run_scoped3A_11 = tpu.sem_alloc : memref<2x!tpu.dma_semaphore, #tpu.memory_space<semaphore_mem>>
      %run_scoped3A_12 = memref.alloca() : memref<2x128x128xf32, #tpu.memory_space<vmem>>
      %run_scoped3A_13 = tpu.sem_alloc : memref<2x!tpu.dma_semaphore, #tpu.memory_space<semaphore_mem>>
      %add3A_14 = arith.constant 0 : i32
      %add3A_15 = arith.addi %add3A_14, %mul3A_6 : i32
      %select_n3A = arith.constant true
      %select_n3A_16 = arith.constant 0 : i32
      %select_n3A_17 = arith.constant -1 : i32
      %select_n3A_18 = arith.select %select_n3A, %select_n3A_17, %select_n3A_16 : i32
      %eq3A = arith.constant -1 : i32
      %eq3A_19 = arith.cmpi eq, %select_n3A_18, %eq3A : i32
      %select_n3A_20 = arith.constant 48 : i32
      %select_n3A_21 = arith.select %eq3A_19, %select_n3A_20, %select_n3A_18 : i32
      %add3A_22 = arith.addi %select_n3A_21, %mul3A_6 : i32
      %select_n3A_23 = arith.constant true
      %select_n3A_24 = arith.constant 0 : i32
      %select_n3A_25 = arith.constant 1 : i32
      %select_n3A_26 = arith.select %select_n3A_23, %select_n3A_25, %select_n3A_24 : i32
      %eq3A_27 = arith.constant 49 : i32
      %eq3A_28 = arith.cmpi eq, %select_n3A_26, %eq3A_27 : i32
      %select_n3A_29 = arith.constant 0 : i32
      %select_n3A_30 = arith.select %eq3A_28, %select_n3A_29, %select_n3A_26 : i32
      %add3A_31 = arith.addi %select_n3A_30, %mul3A_6 : i32
      %add3A_32 = arith.constant 1 : i32
      %add3A_33 = arith.addi %select_n3A_30, %add3A_32 : i32
      %select_n3A_34 = arith.constant true
      %select_n3A_35 = arith.select %select_n3A_34, %add3A_33, %select_n3A_30 : i32
      %eq3A_36 = arith.constant 49 : i32
      %eq3A_37 = arith.cmpi eq, %select_n3A_35, %eq3A_36 : i32
      %select_n3A_38 = arith.constant 0 : i32
      %select_n3A_39 = arith.select %eq3A_37, %select_n3A_38, %select_n3A_35 : i32
      %add3A_40 = arith.addi %select_n3A_39, %mul3A_6 : i32
      "tpu.trace_start"() <{level = 10 : i32, message = "ep_initialize_0"}> : () -> ()
      %rem3A = arith.constant 0 : i32
      %rem3A_41 = arith.constant 2 : i32
      %rem3A_42 = arith.remui %rem3A, %rem3A_41 : i32
      %mul3A_43 = arith.constant 128 : i32
      %mul3A_44 = arith.muli %mul3A_43, %add3A_15 : i32
      %dma_start3A = arith.constant 0 : i32
      %dma_start3A_45 = arith.constant 0 : i32
      %dma_start3A_46 = tpu.memref_slice %run_scoped3A[%rem3A_42, %dma_start3A, %dma_start3A_45] : memref<2x1x128xi32, #tpu.memory_space<vmem>> -> memref<1x1x128xi32, #tpu.memory_space<vmem>>
      %dma_start3A_47 = tpu.memref_squeeze %dma_start3A_46 : memref<1x1x128xi32, #tpu.memory_space<vmem>> -> memref<1x128xi32, #tpu.memory_space<vmem>>
      %dma_start3A_48 = arith.constant 0 : i32
      %dma_start3A_49 = tpu.memref_slice %arg4[%dma_start3A_48, %mul3A_44] : memref<1x200704xi32, #tpu.memory_space<hbm>> -> memref<1x128xi32, #tpu.memory_space<hbm>>
      %dma_start3A_50 = tpu.memref_slice %run_scoped3A_7[%rem3A_42] : memref<2x!tpu.dma_semaphore, #tpu.memory_space<semaphore_mem>> -> memref<1x!tpu.dma_semaphore, #tpu.memory_space<semaphore_mem>>
      %dma_start3A_51 = tpu.memref_squeeze %dma_start3A_50 : memref<1x!tpu.dma_semaphore, #tpu.memory_space<semaphore_mem>> -> memref<!tpu.dma_semaphore, #tpu.memory_space<semaphore_mem>>
      %dma_start3A_52 = arith.constant 0 : i32
      %dma_start3A_53 = arith.constant 0 : i32
      %dma_start3A_54 = tpu.memref_slice %run_scoped3A[%rem3A_42, %dma_start3A_52, %dma_start3A_53] : memref<2x1x128xi32, #tpu.memory_space<vmem>> -> memref<1x1x128xi32, #tpu.memory_space<vmem>>
      %dma_start3A_55 = tpu.memref_squeeze %dma_start3A_54 : memref<1x1x128xi32, #tpu.memory_space<vmem>> -> memref<1x128xi32, #tpu.memory_space<vmem>>
      %dma_start3A_56 = arith.constant 0 : i32
      %dma_start3A_57 = tpu.memref_slice %arg4[%dma_start3A_56, %mul3A_44] : memref<1x200704xi32, #tpu.memory_space<hbm>> -> memref<1x128xi32, #tpu.memory_space<hbm>>
      tpu.enqueue_dma source(%dma_start3A_57 : memref<1x128xi32, #tpu.memory_space<hbm>>) target(%dma_start3A_55 : memref<1x128xi32, #tpu.memory_space<vmem>>) target_semaphore(%dma_start3A_51 : memref<!tpu.dma_semaphore, #tpu.memory_space<semaphore_mem>>)
      %add3A_58 = arith.constant 0 : i32
      %add3A_59 = arith.constant 1 : i32
      %add3A_60 = arith.addi %add3A_58, %add3A_59 : i32
      %select_n3A_61 = arith.constant true
      %select_n3A_62 = arith.constant 0 : i32
      %select_n3A_63 = arith.select %select_n3A_61, %add3A_60, %select_n3A_62 : i32
      %rem3A_64 = arith.constant 0 : i32
      %rem3A_65 = arith.constant 2 : i32
      %rem3A_66 = arith.remui %rem3A_64, %rem3A_65 : i32
      %mul3A_67 = arith.constant 128 : i32
      %mul3A_68 = arith.muli %mul3A_67, %add3A_15 : i32
      %dma_start3A_69 = arith.constant 0 : i32
      %dma_start3A_70 = arith.constant 0 : i32
      %dma_start3A_71 = tpu.memref_slice %run_scoped3A_8[%rem3A_66, %dma_start3A_69, %dma_start3A_70] : memref<2x1x128xi32, #tpu.memory_space<vmem>> -> memref<1x1x128xi32, #tpu.memory_space<vmem>>
      %dma_start3A_72 = tpu.memref_squeeze %dma_start3A_71 : memref<1x1x128xi32, #tpu.memory_space<vmem>> -> memref<1x128xi32, #tpu.memory_space<vmem>>
      %dma_start3A_73 = arith.constant 0 : i32
      %dma_start3A_74 = tpu.memref_slice %arg5[%dma_start3A_73, %mul3A_68] : memref<1x200704xi32, #tpu.memory_space<hbm>> -> memref<1x128xi32, #tpu.memory_space<hbm>>
      %dma_start3A_75 = tpu.memref_slice %run_scoped3A_9[%rem3A_66] : memref<2x!tpu.dma_semaphore, #tpu.memory_space<semaphore_mem>> -> memref<1x!tpu.dma_semaphore, #tpu.memory_space<semaphore_mem>>
      %dma_start3A_76 = tpu.memref_squeeze %dma_start3A_75 : memref<1x!tpu.dma_semaphore, #tpu.memory_space<semaphore_mem>> -> memref<!tpu.dma_semaphore, #tpu.memory_space<semaphore_mem>>
      %dma_start3A_77 = arith.constant 0 : i32
      %dma_start3A_78 = arith.constant 0 : i32
      %dma_start3A_79 = tpu.memref_slice %run_scoped3A_8[%rem3A_66, %dma_start3A_77, %dma_start3A_78] : memref<2x1x128xi32, #tpu.memory_space<vmem>> -> memref<1x1x128xi32, #tpu.memory_space<vmem>>
      %dma_start3A_80 = tpu.memref_squeeze %dma_start3A_79 : memref<1x1x128xi32, #tpu.memory_space<vmem>> -> memref<1x128xi32, #tpu.memory_space<vmem>>
      %dma_start3A_81 = arith.constant 0 : i32
      %dma_start3A_82 = tpu.memref_slice %arg5[%dma_start3A_81, %mul3A_68] : memref<1x200704xi32, #tpu.memory_space<hbm>> -> memref<1x128xi32, #tpu.memory_space<hbm>>
      tpu.enqueue_dma source(%dma_start3A_82 : memref<1x128xi32, #tpu.memory_space<hbm>>) target(%dma_start3A_80 : memref<1x128xi32, #tpu.memory_space<vmem>>) target_semaphore(%dma_start3A_76 : memref<!tpu.dma_semaphore, #tpu.memory_space<semaphore_mem>>)
      %add3A_83 = arith.constant 0 : i32
      %add3A_84 = arith.constant 1 : i32
      %add3A_85 = arith.addi %add3A_83, %add3A_84 : i32
      %select_n3A_86 = arith.constant true
      %select_n3A_87 = arith.constant 0 : i32
      %select_n3A_88 = arith.select %select_n3A_86, %add3A_85, %select_n3A_87 : i32
      "tpu.trace_stop"() : () -> ()
      %scan3A = arith.constant 0 : i32
      %scan3A_89 = arith.constant 0 : i32
      %scan3A_90 = arith.constant 0 : i32
      %scan3A_91 = arith.constant 0 : i32
      %scan3A_92 = arith.constant 0 : i32
      %scan3A_93 = arith.constant 0 : i32
      %scan3A_94 = arith.constant 0 : i32
      %scan3A_95 = arith.constant 0 : i32
      %scan3A_96 = arith.constant 49 : i32
      %scan3A_97 = arith.addi %scan3A_95, %scan3A_96 : i32
      %scan3A_98 = arith.constant 1 : i32
      %scan3A_99:9 = scf.for %scan3A_171 = %scan3A_95 to %scan3A_97 step %scan3A_98 iter_args(%scan3A_172 = %select_n3A_63, %scan3A_173 = %scan3A, %scan3A_174 = %select_n3A_88, %scan3A_175 = %scan3A_89, %scan3A_176 = %scan3A_90, %scan3A_177 = %scan3A_91, %scan3A_178 = %scan3A_92, %scan3A_179 = %scan3A_93, %scan3A_180 = %scan3A_94) -> (i32, i32, i32, i32, i32, i32, i32, i32, i32)  : i32 {
        %eq3A_181 = arith.constant 0 : i32
        %eq3A_182 = arith.cmpi eq, %scan3A_171, %eq3A_181 : i32
        %eq3A_183 = arith.constant 48 : i32
        %eq3A_184 = arith.cmpi eq, %scan3A_171, %eq3A_183 : i32
        %add3A_185 = arith.addi %scan3A_180, %mul3A_6 : i32
        %sub3A_186 = arith.constant 1 : i32
        %sub3A_187 = arith.subi %scan3A_180, %sub3A_186 : i32
        %select_n3A_188 = arith.constant true
        %select_n3A_189 = arith.select %select_n3A_188, %sub3A_187, %scan3A_180 : i32
        %eq3A_190 = arith.constant -1 : i32
        %eq3A_191 = arith.cmpi eq, %select_n3A_189, %eq3A_190 : i32
        %select_n3A_192 = arith.constant 48 : i32
        %select_n3A_193 = arith.select %eq3A_191, %select_n3A_192, %select_n3A_189 : i32
        %add3A_194 = arith.addi %select_n3A_193, %mul3A_6 : i32
        %add3A_195 = arith.constant 1 : i32
        %add3A_196 = arith.addi %scan3A_180, %add3A_195 : i32
        %select_n3A_197 = arith.constant true
        %select_n3A_198 = arith.select %select_n3A_197, %add3A_196, %scan3A_180 : i32
        %eq3A_199 = arith.constant 49 : i32
        %eq3A_200 = arith.cmpi eq, %select_n3A_198, %eq3A_199 : i32
        %select_n3A_201 = arith.constant 0 : i32
        %select_n3A_202 = arith.select %eq3A_200, %select_n3A_201, %select_n3A_198 : i32
        %add3A_203 = arith.addi %select_n3A_202, %mul3A_6 : i32
        %add3A_204 = arith.constant 1 : i32
        %add3A_205 = arith.addi %select_n3A_202, %add3A_204 : i32
        %select_n3A_206 = arith.constant true
        %select_n3A_207 = arith.select %select_n3A_206, %add3A_205, %select_n3A_202 : i32
        %eq3A_208 = arith.constant 49 : i32
        %eq3A_209 = arith.cmpi eq, %select_n3A_207, %eq3A_208 : i32
        %select_n3A_210 = arith.constant 0 : i32
        %select_n3A_211 = arith.select %eq3A_209, %select_n3A_210, %select_n3A_207 : i32
        %add3A_212 = arith.addi %select_n3A_211, %mul3A_6 : i32
        %ne3A = arith.cmpi ne, %add3A_185, %add3A_203 : i32
        %or3A = arith.constant false
        %or3A_213 = arith.ori %or3A, %ne3A : i1
        %ge3A = arith.constant 48 : i32
        %ge3A_214 = arith.cmpi sge, %scan3A_171, %ge3A : i32
        %not3A = arith.constant true
        %not3A_215 = arith.xori %ge3A_214, %not3A : i1
        %and3A = arith.andi %or3A_213, %not3A_215 : i1
        %convert_element_type3A = arith.extui %and3A : i1 to i32
        %cond3A = arith.constant 0 : i32
        %cond3A_216 = arith.cmpi ne, %convert_element_type3A, %cond3A : i32
        scf.if %cond3A_216 {
          "tpu.trace_start"() <{level = 10 : i32, message = "ep_copy_in"}> : () -> ()
          %rem3A_422 = arith.constant 2 : i32
          %rem3A_423 = arith.remui %scan3A_172, %rem3A_422 : i32
          %mul3A_424 = arith.constant 128 : i32
          %mul3A_425 = arith.muli %mul3A_424, %add3A_203 : i32
          %dma_start3A_426 = arith.constant 0 : i32
          %dma_start3A_427 = arith.constant 0 : i32
          %dma_start3A_428 = tpu.memref_slice %run_scoped3A[%rem3A_423, %dma_start3A_426, %dma_start3A_427] : memref<2x1x128xi32, #tpu.memory_space<vmem>> -> memref<1x1x128xi32, #tpu.memory_space<vmem>>
          %dma_start3A_429 = tpu.memref_squeeze %dma_start3A_428 : memref<1x1x128xi32, #tpu.memory_space<vmem>> -> memref<1x128xi32, #tpu.memory_space<vmem>>
          %dma_start3A_430 = arith.constant 0 : i32
          %dma_start3A_431 = tpu.memref_slice %arg4[%dma_start3A_430, %mul3A_425] : memref<1x200704xi32, #tpu.memory_space<hbm>> -> memref<1x128xi32, #tpu.memory_space<hbm>>
          %dma_start3A_432 = tpu.memref_slice %run_scoped3A_7[%rem3A_423] : memref<2x!tpu.dma_semaphore, #tpu.memory_space<semaphore_mem>> -> memref<1x!tpu.dma_semaphore, #tpu.memory_space<semaphore_mem>>
          %dma_start3A_433 = tpu.memref_squeeze %dma_start3A_432 : memref<1x!tpu.dma_semaphore, #tpu.memory_space<semaphore_mem>> -> memref<!tpu.dma_semaphore, #tpu.memory_space<semaphore_mem>>
          %dma_start3A_434 = arith.constant 0 : i32
          %dma_start3A_435 = arith.constant 0 : i32
          %dma_start3A_436 = tpu.memref_slice %run_scoped3A[%rem3A_423, %dma_start3A_434, %dma_start3A_435] : memref<2x1x128xi32, #tpu.memory_space<vmem>> -> memref<1x1x128xi32, #tpu.memory_space<vmem>>
          %dma_start3A_437 = tpu.memref_squeeze %dma_start3A_436 : memref<1x1x128xi32, #tpu.memory_space<vmem>> -> memref<1x128xi32, #tpu.memory_space<vmem>>
          %dma_start3A_438 = arith.constant 0 : i32
          %dma_start3A_439 = tpu.memref_slice %arg4[%dma_start3A_438, %mul3A_425] : memref<1x200704xi32, #tpu.memory_space<hbm>> -> memref<1x128xi32, #tpu.memory_space<hbm>>
          tpu.enqueue_dma source(%dma_start3A_439 : memref<1x128xi32, #tpu.memory_space<hbm>>) target(%dma_start3A_437 : memref<1x128xi32, #tpu.memory_space<vmem>>) target_semaphore(%dma_start3A_433 : memref<!tpu.dma_semaphore, #tpu.memory_space<semaphore_mem>>)
          "tpu.trace_stop"() : () -> ()
        } else {
        }
        %and3A_217 = arith.constant true
        %and3A_218 = arith.andi %and3A, %and3A_217 : i1
        %add3A_219 = arith.constant 1 : i32
        %add3A_220 = arith.addi %scan3A_172, %add3A_219 : i32
        %select_n3A_221 = arith.select %and3A_218, %add3A_220, %scan3A_172 : i32
        %ne3A_222 = arith.cmpi ne, %add3A_185, %add3A_203 : i32
        %or3A_223 = arith.constant false
        %or3A_224 = arith.ori %or3A_223, %ne3A_222 : i1
        %ge3A_225 = arith.constant 48 : i32
        %ge3A_226 = arith.cmpi sge, %scan3A_171, %ge3A_225 : i32
        %not3A_227 = arith.constant true
        %not3A_228 = arith.xori %ge3A_226, %not3A_227 : i1
        %and3A_229 = arith.andi %or3A_224, %not3A_228 : i1
        %convert_element_type3A_230 = arith.extui %and3A_229 : i1 to i32
        %cond3A_231 = arith.constant 0 : i32
        %cond3A_232 = arith.cmpi ne, %convert_element_type3A_230, %cond3A_231 : i32
        scf.if %cond3A_232 {
          "tpu.trace_start"() <{level = 10 : i32, message = "ep_copy_in"}> : () -> ()
          %rem3A_422 = arith.constant 2 : i32
          %rem3A_423 = arith.remui %scan3A_174, %rem3A_422 : i32
          %mul3A_424 = arith.constant 128 : i32
          %mul3A_425 = arith.muli %mul3A_424, %add3A_203 : i32
          %dma_start3A_426 = arith.constant 0 : i32
          %dma_start3A_427 = arith.constant 0 : i32
          %dma_start3A_428 = tpu.memref_slice %run_scoped3A_8[%rem3A_423, %dma_start3A_426, %dma_start3A_427] : memref<2x1x128xi32, #tpu.memory_space<vmem>> -> memref<1x1x128xi32, #tpu.memory_space<vmem>>
          %dma_start3A_429 = tpu.memref_squeeze %dma_start3A_428 : memref<1x1x128xi32, #tpu.memory_space<vmem>> -> memref<1x128xi32, #tpu.memory_space<vmem>>
          %dma_start3A_430 = arith.constant 0 : i32
          %dma_start3A_431 = tpu.memref_slice %arg5[%dma_start3A_430, %mul3A_425] : memref<1x200704xi32, #tpu.memory_space<hbm>> -> memref<1x128xi32, #tpu.memory_space<hbm>>
          %dma_start3A_432 = tpu.memref_slice %run_scoped3A_9[%rem3A_423] : memref<2x!tpu.dma_semaphore, #tpu.memory_space<semaphore_mem>> -> memref<1x!tpu.dma_semaphore, #tpu.memory_space<semaphore_mem>>
          %dma_start3A_433 = tpu.memref_squeeze %dma_start3A_432 : memref<1x!tpu.dma_semaphore, #tpu.memory_space<semaphore_mem>> -> memref<!tpu.dma_semaphore, #tpu.memory_space<semaphore_mem>>
          %dma_start3A_434 = arith.constant 0 : i32
          %dma_start3A_435 = arith.constant 0 : i32
          %dma_start3A_436 = tpu.memref_slice %run_scoped3A_8[%rem3A_423, %dma_start3A_434, %dma_start3A_435] : memref<2x1x128xi32, #tpu.memory_space<vmem>> -> memref<1x1x128xi32, #tpu.memory_space<vmem>>
          %dma_start3A_437 = tpu.memref_squeeze %dma_start3A_436 : memref<1x1x128xi32, #tpu.memory_space<vmem>> -> memref<1x128xi32, #tpu.memory_space<vmem>>
          %dma_start3A_438 = arith.constant 0 : i32
          %dma_start3A_439 = tpu.memref_slice %arg5[%dma_start3A_438, %mul3A_425] : memref<1x200704xi32, #tpu.memory_space<hbm>> -> memref<1x128xi32, #tpu.memory_space<hbm>>
          tpu.enqueue_dma source(%dma_start3A_439 : memref<1x128xi32, #tpu.memory_space<hbm>>) target(%dma_start3A_437 : memref<1x128xi32, #tpu.memory_space<vmem>>) target_semaphore(%dma_start3A_433 : memref<!tpu.dma_semaphore, #tpu.memory_space<semaphore_mem>>)
          "tpu.trace_stop"() : () -> ()
        } else {
        }
        %and3A_233 = arith.constant true
        %and3A_234 = arith.andi %and3A_229, %and3A_233 : i1
        %add3A_235 = arith.constant 1 : i32
        %add3A_236 = arith.addi %scan3A_174, %add3A_235 : i32
        %select_n3A_237 = arith.select %and3A_234, %add3A_236, %scan3A_174 : i32
        %ne3A_238 = arith.cmpi ne, %add3A_185, %add3A_203 : i32
        %or3A_239 = arith.constant false
        %or3A_240 = arith.ori %or3A_239, %ne3A_238 : i1
        %or3A_241 = arith.constant false
        %or3A_242 = arith.ori %or3A_240, %or3A_241 : i1
        %ge3A_243 = arith.constant 48 : i32
        %ge3A_244 = arith.cmpi sge, %scan3A_171, %ge3A_243 : i32
        %not3A_245 = arith.constant true
        %not3A_246 = arith.xori %ge3A_244, %not3A_245 : i1
        %and3A_247 = arith.andi %or3A_242, %not3A_246 : i1
        %ne3A_248 = arith.cmpi ne, %add3A_185, %add3A_203 : i32
        %or3A_249 = arith.constant false
        %or3A_250 = arith.ori %or3A_249, %ne3A_248 : i1
        %or3A_251 = arith.constant false
        %or3A_252 = arith.ori %or3A_250, %or3A_251 : i1
        %ge3A_253 = arith.constant 48 : i32
        %ge3A_254 = arith.cmpi sge, %scan3A_171, %ge3A_253 : i32
        %not3A_255 = arith.constant true
        %not3A_256 = arith.xori %ge3A_254, %not3A_255 : i1
        %and3A_257 = arith.andi %or3A_252, %not3A_256 : i1
        %ne3A_258 = arith.cmpi ne, %add3A_185, %add3A_194 : i32
        %or3A_259 = arith.constant false
        %or3A_260 = arith.ori %or3A_259, %ne3A_258 : i1
        %or3A_261 = arith.ori %or3A_260, %eq3A_182 : i1
        %convert_element_type3A_262 = arith.extui %or3A_261 : i1 to i32
        %cond3A_263 = arith.constant 0 : i32
        %cond3A_264 = arith.cmpi ne, %convert_element_type3A_262, %cond3A_263 : i32
        scf.if %cond3A_264 {
          "tpu.trace_start"() <{level = 10 : i32, message = "ep_wait_in"}> : () -> ()
          %mul3A_422 = arith.constant 128 : i32
          %mul3A_423 = arith.muli %mul3A_422, %add3A_185 : i32
          %rem3A_424 = arith.constant 2 : i32
          %rem3A_425 = arith.remui %scan3A_173, %rem3A_424 : i32
          %dma_wait3A_426 = arith.constant 0 : i32
          %dma_wait3A_427 = arith.constant 0 : i32
          %dma_wait3A_428 = tpu.memref_slice %run_scoped3A[%rem3A_425, %dma_wait3A_426, %dma_wait3A_427] : memref<2x1x128xi32, #tpu.memory_space<vmem>> -> memref<1x1x128xi32, #tpu.memory_space<vmem>>
          %dma_wait3A_429 = tpu.memref_squeeze %dma_wait3A_428 : memref<1x1x128xi32, #tpu.memory_space<vmem>> -> memref<1x128xi32, #tpu.memory_space<vmem>>
          %dma_wait3A_430 = arith.constant 0 : i32
          %dma_wait3A_431 = tpu.memref_slice %arg4[%dma_wait3A_430, %mul3A_423] : memref<1x200704xi32, #tpu.memory_space<hbm>> -> memref<1x128xi32, #tpu.memory_space<hbm>>
          %dma_wait3A_432 = tpu.memref_slice %run_scoped3A_7[%rem3A_425] : memref<2x!tpu.dma_semaphore, #tpu.memory_space<semaphore_mem>> -> memref<1x!tpu.dma_semaphore, #tpu.memory_space<semaphore_mem>>
          %dma_wait3A_433 = tpu.memref_squeeze %dma_wait3A_432 : memref<1x!tpu.dma_semaphore, #tpu.memory_space<semaphore_mem>> -> memref<!tpu.dma_semaphore, #tpu.memory_space<semaphore_mem>>
          %dma_wait3A_434 = arith.constant 0 : i32
          %dma_wait3A_435 = arith.constant 0 : i32
          %dma_wait3A_436 = tpu.memref_slice %run_scoped3A[%rem3A_425, %dma_wait3A_434, %dma_wait3A_435] : memref<2x1x128xi32, #tpu.memory_space<vmem>> -> memref<1x1x128xi32, #tpu.memory_space<vmem>>
          %dma_wait3A_437 = tpu.memref_squeeze %dma_wait3A_436 : memref<1x1x128xi32, #tpu.memory_space<vmem>> -> memref<1x128xi32, #tpu.memory_space<vmem>>
          %dma_wait3A_438 = arith.constant 0 : i32
          %dma_wait3A_439 = tpu.memref_slice %arg4[%dma_wait3A_438, %mul3A_423] : memref<1x200704xi32, #tpu.memory_space<hbm>> -> memref<1x128xi32, #tpu.memory_space<hbm>>
          tpu.wait_dma2 semaphore(%dma_wait3A_433 : memref<!tpu.dma_semaphore, #tpu.memory_space<semaphore_mem>>) src(%dma_wait3A_439 : memref<1x128xi32, #tpu.memory_space<hbm>>) dst(%dma_wait3A_437 : memref<1x128xi32, #tpu.memory_space<vmem>>)
          "tpu.trace_stop"() : () -> ()
        } else {
        }
        %ne3A_265 = arith.cmpi ne, %add3A_185, %add3A_194 : i32
        %or3A_266 = arith.constant false
        %or3A_267 = arith.ori %or3A_266, %ne3A_265 : i1
        %or3A_268 = arith.ori %or3A_267, %eq3A_182 : i1
        %convert_element_type3A_269 = arith.extui %or3A_268 : i1 to i32
        %cond3A_270 = arith.constant 0 : i32
        %cond3A_271 = arith.cmpi ne, %convert_element_type3A_269, %cond3A_270 : i32
        scf.if %cond3A_271 {
          "tpu.trace_start"() <{level = 10 : i32, message = "ep_wait_in"}> : () -> ()
          %mul3A_422 = arith.constant 128 : i32
          %mul3A_423 = arith.muli %mul3A_422, %add3A_185 : i32
          %rem3A_424 = arith.constant 2 : i32
          %rem3A_425 = arith.remui %scan3A_175, %rem3A_424 : i32
          %dma_wait3A_426 = arith.constant 0 : i32
          %dma_wait3A_427 = arith.constant 0 : i32
          %dma_wait3A_428 = tpu.memref_slice %run_scoped3A_8[%rem3A_425, %dma_wait3A_426, %dma_wait3A_427] : memref<2x1x128xi32, #tpu.memory_space<vmem>> -> memref<1x1x128xi32, #tpu.memory_space<vmem>>
          %dma_wait3A_429 = tpu.memref_squeeze %dma_wait3A_428 : memref<1x1x128xi32, #tpu.memory_space<vmem>> -> memref<1x128xi32, #tpu.memory_space<vmem>>
          %dma_wait3A_430 = arith.constant 0 : i32
          %dma_wait3A_431 = tpu.memref_slice %arg5[%dma_wait3A_430, %mul3A_423] : memref<1x200704xi32, #tpu.memory_space<hbm>> -> memref<1x128xi32, #tpu.memory_space<hbm>>
          %dma_wait3A_432 = tpu.memref_slice %run_scoped3A_9[%rem3A_425] : memref<2x!tpu.dma_semaphore, #tpu.memory_space<semaphore_mem>> -> memref<1x!tpu.dma_semaphore, #tpu.memory_space<semaphore_mem>>
          %dma_wait3A_433 = tpu.memref_squeeze %dma_wait3A_432 : memref<1x!tpu.dma_semaphore, #tpu.memory_space<semaphore_mem>> -> memref<!tpu.dma_semaphore, #tpu.memory_space<semaphore_mem>>
          %dma_wait3A_434 = arith.constant 0 : i32
          %dma_wait3A_435 = arith.constant 0 : i32
          %dma_wait3A_436 = tpu.memref_slice %run_scoped3A_8[%rem3A_425, %dma_wait3A_434, %dma_wait3A_435] : memref<2x1x128xi32, #tpu.memory_space<vmem>> -> memref<1x1x128xi32, #tpu.memory_space<vmem>>
          %dma_wait3A_437 = tpu.memref_squeeze %dma_wait3A_436 : memref<1x1x128xi32, #tpu.memory_space<vmem>> -> memref<1x128xi32, #tpu.memory_space<vmem>>
          %dma_wait3A_438 = arith.constant 0 : i32
          %dma_wait3A_439 = tpu.memref_slice %arg5[%dma_wait3A_438, %mul3A_423] : memref<1x200704xi32, #tpu.memory_space<hbm>> -> memref<1x128xi32, #tpu.memory_space<hbm>>
          tpu.wait_dma2 semaphore(%dma_wait3A_433 : memref<!tpu.dma_semaphore, #tpu.memory_space<semaphore_mem>>) src(%dma_wait3A_439 : memref<1x128xi32, #tpu.memory_space<hbm>>) dst(%dma_wait3A_437 : memref<1x128xi32, #tpu.memory_space<vmem>>)
          "tpu.trace_stop"() : () -> ()
        } else {
        }
        %ne3A_272 = arith.cmpi ne, %add3A_185, %add3A_194 : i32
        %or3A_273 = arith.constant false
        %or3A_274 = arith.ori %or3A_273, %ne3A_272 : i1
        %or3A_275 = arith.constant false
        %or3A_276 = arith.ori %or3A_274, %or3A_275 : i1
        %or3A_277 = arith.ori %or3A_276, %eq3A_182 : i1
        %convert_element_type3A_278 = arith.extui %or3A_277 : i1 to i32
        %cond3A_279 = arith.constant 0 : i32
        %cond3A_280 = arith.cmpi ne, %convert_element_type3A_278, %cond3A_279 : i32
        scf.if %cond3A_280 {
        } else {
        }
        %ne3A_281 = arith.cmpi ne, %add3A_185, %add3A_194 : i32
        %or3A_282 = arith.constant false
        %or3A_283 = arith.ori %or3A_282, %ne3A_281 : i1
        %or3A_284 = arith.constant false
        %or3A_285 = arith.ori %or3A_283, %or3A_284 : i1
        %or3A_286 = arith.ori %or3A_285, %eq3A_182 : i1
        %convert_element_type3A_287 = arith.extui %or3A_286 : i1 to i32
        %cond3A_288 = arith.constant 0 : i32
        %cond3A_289 = arith.cmpi ne, %convert_element_type3A_287, %cond3A_288 : i32
        scf.if %cond3A_289 {
        } else {
        }
        %rem3A_290 = arith.constant 2 : i32
        %rem3A_291 = arith.remui %scan3A_173, %rem3A_290 : i32
        %rem3A_292 = arith.constant 2 : i32
        %rem3A_293 = arith.remui %scan3A_175, %rem3A_292 : i32
        %rem3A_294 = arith.constant 2 : i32
        %rem3A_295 = arith.remui %scan3A_176, %rem3A_294 : i32
        %rem3A_296 = arith.constant 2 : i32
        %rem3A_297 = arith.remui %scan3A_178, %rem3A_296 : i32
        %run_scoped3A_298 = arith.constant 0 : i32
        "tpu.trace_start"() <{level = 10 : i32, message = "ep_run_kernel"}> : () -> ()
        "tpu.region"() ({
          %run_scoped3A_422 = tpu.sem_alloc : memref<!tpu.dma_semaphore, #tpu.memory_space<semaphore_mem>>
          %dma_start3A_423 = arith.constant 0 : i32
          %dma_start3A_424 = arith.constant 0 : i32
          %dma_start3A_425 = tpu.memref_slice %run_scoped3A_10[%rem3A_295, %dma_start3A_423, %dma_start3A_424] : memref<2x128x128xf32, #tpu.memory_space<vmem>> -> memref<1x128x128xf32, #tpu.memory_space<vmem>>
          %dma_start3A_426 = tpu.memref_squeeze %dma_start3A_425 : memref<1x128x128xf32, #tpu.memory_space<vmem>> -> memref<128x128xf32, #tpu.memory_space<vmem>>
          %dma_start3A_427 = arith.constant 0 : i32
          %dma_start3A_428 = arith.constant 0 : i32
          %dma_start3A_429 = tpu.memref_slice %run_scoped3A[%rem3A_291, %dma_start3A_427, %dma_start3A_428] : memref<2x1x128xi32, #tpu.memory_space<vmem>> -> memref<1x1x128xi32, #tpu.memory_space<vmem>>
          %dma_start3A_430 = tpu.memref_squeeze %dma_start3A_429 : memref<1x1x128xi32, #tpu.memory_space<vmem>> -> memref<1x128xi32, #tpu.memory_space<vmem>>
          %dma_start3A_431 = arith.constant 0 : i32
          %dma_start3A_432 = tpu.memref_slice %dma_start3A_430[%run_scoped3A_298, %dma_start3A_431] : memref<1x128xi32, #tpu.memory_space<vmem>> -> memref<1x128xi32, #tpu.memory_space<vmem>>
          %dma_start3A_433 = tpu.memref_squeeze %dma_start3A_432 : memref<1x128xi32, #tpu.memory_space<vmem>> -> memref<128xi32, #tpu.memory_space<vmem>>
          %dma_start3A_434 = arith.constant 0 : i32
          %dma_start3A_435 = arith.constant 0 : i32
          %dma_start3A_436 = tpu.memref_slice %arg2[%dma_start3A_434, %dma_start3A_435] : memref<20480x128xf32, #tpu.memory_space<hbm>> -> memref<20480x128xf32, #tpu.memory_space<hbm>>
          tpu.enqueue_indirect_dma source(%dma_start3A_436 : memref<20480x128xf32, #tpu.memory_space<hbm>>) target(%dma_start3A_426 : memref<128x128xf32, #tpu.memory_space<vmem>>) offsets(%dma_start3A_433 : memref<128xi32, #tpu.memory_space<vmem>>) semaphore(%run_scoped3A_422 : memref<!tpu.dma_semaphore, #tpu.memory_space<semaphore_mem>>)
          %dma_wait3A_437 = arith.constant 0 : i32
          %dma_wait3A_438 = arith.constant 0 : i32
          %dma_wait3A_439 = tpu.memref_slice %run_scoped3A_10[%rem3A_295, %dma_wait3A_437, %dma_wait3A_438] : memref<2x128x128xf32, #tpu.memory_space<vmem>> -> memref<1x128x128xf32, #tpu.memory_space<vmem>>
          %dma_wait3A_440 = tpu.memref_squeeze %dma_wait3A_439 : memref<1x128x128xf32, #tpu.memory_space<vmem>> -> memref<128x128xf32, #tpu.memory_space<vmem>>
          %dma_wait3A_441 = arith.constant 0 : i32
          %dma_wait3A_442 = arith.constant 0 : i32
          %dma_wait3A_443 = tpu.memref_slice %run_scoped3A[%rem3A_291, %dma_wait3A_441, %dma_wait3A_442] : memref<2x1x128xi32, #tpu.memory_space<vmem>> -> memref<1x1x128xi32, #tpu.memory_space<vmem>>
          %dma_wait3A_444 = tpu.memref_squeeze %dma_wait3A_443 : memref<1x1x128xi32, #tpu.memory_space<vmem>> -> memref<1x128xi32, #tpu.memory_space<vmem>>
          %dma_wait3A_445 = arith.constant 0 : i32
          %dma_wait3A_446 = tpu.memref_slice %dma_wait3A_444[%run_scoped3A_298, %dma_wait3A_445] : memref<1x128xi32, #tpu.memory_space<vmem>> -> memref<1x128xi32, #tpu.memory_space<vmem>>
          %dma_wait3A_447 = tpu.memref_squeeze %dma_wait3A_446 : memref<1x128xi32, #tpu.memory_space<vmem>> -> memref<128xi32, #tpu.memory_space<vmem>>
          %dma_wait3A_448 = arith.constant 0 : i32
          %dma_wait3A_449 = arith.constant 0 : i32
          %dma_wait3A_450 = tpu.memref_slice %arg2[%dma_wait3A_448, %dma_wait3A_449] : memref<20480x128xf32, #tpu.memory_space<hbm>> -> memref<20480x128xf32, #tpu.memory_space<hbm>>
          tpu.wait_indirect_dma semaphore(%run_scoped3A_422 : memref<!tpu.dma_semaphore, #tpu.memory_space<semaphore_mem>>) src(%dma_wait3A_450 : memref<20480x128xf32, #tpu.memory_space<hbm>>) dst(%dma_wait3A_440 : memref<128x128xf32, #tpu.memory_space<vmem>>)
          tpu.yield
        }) : () -> ()
        %run_scoped3A_299 = arith.constant 0 : i32
        "tpu.region"() ({
          %run_scoped3A_422 = tpu.sem_alloc : memref<!tpu.dma_semaphore, #tpu.memory_space<semaphore_mem>>
          %dma_start3A_423 = arith.constant 0 : i32
          %dma_start3A_424 = arith.constant 0 : i32
          %dma_start3A_425 = tpu.memref_slice %run_scoped3A_12[%rem3A_297, %dma_start3A_423, %dma_start3A_424] : memref<2x128x128xf32, #tpu.memory_space<vmem>> -> memref<1x128x128xf32, #tpu.memory_space<vmem>>
          %dma_start3A_426 = tpu.memref_squeeze %dma_start3A_425 : memref<1x128x128xf32, #tpu.memory_space<vmem>> -> memref<128x128xf32, #tpu.memory_space<vmem>>
          %dma_start3A_427 = arith.constant 0 : i32
          %dma_start3A_428 = arith.constant 0 : i32
          %dma_start3A_429 = tpu.memref_slice %run_scoped3A_8[%rem3A_293, %dma_start3A_427, %dma_start3A_428] : memref<2x1x128xi32, #tpu.memory_space<vmem>> -> memref<1x1x128xi32, #tpu.memory_space<vmem>>
          %dma_start3A_430 = tpu.memref_squeeze %dma_start3A_429 : memref<1x1x128xi32, #tpu.memory_space<vmem>> -> memref<1x128xi32, #tpu.memory_space<vmem>>
          %dma_start3A_431 = arith.constant 0 : i32
          %dma_start3A_432 = tpu.memref_slice %dma_start3A_430[%run_scoped3A_299, %dma_start3A_431] : memref<1x128xi32, #tpu.memory_space<vmem>> -> memref<1x128xi32, #tpu.memory_space<vmem>>
          %dma_start3A_433 = tpu.memref_squeeze %dma_start3A_432 : memref<1x128xi32, #tpu.memory_space<vmem>> -> memref<128xi32, #tpu.memory_space<vmem>>
          %dma_start3A_434 = arith.constant 0 : i32
          %dma_start3A_435 = arith.constant 0 : i32
          %dma_start3A_436 = tpu.memref_slice %arg3[%dma_start3A_434, %dma_start3A_435] : memref<200000x128xf32, #tpu.memory_space<hbm>> -> memref<200000x128xf32, #tpu.memory_space<hbm>>
          tpu.enqueue_indirect_dma source(%dma_start3A_436 : memref<200000x128xf32, #tpu.memory_space<hbm>>) target(%dma_start3A_426 : memref<128x128xf32, #tpu.memory_space<vmem>>) offsets(%dma_start3A_433 : memref<128xi32, #tpu.memory_space<vmem>>) semaphore(%run_scoped3A_422 : memref<!tpu.dma_semaphore, #tpu.memory_space<semaphore_mem>>)
          %dma_wait3A_437 = arith.constant 0 : i32
          %dma_wait3A_438 = arith.constant 0 : i32
          %dma_wait3A_439 = tpu.memref_slice %run_scoped3A_12[%rem3A_297, %dma_wait3A_437, %dma_wait3A_438] : memref<2x128x128xf32, #tpu.memory_space<vmem>> -> memref<1x128x128xf32, #tpu.memory_space<vmem>>
          %dma_wait3A_440 = tpu.memref_squeeze %dma_wait3A_439 : memref<1x128x128xf32, #tpu.memory_space<vmem>> -> memref<128x128xf32, #tpu.memory_space<vmem>>
          %dma_wait3A_441 = arith.constant 0 : i32
          %dma_wait3A_442 = arith.constant 0 : i32
          %dma_wait3A_443 = tpu.memref_slice %run_scoped3A_8[%rem3A_293, %dma_wait3A_441, %dma_wait3A_442] : memref<2x1x128xi32, #tpu.memory_space<vmem>> -> memref<1x1x128xi32, #tpu.memory_space<vmem>>
          %dma_wait3A_444 = tpu.memref_squeeze %dma_wait3A_443 : memref<1x1x128xi32, #tpu.memory_space<vmem>> -> memref<1x128xi32, #tpu.memory_space<vmem>>
          %dma_wait3A_445 = arith.constant 0 : i32
          %dma_wait3A_446 = tpu.memref_slice %dma_wait3A_444[%run_scoped3A_299, %dma_wait3A_445] : memref<1x128xi32, #tpu.memory_space<vmem>> -> memref<1x128xi32, #tpu.memory_space<vmem>>
          %dma_wait3A_447 = tpu.memref_squeeze %dma_wait3A_446 : memref<1x128xi32, #tpu.memory_space<vmem>> -> memref<128xi32, #tpu.memory_space<vmem>>
          %dma_wait3A_448 = arith.constant 0 : i32
          %dma_wait3A_449 = arith.constant 0 : i32
          %dma_wait3A_450 = tpu.memref_slice %arg3[%dma_wait3A_448, %dma_wait3A_449] : memref<200000x128xf32, #tpu.memory_space<hbm>> -> memref<200000x128xf32, #tpu.memory_space<hbm>>
          tpu.wait_indirect_dma semaphore(%run_scoped3A_422 : memref<!tpu.dma_semaphore, #tpu.memory_space<semaphore_mem>>) src(%dma_wait3A_450 : memref<200000x128xf32, #tpu.memory_space<hbm>>) dst(%dma_wait3A_440 : memref<128x128xf32, #tpu.memory_space<vmem>>)
          tpu.yield
        }) : () -> ()
        "tpu.trace_stop"() : () -> ()
        %ne3A_300 = arith.cmpi ne, %add3A_185, %add3A_203 : i32
        %or3A_301 = arith.constant false
        %or3A_302 = arith.ori %or3A_301, %ne3A_300 : i1
        %or3A_303 = arith.ori %or3A_302, %eq3A_184 : i1
        %convert_element_type3A_304 = arith.extui %or3A_303 : i1 to i32
        %cond3A_305 = arith.constant 0 : i32
        %cond3A_306 = arith.cmpi ne, %convert_element_type3A_304, %cond3A_305 : i32
        scf.if %cond3A_306 {
        } else {
        }
        %and3A_307 = arith.constant false
        %and3A_308 = arith.andi %or3A_303, %and3A_307 : i1
        %ne3A_309 = arith.cmpi ne, %add3A_185, %add3A_203 : i32
        %or3A_310 = arith.constant false
        %or3A_311 = arith.ori %or3A_310, %ne3A_309 : i1
        %or3A_312 = arith.ori %or3A_311, %eq3A_184 : i1
        %convert_element_type3A_313 = arith.extui %or3A_312 : i1 to i32
        %cond3A_314 = arith.constant 0 : i32
        %cond3A_315 = arith.cmpi ne, %convert_element_type3A_313, %cond3A_314 : i32
        scf.if %cond3A_315 {
        } else {
        }
        %and3A_316 = arith.constant false
        %and3A_317 = arith.andi %or3A_312, %and3A_316 : i1
        %ne3A_318 = arith.cmpi ne, %add3A_185, %add3A_203 : i32
        %or3A_319 = arith.constant false
        %or3A_320 = arith.ori %or3A_319, %ne3A_318 : i1
        %or3A_321 = arith.constant false
        %or3A_322 = arith.ori %or3A_320, %or3A_321 : i1
        %or3A_323 = arith.ori %or3A_322, %eq3A_184 : i1
        %convert_element_type3A_324 = arith.extui %or3A_323 : i1 to i32
        %cond3A_325 = arith.constant 0 : i32
        %cond3A_326 = arith.cmpi ne, %convert_element_type3A_324, %cond3A_325 : i32
        scf.if %cond3A_326 {
          "tpu.trace_start"() <{level = 10 : i32, message = "ep_copy_out"}> : () -> ()
          %rem3A_422 = arith.constant 2 : i32
          %rem3A_423 = arith.remui %scan3A_176, %rem3A_422 : i32
          %mul3A_424 = arith.constant 128 : i32
          %mul3A_425 = arith.muli %mul3A_424, %add3A_185 : i32
          %dma_start3A_426 = arith.constant 0 : i32
          %dma_start3A_427 = arith.constant 0 : i32
          %dma_start3A_428 = tpu.memref_slice %run_scoped3A_10[%rem3A_423, %dma_start3A_426, %dma_start3A_427] : memref<2x128x128xf32, #tpu.memory_space<vmem>> -> memref<1x128x128xf32, #tpu.memory_space<vmem>>
          %dma_start3A_429 = tpu.memref_squeeze %dma_start3A_428 : memref<1x128x128xf32, #tpu.memory_space<vmem>> -> memref<128x128xf32, #tpu.memory_space<vmem>>
          %dma_start3A_430 = arith.constant 0 : i32
          %dma_start3A_431 = tpu.memref_slice %arg6[%mul3A_425, %dma_start3A_430] : memref<200704x128xf32, #tpu.memory_space<hbm>> -> memref<128x128xf32, #tpu.memory_space<hbm>>
          %dma_start3A_432 = tpu.memref_slice %run_scoped3A_11[%rem3A_423] : memref<2x!tpu.dma_semaphore, #tpu.memory_space<semaphore_mem>> -> memref<1x!tpu.dma_semaphore, #tpu.memory_space<semaphore_mem>>
          %dma_start3A_433 = tpu.memref_squeeze %dma_start3A_432 : memref<1x!tpu.dma_semaphore, #tpu.memory_space<semaphore_mem>> -> memref<!tpu.dma_semaphore, #tpu.memory_space<semaphore_mem>>
          %dma_start3A_434 = arith.constant 0 : i32
          %dma_start3A_435 = tpu.memref_slice %arg6[%mul3A_425, %dma_start3A_434] : memref<200704x128xf32, #tpu.memory_space<hbm>> -> memref<128x128xf32, #tpu.memory_space<hbm>>
          %dma_start3A_436 = arith.constant 0 : i32
          %dma_start3A_437 = arith.constant 0 : i32
          %dma_start3A_438 = tpu.memref_slice %run_scoped3A_10[%rem3A_423, %dma_start3A_436, %dma_start3A_437] : memref<2x128x128xf32, #tpu.memory_space<vmem>> -> memref<1x128x128xf32, #tpu.memory_space<vmem>>
          %dma_start3A_439 = tpu.memref_squeeze %dma_start3A_438 : memref<1x128x128xf32, #tpu.memory_space<vmem>> -> memref<128x128xf32, #tpu.memory_space<vmem>>
          tpu.enqueue_dma source(%dma_start3A_439 : memref<128x128xf32, #tpu.memory_space<vmem>>) target(%dma_start3A_435 : memref<128x128xf32, #tpu.memory_space<hbm>>) target_semaphore(%dma_start3A_433 : memref<!tpu.dma_semaphore, #tpu.memory_space<semaphore_mem>>)
          "tpu.trace_stop"() : () -> ()
        } else {
        }
        %and3A_327 = arith.constant true
        %and3A_328 = arith.andi %or3A_323, %and3A_327 : i1
        %add3A_329 = arith.constant 1 : i32
        %add3A_330 = arith.addi %scan3A_176, %add3A_329 : i32
        %select_n3A_331 = arith.select %and3A_328, %add3A_330, %scan3A_176 : i32
        %ne3A_332 = arith.cmpi ne, %add3A_185, %add3A_203 : i32
        %or3A_333 = arith.constant false
        %or3A_334 = arith.ori %or3A_333, %ne3A_332 : i1
        %or3A_335 = arith.constant false
        %or3A_336 = arith.ori %or3A_334, %or3A_335 : i1
        %or3A_337 = arith.ori %or3A_336, %eq3A_184 : i1
        %convert_element_type3A_338 = arith.extui %or3A_337 : i1 to i32
        %cond3A_339 = arith.constant 0 : i32
        %cond3A_340 = arith.cmpi ne, %convert_element_type3A_338, %cond3A_339 : i32
        scf.if %cond3A_340 {
          "tpu.trace_start"() <{level = 10 : i32, message = "ep_copy_out"}> : () -> ()
          %rem3A_422 = arith.constant 2 : i32
          %rem3A_423 = arith.remui %scan3A_178, %rem3A_422 : i32
          %mul3A_424 = arith.constant 128 : i32
          %mul3A_425 = arith.muli %mul3A_424, %add3A_185 : i32
          %dma_start3A_426 = arith.constant 0 : i32
          %dma_start3A_427 = arith.constant 0 : i32
          %dma_start3A_428 = tpu.memref_slice %run_scoped3A_12[%rem3A_423, %dma_start3A_426, %dma_start3A_427] : memref<2x128x128xf32, #tpu.memory_space<vmem>> -> memref<1x128x128xf32, #tpu.memory_space<vmem>>
          %dma_start3A_429 = tpu.memref_squeeze %dma_start3A_428 : memref<1x128x128xf32, #tpu.memory_space<vmem>> -> memref<128x128xf32, #tpu.memory_space<vmem>>
          %dma_start3A_430 = arith.constant 0 : i32
          %dma_start3A_431 = tpu.memref_slice %arg7[%mul3A_425, %dma_start3A_430] : memref<200704x128xf32, #tpu.memory_space<hbm>> -> memref<128x128xf32, #tpu.memory_space<hbm>>
          %dma_start3A_432 = tpu.memref_slice %run_scoped3A_13[%rem3A_423] : memref<2x!tpu.dma_semaphore, #tpu.memory_space<semaphore_mem>> -> memref<1x!tpu.dma_semaphore, #tpu.memory_space<semaphore_mem>>
          %dma_start3A_433 = tpu.memref_squeeze %dma_start3A_432 : memref<1x!tpu.dma_semaphore, #tpu.memory_space<semaphore_mem>> -> memref<!tpu.dma_semaphore, #tpu.memory_space<semaphore_mem>>
          %dma_start3A_434 = arith.constant 0 : i32
          %dma_start3A_435 = tpu.memref_slice %arg7[%mul3A_425, %dma_start3A_434] : memref<200704x128xf32, #tpu.memory_space<hbm>> -> memref<128x128xf32, #tpu.memory_space<hbm>>
          %dma_start3A_436 = arith.constant 0 : i32
          %dma_start3A_437 = arith.constant 0 : i32
          %dma_start3A_438 = tpu.memref_slice %run_scoped3A_12[%rem3A_423, %dma_start3A_436, %dma_start3A_437] : memref<2x128x128xf32, #tpu.memory_space<vmem>> -> memref<1x128x128xf32, #tpu.memory_space<vmem>>
          %dma_start3A_439 = tpu.memref_squeeze %dma_start3A_438 : memref<1x128x128xf32, #tpu.memory_space<vmem>> -> memref<128x128xf32, #tpu.memory_space<vmem>>
          tpu.enqueue_dma source(%dma_start3A_439 : memref<128x128xf32, #tpu.memory_space<vmem>>) target(%dma_start3A_435 : memref<128x128xf32, #tpu.memory_space<hbm>>) target_semaphore(%dma_start3A_433 : memref<!tpu.dma_semaphore, #tpu.memory_space<semaphore_mem>>)
          "tpu.trace_stop"() : () -> ()
        } else {
        }
        %and3A_341 = arith.constant true
        %and3A_342 = arith.andi %or3A_337, %and3A_341 : i1
        %add3A_343 = arith.constant 1 : i32
        %add3A_344 = arith.addi %scan3A_178, %add3A_343 : i32
        %select_n3A_345 = arith.select %and3A_342, %add3A_344, %scan3A_178 : i32
        %ne3A_346 = arith.cmpi ne, %add3A_185, %add3A_194 : i32
        %or3A_347 = arith.constant false
        %or3A_348 = arith.ori %or3A_347, %ne3A_346 : i1
        %not3A_349 = arith.constant true
        %not3A_350 = arith.xori %eq3A_182, %not3A_349 : i1
        %and3A_351 = arith.andi %or3A_348, %not3A_350 : i1
        %convert_element_type3A_352 = arith.extui %and3A_351 : i1 to i32
        %cond3A_353 = arith.constant 0 : i32
        %cond3A_354 = arith.cmpi ne, %convert_element_type3A_352, %cond3A_353 : i32
        scf.if %cond3A_354 {
        } else {
        }
        %and3A_355 = arith.constant false
        %and3A_356 = arith.andi %and3A_351, %and3A_355 : i1
        %ne3A_357 = arith.cmpi ne, %add3A_185, %add3A_194 : i32
        %or3A_358 = arith.constant false
        %or3A_359 = arith.ori %or3A_358, %ne3A_357 : i1
        %not3A_360 = arith.constant true
        %not3A_361 = arith.xori %eq3A_182, %not3A_360 : i1
        %and3A_362 = arith.andi %or3A_359, %not3A_361 : i1
        %convert_element_type3A_363 = arith.extui %and3A_362 : i1 to i32
        %cond3A_364 = arith.constant 0 : i32
        %cond3A_365 = arith.cmpi ne, %convert_element_type3A_363, %cond3A_364 : i32
        scf.if %cond3A_365 {
        } else {
        }
        %and3A_366 = arith.constant false
        %and3A_367 = arith.andi %and3A_362, %and3A_366 : i1
        %ne3A_368 = arith.cmpi ne, %add3A_185, %add3A_194 : i32
        %or3A_369 = arith.constant false
        %or3A_370 = arith.ori %or3A_369, %ne3A_368 : i1
        %or3A_371 = arith.constant false
        %or3A_372 = arith.ori %or3A_370, %or3A_371 : i1
        %not3A_373 = arith.constant true
        %not3A_374 = arith.xori %eq3A_182, %not3A_373 : i1
        %and3A_375 = arith.andi %or3A_372, %not3A_374 : i1
        %convert_element_type3A_376 = arith.extui %and3A_375 : i1 to i32
        %cond3A_377 = arith.constant 0 : i32
        %cond3A_378 = arith.cmpi ne, %convert_element_type3A_376, %cond3A_377 : i32
        scf.if %cond3A_378 {
          "tpu.trace_start"() <{level = 10 : i32, message = "ep_wait_out"}> : () -> ()
          %rem3A_422 = arith.constant 2 : i32
          %rem3A_423 = arith.remui %scan3A_177, %rem3A_422 : i32
          %mul3A_424 = arith.constant 128 : i32
          %mul3A_425 = arith.muli %mul3A_424, %add3A_194 : i32
          %dma_wait3A_426 = arith.constant 0 : i32
          %dma_wait3A_427 = arith.constant 0 : i32
          %dma_wait3A_428 = tpu.memref_slice %run_scoped3A_10[%rem3A_423, %dma_wait3A_426, %dma_wait3A_427] : memref<2x128x128xf32, #tpu.memory_space<vmem>> -> memref<1x128x128xf32, #tpu.memory_space<vmem>>
          %dma_wait3A_429 = tpu.memref_squeeze %dma_wait3A_428 : memref<1x128x128xf32, #tpu.memory_space<vmem>> -> memref<128x128xf32, #tpu.memory_space<vmem>>
          %dma_wait3A_430 = arith.constant 0 : i32
          %dma_wait3A_431 = tpu.memref_slice %arg6[%mul3A_425, %dma_wait3A_430] : memref<200704x128xf32, #tpu.memory_space<hbm>> -> memref<128x128xf32, #tpu.memory_space<hbm>>
          %dma_wait3A_432 = tpu.memref_slice %run_scoped3A_11[%rem3A_423] : memref<2x!tpu.dma_semaphore, #tpu.memory_space<semaphore_mem>> -> memref<1x!tpu.dma_semaphore, #tpu.memory_space<semaphore_mem>>
          %dma_wait3A_433 = tpu.memref_squeeze %dma_wait3A_432 : memref<1x!tpu.dma_semaphore, #tpu.memory_space<semaphore_mem>> -> memref<!tpu.dma_semaphore, #tpu.memory_space<semaphore_mem>>
          %dma_wait3A_434 = arith.constant 0 : i32
          %dma_wait3A_435 = tpu.memref_slice %arg6[%mul3A_425, %dma_wait3A_434] : memref<200704x128xf32, #tpu.memory_space<hbm>> -> memref<128x128xf32, #tpu.memory_space<hbm>>
          %dma_wait3A_436 = arith.constant 0 : i32
          %dma_wait3A_437 = arith.constant 0 : i32
          %dma_wait3A_438 = tpu.memref_slice %run_scoped3A_10[%rem3A_423, %dma_wait3A_436, %dma_wait3A_437] : memref<2x128x128xf32, #tpu.memory_space<vmem>> -> memref<1x128x128xf32, #tpu.memory_space<vmem>>
          %dma_wait3A_439 = tpu.memref_squeeze %dma_wait3A_438 : memref<1x128x128xf32, #tpu.memory_space<vmem>> -> memref<128x128xf32, #tpu.memory_space<vmem>>
          tpu.wait_dma2 semaphore(%dma_wait3A_433 : memref<!tpu.dma_semaphore, #tpu.memory_space<semaphore_mem>>) src(%dma_wait3A_439 : memref<128x128xf32, #tpu.memory_space<vmem>>) dst(%dma_wait3A_435 : memref<128x128xf32, #tpu.memory_space<hbm>>)
          "tpu.trace_stop"() : () -> ()
        } else {
        }
        %and3A_379 = arith.constant true
        %and3A_380 = arith.andi %and3A_375, %and3A_379 : i1
        %add3A_381 = arith.constant 1 : i32
        %add3A_382 = arith.addi %scan3A_177, %add3A_381 : i32
        %select_n3A_383 = arith.select %and3A_380, %add3A_382, %scan3A_177 : i32
        %ne3A_384 = arith.cmpi ne, %add3A_185, %add3A_194 : i32
        %or3A_385 = arith.constant false
        %or3A_386 = arith.ori %or3A_385, %ne3A_384 : i1
        %or3A_387 = arith.constant false
        %or3A_388 = arith.ori %or3A_386, %or3A_387 : i1
        %not3A_389 = arith.constant true
        %not3A_390 = arith.xori %eq3A_182, %not3A_389 : i1
        %and3A_391 = arith.andi %or3A_388, %not3A_390 : i1
        %convert_element_type3A_392 = arith.extui %and3A_391 : i1 to i32
        %cond3A_393 = arith.constant 0 : i32
        %cond3A_394 = arith.cmpi ne, %convert_element_type3A_392, %cond3A_393 : i32
        scf.if %cond3A_394 {
          "tpu.trace_start"() <{level = 10 : i32, message = "ep_wait_out"}> : () -> ()
          %rem3A_422 = arith.constant 2 : i32
          %rem3A_423 = arith.remui %scan3A_179, %rem3A_422 : i32
          %mul3A_424 = arith.constant 128 : i32
          %mul3A_425 = arith.muli %mul3A_424, %add3A_194 : i32
          %dma_wait3A_426 = arith.constant 0 : i32
          %dma_wait3A_427 = arith.constant 0 : i32
          %dma_wait3A_428 = tpu.memref_slice %run_scoped3A_12[%rem3A_423, %dma_wait3A_426, %dma_wait3A_427] : memref<2x128x128xf32, #tpu.memory_space<vmem>> -> memref<1x128x128xf32, #tpu.memory_space<vmem>>
          %dma_wait3A_429 = tpu.memref_squeeze %dma_wait3A_428 : memref<1x128x128xf32, #tpu.memory_space<vmem>> -> memref<128x128xf32, #tpu.memory_space<vmem>>
          %dma_wait3A_430 = arith.constant 0 : i32
          %dma_wait3A_431 = tpu.memref_slice %arg7[%mul3A_425, %dma_wait3A_430] : memref<200704x128xf32, #tpu.memory_space<hbm>> -> memref<128x128xf32, #tpu.memory_space<hbm>>
          %dma_wait3A_432 = tpu.memref_slice %run_scoped3A_13[%rem3A_423] : memref<2x!tpu.dma_semaphore, #tpu.memory_space<semaphore_mem>> -> memref<1x!tpu.dma_semaphore, #tpu.memory_space<semaphore_mem>>
          %dma_wait3A_433 = tpu.memref_squeeze %dma_wait3A_432 : memref<1x!tpu.dma_semaphore, #tpu.memory_space<semaphore_mem>> -> memref<!tpu.dma_semaphore, #tpu.memory_space<semaphore_mem>>
          %dma_wait3A_434 = arith.constant 0 : i32
          %dma_wait3A_435 = tpu.memref_slice %arg7[%mul3A_425, %dma_wait3A_434] : memref<200704x128xf32, #tpu.memory_space<hbm>> -> memref<128x128xf32, #tpu.memory_space<hbm>>
          %dma_wait3A_436 = arith.constant 0 : i32
          %dma_wait3A_437 = arith.constant 0 : i32
          %dma_wait3A_438 = tpu.memref_slice %run_scoped3A_12[%rem3A_423, %dma_wait3A_436, %dma_wait3A_437] : memref<2x128x128xf32, #tpu.memory_space<vmem>> -> memref<1x128x128xf32, #tpu.memory_space<vmem>>
          %dma_wait3A_439 = tpu.memref_squeeze %dma_wait3A_438 : memref<1x128x128xf32, #tpu.memory_space<vmem>> -> memref<128x128xf32, #tpu.memory_space<vmem>>
          tpu.wait_dma2 semaphore(%dma_wait3A_433 : memref<!tpu.dma_semaphore, #tpu.memory_space<semaphore_mem>>) src(%dma_wait3A_439 : memref<128x128xf32, #tpu.memory_space<vmem>>) dst(%dma_wait3A_435 : memref<128x128xf32, #tpu.memory_space<hbm>>)
          "tpu.trace_stop"() : () -> ()
        } else {
        }
        %and3A_395 = arith.constant true
        %and3A_396 = arith.andi %and3A_391, %and3A_395 : i1
        %add3A_397 = arith.constant 1 : i32
        %add3A_398 = arith.addi %scan3A_179, %add3A_397 : i32
        %select_n3A_399 = arith.select %and3A_396, %add3A_398, %scan3A_179 : i32
        %ne3A_400 = arith.cmpi ne, %add3A_185, %add3A_203 : i32
        %or3A_401 = arith.constant false
        %or3A_402 = arith.ori %or3A_401, %ne3A_400 : i1
        %or3A_403 = arith.ori %or3A_402, %eq3A_184 : i1
        %add3A_404 = arith.constant 1 : i32
        %add3A_405 = arith.addi %scan3A_173, %add3A_404 : i32
        %select_n3A_406 = arith.select %or3A_403, %add3A_405, %scan3A_173 : i32
        %ne3A_407 = arith.cmpi ne, %add3A_185, %add3A_203 : i32
        %or3A_408 = arith.constant false
        %or3A_409 = arith.ori %or3A_408, %ne3A_407 : i1
        %or3A_410 = arith.ori %or3A_409, %eq3A_184 : i1
        %add3A_411 = arith.constant 1 : i32
        %add3A_412 = arith.addi %scan3A_175, %add3A_411 : i32
        %select_n3A_413 = arith.select %or3A_410, %add3A_412, %scan3A_175 : i32
        %add3A_414 = arith.constant 1 : i32
        %add3A_415 = arith.addi %scan3A_180, %add3A_414 : i32
        %select_n3A_416 = arith.constant true
        %select_n3A_417 = arith.select %select_n3A_416, %add3A_415, %scan3A_180 : i32
        %eq3A_418 = arith.constant 49 : i32
        %eq3A_419 = arith.cmpi eq, %select_n3A_417, %eq3A_418 : i32
        %select_n3A_420 = arith.constant 0 : i32
        %select_n3A_421 = arith.select %eq3A_419, %select_n3A_420, %select_n3A_417 : i32
        scf.yield %select_n3A_221, %select_n3A_406, %select_n3A_237, %select_n3A_413, %select_n3A_331, %select_n3A_383, %select_n3A_345, %select_n3A_399, %select_n3A_421 : i32, i32, i32, i32, i32, i32, i32, i32, i32
      }
      %scan3A_100 = arith.constant 49 : i32
      %sub3A = arith.constant 1 : i32
      %sub3A_101 = arith.subi %scan3A_99#8, %sub3A : i32
      %select_n3A_102 = arith.constant true
      %select_n3A_103 = arith.select %select_n3A_102, %sub3A_101, %scan3A_99#8 : i32
      %eq3A_104 = arith.constant -1 : i32
      %eq3A_105 = arith.cmpi eq, %select_n3A_103, %eq3A_104 : i32
      %select_n3A_106 = arith.constant 48 : i32
      %select_n3A_107 = arith.select %eq3A_105, %select_n3A_106, %select_n3A_103 : i32
      %add3A_108 = arith.addi %select_n3A_107, %mul3A_6 : i32
      %sub3A_109 = arith.constant 1 : i32
      %sub3A_110 = arith.subi %select_n3A_107, %sub3A_109 : i32
      %select_n3A_111 = arith.constant true
      %select_n3A_112 = arith.select %select_n3A_111, %sub3A_110, %select_n3A_107 : i32
      %eq3A_113 = arith.constant -1 : i32
      %eq3A_114 = arith.cmpi eq, %select_n3A_112, %eq3A_113 : i32
      %select_n3A_115 = arith.constant 48 : i32
      %select_n3A_116 = arith.select %eq3A_114, %select_n3A_115, %select_n3A_112 : i32
      %add3A_117 = arith.addi %select_n3A_116, %mul3A_6 : i32
      %add3A_118 = arith.constant 1 : i32
      %add3A_119 = arith.addi %select_n3A_107, %add3A_118 : i32
      %select_n3A_120 = arith.constant true
      %select_n3A_121 = arith.select %select_n3A_120, %add3A_119, %select_n3A_107 : i32
      %eq3A_122 = arith.constant 49 : i32
      %eq3A_123 = arith.cmpi eq, %select_n3A_121, %eq3A_122 : i32
      %select_n3A_124 = arith.constant 0 : i32
      %select_n3A_125 = arith.select %eq3A_123, %select_n3A_124, %select_n3A_121 : i32
      %add3A_126 = arith.addi %select_n3A_125, %mul3A_6 : i32
      %add3A_127 = arith.constant 1 : i32
      %add3A_128 = arith.addi %select_n3A_125, %add3A_127 : i32
      %select_n3A_129 = arith.constant true
      %select_n3A_130 = arith.select %select_n3A_129, %add3A_128, %select_n3A_125 : i32
      %eq3A_131 = arith.constant 49 : i32
      %eq3A_132 = arith.cmpi eq, %select_n3A_130, %eq3A_131 : i32
      %select_n3A_133 = arith.constant 0 : i32
      %select_n3A_134 = arith.select %eq3A_132, %select_n3A_133, %select_n3A_130 : i32
      %add3A_135 = arith.addi %select_n3A_134, %mul3A_6 : i32
      "tpu.trace_start"() <{level = 10 : i32, message = "ep_finalize"}> : () -> ()
      %rem3A_136 = arith.constant 2 : i32
      %rem3A_137 = arith.remui %scan3A_99#5, %rem3A_136 : i32
      %mul3A_138 = arith.constant 128 : i32
      %mul3A_139 = arith.muli %mul3A_138, %add3A_108 : i32
      %dma_wait3A = arith.constant 0 : i32
      %dma_wait3A_140 = arith.constant 0 : i32
      %dma_wait3A_141 = tpu.memref_slice %run_scoped3A_10[%rem3A_137, %dma_wait3A, %dma_wait3A_140] : memref<2x128x128xf32, #tpu.memory_space<vmem>> -> memref<1x128x128xf32, #tpu.memory_space<vmem>>
      %dma_wait3A_142 = tpu.memref_squeeze %dma_wait3A_141 : memref<1x128x128xf32, #tpu.memory_space<vmem>> -> memref<128x128xf32, #tpu.memory_space<vmem>>
      %dma_wait3A_143 = arith.constant 0 : i32
      %dma_wait3A_144 = tpu.memref_slice %arg6[%mul3A_139, %dma_wait3A_143] : memref<200704x128xf32, #tpu.memory_space<hbm>> -> memref<128x128xf32, #tpu.memory_space<hbm>>
      %dma_wait3A_145 = tpu.memref_slice %run_scoped3A_11[%rem3A_137] : memref<2x!tpu.dma_semaphore, #tpu.memory_space<semaphore_mem>> -> memref<1x!tpu.dma_semaphore, #tpu.memory_space<semaphore_mem>>
      %dma_wait3A_146 = tpu.memref_squeeze %dma_wait3A_145 : memref<1x!tpu.dma_semaphore, #tpu.memory_space<semaphore_mem>> -> memref<!tpu.dma_semaphore, #tpu.memory_space<semaphore_mem>>
      %dma_wait3A_147 = arith.constant 0 : i32
      %dma_wait3A_148 = tpu.memref_slice %arg6[%mul3A_139, %dma_wait3A_147] : memref<200704x128xf32, #tpu.memory_space<hbm>> -> memref<128x128xf32, #tpu.memory_space<hbm>>
      %dma_wait3A_149 = arith.constant 0 : i32
      %dma_wait3A_150 = arith.constant 0 : i32
      %dma_wait3A_151 = tpu.memref_slice %run_scoped3A_10[%rem3A_137, %dma_wait3A_149, %dma_wait3A_150] : memref<2x128x128xf32, #tpu.memory_space<vmem>> -> memref<1x128x128xf32, #tpu.memory_space<vmem>>
      %dma_wait3A_152 = tpu.memref_squeeze %dma_wait3A_151 : memref<1x128x128xf32, #tpu.memory_space<vmem>> -> memref<128x128xf32, #tpu.memory_space<vmem>>
      tpu.wait_dma2 semaphore(%dma_wait3A_146 : memref<!tpu.dma_semaphore, #tpu.memory_space<semaphore_mem>>) src(%dma_wait3A_152 : memref<128x128xf32, #tpu.memory_space<vmem>>) dst(%dma_wait3A_148 : memref<128x128xf32, #tpu.memory_space<hbm>>)
      %rem3A_153 = arith.constant 2 : i32
      %rem3A_154 = arith.remui %scan3A_99#7, %rem3A_153 : i32
      %mul3A_155 = arith.constant 128 : i32
      %mul3A_156 = arith.muli %mul3A_155, %add3A_108 : i32
      %dma_wait3A_157 = arith.constant 0 : i32
      %dma_wait3A_158 = arith.constant 0 : i32
      %dma_wait3A_159 = tpu.memref_slice %run_scoped3A_12[%rem3A_154, %dma_wait3A_157, %dma_wait3A_158] : memref<2x128x128xf32, #tpu.memory_space<vmem>> -> memref<1x128x128xf32, #tpu.memory_space<vmem>>
      %dma_wait3A_160 = tpu.memref_squeeze %dma_wait3A_159 : memref<1x128x128xf32, #tpu.memory_space<vmem>> -> memref<128x128xf32, #tpu.memory_space<vmem>>
      %dma_wait3A_161 = arith.constant 0 : i32
      %dma_wait3A_162 = tpu.memref_slice %arg7[%mul3A_156, %dma_wait3A_161] : memref<200704x128xf32, #tpu.memory_space<hbm>> -> memref<128x128xf32, #tpu.memory_space<hbm>>
      %dma_wait3A_163 = tpu.memref_slice %run_scoped3A_13[%rem3A_154] : memref<2x!tpu.dma_semaphore, #tpu.memory_space<semaphore_mem>> -> memref<1x!tpu.dma_semaphore, #tpu.memory_space<semaphore_mem>>
      %dma_wait3A_164 = tpu.memref_squeeze %dma_wait3A_163 : memref<1x!tpu.dma_semaphore, #tpu.memory_space<semaphore_mem>> -> memref<!tpu.dma_semaphore, #tpu.memory_space<semaphore_mem>>
      %dma_wait3A_165 = arith.constant 0 : i32
      %dma_wait3A_166 = tpu.memref_slice %arg7[%mul3A_156, %dma_wait3A_165] : memref<200704x128xf32, #tpu.memory_space<hbm>> -> memref<128x128xf32, #tpu.memory_space<hbm>>
      %dma_wait3A_167 = arith.constant 0 : i32
      %dma_wait3A_168 = arith.constant 0 : i32
      %dma_wait3A_169 = tpu.memref_slice %run_scoped3A_12[%rem3A_154, %dma_wait3A_167, %dma_wait3A_168] : memref<2x128x128xf32, #tpu.memory_space<vmem>> -> memref<1x128x128xf32, #tpu.memory_space<vmem>>
      %dma_wait3A_170 = tpu.memref_squeeze %dma_wait3A_169 : memref<1x128x128xf32, #tpu.memory_space<vmem>> -> memref<128x128xf32, #tpu.memory_space<vmem>>
      tpu.wait_dma2 semaphore(%dma_wait3A_164 : memref<!tpu.dma_semaphore, #tpu.memory_space<semaphore_mem>>) src(%dma_wait3A_170 : memref<128x128xf32, #tpu.memory_space<vmem>>) dst(%dma_wait3A_166 : memref<128x128xf32, #tpu.memory_space<hbm>>)
      "tpu.trace_stop"() : () -> ()
      tpu.yield
    }) : () -> ()
    return
  }
}

#map = affine_map<(d0, d1) -> (0, 0, 0)>
#map1 = affine_map<(d0, d1) -> (0, 0)>
module attributes {stable_mosaic.version = 14 : i64} {
  func.func @kern(%arg0: i32, %arg1: i32, %arg2: memref<2x200704x128xf32, #tpu.memory_space<hbm>>, %arg3: memref<16x98x128xi32, #tpu.memory_space<hbm>>, %arg4: memref<128x128xf32, #tpu.memory_space<hbm>>, %arg5: memref<2x20480x128xf32, #tpu.memory_space<hbm>>, %arg6: memref<98x128xi32, #tpu.memory_space<vmem>>, %arg7: memref<128x128xf32, #tpu.memory_space<vmem>>, %arg8: memref<128x128xf32, #tpu.memory_space<vmem>>, %arg9: memref<10248x128xf32, #tpu.memory_space<vmem_shared>>) attributes {dimension_semantics = [#tpu.dimension_semantics<core_parallel>, #tpu.dimension_semantics<subcore_parallel>], iteration_bounds = array<i64: 2, 16>, scalar_prefetch = 0 : i64, scratch_operands = 4 : i64, tpu.core_type = #tpu.core_type<sc_vector_subcore>, window_params = [{transform_indices = #map}, {transform_indices = #map}, {transform_indices = #map1}, {transform_indices = #map}]} {
    "tpu.region"() ({
      %run_scoped3A = tpu.sem_alloc : memref<!tpu.dma_semaphore, #tpu.memory_space<semaphore_mem>>
      tpu.enqueue_dma source(%arg4 : memref<128x128xf32, #tpu.memory_space<hbm>>) target(%arg8 : memref<128x128xf32, #tpu.memory_space<vmem>>) target_semaphore(%run_scoped3A : memref<!tpu.dma_semaphore, #tpu.memory_space<semaphore_mem>>)
      tpu.wait_dma2 semaphore(%run_scoped3A : memref<!tpu.dma_semaphore, #tpu.memory_space<semaphore_mem>>) src(%arg4 : memref<128x128xf32, #tpu.memory_space<hbm>>) dst(%arg8 : memref<128x128xf32, #tpu.memory_space<vmem>>)
      tpu.yield
    }) : () -> ()
    "tpu.region"() ({
      %run_scoped3A = tpu.sem_alloc : memref<!tpu.dma_semaphore, #tpu.memory_space<semaphore_mem>>
      %dma_start3A = arith.constant 0 : i32
      %dma_start3A_49 = arith.constant 0 : i32
      %dma_start3A_50 = tpu.memref_slice %arg3[%arg1, %dma_start3A, %dma_start3A_49] : memref<16x98x128xi32, #tpu.memory_space<hbm>> -> memref<1x98x128xi32, #tpu.memory_space<hbm>>
      %dma_start3A_51 = tpu.memref_squeeze %dma_start3A_50 : memref<1x98x128xi32, #tpu.memory_space<hbm>> -> memref<98x128xi32, #tpu.memory_space<hbm>>
      %dma_start3A_52 = arith.constant 0 : i32
      %dma_start3A_53 = arith.constant 0 : i32
      %dma_start3A_54 = tpu.memref_slice %arg3[%arg1, %dma_start3A_52, %dma_start3A_53] : memref<16x98x128xi32, #tpu.memory_space<hbm>> -> memref<1x98x128xi32, #tpu.memory_space<hbm>>
      %dma_start3A_55 = tpu.memref_squeeze %dma_start3A_54 : memref<1x98x128xi32, #tpu.memory_space<hbm>> -> memref<98x128xi32, #tpu.memory_space<hbm>>
      tpu.enqueue_dma source(%dma_start3A_55 : memref<98x128xi32, #tpu.memory_space<hbm>>) target(%arg6 : memref<98x128xi32, #tpu.memory_space<vmem>>) target_semaphore(%run_scoped3A : memref<!tpu.dma_semaphore, #tpu.memory_space<semaphore_mem>>)
      %dma_wait3A = arith.constant 0 : i32
      %dma_wait3A_56 = arith.constant 0 : i32
      %dma_wait3A_57 = tpu.memref_slice %arg3[%arg1, %dma_wait3A, %dma_wait3A_56] : memref<16x98x128xi32, #tpu.memory_space<hbm>> -> memref<1x98x128xi32, #tpu.memory_space<hbm>>
      %dma_wait3A_58 = tpu.memref_squeeze %dma_wait3A_57 : memref<1x98x128xi32, #tpu.memory_space<hbm>> -> memref<98x128xi32, #tpu.memory_space<hbm>>
      %dma_wait3A_59 = arith.constant 0 : i32
      %dma_wait3A_60 = arith.constant 0 : i32
      %dma_wait3A_61 = tpu.memref_slice %arg3[%arg1, %dma_wait3A_59, %dma_wait3A_60] : memref<16x98x128xi32, #tpu.memory_space<hbm>> -> memref<1x98x128xi32, #tpu.memory_space<hbm>>
      %dma_wait3A_62 = tpu.memref_squeeze %dma_wait3A_61 : memref<1x98x128xi32, #tpu.memory_space<hbm>> -> memref<98x128xi32, #tpu.memory_space<hbm>>
      tpu.wait_dma2 semaphore(%run_scoped3A : memref<!tpu.dma_semaphore, #tpu.memory_space<semaphore_mem>>) src(%dma_wait3A_62 : memref<98x128xi32, #tpu.memory_space<hbm>>) dst(%arg6 : memref<98x128xi32, #tpu.memory_space<vmem>>)
      tpu.yield
    }) : () -> ()
    %scan3A = arith.constant 0 : i32
    %scan3A_0 = arith.constant 784 : i32
    %scan3A_1 = arith.addi %scan3A, %scan3A_0 : i32
    %scan3A_2 = arith.constant 1 : i32
    scf.for %scan3A_49 = %scan3A to %scan3A_1 step %scan3A_2  : i32 {
      %mul3A = arith.constant 1 : i32
      %mul3A_50 = arith.muli %scan3A_49, %mul3A : i32
      %add3A = arith.constant 0 : i32
      %add3A_51 = arith.addi %add3A, %mul3A_50 : i32
      %jit3A = arith.constant 8 : i32
      %div3A = arith.divsi %add3A_51, %jit3A : i32
      %sign3A = arith.constant 0 : i32
      %sign3A_52 = arith.cmpi sgt, %add3A_51, %sign3A : i32
      %sign3A_53 = arith.extui %sign3A_52 : i1 to i32
      %sign3A_54 = arith.constant 0 : i32
      %sign3A_55 = arith.cmpi slt, %add3A_51, %sign3A_54 : i32
      %sign3A_56 = arith.extui %sign3A_55 : i1 to i32
      %sign3A_57 = arith.subi %sign3A_53, %sign3A_56 : i32
      %sign3A_58 = arith.constant 0 : i32
      %sign3A_59 = arith.cmpi sgt, %jit3A, %sign3A_58 : i32
      %sign3A_60 = arith.extui %sign3A_59 : i1 to i32
      %sign3A_61 = arith.constant 0 : i32
      %sign3A_62 = arith.cmpi slt, %jit3A, %sign3A_61 : i32
      %sign3A_63 = arith.extui %sign3A_62 : i1 to i32
      %sign3A_64 = arith.subi %sign3A_60, %sign3A_63 : i32
      %ne3A = arith.cmpi ne, %sign3A_57, %sign3A_64 : i32
      %rem3A = arith.remsi %add3A_51, %jit3A : i32
      %ne3A_65 = arith.constant 0 : i32
      %ne3A_66 = arith.cmpi ne, %rem3A, %ne3A_65 : i32
      %and3A = arith.andi %ne3A, %ne3A_66 : i1
      %sub3A = arith.constant 1 : i32
      %sub3A_67 = arith.subi %div3A, %sub3A : i32
      %select_n3A = arith.select %and3A, %sub3A_67, %div3A : i32
      %jit3A_68 = arith.constant 8 : i32
      %eq3A_69 = arith.constant 0 : i32
      %eq3A_70 = arith.cmpi eq, %jit3A_68, %eq3A_69 : i32
      %jit3A_71 = arith.constant 1 : i32
      %select_n3A_72 = arith.select %eq3A_70, %jit3A_71, %jit3A_68 : i32
      %rem3A_73 = arith.remsi %add3A_51, %select_n3A_72 : i32
      %ne3A_74 = arith.constant 0 : i32
      %ne3A_75 = arith.cmpi ne, %rem3A_73, %ne3A_74 : i32
      %lt3A = arith.constant 0 : i32
      %lt3A_76 = arith.cmpi slt, %rem3A_73, %lt3A : i32
      %lt3A_77 = arith.constant 0 : i32
      %lt3A_78 = arith.cmpi slt, %select_n3A_72, %lt3A_77 : i32
      %ne3A_79 = arith.xori %lt3A_76, %lt3A_78 : i1
      %and3A_80 = arith.andi %ne3A_79, %ne3A_75 : i1
      %add3A_81 = arith.addi %rem3A_73, %select_n3A_72 : i32
      %select_n3A_82 = arith.select %and3A_80, %add3A_81, %rem3A_73 : i32
      %mul3A_83 = arith.constant 16 : i32
      %mul3A_84 = arith.muli %select_n3A_82, %mul3A_83 : i32
      %get3A = arith.index_cast %select_n3A : i32 to index
      %get3A_85 = arith.index_cast %mul3A_84 : i32 to index
      %get3A_86 = tpu.vector_load %arg6[%get3A, %get3A_85] {strides = array<i32>} : memref<98x128xi32, #tpu.memory_space<vmem>>, vector<1x16xi32>,
      %get3A_87 = vector.shape_cast %get3A_86 : vector<1x16xi32> to vector<16xi32>
      %ge3A = arith.constant 0 : i32
      %ge3A_88 = vector.broadcast %ge3A : i32 to vector<16xi32>
      %ge3A_89 = arith.cmpi sge, %get3A_87, %ge3A_88 : vector<16xi32>
      %lt3A_90 = arith.constant 10240 : i32
      %lt3A_91 = vector.broadcast %lt3A_90 : i32 to vector<16xi32>
      %lt3A_92 = arith.cmpi slt, %get3A_87, %lt3A_91 : vector<16xi32>
      %and3A_93 = arith.andi %ge3A_89, %lt3A_92 : vector<16xi1>
      %sub3A_94 = arith.constant 0 : i32
      %sub3A_95 = vector.broadcast %sub3A_94 : i32 to vector<16xi32>
      %sub3A_96 = arith.subi %get3A_87, %sub3A_95 : vector<16xi32>
      %jit3A_97 = arith.constant 10240 : i32
      %broadcast_in_dim3A = vector.broadcast %jit3A_97 : i32 to vector<16xi32>
      %select_n3A_98 = arith.select %and3A_93, %sub3A_96, %broadcast_in_dim3A : vector<16xi1>, vector<16xi32>
      %mul3A_99 = arith.constant 16 : i32
      %mul3A_100 = arith.muli %select_n3A_82, %mul3A_99 : i32
      %swap3A = arith.index_cast %select_n3A : i32 to index
      %swap3A_101 = arith.index_cast %mul3A_100 : i32 to index
      %swap3A_102 = tpu.vector_load %arg6[%swap3A, %swap3A_101] {strides = array<i32>} : memref<98x128xi32, #tpu.memory_space<vmem>>, vector<1x16xi32>,
      %swap3A_103 = vector.shape_cast %swap3A_102 : vector<1x16xi32> to vector<16xi32>
      %swap3A_104 = vector.shape_cast %select_n3A_98 : vector<16xi32> to vector<1x16xi32>
      tpu.vector_store %arg6[%swap3A, %swap3A_101], %swap3A_104 {strides = array<i32>} : memref<98x128xi32, #tpu.memory_space<vmem>>, vector<1x16xi32>,
    }
    %scan3A_3 = arith.constant 784 : i32
    %scan3A_4 = arith.constant 0 : i32
    %scan3A_5 = arith.constant 5 : i32
    %scan3A_6 = arith.addi %scan3A_4, %scan3A_5 : i32
    %scan3A_7 = arith.constant 1 : i32
    scf.for %scan3A_49 = %scan3A_4 to %scan3A_6 step %scan3A_7  : i32 {
      %mul3A = arith.constant 1 : i32
      %mul3A_50 = arith.muli %scan3A_49, %mul3A : i32
      %add3A = arith.constant 0 : i32
      %add3A_51 = arith.addi %add3A, %mul3A_50 : i32
      %mul3A_52 = arith.constant 640 : i32
      %mul3A_53 = arith.muli %arg1, %mul3A_52 : i32
      %mul3A_54 = arith.constant 128 : i32
      %mul3A_55 = arith.muli %add3A_51, %mul3A_54 : i32
      %add3A_56 = arith.addi %mul3A_53, %mul3A_55 : i32
      "tpu.region"() ({
        %run_scoped3A = tpu.sem_alloc : memref<!tpu.dma_semaphore, #tpu.memory_space<semaphore_mem>>
        %dma_start3A = arith.constant 0 : i32
        %dma_start3A_57 = tpu.memref_slice %arg9[%add3A_56, %dma_start3A] : memref<10248x128xf32, #tpu.memory_space<vmem_shared>> -> memref<128x128xf32, #tpu.memory_space<vmem_shared>>
        %dma_start3A_58 = arith.constant 0 : i32
        %dma_start3A_59 = tpu.memref_slice %arg9[%add3A_56, %dma_start3A_58] : memref<10248x128xf32, #tpu.memory_space<vmem_shared>> -> memref<128x128xf32, #tpu.memory_space<vmem_shared>>
        tpu.enqueue_dma source(%arg8 : memref<128x128xf32, #tpu.memory_space<vmem>>) target(%dma_start3A_59 : memref<128x128xf32, #tpu.memory_space<vmem_shared>>) target_semaphore(%run_scoped3A : memref<!tpu.dma_semaphore, #tpu.memory_space<semaphore_mem>>)
        %dma_wait3A = arith.constant 0 : i32
        %dma_wait3A_60 = tpu.memref_slice %arg9[%add3A_56, %dma_wait3A] : memref<10248x128xf32, #tpu.memory_space<vmem_shared>> -> memref<128x128xf32, #tpu.memory_space<vmem_shared>>
        %dma_wait3A_61 = arith.constant 0 : i32
        %dma_wait3A_62 = tpu.memref_slice %arg9[%add3A_56, %dma_wait3A_61] : memref<10248x128xf32, #tpu.memory_space<vmem_shared>> -> memref<128x128xf32, #tpu.memory_space<vmem_shared>>
        tpu.wait_dma2 semaphore(%run_scoped3A : memref<!tpu.dma_semaphore, #tpu.memory_space<semaphore_mem>>) src(%arg8 : memref<128x128xf32, #tpu.memory_space<vmem>>) dst(%dma_wait3A_62 : memref<128x128xf32, #tpu.memory_space<vmem_shared>>)
        tpu.yield
      }) : () -> ()
    }
    %scan3A_8 = arith.constant 5 : i32
    %eq3A = arith.constant 0 : i32
    %eq3A_9 = arith.cmpi eq, %arg1, %eq3A : i32
    %convert_element_type3A = arith.extui %eq3A_9 : i1 to i32
    %cond3A = arith.constant 0 : i32
    %cond3A_10 = arith.cmpi ne, %convert_element_type3A, %cond3A : i32
    scf.if %cond3A_10 {
      "tpu.region"() ({
        %run_scoped3A = tpu.sem_alloc : memref<!tpu.dma_semaphore, #tpu.memory_space<semaphore_mem>>
        %dma_start3A = arith.constant 0 : i32
        %dma_start3A_49 = arith.constant 0 : i32
        %dma_start3A_50 = tpu.memref_slice %arg8[%dma_start3A, %dma_start3A_49] : memref<128x128xf32, #tpu.memory_space<vmem>> -> memref<8x128xf32, #tpu.memory_space<vmem>>
        %dma_start3A_51 = arith.constant 10240 : i32
        %dma_start3A_52 = arith.constant 0 : i32
        %dma_start3A_53 = tpu.memref_slice %arg9[%dma_start3A_51, %dma_start3A_52] : memref<10248x128xf32, #tpu.memory_space<vmem_shared>> -> memref<8x128xf32, #tpu.memory_space<vmem_shared>>
        %dma_start3A_54 = arith.constant 10240 : i32
        %dma_start3A_55 = arith.constant 0 : i32
        %dma_start3A_56 = tpu.memref_slice %arg9[%dma_start3A_54, %dma_start3A_55] : memref<10248x128xf32, #tpu.memory_space<vmem_shared>> -> memref<8x128xf32, #tpu.memory_space<vmem_shared>>
        %dma_start3A_57 = arith.constant 0 : i32
        %dma_start3A_58 = arith.constant 0 : i32
        %dma_start3A_59 = tpu.memref_slice %arg8[%dma_start3A_57, %dma_start3A_58] : memref<128x128xf32, #tpu.memory_space<vmem>> -> memref<8x128xf32, #tpu.memory_space<vmem>>
        tpu.enqueue_dma source(%dma_start3A_59 : memref<8x128xf32, #tpu.memory_space<vmem>>) target(%dma_start3A_56 : memref<8x128xf32, #tpu.memory_space<vmem_shared>>) target_semaphore(%run_scoped3A : memref<!tpu.dma_semaphore, #tpu.memory_space<semaphore_mem>>)
        %dma_wait3A = arith.constant 0 : i32
        %dma_wait3A_60 = arith.constant 0 : i32
        %dma_wait3A_61 = tpu.memref_slice %arg8[%dma_wait3A, %dma_wait3A_60] : memref<128x128xf32, #tpu.memory_space<vmem>> -> memref<8x128xf32, #tpu.memory_space<vmem>>
        %dma_wait3A_62 = arith.constant 10240 : i32
        %dma_wait3A_63 = arith.constant 0 : i32
        %dma_wait3A_64 = tpu.memref_slice %arg9[%dma_wait3A_62, %dma_wait3A_63] : memref<10248x128xf32, #tpu.memory_space<vmem_shared>> -> memref<8x128xf32, #tpu.memory_space<vmem_shared>>
        %dma_wait3A_65 = arith.constant 10240 : i32
        %dma_wait3A_66 = arith.constant 0 : i32
        %dma_wait3A_67 = tpu.memref_slice %arg9[%dma_wait3A_65, %dma_wait3A_66] : memref<10248x128xf32, #tpu.memory_space<vmem_shared>> -> memref<8x128xf32, #tpu.memory_space<vmem_shared>>
        %dma_wait3A_68 = arith.constant 0 : i32
        %dma_wait3A_69 = arith.constant 0 : i32
        %dma_wait3A_70 = tpu.memref_slice %arg8[%dma_wait3A_68, %dma_wait3A_69] : memref<128x128xf32, #tpu.memory_space<vmem>> -> memref<8x128xf32, #tpu.memory_space<vmem>>
        tpu.wait_dma2 semaphore(%run_scoped3A : memref<!tpu.dma_semaphore, #tpu.memory_space<semaphore_mem>>) src(%dma_wait3A_70 : memref<8x128xf32, #tpu.memory_space<vmem>>) dst(%dma_wait3A_67 : memref<8x128xf32, #tpu.memory_space<vmem_shared>>)
        tpu.yield
      }) : () -> ()
    } else {
    }
    %barrier3A = arith.constant 0 : index
    tpu.barrier barrier_id(%barrier3A)
    %scan3A_11 = arith.constant 0 : i32
    %scan3A_12 = arith.constant 98 : i32
    %scan3A_13 = arith.addi %scan3A_11, %scan3A_12 : i32
    %scan3A_14 = arith.constant 1 : i32
    scf.for %scan3A_49 = %scan3A_11 to %scan3A_13 step %scan3A_14  : i32 {
      %mul3A = arith.constant 1 : i32
      %mul3A_50 = arith.muli %scan3A_49, %mul3A : i32
      %add3A = arith.constant 0 : i32
      %add3A_51 = arith.addi %add3A, %mul3A_50 : i32
      %mul3A_52 = arith.constant 98 : i32
      %mul3A_53 = arith.muli %arg1, %mul3A_52 : i32
      %mul3A_54 = arith.constant 128 : i32
      %mul3A_55 = arith.muli %mul3A_53, %mul3A_54 : i32
      %mul3A_56 = arith.constant 128 : i32
      %mul3A_57 = arith.muli %add3A_51, %mul3A_56 : i32
      %add3A_58 = arith.addi %mul3A_55, %mul3A_57 : i32
      "tpu.region"() ({
        %run_scoped3A = tpu.sem_alloc : memref<!tpu.dma_semaphore, #tpu.memory_space<semaphore_mem>>
        %dma_start3A = arith.constant 0 : i32
        %dma_start3A_59 = tpu.memref_slice %arg2[%arg0, %add3A_58, %dma_start3A] : memref<2x200704x128xf32, #tpu.memory_space<hbm>> -> memref<1x128x128xf32, #tpu.memory_space<hbm>>
        %dma_start3A_60 = tpu.memref_squeeze %dma_start3A_59 : memref<1x128x128xf32, #tpu.memory_space<hbm>> -> memref<128x128xf32, #tpu.memory_space<hbm>>
        %dma_start3A_61 = arith.constant 0 : i32
        %dma_start3A_62 = tpu.memref_slice %arg2[%arg0, %add3A_58, %dma_start3A_61] : memref<2x200704x128xf32, #tpu.memory_space<hbm>> -> memref<1x128x128xf32, #tpu.memory_space<hbm>>
        %dma_start3A_63 = tpu.memref_squeeze %dma_start3A_62 : memref<1x128x128xf32, #tpu.memory_space<hbm>> -> memref<128x128xf32, #tpu.memory_space<hbm>>
        tpu.enqueue_dma source(%dma_start3A_63 : memref<128x128xf32, #tpu.memory_space<hbm>>) target(%arg7 : memref<128x128xf32, #tpu.memory_space<vmem>>) target_semaphore(%run_scoped3A : memref<!tpu.dma_semaphore, #tpu.memory_space<semaphore_mem>>)
        %dma_wait3A = arith.constant 0 : i32
        %dma_wait3A_64 = tpu.memref_slice %arg2[%arg0, %add3A_58, %dma_wait3A] : memref<2x200704x128xf32, #tpu.memory_space<hbm>> -> memref<1x128x128xf32, #tpu.memory_space<hbm>>
        %dma_wait3A_65 = tpu.memref_squeeze %dma_wait3A_64 : memref<1x128x128xf32, #tpu.memory_space<hbm>> -> memref<128x128xf32, #tpu.memory_space<hbm>>
        %dma_wait3A_66 = arith.constant 0 : i32
        %dma_wait3A_67 = tpu.memref_slice %arg2[%arg0, %add3A_58, %dma_wait3A_66] : memref<2x200704x128xf32, #tpu.memory_space<hbm>> -> memref<1x128x128xf32, #tpu.memory_space<hbm>>
        %dma_wait3A_68 = tpu.memref_squeeze %dma_wait3A_67 : memref<1x128x128xf32, #tpu.memory_space<hbm>> -> memref<128x128xf32, #tpu.memory_space<hbm>>
        tpu.wait_dma2 semaphore(%run_scoped3A : memref<!tpu.dma_semaphore, #tpu.memory_space<semaphore_mem>>) src(%dma_wait3A_68 : memref<128x128xf32, #tpu.memory_space<hbm>>) dst(%arg7 : memref<128x128xf32, #tpu.memory_space<vmem>>)
        tpu.yield
      }) : () -> ()
      "tpu.region"() ({
        %run_scoped3A = tpu.sem_alloc : memref<!tpu.dma_semaphore, #tpu.memory_space<semaphore_mem>>
        %dma_start3A = arith.constant 0 : i32
        %dma_start3A_59 = tpu.memref_slice %arg6[%add3A_51, %dma_start3A] : memref<98x128xi32, #tpu.memory_space<vmem>> -> memref<1x128xi32, #tpu.memory_space<vmem>>
        %dma_start3A_60 = tpu.memref_squeeze %dma_start3A_59 : memref<1x128xi32, #tpu.memory_space<vmem>> -> memref<128xi32, #tpu.memory_space<vmem>>
        %dma_start3A_61 = arith.constant 0 : i32
        %dma_start3A_62 = arith.constant 0 : i32
        %dma_start3A_63 = tpu.memref_slice %arg9[%dma_start3A_61, %dma_start3A_62] : memref<10248x128xf32, #tpu.memory_space<vmem_shared>> -> memref<10248x128xf32, #tpu.memory_space<vmem_shared>>
        tpu.enqueue_indirect_dma source(%arg7 : memref<128x128xf32, #tpu.memory_space<vmem>>) target(%dma_start3A_63 : memref<10248x128xf32, #tpu.memory_space<vmem_shared>>) offsets(%dma_start3A_60 : memref<128xi32, #tpu.memory_space<vmem>>) semaphore(%run_scoped3A : memref<!tpu.dma_semaphore, #tpu.memory_space<semaphore_mem>>) {add = true}
        %dma_wait3A = arith.constant 0 : i32
        %dma_wait3A_64 = tpu.memref_slice %arg6[%add3A_51, %dma_wait3A] : memref<98x128xi32, #tpu.memory_space<vmem>> -> memref<1x128xi32, #tpu.memory_space<vmem>>
        %dma_wait3A_65 = tpu.memref_squeeze %dma_wait3A_64 : memref<1x128xi32, #tpu.memory_space<vmem>> -> memref<128xi32, #tpu.memory_space<vmem>>
        %dma_wait3A_66 = arith.constant 0 : i32
        %dma_wait3A_67 = arith.constant 0 : i32
        %dma_wait3A_68 = tpu.memref_slice %arg9[%dma_wait3A_66, %dma_wait3A_67] : memref<10248x128xf32, #tpu.memory_space<vmem_shared>> -> memref<10248x128xf32, #tpu.memory_space<vmem_shared>>
        tpu.wait_indirect_dma semaphore(%run_scoped3A : memref<!tpu.dma_semaphore, #tpu.memory_space<semaphore_mem>>) src(%arg7 : memref<128x128xf32, #tpu.memory_space<vmem>>) dst(%dma_wait3A_68 : memref<10248x128xf32, #tpu.memory_space<vmem_shared>>)
        tpu.yield
      }) : () -> ()
    }
    %scan3A_15 = arith.constant 98 : i32
    %barrier3A_16 = arith.constant 0 : index
    tpu.barrier barrier_id(%barrier3A_16)
    %scan3A_17 = arith.constant 0 : i32
    %scan3A_18 = arith.constant 5 : i32
    %scan3A_19 = arith.addi %scan3A_17, %scan3A_18 : i32
    %scan3A_20 = arith.constant 1 : i32
    scf.for %scan3A_49 = %scan3A_17 to %scan3A_19 step %scan3A_20  : i32 {
      %mul3A = arith.constant 1 : i32
      %mul3A_50 = arith.muli %scan3A_49, %mul3A : i32
      %add3A = arith.constant 0 : i32
      %add3A_51 = arith.addi %add3A, %mul3A_50 : i32
      %mul3A_52 = arith.constant 640 : i32
      %mul3A_53 = arith.muli %arg1, %mul3A_52 : i32
      %mul3A_54 = arith.constant 128 : i32
      %mul3A_55 = arith.muli %add3A_51, %mul3A_54 : i32
      %add3A_56 = arith.addi %mul3A_53, %mul3A_55 : i32
      "tpu.region"() ({
        %run_scoped3A = tpu.sem_alloc : memref<!tpu.dma_semaphore, #tpu.memory_space<semaphore_mem>>
        %dma_start3A = arith.constant 0 : i32
        %dma_start3A_64 = tpu.memref_slice %arg9[%add3A_56, %dma_start3A] : memref<10248x128xf32, #tpu.memory_space<vmem_shared>> -> memref<128x128xf32, #tpu.memory_space<vmem_shared>>
        %dma_start3A_65 = arith.constant 0 : i32
        %dma_start3A_66 = tpu.memref_slice %arg9[%add3A_56, %dma_start3A_65] : memref<10248x128xf32, #tpu.memory_space<vmem_shared>> -> memref<128x128xf32, #tpu.memory_space<vmem_shared>>
        tpu.enqueue_dma source(%dma_start3A_66 : memref<128x128xf32, #tpu.memory_space<vmem_shared>>) target(%arg8 : memref<128x128xf32, #tpu.memory_space<vmem>>) target_semaphore(%run_scoped3A : memref<!tpu.dma_semaphore, #tpu.memory_space<semaphore_mem>>)
        %dma_wait3A = arith.constant 0 : i32
        %dma_wait3A_67 = tpu.memref_slice %arg9[%add3A_56, %dma_wait3A] : memref<10248x128xf32, #tpu.memory_space<vmem_shared>> -> memref<128x128xf32, #tpu.memory_space<vmem_shared>>
        %dma_wait3A_68 = arith.constant 0 : i32
        %dma_wait3A_69 = tpu.memref_slice %arg9[%add3A_56, %dma_wait3A_68] : memref<10248x128xf32, #tpu.memory_space<vmem_shared>> -> memref<128x128xf32, #tpu.memory_space<vmem_shared>>
        tpu.wait_dma2 semaphore(%run_scoped3A : memref<!tpu.dma_semaphore, #tpu.memory_space<semaphore_mem>>) src(%dma_wait3A_69 : memref<128x128xf32, #tpu.memory_space<vmem_shared>>) dst(%arg8 : memref<128x128xf32, #tpu.memory_space<vmem>>)
        tpu.yield
      }) : () -> ()
      %mul3A_57 = arith.constant 640 : i32
      %mul3A_58 = arith.muli %arg1, %mul3A_57 : i32
      %add3A_59 = arith.constant 0 : i32
      %add3A_60 = arith.addi %add3A_59, %mul3A_58 : i32
      %mul3A_61 = arith.constant 128 : i32
      %mul3A_62 = arith.muli %add3A_51, %mul3A_61 : i32
      %add3A_63 = arith.addi %add3A_60, %mul3A_62 : i32
      "tpu.region"() ({
        %run_scoped3A = tpu.sem_alloc : memref<!tpu.dma_semaphore, #tpu.memory_space<semaphore_mem>>
        %dma_start3A = arith.constant 0 : i32
        %dma_start3A_64 = tpu.memref_slice %arg5[%arg0, %add3A_63, %dma_start3A] : memref<2x20480x128xf32, #tpu.memory_space<hbm>> -> memref<1x128x128xf32, #tpu.memory_space<hbm>>
        %dma_start3A_65 = tpu.memref_squeeze %dma_start3A_64 : memref<1x128x128xf32, #tpu.memory_space<hbm>> -> memref<128x128xf32, #tpu.memory_space<hbm>>
        %dma_start3A_66 = arith.constant 0 : i32
        %dma_start3A_67 = tpu.memref_slice %arg5[%arg0, %add3A_63, %dma_start3A_66] : memref<2x20480x128xf32, #tpu.memory_space<hbm>> -> memref<1x128x128xf32, #tpu.memory_space<hbm>>
        %dma_start3A_68 = tpu.memref_squeeze %dma_start3A_67 : memref<1x128x128xf32, #tpu.memory_space<hbm>> -> memref<128x128xf32, #tpu.memory_space<hbm>>
        tpu.enqueue_dma source(%arg8 : memref<128x128xf32, #tpu.memory_space<vmem>>) target(%dma_start3A_68 : memref<128x128xf32, #tpu.memory_space<hbm>>) target_semaphore(%run_scoped3A : memref<!tpu.dma_semaphore, #tpu.memory_space<semaphore_mem>>)
        %dma_wait3A = arith.constant 0 : i32
        %dma_wait3A_69 = tpu.memref_slice %arg5[%arg0, %add3A_63, %dma_wait3A] : memref<2x20480x128xf32, #tpu.memory_space<hbm>> -> memref<1x128x128xf32, #tpu.memory_space<hbm>>
        %dma_wait3A_70 = tpu.memref_squeeze %dma_wait3A_69 : memref<1x128x128xf32, #tpu.memory_space<hbm>> -> memref<128x128xf32, #tpu.memory_space<hbm>>
        %dma_wait3A_71 = arith.constant 0 : i32
        %dma_wait3A_72 = tpu.memref_slice %arg5[%arg0, %add3A_63, %dma_wait3A_71] : memref<2x20480x128xf32, #tpu.memory_space<hbm>> -> memref<1x128x128xf32, #tpu.memory_space<hbm>>
        %dma_wait3A_73 = tpu.memref_squeeze %dma_wait3A_72 : memref<1x128x128xf32, #tpu.memory_space<hbm>> -> memref<128x128xf32, #tpu.memory_space<hbm>>
        tpu.wait_dma2 semaphore(%run_scoped3A : memref<!tpu.dma_semaphore, #tpu.memory_space<semaphore_mem>>) src(%arg8 : memref<128x128xf32, #tpu.memory_space<vmem>>) dst(%dma_wait3A_73 : memref<128x128xf32, #tpu.memory_space<hbm>>)
        tpu.yield
      }) : () -> ()
    }
    %scan3A_21 = arith.constant 5 : i32
    "tpu.region"() ({
      %run_scoped3A = tpu.sem_alloc : memref<!tpu.dma_semaphore, #tpu.memory_space<semaphore_mem>>
      tpu.enqueue_dma source(%arg4 : memref<128x128xf32, #tpu.memory_space<hbm>>) target(%arg8 : memref<128x128xf32, #tpu.memory_space<vmem>>) target_semaphore(%run_scoped3A : memref<!tpu.dma_semaphore, #tpu.memory_space<semaphore_mem>>)
      tpu.wait_dma2 semaphore(%run_scoped3A : memref<!tpu.dma_semaphore, #tpu.memory_space<semaphore_mem>>) src(%arg4 : memref<128x128xf32, #tpu.memory_space<hbm>>) dst(%arg8 : memref<128x128xf32, #tpu.memory_space<vmem>>)
      tpu.yield
    }) : () -> ()
    "tpu.region"() ({
      %run_scoped3A = tpu.sem_alloc : memref<!tpu.dma_semaphore, #tpu.memory_space<semaphore_mem>>
      %dma_start3A = arith.constant 0 : i32
      %dma_start3A_49 = arith.constant 0 : i32
      %dma_start3A_50 = tpu.memref_slice %arg3[%arg1, %dma_start3A, %dma_start3A_49] : memref<16x98x128xi32, #tpu.memory_space<hbm>> -> memref<1x98x128xi32, #tpu.memory_space<hbm>>
      %dma_start3A_51 = tpu.memref_squeeze %dma_start3A_50 : memref<1x98x128xi32, #tpu.memory_space<hbm>> -> memref<98x128xi32, #tpu.memory_space<hbm>>
      %dma_start3A_52 = arith.constant 0 : i32
      %dma_start3A_53 = arith.constant 0 : i32
      %dma_start3A_54 = tpu.memref_slice %arg3[%arg1, %dma_start3A_52, %dma_start3A_53] : memref<16x98x128xi32, #tpu.memory_space<hbm>> -> memref<1x98x128xi32, #tpu.memory_space<hbm>>
      %dma_start3A_55 = tpu.memref_squeeze %dma_start3A_54 : memref<1x98x128xi32, #tpu.memory_space<hbm>> -> memref<98x128xi32, #tpu.memory_space<hbm>>
      tpu.enqueue_dma source(%dma_start3A_55 : memref<98x128xi32, #tpu.memory_space<hbm>>) target(%arg6 : memref<98x128xi32, #tpu.memory_space<vmem>>) target_semaphore(%run_scoped3A : memref<!tpu.dma_semaphore, #tpu.memory_space<semaphore_mem>>)
      %dma_wait3A = arith.constant 0 : i32
      %dma_wait3A_56 = arith.constant 0 : i32
      %dma_wait3A_57 = tpu.memref_slice %arg3[%arg1, %dma_wait3A, %dma_wait3A_56] : memref<16x98x128xi32, #tpu.memory_space<hbm>> -> memref<1x98x128xi32, #tpu.memory_space<hbm>>
      %dma_wait3A_58 = tpu.memref_squeeze %dma_wait3A_57 : memref<1x98x128xi32, #tpu.memory_space<hbm>> -> memref<98x128xi32, #tpu.memory_space<hbm>>
      %dma_wait3A_59 = arith.constant 0 : i32
      %dma_wait3A_60 = arith.constant 0 : i32
      %dma_wait3A_61 = tpu.memref_slice %arg3[%arg1, %dma_wait3A_59, %dma_wait3A_60] : memref<16x98x128xi32, #tpu.memory_space<hbm>> -> memref<1x98x128xi32, #tpu.memory_space<hbm>>
      %dma_wait3A_62 = tpu.memref_squeeze %dma_wait3A_61 : memref<1x98x128xi32, #tpu.memory_space<hbm>> -> memref<98x128xi32, #tpu.memory_space<hbm>>
      tpu.wait_dma2 semaphore(%run_scoped3A : memref<!tpu.dma_semaphore, #tpu.memory_space<semaphore_mem>>) src(%dma_wait3A_62 : memref<98x128xi32, #tpu.memory_space<hbm>>) dst(%arg6 : memref<98x128xi32, #tpu.memory_space<vmem>>)
      tpu.yield
    }) : () -> ()
    %scan3A_22 = arith.constant 0 : i32
    %scan3A_23 = arith.constant 784 : i32
    %scan3A_24 = arith.addi %scan3A_22, %scan3A_23 : i32
    %scan3A_25 = arith.constant 1 : i32
    scf.for %scan3A_49 = %scan3A_22 to %scan3A_24 step %scan3A_25  : i32 {
      %mul3A = arith.constant 1 : i32
      %mul3A_50 = arith.muli %scan3A_49, %mul3A : i32
      %add3A = arith.constant 0 : i32
      %add3A_51 = arith.addi %add3A, %mul3A_50 : i32
      %jit3A = arith.constant 8 : i32
      %div3A = arith.divsi %add3A_51, %jit3A : i32
      %sign3A = arith.constant 0 : i32
      %sign3A_52 = arith.cmpi sgt, %add3A_51, %sign3A : i32
      %sign3A_53 = arith.extui %sign3A_52 : i1 to i32
      %sign3A_54 = arith.constant 0 : i32
      %sign3A_55 = arith.cmpi slt, %add3A_51, %sign3A_54 : i32
      %sign3A_56 = arith.extui %sign3A_55 : i1 to i32
      %sign3A_57 = arith.subi %sign3A_53, %sign3A_56 : i32
      %sign3A_58 = arith.constant 0 : i32
      %sign3A_59 = arith.cmpi sgt, %jit3A, %sign3A_58 : i32
      %sign3A_60 = arith.extui %sign3A_59 : i1 to i32
      %sign3A_61 = arith.constant 0 : i32
      %sign3A_62 = arith.cmpi slt, %jit3A, %sign3A_61 : i32
      %sign3A_63 = arith.extui %sign3A_62 : i1 to i32
      %sign3A_64 = arith.subi %sign3A_60, %sign3A_63 : i32
      %ne3A = arith.cmpi ne, %sign3A_57, %sign3A_64 : i32
      %rem3A = arith.remsi %add3A_51, %jit3A : i32
      %ne3A_65 = arith.constant 0 : i32
      %ne3A_66 = arith.cmpi ne, %rem3A, %ne3A_65 : i32
      %and3A = arith.andi %ne3A, %ne3A_66 : i1
      %sub3A = arith.constant 1 : i32
      %sub3A_67 = arith.subi %div3A, %sub3A : i32
      %select_n3A = arith.select %and3A, %sub3A_67, %div3A : i32
      %jit3A_68 = arith.constant 8 : i32
      %eq3A_69 = arith.constant 0 : i32
      %eq3A_70 = arith.cmpi eq, %jit3A_68, %eq3A_69 : i32
      %jit3A_71 = arith.constant 1 : i32
      %select_n3A_72 = arith.select %eq3A_70, %jit3A_71, %jit3A_68 : i32
      %rem3A_73 = arith.remsi %add3A_51, %select_n3A_72 : i32
      %ne3A_74 = arith.constant 0 : i32
      %ne3A_75 = arith.cmpi ne, %rem3A_73, %ne3A_74 : i32
      %lt3A = arith.constant 0 : i32
      %lt3A_76 = arith.cmpi slt, %rem3A_73, %lt3A : i32
      %lt3A_77 = arith.constant 0 : i32
      %lt3A_78 = arith.cmpi slt, %select_n3A_72, %lt3A_77 : i32
      %ne3A_79 = arith.xori %lt3A_76, %lt3A_78 : i1
      %and3A_80 = arith.andi %ne3A_79, %ne3A_75 : i1
      %add3A_81 = arith.addi %rem3A_73, %select_n3A_72 : i32
      %select_n3A_82 = arith.select %and3A_80, %add3A_81, %rem3A_73 : i32
      %mul3A_83 = arith.constant 16 : i32
      %mul3A_84 = arith.muli %select_n3A_82, %mul3A_83 : i32
      %get3A = arith.index_cast %select_n3A : i32 to index
      %get3A_85 = arith.index_cast %mul3A_84 : i32 to index
      %get3A_86 = tpu.vector_load %arg6[%get3A, %get3A_85] {strides = array<i32>} : memref<98x128xi32, #tpu.memory_space<vmem>>, vector<1x16xi32>,
      %get3A_87 = vector.shape_cast %get3A_86 : vector<1x16xi32> to vector<16xi32>
      %ge3A = arith.constant 10240 : i32
      %ge3A_88 = vector.broadcast %ge3A : i32 to vector<16xi32>
      %ge3A_89 = arith.cmpi sge, %get3A_87, %ge3A_88 : vector<16xi32>
      %lt3A_90 = arith.constant 20480 : i32
      %lt3A_91 = vector.broadcast %lt3A_90 : i32 to vector<16xi32>
      %lt3A_92 = arith.cmpi slt, %get3A_87, %lt3A_91 : vector<16xi32>
      %and3A_93 = arith.andi %ge3A_89, %lt3A_92 : vector<16xi1>
      %sub3A_94 = arith.constant 10240 : i32
      %sub3A_95 = vector.broadcast %sub3A_94 : i32 to vector<16xi32>
      %sub3A_96 = arith.subi %get3A_87, %sub3A_95 : vector<16xi32>
      %jit3A_97 = arith.constant 10240 : i32
      %broadcast_in_dim3A = vector.broadcast %jit3A_97 : i32 to vector<16xi32>
      %select_n3A_98 = arith.select %and3A_93, %sub3A_96, %broadcast_in_dim3A : vector<16xi1>, vector<16xi32>
      %mul3A_99 = arith.constant 16 : i32
      %mul3A_100 = arith.muli %select_n3A_82, %mul3A_99 : i32
      %swap3A = arith.index_cast %select_n3A : i32 to index
      %swap3A_101 = arith.index_cast %mul3A_100 : i32 to index
      %swap3A_102 = tpu.vector_load %arg6[%swap3A, %swap3A_101] {strides = array<i32>} : memref<98x128xi32, #tpu.memory_space<vmem>>, vector<1x16xi32>,
      %swap3A_103 = vector.shape_cast %swap3A_102 : vector<1x16xi32> to vector<16xi32>
      %swap3A_104 = vector.shape_cast %select_n3A_98 : vector<16xi32> to vector<1x16xi32>
      tpu.vector_store %arg6[%swap3A, %swap3A_101], %swap3A_104 {strides = array<i32>} : memref<98x128xi32, #tpu.memory_space<vmem>>, vector<1x16xi32>,
    }
    %scan3A_26 = arith.constant 784 : i32
    %scan3A_27 = arith.constant 0 : i32
    %scan3A_28 = arith.constant 5 : i32
    %scan3A_29 = arith.addi %scan3A_27, %scan3A_28 : i32
    %scan3A_30 = arith.constant 1 : i32
    scf.for %scan3A_49 = %scan3A_27 to %scan3A_29 step %scan3A_30  : i32 {
      %mul3A = arith.constant 1 : i32
      %mul3A_50 = arith.muli %scan3A_49, %mul3A : i32
      %add3A = arith.constant 0 : i32
      %add3A_51 = arith.addi %add3A, %mul3A_50 : i32
      %mul3A_52 = arith.constant 640 : i32
      %mul3A_53 = arith.muli %arg1, %mul3A_52 : i32
      %mul3A_54 = arith.constant 128 : i32
      %mul3A_55 = arith.muli %add3A_51, %mul3A_54 : i32
      %add3A_56 = arith.addi %mul3A_53, %mul3A_55 : i32
      "tpu.region"() ({
        %run_scoped3A = tpu.sem_alloc : memref<!tpu.dma_semaphore, #tpu.memory_space<semaphore_mem>>
        %dma_start3A = arith.constant 0 : i32
        %dma_start3A_57 = tpu.memref_slice %arg9[%add3A_56, %dma_start3A] : memref<10248x128xf32, #tpu.memory_space<vmem_shared>> -> memref<128x128xf32, #tpu.memory_space<vmem_shared>>
        %dma_start3A_58 = arith.constant 0 : i32
        %dma_start3A_59 = tpu.memref_slice %arg9[%add3A_56, %dma_start3A_58] : memref<10248x128xf32, #tpu.memory_space<vmem_shared>> -> memref<128x128xf32, #tpu.memory_space<vmem_shared>>
        tpu.enqueue_dma source(%arg8 : memref<128x128xf32, #tpu.memory_space<vmem>>) target(%dma_start3A_59 : memref<128x128xf32, #tpu.memory_space<vmem_shared>>) target_semaphore(%run_scoped3A : memref<!tpu.dma_semaphore, #tpu.memory_space<semaphore_mem>>)
        %dma_wait3A = arith.constant 0 : i32
        %dma_wait3A_60 = tpu.memref_slice %arg9[%add3A_56, %dma_wait3A] : memref<10248x128xf32, #tpu.memory_space<vmem_shared>> -> memref<128x128xf32, #tpu.memory_space<vmem_shared>>
        %dma_wait3A_61 = arith.constant 0 : i32
        %dma_wait3A_62 = tpu.memref_slice %arg9[%add3A_56, %dma_wait3A_61] : memref<10248x128xf32, #tpu.memory_space<vmem_shared>> -> memref<128x128xf32, #tpu.memory_space<vmem_shared>>
        tpu.wait_dma2 semaphore(%run_scoped3A : memref<!tpu.dma_semaphore, #tpu.memory_space<semaphore_mem>>) src(%arg8 : memref<128x128xf32, #tpu.memory_space<vmem>>) dst(%dma_wait3A_62 : memref<128x128xf32, #tpu.memory_space<vmem_shared>>)
        tpu.yield
      }) : () -> ()
    }
    %scan3A_31 = arith.constant 5 : i32
    %eq3A_32 = arith.constant 0 : i32
    %eq3A_33 = arith.cmpi eq, %arg1, %eq3A_32 : i32
    %convert_element_type3A_34 = arith.extui %eq3A_33 : i1 to i32
    %cond3A_35 = arith.constant 0 : i32
    %cond3A_36 = arith.cmpi ne, %convert_element_type3A_34, %cond3A_35 : i32
    scf.if %cond3A_36 {
      "tpu.region"() ({
        %run_scoped3A = tpu.sem_alloc : memref<!tpu.dma_semaphore, #tpu.memory_space<semaphore_mem>>
        %dma_start3A = arith.constant 0 : i32
        %dma_start3A_49 = arith.constant 0 : i32
        %dma_start3A_50 = tpu.memref_slice %arg8[%dma_start3A, %dma_start3A_49] : memref<128x128xf32, #tpu.memory_space<vmem>> -> memref<8x128xf32, #tpu.memory_space<vmem>>
        %dma_start3A_51 = arith.constant 10240 : i32
        %dma_start3A_52 = arith.constant 0 : i32
        %dma_start3A_53 = tpu.memref_slice %arg9[%dma_start3A_51, %dma_start3A_52] : memref<10248x128xf32, #tpu.memory_space<vmem_shared>> -> memref<8x128xf32, #tpu.memory_space<vmem_shared>>
        %dma_start3A_54 = arith.constant 10240 : i32
        %dma_start3A_55 = arith.constant 0 : i32
        %dma_start3A_56 = tpu.memref_slice %arg9[%dma_start3A_54, %dma_start3A_55] : memref<10248x128xf32, #tpu.memory_space<vmem_shared>> -> memref<8x128xf32, #tpu.memory_space<vmem_shared>>
        %dma_start3A_57 = arith.constant 0 : i32
        %dma_start3A_58 = arith.constant 0 : i32
        %dma_start3A_59 = tpu.memref_slice %arg8[%dma_start3A_57, %dma_start3A_58] : memref<128x128xf32, #tpu.memory_space<vmem>> -> memref<8x128xf32, #tpu.memory_space<vmem>>
        tpu.enqueue_dma source(%dma_start3A_59 : memref<8x128xf32, #tpu.memory_space<vmem>>) target(%dma_start3A_56 : memref<8x128xf32, #tpu.memory_space<vmem_shared>>) target_semaphore(%run_scoped3A : memref<!tpu.dma_semaphore, #tpu.memory_space<semaphore_mem>>)
        %dma_wait3A = arith.constant 0 : i32
        %dma_wait3A_60 = arith.constant 0 : i32
        %dma_wait3A_61 = tpu.memref_slice %arg8[%dma_wait3A, %dma_wait3A_60] : memref<128x128xf32, #tpu.memory_space<vmem>> -> memref<8x128xf32, #tpu.memory_space<vmem>>
        %dma_wait3A_62 = arith.constant 10240 : i32
        %dma_wait3A_63 = arith.constant 0 : i32
        %dma_wait3A_64 = tpu.memref_slice %arg9[%dma_wait3A_62, %dma_wait3A_63] : memref<10248x128xf32, #tpu.memory_space<vmem_shared>> -> memref<8x128xf32, #tpu.memory_space<vmem_shared>>
        %dma_wait3A_65 = arith.constant 10240 : i32
        %dma_wait3A_66 = arith.constant 0 : i32
        %dma_wait3A_67 = tpu.memref_slice %arg9[%dma_wait3A_65, %dma_wait3A_66] : memref<10248x128xf32, #tpu.memory_space<vmem_shared>> -> memref<8x128xf32, #tpu.memory_space<vmem_shared>>
        %dma_wait3A_68 = arith.constant 0 : i32
        %dma_wait3A_69 = arith.constant 0 : i32
        %dma_wait3A_70 = tpu.memref_slice %arg8[%dma_wait3A_68, %dma_wait3A_69] : memref<128x128xf32, #tpu.memory_space<vmem>> -> memref<8x128xf32, #tpu.memory_space<vmem>>
        tpu.wait_dma2 semaphore(%run_scoped3A : memref<!tpu.dma_semaphore, #tpu.memory_space<semaphore_mem>>) src(%dma_wait3A_70 : memref<8x128xf32, #tpu.memory_space<vmem>>) dst(%dma_wait3A_67 : memref<8x128xf32, #tpu.memory_space<vmem_shared>>)
        tpu.yield
      }) : () -> ()
    } else {
    }
    %barrier3A_37 = arith.constant 0 : index
    tpu.barrier barrier_id(%barrier3A_37)
    %scan3A_38 = arith.constant 0 : i32
    %scan3A_39 = arith.constant 98 : i32
    %scan3A_40 = arith.addi %scan3A_38, %scan3A_39 : i32
    %scan3A_41 = arith.constant 1 : i32
    scf.for %scan3A_49 = %scan3A_38 to %scan3A_40 step %scan3A_41  : i32 {
      %mul3A = arith.constant 1 : i32
      %mul3A_50 = arith.muli %scan3A_49, %mul3A : i32
      %add3A = arith.constant 0 : i32
      %add3A_51 = arith.addi %add3A, %mul3A_50 : i32
      %mul3A_52 = arith.constant 98 : i32
      %mul3A_53 = arith.muli %arg1, %mul3A_52 : i32
      %mul3A_54 = arith.constant 128 : i32
      %mul3A_55 = arith.muli %mul3A_53, %mul3A_54 : i32
      %mul3A_56 = arith.constant 128 : i32
      %mul3A_57 = arith.muli %add3A_51, %mul3A_56 : i32
      %add3A_58 = arith.addi %mul3A_55, %mul3A_57 : i32
      "tpu.region"() ({
        %run_scoped3A = tpu.sem_alloc : memref<!tpu.dma_semaphore, #tpu.memory_space<semaphore_mem>>
        %dma_start3A = arith.constant 0 : i32
        %dma_start3A_59 = tpu.memref_slice %arg2[%arg0, %add3A_58, %dma_start3A] : memref<2x200704x128xf32, #tpu.memory_space<hbm>> -> memref<1x128x128xf32, #tpu.memory_space<hbm>>
        %dma_start3A_60 = tpu.memref_squeeze %dma_start3A_59 : memref<1x128x128xf32, #tpu.memory_space<hbm>> -> memref<128x128xf32, #tpu.memory_space<hbm>>
        %dma_start3A_61 = arith.constant 0 : i32
        %dma_start3A_62 = tpu.memref_slice %arg2[%arg0, %add3A_58, %dma_start3A_61] : memref<2x200704x128xf32, #tpu.memory_space<hbm>> -> memref<1x128x128xf32, #tpu.memory_space<hbm>>
        %dma_start3A_63 = tpu.memref_squeeze %dma_start3A_62 : memref<1x128x128xf32, #tpu.memory_space<hbm>> -> memref<128x128xf32, #tpu.memory_space<hbm>>
        tpu.enqueue_dma source(%dma_start3A_63 : memref<128x128xf32, #tpu.memory_space<hbm>>) target(%arg7 : memref<128x128xf32, #tpu.memory_space<vmem>>) target_semaphore(%run_scoped3A : memref<!tpu.dma_semaphore, #tpu.memory_space<semaphore_mem>>)
        %dma_wait3A = arith.constant 0 : i32
        %dma_wait3A_64 = tpu.memref_slice %arg2[%arg0, %add3A_58, %dma_wait3A] : memref<2x200704x128xf32, #tpu.memory_space<hbm>> -> memref<1x128x128xf32, #tpu.memory_space<hbm>>
        %dma_wait3A_65 = tpu.memref_squeeze %dma_wait3A_64 : memref<1x128x128xf32, #tpu.memory_space<hbm>> -> memref<128x128xf32, #tpu.memory_space<hbm>>
        %dma_wait3A_66 = arith.constant 0 : i32
        %dma_wait3A_67 = tpu.memref_slice %arg2[%arg0, %add3A_58, %dma_wait3A_66] : memref<2x200704x128xf32, #tpu.memory_space<hbm>> -> memref<1x128x128xf32, #tpu.memory_space<hbm>>
        %dma_wait3A_68 = tpu.memref_squeeze %dma_wait3A_67 : memref<1x128x128xf32, #tpu.memory_space<hbm>> -> memref<128x128xf32, #tpu.memory_space<hbm>>
        tpu.wait_dma2 semaphore(%run_scoped3A : memref<!tpu.dma_semaphore, #tpu.memory_space<semaphore_mem>>) src(%dma_wait3A_68 : memref<128x128xf32, #tpu.memory_space<hbm>>) dst(%arg7 : memref<128x128xf32, #tpu.memory_space<vmem>>)
        tpu.yield
      }) : () -> ()
      "tpu.region"() ({
        %run_scoped3A = tpu.sem_alloc : memref<!tpu.dma_semaphore, #tpu.memory_space<semaphore_mem>>
        %dma_start3A = arith.constant 0 : i32
        %dma_start3A_59 = tpu.memref_slice %arg6[%add3A_51, %dma_start3A] : memref<98x128xi32, #tpu.memory_space<vmem>> -> memref<1x128xi32, #tpu.memory_space<vmem>>
        %dma_start3A_60 = tpu.memref_squeeze %dma_start3A_59 : memref<1x128xi32, #tpu.memory_space<vmem>> -> memref<128xi32, #tpu.memory_space<vmem>>
        %dma_start3A_61 = arith.constant 0 : i32
        %dma_start3A_62 = arith.constant 0 : i32
        %dma_start3A_63 = tpu.memref_slice %arg9[%dma_start3A_61, %dma_start3A_62] : memref<10248x128xf32, #tpu.memory_space<vmem_shared>> -> memref<10248x128xf32, #tpu.memory_space<vmem_shared>>
        tpu.enqueue_indirect_dma source(%arg7 : memref<128x128xf32, #tpu.memory_space<vmem>>) target(%dma_start3A_63 : memref<10248x128xf32, #tpu.memory_space<vmem_shared>>) offsets(%dma_start3A_60 : memref<128xi32, #tpu.memory_space<vmem>>) semaphore(%run_scoped3A : memref<!tpu.dma_semaphore, #tpu.memory_space<semaphore_mem>>) {add = true}
        %dma_wait3A = arith.constant 0 : i32
        %dma_wait3A_64 = tpu.memref_slice %arg6[%add3A_51, %dma_wait3A] : memref<98x128xi32, #tpu.memory_space<vmem>> -> memref<1x128xi32, #tpu.memory_space<vmem>>
        %dma_wait3A_65 = tpu.memref_squeeze %dma_wait3A_64 : memref<1x128xi32, #tpu.memory_space<vmem>> -> memref<128xi32, #tpu.memory_space<vmem>>
        %dma_wait3A_66 = arith.constant 0 : i32
        %dma_wait3A_67 = arith.constant 0 : i32
        %dma_wait3A_68 = tpu.memref_slice %arg9[%dma_wait3A_66, %dma_wait3A_67] : memref<10248x128xf32, #tpu.memory_space<vmem_shared>> -> memref<10248x128xf32, #tpu.memory_space<vmem_shared>>
        tpu.wait_indirect_dma semaphore(%run_scoped3A : memref<!tpu.dma_semaphore, #tpu.memory_space<semaphore_mem>>) src(%arg7 : memref<128x128xf32, #tpu.memory_space<vmem>>) dst(%dma_wait3A_68 : memref<10248x128xf32, #tpu.memory_space<vmem_shared>>)
        tpu.yield
      }) : () -> ()
    }
    %scan3A_42 = arith.constant 98 : i32
    %barrier3A_43 = arith.constant 0 : index
    tpu.barrier barrier_id(%barrier3A_43)
    %scan3A_44 = arith.constant 0 : i32
    %scan3A_45 = arith.constant 5 : i32
    %scan3A_46 = arith.addi %scan3A_44, %scan3A_45 : i32
    %scan3A_47 = arith.constant 1 : i32
    scf.for %scan3A_49 = %scan3A_44 to %scan3A_46 step %scan3A_47  : i32 {
      %mul3A = arith.constant 1 : i32
      %mul3A_50 = arith.muli %scan3A_49, %mul3A : i32
      %add3A = arith.constant 0 : i32
      %add3A_51 = arith.addi %add3A, %mul3A_50 : i32
      %mul3A_52 = arith.constant 640 : i32
      %mul3A_53 = arith.muli %arg1, %mul3A_52 : i32
      %mul3A_54 = arith.constant 128 : i32
      %mul3A_55 = arith.muli %add3A_51, %mul3A_54 : i32
      %add3A_56 = arith.addi %mul3A_53, %mul3A_55 : i32
      "tpu.region"() ({
        %run_scoped3A = tpu.sem_alloc : memref<!tpu.dma_semaphore, #tpu.memory_space<semaphore_mem>>
        %dma_start3A = arith.constant 0 : i32
        %dma_start3A_64 = tpu.memref_slice %arg9[%add3A_56, %dma_start3A] : memref<10248x128xf32, #tpu.memory_space<vmem_shared>> -> memref<128x128xf32, #tpu.memory_space<vmem_shared>>
        %dma_start3A_65 = arith.constant 0 : i32
        %dma_start3A_66 = tpu.memref_slice %arg9[%add3A_56, %dma_start3A_65] : memref<10248x128xf32, #tpu.memory_space<vmem_shared>> -> memref<128x128xf32, #tpu.memory_space<vmem_shared>>
        tpu.enqueue_dma source(%dma_start3A_66 : memref<128x128xf32, #tpu.memory_space<vmem_shared>>) target(%arg8 : memref<128x128xf32, #tpu.memory_space<vmem>>) target_semaphore(%run_scoped3A : memref<!tpu.dma_semaphore, #tpu.memory_space<semaphore_mem>>)
        %dma_wait3A = arith.constant 0 : i32
        %dma_wait3A_67 = tpu.memref_slice %arg9[%add3A_56, %dma_wait3A] : memref<10248x128xf32, #tpu.memory_space<vmem_shared>> -> memref<128x128xf32, #tpu.memory_space<vmem_shared>>
        %dma_wait3A_68 = arith.constant 0 : i32
        %dma_wait3A_69 = tpu.memref_slice %arg9[%add3A_56, %dma_wait3A_68] : memref<10248x128xf32, #tpu.memory_space<vmem_shared>> -> memref<128x128xf32, #tpu.memory_space<vmem_shared>>
        tpu.wait_dma2 semaphore(%run_scoped3A : memref<!tpu.dma_semaphore, #tpu.memory_space<semaphore_mem>>) src(%dma_wait3A_69 : memref<128x128xf32, #tpu.memory_space<vmem_shared>>) dst(%arg8 : memref<128x128xf32, #tpu.memory_space<vmem>>)
        tpu.yield
      }) : () -> ()
      %mul3A_57 = arith.constant 640 : i32
      %mul3A_58 = arith.muli %arg1, %mul3A_57 : i32
      %add3A_59 = arith.constant 10240 : i32
      %add3A_60 = arith.addi %add3A_59, %mul3A_58 : i32
      %mul3A_61 = arith.constant 128 : i32
      %mul3A_62 = arith.muli %add3A_51, %mul3A_61 : i32
      %add3A_63 = arith.addi %add3A_60, %mul3A_62 : i32
      "tpu.region"() ({
        %run_scoped3A = tpu.sem_alloc : memref<!tpu.dma_semaphore, #tpu.memory_space<semaphore_mem>>
        %dma_start3A = arith.constant 0 : i32
        %dma_start3A_64 = tpu.memref_slice %arg5[%arg0, %add3A_63, %dma_start3A] : memref<2x20480x128xf32, #tpu.memory_space<hbm>> -> memref<1x128x128xf32, #tpu.memory_space<hbm>>
        %dma_start3A_65 = tpu.memref_squeeze %dma_start3A_64 : memref<1x128x128xf32, #tpu.memory_space<hbm>> -> memref<128x128xf32, #tpu.memory_space<hbm>>
        %dma_start3A_66 = arith.constant 0 : i32
        %dma_start3A_67 = tpu.memref_slice %arg5[%arg0, %add3A_63, %dma_start3A_66] : memref<2x20480x128xf32, #tpu.memory_space<hbm>> -> memref<1x128x128xf32, #tpu.memory_space<hbm>>
        %dma_start3A_68 = tpu.memref_squeeze %dma_start3A_67 : memref<1x128x128xf32, #tpu.memory_space<hbm>> -> memref<128x128xf32, #tpu.memory_space<hbm>>
        tpu.enqueue_dma source(%arg8 : memref<128x128xf32, #tpu.memory_space<vmem>>) target(%dma_start3A_68 : memref<128x128xf32, #tpu.memory_space<hbm>>) target_semaphore(%run_scoped3A : memref<!tpu.dma_semaphore, #tpu.memory_space<semaphore_mem>>)
        %dma_wait3A = arith.constant 0 : i32
        %dma_wait3A_69 = tpu.memref_slice %arg5[%arg0, %add3A_63, %dma_wait3A] : memref<2x20480x128xf32, #tpu.memory_space<hbm>> -> memref<1x128x128xf32, #tpu.memory_space<hbm>>
        %dma_wait3A_70 = tpu.memref_squeeze %dma_wait3A_69 : memref<1x128x128xf32, #tpu.memory_space<hbm>> -> memref<128x128xf32, #tpu.memory_space<hbm>>
        %dma_wait3A_71 = arith.constant 0 : i32
        %dma_wait3A_72 = tpu.memref_slice %arg5[%arg0, %add3A_63, %dma_wait3A_71] : memref<2x20480x128xf32, #tpu.memory_space<hbm>> -> memref<1x128x128xf32, #tpu.memory_space<hbm>>
        %dma_wait3A_73 = tpu.memref_squeeze %dma_wait3A_72 : memref<1x128x128xf32, #tpu.memory_space<hbm>> -> memref<128x128xf32, #tpu.memory_space<hbm>>
        tpu.wait_dma2 semaphore(%run_scoped3A : memref<!tpu.dma_semaphore, #tpu.memory_space<semaphore_mem>>) src(%arg8 : memref<128x128xf32, #tpu.memory_space<vmem>>) dst(%dma_wait3A_73 : memref<128x128xf32, #tpu.memory_space<hbm>>)
        tpu.yield
      }) : () -> ()
    }
    %scan3A_48 = arith.constant 5 : i32
    "tpu.region"() ({
      %run_scoped3A = tpu.sem_alloc : memref<!tpu.dma_semaphore, #tpu.memory_space<semaphore_mem>>
      tpu.enqueue_dma source(%arg4 : memref<128x128xf32, #tpu.memory_space<hbm>>) target(%arg8 : memref<128x128xf32, #tpu.memory_space<vmem>>) target_semaphore(%run_scoped3A : memref<!tpu.dma_semaphore, #tpu.memory_space<semaphore_mem>>)
      tpu.wait_dma2 semaphore(%run_scoped3A : memref<!tpu.dma_semaphore, #tpu.memory_space<semaphore_mem>>) src(%arg4 : memref<128x128xf32, #tpu.memory_space<hbm>>) dst(%arg8 : memref<128x128xf32, #tpu.memory_space<vmem>>)
      tpu.yield
    }) : () -> ()
    return
  }
}

#map = affine_map<(d0, d1) -> (0, 0)>
module attributes {stable_mosaic.version = 14 : i64} {
  func.func @k(%arg0: i32, %arg1: i32, %arg2: memref<20000x128xf32, #tpu.memory_space<hbm>>, %arg3: memref<1x24576xi32, #tpu.memory_space<hbm>>, %arg4: memref<24576x128xf32, #tpu.memory_space<hbm>>) attributes {dimension_semantics = [#tpu.dimension_semantics<core_parallel>, #tpu.dimension_semantics<subcore_parallel>], iteration_bounds = array<i64: 2, 16>, scalar_prefetch = 0 : i64, scratch_operands = 0 : i64, tpu.core_type = #tpu.core_type<sc_vector_subcore>, window_params = [{transform_indices = #map}, {transform_indices = #map}, {transform_indices = #map}]} {
    %mul3A = arith.constant 1 : i32
    %mul3A_0 = arith.muli %arg1, %mul3A : i32
    %add3A = arith.constant 0 : i32
    %add3A_1 = arith.addi %add3A, %mul3A_0 : i32
    %mul3A_2 = arith.constant 16 : i32
    %mul3A_3 = arith.muli %arg0, %mul3A_2 : i32
    %add3A_4 = arith.addi %add3A_1, %mul3A_3 : i32
    %mul3A_5 = arith.constant 6 : i32
    %mul3A_6 = arith.muli %add3A_4, %mul3A_5 : i32
    "tpu.region"() ({
      %run_scoped3A = memref.alloca() : memref<2x1x128xi32, #tpu.memory_space<vmem>>
      %run_scoped3A_7 = tpu.sem_alloc : memref<2x!tpu.dma_semaphore, #tpu.memory_space<semaphore_mem>>
      %run_scoped3A_8 = memref.alloca() : memref<2x128x128xf32, #tpu.memory_space<vmem>>
      %run_scoped3A_9 = tpu.sem_alloc : memref<2x!tpu.dma_semaphore, #tpu.memory_space<semaphore_mem>>
      %add3A_10 = arith.constant 0 : i32
      %add3A_11 = arith.addi %add3A_10, %mul3A_6 : i32
      %select_n3A = arith.constant true
      %select_n3A_12 = arith.constant 0 : i32
      %select_n3A_13 = arith.constant -1 : i32
      %select_n3A_14 = arith.select %select_n3A, %select_n3A_13, %select_n3A_12 : i32
      %eq3A = arith.constant -1 : i32
      %eq3A_15 = arith.cmpi eq, %select_n3A_14, %eq3A : i32
      %select_n3A_16 = arith.constant 5 : i32
      %select_n3A_17 = arith.select %eq3A_15, %select_n3A_16, %select_n3A_14 : i32
      %add3A_18 = arith.addi %select_n3A_17, %mul3A_6 : i32
      %select_n3A_19 = arith.constant true
      %select_n3A_20 = arith.constant 0 : i32
      %select_n3A_21 = arith.constant 1 : i32
      %select_n3A_22 = arith.select %select_n3A_19, %select_n3A_21, %select_n3A_20 : i32
      %eq3A_23 = arith.constant 6 : i32
      %eq3A_24 = arith.cmpi eq, %select_n3A_22, %eq3A_23 : i32
      %select_n3A_25 = arith.constant 0 : i32
      %select_n3A_26 = arith.select %eq3A_24, %select_n3A_25, %select_n3A_22 : i32
      %add3A_27 = arith.addi %select_n3A_26, %mul3A_6 : i32
      %add3A_28 = arith.constant 1 : i32
      %add3A_29 = arith.addi %select_n3A_26, %add3A_28 : i32
      %select_n3A_30 = arith.constant true
      %select_n3A_31 = arith.select %select_n3A_30, %add3A_29, %select_n3A_26 : i32
      %eq3A_32 = arith.constant 6 : i32
      %eq3A_33 = arith.cmpi eq, %select_n3A_31, %eq3A_32 : i32
      %select_n3A_34 = arith.constant 0 : i32
      %select_n3A_35 = arith.select %eq3A_33, %select_n3A_34, %select_n3A_31 : i32
      %add3A_36 = arith.addi %select_n3A_35, %mul3A_6 : i32
      "tpu.trace_start"() <{level = 10 : i32, message = "ep_initialize_0"}> : () -> ()
      %rem3A = arith.constant 0 : i32
      %rem3A_37 = arith.constant 2 : i32
      %rem3A_38 = arith.remui %rem3A, %rem3A_37 : i32
      %mul3A_39 = arith.constant 128 : i32
      %mul3A_40 = arith.muli %mul3A_39, %add3A_11 : i32
      %dma_start3A = arith.constant 0 : i32
      %dma_start3A_41 = arith.constant 0 : i32
      %dma_start3A_42 = tpu.memref_slice %run_scoped3A[%rem3A_38, %dma_start3A, %dma_start3A_41] : memref<2x1x128xi32, #tpu.memory_space<vmem>> -> memref<1x1x128xi32, #tpu.memory_space<vmem>>
      %dma_start3A_43 = tpu.memref_squeeze %dma_start3A_42 : memref<1x1x128xi32, #tpu.memory_space<vmem>> -> memref<1x128xi32, #tpu.memory_space<vmem>>
      %dma_start3A_44 = arith.constant 0 : i32
      %dma_start3A_45 = tpu.memref_slice %arg3[%dma_start3A_44, %mul3A_40] : memref<1x24576xi32, #tpu.memory_space<hbm>> -> memref<1x128xi32, #tpu.memory_space<hbm>>
      %dma_start3A_46 = tpu.memref_slice %run_scoped3A_7[%rem3A_38] : memref<2x!tpu.dma_semaphore, #tpu.memory_space<semaphore_mem>> -> memref<1x!tpu.dma_semaphore, #tpu.memory_space<semaphore_mem>>
      %dma_start3A_47 = tpu.memref_squeeze %dma_start3A_46 : memref<1x!tpu.dma_semaphore, #tpu.memory_space<semaphore_mem>> -> memref<!tpu.dma_semaphore, #tpu.memory_space<semaphore_mem>>
      %dma_start3A_48 = arith.constant 0 : i32
      %dma_start3A_49 = arith.constant 0 : i32
      %dma_start3A_50 = tpu.memref_slice %run_scoped3A[%rem3A_38, %dma_start3A_48, %dma_start3A_49] : memref<2x1x128xi32, #tpu.memory_space<vmem>> -> memref<1x1x128xi32, #tpu.memory_space<vmem>>
      %dma_start3A_51 = tpu.memref_squeeze %dma_start3A_50 : memref<1x1x128xi32, #tpu.memory_space<vmem>> -> memref<1x128xi32, #tpu.memory_space<vmem>>
      %dma_start3A_52 = arith.constant 0 : i32
      %dma_start3A_53 = tpu.memref_slice %arg3[%dma_start3A_52, %mul3A_40] : memref<1x24576xi32, #tpu.memory_space<hbm>> -> memref<1x128xi32, #tpu.memory_space<hbm>>
      tpu.enqueue_dma source(%dma_start3A_53 : memref<1x128xi32, #tpu.memory_space<hbm>>) target(%dma_start3A_51 : memref<1x128xi32, #tpu.memory_space<vmem>>) target_semaphore(%dma_start3A_47 : memref<!tpu.dma_semaphore, #tpu.memory_space<semaphore_mem>>)
      %add3A_54 = arith.constant 0 : i32
      %add3A_55 = arith.constant 1 : i32
      %add3A_56 = arith.addi %add3A_54, %add3A_55 : i32
      %select_n3A_57 = arith.constant true
      %select_n3A_58 = arith.constant 0 : i32
      %select_n3A_59 = arith.select %select_n3A_57, %add3A_56, %select_n3A_58 : i32
      "tpu.trace_stop"() : () -> ()
      %scan3A = arith.constant 0 : i32
      %scan3A_60 = arith.constant 0 : i32
      %scan3A_61 = arith.constant 0 : i32
      %scan3A_62 = arith.constant 0 : i32
      %scan3A_63 = arith.constant 0 : i32
      %scan3A_64 = arith.constant 6 : i32
      %scan3A_65 = arith.addi %scan3A_63, %scan3A_64 : i32
      %scan3A_66 = arith.constant 1 : i32
      %scan3A_67:5 = scf.for %scan3A_121 = %scan3A_63 to %scan3A_65 step %scan3A_66 iter_args(%scan3A_122 = %select_n3A_59, %scan3A_123 = %scan3A, %scan3A_124 = %scan3A_60, %scan3A_125 = %scan3A_61, %scan3A_126 = %scan3A_62) -> (i32, i32, i32, i32, i32)  : i32 {
        %eq3A_127 = arith.constant 0 : i32
        %eq3A_128 = arith.cmpi eq, %scan3A_121, %eq3A_127 : i32
        %eq3A_129 = arith.constant 5 : i32
        %eq3A_130 = arith.cmpi eq, %scan3A_121, %eq3A_129 : i32
        %add3A_131 = arith.addi %scan3A_126, %mul3A_6 : i32
        %sub3A_132 = arith.constant 1 : i32
        %sub3A_133 = arith.subi %scan3A_126, %sub3A_132 : i32
        %select_n3A_134 = arith.constant true
        %select_n3A_135 = arith.select %select_n3A_134, %sub3A_133, %scan3A_126 : i32
        %eq3A_136 = arith.constant -1 : i32
        %eq3A_137 = arith.cmpi eq, %select_n3A_135, %eq3A_136 : i32
        %select_n3A_138 = arith.constant 5 : i32
        %select_n3A_139 = arith.select %eq3A_137, %select_n3A_138, %select_n3A_135 : i32
        %add3A_140 = arith.addi %select_n3A_139, %mul3A_6 : i32
        %add3A_141 = arith.constant 1 : i32
        %add3A_142 = arith.addi %scan3A_126, %add3A_141 : i32
        %select_n3A_143 = arith.constant true
        %select_n3A_144 = arith.select %select_n3A_143, %add3A_142, %scan3A_126 : i32
        %eq3A_145 = arith.constant 6 : i32
        %eq3A_146 = arith.cmpi eq, %select_n3A_144, %eq3A_145 : i32
        %select_n3A_147 = arith.constant 0 : i32
        %select_n3A_148 = arith.select %eq3A_146, %select_n3A_147, %select_n3A_144 : i32
        %add3A_149 = arith.addi %select_n3A_148, %mul3A_6 : i32
        %add3A_150 = arith.constant 1 : i32
        %add3A_151 = arith.addi %select_n3A_148, %add3A_150 : i32
        %select_n3A_152 = arith.constant true
        %select_n3A_153 = arith.select %select_n3A_152, %add3A_151, %select_n3A_148 : i32
        %eq3A_154 = arith.constant 6 : i32
        %eq3A_155 = arith.cmpi eq, %select_n3A_153, %eq3A_154 : i32
        %select_n3A_156 = arith.constant 0 : i32
        %select_n3A_157 = arith.select %eq3A_155, %select_n3A_156, %select_n3A_153 : i32
        %add3A_158 = arith.addi %select_n3A_157, %mul3A_6 : i32
        %ne3A = arith.cmpi ne, %add3A_131, %add3A_149 : i32
        %or3A = arith.constant false
        %or3A_159 = arith.ori %or3A, %ne3A : i1
        %ge3A = arith.constant 5 : i32
        %ge3A_160 = arith.cmpi sge, %scan3A_121, %ge3A : i32
        %not3A = arith.constant true
        %not3A_161 = arith.xori %ge3A_160, %not3A : i1
        %and3A = arith.andi %or3A_159, %not3A_161 : i1
        %convert_element_type3A = arith.extui %and3A : i1 to i32
        %cond3A = arith.constant 0 : i32
        %cond3A_162 = arith.cmpi ne, %convert_element_type3A, %cond3A : i32
        scf.if %cond3A_162 {
          "tpu.trace_start"() <{level = 10 : i32, message = "ep_copy_in"}> : () -> ()
          %rem3A_264 = arith.constant 2 : i32
          %rem3A_265 = arith.remui %scan3A_122, %rem3A_264 : i32
          %mul3A_266 = arith.constant 128 : i32
          %mul3A_267 = arith.muli %mul3A_266, %add3A_149 : i32
          %dma_start3A_268 = arith.constant 0 : i32
          %dma_start3A_269 = arith.constant 0 : i32
          %dma_start3A_270 = tpu.memref_slice %run_scoped3A[%rem3A_265, %dma_start3A_268, %dma_start3A_269] : memref<2x1x128xi32, #tpu.memory_space<vmem>> -> memref<1x1x128xi32, #tpu.memory_space<vmem>>
          %dma_start3A_271 = tpu.memref_squeeze %dma_start3A_270 : memref<1x1x128xi32, #tpu.memory_space<vmem>> -> memref<1x128xi32, #tpu.memory_space<vmem>>
          %dma_start3A_272 = arith.constant 0 : i32
          %dma_start3A_273 = tpu.memref_slice %arg3[%dma_start3A_272, %mul3A_267] : memref<1x24576xi32, #tpu.memory_space<hbm>> -> memref<1x128xi32, #tpu.memory_space<hbm>>
          %dma_start3A_274 = tpu.memref_slice %run_scoped3A_7[%rem3A_265] : memref<2x!tpu.dma_semaphore, #tpu.memory_space<semaphore_mem>> -> memref<1x!tpu.dma_semaphore, #tpu.memory_space<semaphore_mem>>
          %dma_start3A_275 = tpu.memref_squeeze %dma_start3A_274 : memref<1x!tpu.dma_semaphore, #tpu.memory_space<semaphore_mem>> -> memref<!tpu.dma_semaphore, #tpu.memory_space<semaphore_mem>>
          %dma_start3A_276 = arith.constant 0 : i32
          %dma_start3A_277 = arith.constant 0 : i32
          %dma_start3A_278 = tpu.memref_slice %run_scoped3A[%rem3A_265, %dma_start3A_276, %dma_start3A_277] : memref<2x1x128xi32, #tpu.memory_space<vmem>> -> memref<1x1x128xi32, #tpu.memory_space<vmem>>
          %dma_start3A_279 = tpu.memref_squeeze %dma_start3A_278 : memref<1x1x128xi32, #tpu.memory_space<vmem>> -> memref<1x128xi32, #tpu.memory_space<vmem>>
          %dma_start3A_280 = arith.constant 0 : i32
          %dma_start3A_281 = tpu.memref_slice %arg3[%dma_start3A_280, %mul3A_267] : memref<1x24576xi32, #tpu.memory_space<hbm>> -> memref<1x128xi32, #tpu.memory_space<hbm>>
          tpu.enqueue_dma source(%dma_start3A_281 : memref<1x128xi32, #tpu.memory_space<hbm>>) target(%dma_start3A_279 : memref<1x128xi32, #tpu.memory_space<vmem>>) target_semaphore(%dma_start3A_275 : memref<!tpu.dma_semaphore, #tpu.memory_space<semaphore_mem>>)
          "tpu.trace_stop"() : () -> ()
        } else {
        }
        %and3A_163 = arith.constant true
        %and3A_164 = arith.andi %and3A, %and3A_163 : i1
        %add3A_165 = arith.constant 1 : i32
        %add3A_166 = arith.addi %scan3A_122, %add3A_165 : i32
        %select_n3A_167 = arith.select %and3A_164, %add3A_166, %scan3A_122 : i32
        %ne3A_168 = arith.cmpi ne, %add3A_131, %add3A_149 : i32
        %or3A_169 = arith.constant false
        %or3A_170 = arith.ori %or3A_169, %ne3A_168 : i1
        %or3A_171 = arith.constant false
        %or3A_172 = arith.ori %or3A_170, %or3A_171 : i1
        %ge3A_173 = arith.constant 5 : i32
        %ge3A_174 = arith.cmpi sge, %scan3A_121, %ge3A_173 : i32
        %not3A_175 = arith.constant true
        %not3A_176 = arith.xori %ge3A_174, %not3A_175 : i1
        %and3A_177 = arith.andi %or3A_172, %not3A_176 : i1
        %ne3A_178 = arith.cmpi ne, %add3A_131, %add3A_140 : i32
        %or3A_179 = arith.constant false
        %or3A_180 = arith.ori %or3A_179, %ne3A_178 : i1
        %or3A_181 = arith.ori %or3A_180, %eq3A_128 : i1
        %convert_element_type3A_182 = arith.extui %or3A_181 : i1 to i32
        %cond3A_183 = arith.constant 0 : i32
        %cond3A_184 = arith.cmpi ne, %convert_element_type3A_182, %cond3A_183 : i32
        scf.if %cond3A_184 {
          "tpu.trace_start"() <{level = 10 : i32, message = "ep_wait_in"}> : () -> ()
          %mul3A_264 = arith.constant 128 : i32
          %mul3A_265 = arith.muli %mul3A_264, %add3A_131 : i32
          %rem3A_266 = arith.constant 2 : i32
          %rem3A_267 = arith.remui %scan3A_123, %rem3A_266 : i32
          %dma_wait3A_268 = arith.constant 0 : i32
          %dma_wait3A_269 = arith.constant 0 : i32
          %dma_wait3A_270 = tpu.memref_slice %run_scoped3A[%rem3A_267, %dma_wait3A_268, %dma_wait3A_269] : memref<2x1x128xi32, #tpu.memory_space<vmem>> -> memref<1x1x128xi32, #tpu.memory_space<vmem>>
          %dma_wait3A_271 = tpu.memref_squeeze %dma_wait3A_270 : memref<1x1x128xi32, #tpu.memory_space<vmem>> -> memref<1x128xi32, #tpu.memory_space<vmem>>
          %dma_wait3A_272 = arith.constant 0 : i32
          %dma_wait3A_273 = tpu.memref_slice %arg3[%dma_wait3A_272, %mul3A_265] : memref<1x24576xi32, #tpu.memory_space<hbm>> -> memref<1x128xi32, #tpu.memory_space<hbm>>
          %dma_wait3A_274 = tpu.memref_slice %run_scoped3A_7[%rem3A_267] : memref<2x!tpu.dma_semaphore, #tpu.memory_space<semaphore_mem>> -> memref<1x!tpu.dma_semaphore, #tpu.memory_space<semaphore_mem>>
          %dma_wait3A_275 = tpu.memref_squeeze %dma_wait3A_274 : memref<1x!tpu.dma_semaphore, #tpu.memory_space<semaphore_mem>> -> memref<!tpu.dma_semaphore, #tpu.memory_space<semaphore_mem>>
          %dma_wait3A_276 = arith.constant 0 : i32
          %dma_wait3A_277 = arith.constant 0 : i32
          %dma_wait3A_278 = tpu.memref_slice %run_scoped3A[%rem3A_267, %dma_wait3A_276, %dma_wait3A_277] : memref<2x1x128xi32, #tpu.memory_space<vmem>> -> memref<1x1x128xi32, #tpu.memory_space<vmem>>
          %dma_wait3A_279 = tpu.memref_squeeze %dma_wait3A_278 : memref<1x1x128xi32, #tpu.memory_space<vmem>> -> memref<1x128xi32, #tpu.memory_space<vmem>>
          %dma_wait3A_280 = arith.constant 0 : i32
          %dma_wait3A_281 = tpu.memref_slice %arg3[%dma_wait3A_280, %mul3A_265] : memref<1x24576xi32, #tpu.memory_space<hbm>> -> memref<1x128xi32, #tpu.memory_space<hbm>>
          tpu.wait_dma2 semaphore(%dma_wait3A_275 : memref<!tpu.dma_semaphore, #tpu.memory_space<semaphore_mem>>) src(%dma_wait3A_281 : memref<1x128xi32, #tpu.memory_space<hbm>>) dst(%dma_wait3A_279 : memref<1x128xi32, #tpu.memory_space<vmem>>)
          "tpu.trace_stop"() : () -> ()
        } else {
        }
        %ne3A_185 = arith.cmpi ne, %add3A_131, %add3A_140 : i32
        %or3A_186 = arith.constant false
        %or3A_187 = arith.ori %or3A_186, %ne3A_185 : i1
        %or3A_188 = arith.constant false
        %or3A_189 = arith.ori %or3A_187, %or3A_188 : i1
        %or3A_190 = arith.ori %or3A_189, %eq3A_128 : i1
        %convert_element_type3A_191 = arith.extui %or3A_190 : i1 to i32
        %cond3A_192 = arith.constant 0 : i32
        %cond3A_193 = arith.cmpi ne, %convert_element_type3A_191, %cond3A_192 : i32
        scf.if %cond3A_193 {
        } else {
        }
        %rem3A_194 = arith.constant 2 : i32
        %rem3A_195 = arith.remui %scan3A_123, %rem3A_194 : i32
        %rem3A_196 = arith.constant 2 : i32
        %rem3A_197 = arith.remui %scan3A_124, %rem3A_196 : i32
        %run_scoped3A_198 = arith.constant 0 : i32
        "tpu.trace_start"() <{level = 10 : i32, message = "ep_run_kernel"}> : () -> ()
        "tpu.region"() ({
          %run_scoped3A_264 = tpu.sem_alloc : memref<!tpu.dma_semaphore, #tpu.memory_space<semaphore_mem>>
          %dma_start3A_265 = arith.constant 0 : i32
          %dma_start3A_266 = arith.constant 0 : i32
          %dma_start3A_267 = tpu.memref_slice %run_scoped3A_8[%rem3A_197, %dma_start3A_265, %dma_start3A_266] : memref<2x128x128xf32, #tpu.memory_space<vmem>> -> memref<1x128x128xf32, #tpu.memory_space<vmem>>
          %dma_start3A_268 = tpu.memref_squeeze %dma_start3A_267 : memref<1x128x128xf32, #tpu.memory_space<vmem>> -> memref<128x128xf32, #tpu.memory_space<vmem>>
          %dma_start3A_269 = arith.constant 0 : i32
          %dma_start3A_270 = arith.constant 0 : i32
          %dma_start3A_271 = tpu.memref_slice %run_scoped3A[%rem3A_195, %dma_start3A_269, %dma_start3A_270] : memref<2x1x128xi32, #tpu.memory_space<vmem>> -> memref<1x1x128xi32, #tpu.memory_space<vmem>>
          %dma_start3A_272 = tpu.memref_squeeze %dma_start3A_271 : memref<1x1x128xi32, #tpu.memory_space<vmem>> -> memref<1x128xi32, #tpu.memory_space<vmem>>
          %dma_start3A_273 = arith.constant 0 : i32
          %dma_start3A_274 = tpu.memref_slice %dma_start3A_272[%run_scoped3A_198, %dma_start3A_273] : memref<1x128xi32, #tpu.memory_space<vmem>> -> memref<1x128xi32, #tpu.memory_space<vmem>>
          %dma_start3A_275 = tpu.memref_squeeze %dma_start3A_274 : memref<1x128xi32, #tpu.memory_space<vmem>> -> memref<128xi32, #tpu.memory_space<vmem>>
          %dma_start3A_276 = arith.constant 0 : i32
          %dma_start3A_277 = arith.constant 0 : i32
          %dma_start3A_278 = tpu.memref_slice %arg2[%dma_start3A_276, %dma_start3A_277] : memref<20000x128xf32, #tpu.memory_space<hbm>> -> memref<20000x128xf32, #tpu.memory_space<hbm>>
          tpu.enqueue_indirect_dma source(%dma_start3A_278 : memref<20000x128xf32, #tpu.memory_space<hbm>>) target(%dma_start3A_268 : memref<128x128xf32, #tpu.memory_space<vmem>>) offsets(%dma_start3A_275 : memref<128xi32, #tpu.memory_space<vmem>>) semaphore(%run_scoped3A_264 : memref<!tpu.dma_semaphore, #tpu.memory_space<semaphore_mem>>)
          %dma_wait3A_279 = arith.constant 0 : i32
          %dma_wait3A_280 = arith.constant 0 : i32
          %dma_wait3A_281 = tpu.memref_slice %run_scoped3A_8[%rem3A_197, %dma_wait3A_279, %dma_wait3A_280] : memref<2x128x128xf32, #tpu.memory_space<vmem>> -> memref<1x128x128xf32, #tpu.memory_space<vmem>>
          %dma_wait3A_282 = tpu.memref_squeeze %dma_wait3A_281 : memref<1x128x128xf32, #tpu.memory_space<vmem>> -> memref<128x128xf32, #tpu.memory_space<vmem>>
          %dma_wait3A_283 = arith.constant 0 : i32
          %dma_wait3A_284 = arith.constant 0 : i32
          %dma_wait3A_285 = tpu.memref_slice %run_scoped3A[%rem3A_195, %dma_wait3A_283, %dma_wait3A_284] : memref<2x1x128xi32, #tpu.memory_space<vmem>> -> memref<1x1x128xi32, #tpu.memory_space<vmem>>
          %dma_wait3A_286 = tpu.memref_squeeze %dma_wait3A_285 : memref<1x1x128xi32, #tpu.memory_space<vmem>> -> memref<1x128xi32, #tpu.memory_space<vmem>>
          %dma_wait3A_287 = arith.constant 0 : i32
          %dma_wait3A_288 = tpu.memref_slice %dma_wait3A_286[%run_scoped3A_198, %dma_wait3A_287] : memref<1x128xi32, #tpu.memory_space<vmem>> -> memref<1x128xi32, #tpu.memory_space<vmem>>
          %dma_wait3A_289 = tpu.memref_squeeze %dma_wait3A_288 : memref<1x128xi32, #tpu.memory_space<vmem>> -> memref<128xi32, #tpu.memory_space<vmem>>
          %dma_wait3A_290 = arith.constant 0 : i32
          %dma_wait3A_291 = arith.constant 0 : i32
          %dma_wait3A_292 = tpu.memref_slice %arg2[%dma_wait3A_290, %dma_wait3A_291] : memref<20000x128xf32, #tpu.memory_space<hbm>> -> memref<20000x128xf32, #tpu.memory_space<hbm>>
          tpu.wait_indirect_dma semaphore(%run_scoped3A_264 : memref<!tpu.dma_semaphore, #tpu.memory_space<semaphore_mem>>) src(%dma_wait3A_292 : memref<20000x128xf32, #tpu.memory_space<hbm>>) dst(%dma_wait3A_282 : memref<128x128xf32, #tpu.memory_space<vmem>>)
          tpu.yield
        }) : () -> ()
        "tpu.trace_stop"() : () -> ()
        %ne3A_199 = arith.cmpi ne, %add3A_131, %add3A_149 : i32
        %or3A_200 = arith.constant false
        %or3A_201 = arith.ori %or3A_200, %ne3A_199 : i1
        %or3A_202 = arith.ori %or3A_201, %eq3A_130 : i1
        %convert_element_type3A_203 = arith.extui %or3A_202 : i1 to i32
        %cond3A_204 = arith.constant 0 : i32
        %cond3A_205 = arith.cmpi ne, %convert_element_type3A_203, %cond3A_204 : i32
        scf.if %cond3A_205 {
        } else {
        }
        %and3A_206 = arith.constant false
        %and3A_207 = arith.andi %or3A_202, %and3A_206 : i1
        %ne3A_208 = arith.cmpi ne, %add3A_131, %add3A_149 : i32
        %or3A_209 = arith.constant false
        %or3A_210 = arith.ori %or3A_209, %ne3A_208 : i1
        %or3A_211 = arith.constant false
        %or3A_212 = arith.ori %or3A_210, %or3A_211 : i1
        %or3A_213 = arith.ori %or3A_212, %eq3A_130 : i1
        %convert_element_type3A_214 = arith.extui %or3A_213 : i1 to i32
        %cond3A_215 = arith.constant 0 : i32
        %cond3A_216 = arith.cmpi ne, %convert_element_type3A_214, %cond3A_215 : i32
        scf.if %cond3A_216 {
          "tpu.trace_start"() <{level = 10 : i32, message = "ep_copy_out"}> : () -> ()
          %rem3A_264 = arith.constant 2 : i32
          %rem3A_265 = arith.remui %scan3A_124, %rem3A_264 : i32
          %mul3A_266 = arith.constant 128 : i32
          %mul3A_267 = arith.muli %mul3A_266, %add3A_131 : i32
          %dma_start3A_268 = arith.constant 0 : i32
          %dma_start3A_269 = arith.constant 0 : i32
          %dma_start3A_270 = tpu.memref_slice %run_scoped3A_8[%rem3A_265, %dma_start3A_268, %dma_start3A_269] : memref<2x128x128xf32, #tpu.memory_space<vmem>> -> memref<1x128x128xf32, #tpu.memory_space<vmem>>
          %dma_start3A_271 = tpu.memref_squeeze %dma_start3A_270 : memref<1x128x128xf32, #tpu.memory_space<vmem>> -> memref<128x128xf32, #tpu.memory_space<vmem>>
          %dma_start3A_272 = arith.constant 0 : i32
          %dma_start3A_273 = tpu.memref_slice %arg4[%mul3A_267, %dma_start3A_272] : memref<24576x128xf32, #tpu.memory_space<hbm>> -> memref<128x128xf32, #tpu.memory_space<hbm>>
          %dma_start3A_274 = tpu.memref_slice %run_scoped3A_9[%rem3A_265] : memref<2x!tpu.dma_semaphore, #tpu.memory_space<semaphore_mem>> -> memref<1x!tpu.dma_semaphore, #tpu.memory_space<semaphore_mem>>
          %dma_start3A_275 = tpu.memref_squeeze %dma_start3A_274 : memref<1x!tpu.dma_semaphore, #tpu.memory_space<semaphore_mem>> -> memref<!tpu.dma_semaphore, #tpu.memory_space<semaphore_mem>>
          %dma_start3A_276 = arith.constant 0 : i32
          %dma_start3A_277 = tpu.memref_slice %arg4[%mul3A_267, %dma_start3A_276] : memref<24576x128xf32, #tpu.memory_space<hbm>> -> memref<128x128xf32, #tpu.memory_space<hbm>>
          %dma_start3A_278 = arith.constant 0 : i32
          %dma_start3A_279 = arith.constant 0 : i32
          %dma_start3A_280 = tpu.memref_slice %run_scoped3A_8[%rem3A_265, %dma_start3A_278, %dma_start3A_279] : memref<2x128x128xf32, #tpu.memory_space<vmem>> -> memref<1x128x128xf32, #tpu.memory_space<vmem>>
          %dma_start3A_281 = tpu.memref_squeeze %dma_start3A_280 : memref<1x128x128xf32, #tpu.memory_space<vmem>> -> memref<128x128xf32, #tpu.memory_space<vmem>>
          tpu.enqueue_dma source(%dma_start3A_281 : memref<128x128xf32, #tpu.memory_space<vmem>>) target(%dma_start3A_277 : memref<128x128xf32, #tpu.memory_space<hbm>>) target_semaphore(%dma_start3A_275 : memref<!tpu.dma_semaphore, #tpu.memory_space<semaphore_mem>>)
          "tpu.trace_stop"() : () -> ()
        } else {
        }
        %and3A_217 = arith.constant true
        %and3A_218 = arith.andi %or3A_213, %and3A_217 : i1
        %add3A_219 = arith.constant 1 : i32
        %add3A_220 = arith.addi %scan3A_124, %add3A_219 : i32
        %select_n3A_221 = arith.select %and3A_218, %add3A_220, %scan3A_124 : i32
        %ne3A_222 = arith.cmpi ne, %add3A_131, %add3A_140 : i32
        %or3A_223 = arith.constant false
        %or3A_224 = arith.ori %or3A_223, %ne3A_222 : i1
        %not3A_225 = arith.constant true
        %not3A_226 = arith.xori %eq3A_128, %not3A_225 : i1
        %and3A_227 = arith.andi %or3A_224, %not3A_226 : i1
        %convert_element_type3A_228 = arith.extui %and3A_227 : i1 to i32
        %cond3A_229 = arith.constant 0 : i32
        %cond3A_230 = arith.cmpi ne, %convert_element_type3A_228, %cond3A_229 : i32
        scf.if %cond3A_230 {
        } else {
        }
        %and3A_231 = arith.constant false
        %and3A_232 = arith.andi %and3A_227, %and3A_231 : i1
        %ne3A_233 = arith.cmpi ne, %add3A_131, %add3A_140 : i32
        %or3A_234 = arith.constant false
        %or3A_235 = arith.ori %or3A_234, %ne3A_233 : i1
        %or3A_236 = arith.constant false
        %or3A_237 = arith.ori %or3A_235, %or3A_236 : i1
        %not3A_238 = arith.constant true
        %not3A_239 = arith.xori %eq3A_128, %not3A_238 : i1
        %and3A_240 = arith.andi %or3A_237, %not3A_239 : i1
        %convert_element_type3A_241 = arith.extui %and3A_240 : i1 to i32
        %cond3A_242 = arith.constant 0 : i32
        %cond3A_243 = arith.cmpi ne, %convert_element_type3A_241, %cond3A_242 : i32
        scf.if %cond3A_243 {
          "tpu.trace_start"() <{level = 10 : i32, message = "ep_wait_out"}> : () -> ()
          %rem3A_264 = arith.constant 2 : i32
          %rem3A_265 = arith.remui %scan3A_125, %rem3A_264 : i32
          %mul3A_266 = arith.constant 128 : i32
          %mul3A_267 = arith.muli %mul3A_266, %add3A_140 : i32
          %dma_wait3A_268 = arith.constant 0 : i32
          %dma_wait3A_269 = arith.constant 0 : i32
          %dma_wait3A_270 = tpu.memref_slice %run_scoped3A_8[%rem3A_265, %dma_wait3A_268, %dma_wait3A_269] : memref<2x128x128xf32, #tpu.memory_space<vmem>> -> memref<1x128x128xf32, #tpu.memory_space<vmem>>
          %dma_wait3A_271 = tpu.memref_squeeze %dma_wait3A_270 : memref<1x128x128xf32, #tpu.memory_space<vmem>> -> memref<128x128xf32, #tpu.memory_space<vmem>>
          %dma_wait3A_272 = arith.constant 0 : i32
          %dma_wait3A_273 = tpu.memref_slice %arg4[%mul3A_267, %dma_wait3A_272] : memref<24576x128xf32, #tpu.memory_space<hbm>> -> memref<128x128xf32, #tpu.memory_space<hbm>>
          %dma_wait3A_274 = tpu.memref_slice %run_scoped3A_9[%rem3A_265] : memref<2x!tpu.dma_semaphore, #tpu.memory_space<semaphore_mem>> -> memref<1x!tpu.dma_semaphore, #tpu.memory_space<semaphore_mem>>
          %dma_wait3A_275 = tpu.memref_squeeze %dma_wait3A_274 : memref<1x!tpu.dma_semaphore, #tpu.memory_space<semaphore_mem>> -> memref<!tpu.dma_semaphore, #tpu.memory_space<semaphore_mem>>
          %dma_wait3A_276 = arith.constant 0 : i32
          %dma_wait3A_277 = tpu.memref_slice %arg4[%mul3A_267, %dma_wait3A_276] : memref<24576x128xf32, #tpu.memory_space<hbm>> -> memref<128x128xf32, #tpu.memory_space<hbm>>
          %dma_wait3A_278 = arith.constant 0 : i32
          %dma_wait3A_279 = arith.constant 0 : i32
          %dma_wait3A_280 = tpu.memref_slice %run_scoped3A_8[%rem3A_265, %dma_wait3A_278, %dma_wait3A_279] : memref<2x128x128xf32, #tpu.memory_space<vmem>> -> memref<1x128x128xf32, #tpu.memory_space<vmem>>
          %dma_wait3A_281 = tpu.memref_squeeze %dma_wait3A_280 : memref<1x128x128xf32, #tpu.memory_space<vmem>> -> memref<128x128xf32, #tpu.memory_space<vmem>>
          tpu.wait_dma2 semaphore(%dma_wait3A_275 : memref<!tpu.dma_semaphore, #tpu.memory_space<semaphore_mem>>) src(%dma_wait3A_281 : memref<128x128xf32, #tpu.memory_space<vmem>>) dst(%dma_wait3A_277 : memref<128x128xf32, #tpu.memory_space<hbm>>)
          "tpu.trace_stop"() : () -> ()
        } else {
        }
        %and3A_244 = arith.constant true
        %and3A_245 = arith.andi %and3A_240, %and3A_244 : i1
        %add3A_246 = arith.constant 1 : i32
        %add3A_247 = arith.addi %scan3A_125, %add3A_246 : i32
        %select_n3A_248 = arith.select %and3A_245, %add3A_247, %scan3A_125 : i32
        %ne3A_249 = arith.cmpi ne, %add3A_131, %add3A_149 : i32
        %or3A_250 = arith.constant false
        %or3A_251 = arith.ori %or3A_250, %ne3A_249 : i1
        %or3A_252 = arith.ori %or3A_251, %eq3A_130 : i1
        %add3A_253 = arith.constant 1 : i32
        %add3A_254 = arith.addi %scan3A_123, %add3A_253 : i32
        %select_n3A_255 = arith.select %or3A_252, %add3A_254, %scan3A_123 : i32
        %add3A_256 = arith.constant 1 : i32
        %add3A_257 = arith.addi %scan3A_126, %add3A_256 : i32
        %select_n3A_258 = arith.constant true
        %select_n3A_259 = arith.select %select_n3A_258, %add3A_257, %scan3A_126 : i32
        %eq3A_260 = arith.constant 6 : i32
        %eq3A_261 = arith.cmpi eq, %select_n3A_259, %eq3A_260 : i32
        %select_n3A_262 = arith.constant 0 : i32
        %select_n3A_263 = arith.select %eq3A_261, %select_n3A_262, %select_n3A_259 : i32
        scf.yield %select_n3A_167, %select_n3A_255, %select_n3A_221, %select_n3A_248, %select_n3A_263 : i32, i32, i32, i32, i32
      }
      %scan3A_68 = arith.constant 6 : i32
      %sub3A = arith.constant 1 : i32
      %sub3A_69 = arith.subi %scan3A_67#4, %sub3A : i32
      %select_n3A_70 = arith.constant true
      %select_n3A_71 = arith.select %select_n3A_70, %sub3A_69, %scan3A_67#4 : i32
      %eq3A_72 = arith.constant -1 : i32
      %eq3A_73 = arith.cmpi eq, %select_n3A_71, %eq3A_72 : i32
      %select_n3A_74 = arith.constant 5 : i32
      %select_n3A_75 = arith.select %eq3A_73, %select_n3A_74, %select_n3A_71 : i32
      %add3A_76 = arith.addi %select_n3A_75, %mul3A_6 : i32
      %sub3A_77 = arith.constant 1 : i32
      %sub3A_78 = arith.subi %select_n3A_75, %sub3A_77 : i32
      %select_n3A_79 = arith.constant true
      %select_n3A_80 = arith.select %select_n3A_79, %sub3A_78, %select_n3A_75 : i32
      %eq3A_81 = arith.constant -1 : i32
      %eq3A_82 = arith.cmpi eq, %select_n3A_80, %eq3A_81 : i32
      %select_n3A_83 = arith.constant 5 : i32
      %select_n3A_84 = arith.select %eq3A_82, %select_n3A_83, %select_n3A_80 : i32
      %add3A_85 = arith.addi %select_n3A_84, %mul3A_6 : i32
      %add3A_86 = arith.constant 1 : i32
      %add3A_87 = arith.addi %select_n3A_75, %add3A_86 : i32
      %select_n3A_88 = arith.constant true
      %select_n3A_89 = arith.select %select_n3A_88, %add3A_87, %select_n3A_75 : i32
      %eq3A_90 = arith.constant 6 : i32
      %eq3A_91 = arith.cmpi eq, %select_n3A_89, %eq3A_90 : i32
      %select_n3A_92 = arith.constant 0 : i32
      %select_n3A_93 = arith.select %eq3A_91, %select_n3A_92, %select_n3A_89 : i32
      %add3A_94 = arith.addi %select_n3A_93, %mul3A_6 : i32
      %add3A_95 = arith.constant 1 : i32
      %add3A_96 = arith.addi %select_n3A_93, %add3A_95 : i32
      %select_n3A_97 = arith.constant true
      %select_n3A_98 = arith.select %select_n3A_97, %add3A_96, %select_n3A_93 : i32
      %eq3A_99 = arith.constant 6 : i32
      %eq3A_100 = arith.cmpi eq, %select_n3A_98, %eq3A_99 : i32
      %select_n3A_101 = arith.constant 0 : i32
      %select_n3A_102 = arith.select %eq3A_100, %select_n3A_101, %select_n3A_98 : i32
      %add3A_103 = arith.addi %select_n3A_102, %mul3A_6 : i32
      "tpu.trace_start"() <{level = 10 : i32, message = "ep_finalize"}> : () -> ()
      %rem3A_104 = arith.constant 2 : i32
      %rem3A_105 = arith.remui %scan3A_67#3, %rem3A_104 : i32
      %mul3A_106 = arith.constant 128 : i32
      %mul3A_107 = arith.muli %mul3A_106, %add3A_76 : i32
      %dma_wait3A = arith.constant 0 : i32
      %dma_wait3A_108 = arith.constant 0 : i32
      %dma_wait3A_109 = tpu.memref_slice %run_scoped3A_8[%rem3A_105, %dma_wait3A, %dma_wait3A_108] : memref<2x128x128xf32, #tpu.memory_space<vmem>> -> memref<1x128x128xf32, #tpu.memory_space<vmem>>
      %dma_wait3A_110 = tpu.memref_squeeze %dma_wait3A_109 : memref<1x128x128xf32, #tpu.memory_space<vmem>> -> memref<128x128xf32, #tpu.memory_space<vmem>>
      %dma_wait3A_111 = arith.constant 0 : i32
      %dma_wait3A_112 = tpu.memref_slice %arg4[%mul3A_107, %dma_wait3A_111] : memref<24576x128xf32, #tpu.memory_space<hbm>> -> memref<128x128xf32, #tpu.memory_space<hbm>>
      %dma_wait3A_113 = tpu.memref_slice %run_scoped3A_9[%rem3A_105] : memref<2x!tpu.dma_semaphore, #tpu.memory_space<semaphore_mem>> -> memref<1x!tpu.dma_semaphore, #tpu.memory_space<semaphore_mem>>
      %dma_wait3A_114 = tpu.memref_squeeze %dma_wait3A_113 : memref<1x!tpu.dma_semaphore, #tpu.memory_space<semaphore_mem>> -> memref<!tpu.dma_semaphore, #tpu.memory_space<semaphore_mem>>
      %dma_wait3A_115 = arith.constant 0 : i32
      %dma_wait3A_116 = tpu.memref_slice %arg4[%mul3A_107, %dma_wait3A_115] : memref<24576x128xf32, #tpu.memory_space<hbm>> -> memref<128x128xf32, #tpu.memory_space<hbm>>
      %dma_wait3A_117 = arith.constant 0 : i32
      %dma_wait3A_118 = arith.constant 0 : i32
      %dma_wait3A_119 = tpu.memref_slice %run_scoped3A_8[%rem3A_105, %dma_wait3A_117, %dma_wait3A_118] : memref<2x128x128xf32, #tpu.memory_space<vmem>> -> memref<1x128x128xf32, #tpu.memory_space<vmem>>
      %dma_wait3A_120 = tpu.memref_squeeze %dma_wait3A_119 : memref<1x128x128xf32, #tpu.memory_space<vmem>> -> memref<128x128xf32, #tpu.memory_space<vmem>>
      tpu.wait_dma2 semaphore(%dma_wait3A_114 : memref<!tpu.dma_semaphore, #tpu.memory_space<semaphore_mem>>) src(%dma_wait3A_120 : memref<128x128xf32, #tpu.memory_space<vmem>>) dst(%dma_wait3A_116 : memref<128x128xf32, #tpu.memory_space<hbm>>)
      "tpu.trace_stop"() : () -> ()
      tpu.yield
    }) : () -> ()
    return
  }
}

module attributes {stable_mosaic.version = 14 : i64} {
  func.func @_node_proj_body(%arg0: i32, %arg1: memref<2000x172xf32, #tpu.memory_space<vmem>>, %arg2: memref<172x128xf32, #tpu.memory_space<vmem>>, %arg3: memref<172x128xf32, #tpu.memory_space<vmem>>, %arg4: memref<172x128xf32, #tpu.memory_space<vmem>>, %arg5: memref<172x128xf32, #tpu.memory_space<vmem>>, %arg6: memref<2000x256xf32, #tpu.memory_space<vmem>>, %arg7: memref<2000x128xf32, #tpu.memory_space<vmem>>, %arg8: memref<2000x128xf32, #tpu.memory_space<vmem>>) attributes {dimension_semantics = [#tpu.dimension_semantics<arbitrary>], iteration_bounds = array<i64: 50>, scalar_prefetch = 0 : i64, scratch_operands = 0 : i64, tpu.core_type = #tpu.core_type<tc>, window_params = [{transform_indices = @transform_0, window_bounds = array<i64: 2000, 172>}, {pipeline_mode = #tpu.pipeline_mode<synchronous>, transform_indices = @transform_1, window_bounds = array<i64: 172, 128>}, {pipeline_mode = #tpu.pipeline_mode<synchronous>, transform_indices = @transform_2, window_bounds = array<i64: 172, 128>}, {pipeline_mode = #tpu.pipeline_mode<synchronous>, transform_indices = @transform_3, window_bounds = array<i64: 172, 128>}, {pipeline_mode = #tpu.pipeline_mode<synchronous>, transform_indices = @transform_4, window_bounds = array<i64: 172, 128>}, {transform_indices = @transform_5, window_bounds = array<i64: 2000, 256>}, {transform_indices = @transform_6, window_bounds = array<i64: 2000, 128>}, {transform_indices = @transform_7, window_bounds = array<i64: 2000, 128>}]} {
    %get3A = arith.constant 0 : index
    %get3A_0 = arith.constant 0 : index
    %get3A_1 = vector.load %arg1[%get3A, %get3A_0] : memref<2000x172xf32, #tpu.memory_space<vmem>>, vector<2000x172xf32>
    %get3A_2 = arith.constant 0 : index
    %get3A_3 = arith.constant 0 : index
    %get3A_4 = vector.load %arg3[%get3A_2, %get3A_3] : memref<172x128xf32, #tpu.memory_space<vmem>>, vector<172x128xf32>
    %dot_general3A = arith.constant dense<0.000000e+00> : vector<2000x128xf32>
    %dot_general3A_5 = tpu.matmul %get3A_1, %get3A_4, %dot_general3A {dimension_numbers = #tpu.dot_dimension_numbers<[1], [0], [0], [1], [0, 0, 1, 1], [], []>, transpose_lhs_hint = false} : vector<2000x172xf32>, vector<172x128xf32>, vector<2000x128xf32> -> vector<2000x128xf32>
    %swap3A = arith.constant 0 : index
    %swap3A_6 = arith.constant 0 : index
    %swap3A_7 = vector.load %arg6[%swap3A, %swap3A_6] : memref<2000x256xf32, #tpu.memory_space<vmem>>, vector<2000x128xf32>
    tpu.vector_store %arg6[%swap3A, %swap3A_6], %dot_general3A_5 {strides = array<i32>} : memref<2000x256xf32, #tpu.memory_space<vmem>>, vector<2000x128xf32>,
    %get3A_8 = arith.constant 0 : index
    %get3A_9 = arith.constant 0 : index
    %get3A_10 = vector.load %arg4[%get3A_8, %get3A_9] : memref<172x128xf32, #tpu.memory_space<vmem>>, vector<172x128xf32>
    %dot_general3A_11 = arith.constant dense<0.000000e+00> : vector<2000x128xf32>
    %dot_general3A_12 = tpu.matmul %get3A_1, %get3A_10, %dot_general3A_11 {dimension_numbers = #tpu.dot_dimension_numbers<[1], [0], [0], [1], [0, 0, 1, 1], [], []>, transpose_lhs_hint = false} : vector<2000x172xf32>, vector<172x128xf32>, vector<2000x128xf32> -> vector<2000x128xf32>
    %swap3A_13 = arith.constant 0 : index
    %swap3A_14 = arith.constant 128 : index
    %swap3A_15 = vector.load %arg6[%swap3A_13, %swap3A_14] : memref<2000x256xf32, #tpu.memory_space<vmem>>, vector<2000x128xf32>
    tpu.vector_store %arg6[%swap3A_13, %swap3A_14], %dot_general3A_12 {strides = array<i32>} : memref<2000x256xf32, #tpu.memory_space<vmem>>, vector<2000x128xf32>,
    %get3A_16 = arith.constant 0 : index
    %get3A_17 = arith.constant 0 : index
    %get3A_18 = vector.load %arg2[%get3A_16, %get3A_17] : memref<172x128xf32, #tpu.memory_space<vmem>>, vector<172x128xf32>
    %dot_general3A_19 = arith.constant dense<0.000000e+00> : vector<2000x128xf32>
    %dot_general3A_20 = tpu.matmul %get3A_1, %get3A_18, %dot_general3A_19 {dimension_numbers = #tpu.dot_dimension_numbers<[1], [0], [0], [1], [0, 0, 1, 1], [], []>, transpose_lhs_hint = false} : vector<2000x172xf32>, vector<172x128xf32>, vector<2000x128xf32> -> vector<2000x128xf32>
    %swap3A_21 = arith.constant 0 : index
    %swap3A_22 = arith.constant 0 : index
    %swap3A_23 = vector.load %arg7[%swap3A_21, %swap3A_22] : memref<2000x128xf32, #tpu.memory_space<vmem>>, vector<2000x128xf32>
    tpu.vector_store %arg7[%swap3A_21, %swap3A_22], %dot_general3A_20 {strides = array<i32>} : memref<2000x128xf32, #tpu.memory_space<vmem>>, vector<2000x128xf32>,
    %get3A_24 = arith.constant 0 : index
    %get3A_25 = arith.constant 0 : index
    %get3A_26 = vector.load %arg5[%get3A_24, %get3A_25] : memref<172x128xf32, #tpu.memory_space<vmem>>, vector<172x128xf32>
    %dot_general3A_27 = arith.constant dense<0.000000e+00> : vector<2000x128xf32>
    %dot_general3A_28 = tpu.matmul %get3A_1, %get3A_26, %dot_general3A_27 {dimension_numbers = #tpu.dot_dimension_numbers<[1], [0], [0], [1], [0, 0, 1, 1], [], []>, transpose_lhs_hint = false} : vector<2000x172xf32>, vector<172x128xf32>, vector<2000x128xf32> -> vector<2000x128xf32>
    %swap3A_29 = arith.constant 0 : index
    %swap3A_30 = arith.constant 0 : index
    %swap3A_31 = vector.load %arg8[%swap3A_29, %swap3A_30] : memref<2000x128xf32, #tpu.memory_space<vmem>>, vector<2000x128xf32>
    tpu.vector_store %arg8[%swap3A_29, %swap3A_30], %dot_general3A_28 {strides = array<i32>} : memref<2000x128xf32, #tpu.memory_space<vmem>>, vector<2000x128xf32>,
    return
  }
  func.func @transform_0(%arg0: i32) -> (i32, i32) {
    %c0_i32 = arith.constant 0 : i32
    %c0_i32_0 = arith.constant 0 : i32
    return %arg0, %c0_i32 : i32, i32
  }
  func.func @transform_1(%arg0: i32) -> (i32, i32) {
    %c0_i32 = arith.constant 0 : i32
    %c0_i32_0 = arith.constant 0 : i32
    %c0_i32_1 = arith.constant 0 : i32
    return %c0_i32, %c0_i32_0 : i32, i32
  }
  func.func @transform_2(%arg0: i32) -> (i32, i32) {
    %c0_i32 = arith.constant 0 : i32
    %c0_i32_0 = arith.constant 0 : i32
    %c0_i32_1 = arith.constant 0 : i32
    return %c0_i32, %c0_i32_0 : i32, i32
  }
  func.func @transform_3(%arg0: i32) -> (i32, i32) {
    %c0_i32 = arith.constant 0 : i32
    %c0_i32_0 = arith.constant 0 : i32
    %c0_i32_1 = arith.constant 0 : i32
    return %c0_i32, %c0_i32_0 : i32, i32
  }
  func.func @transform_4(%arg0: i32) -> (i32, i32) {
    %c0_i32 = arith.constant 0 : i32
    %c0_i32_0 = arith.constant 0 : i32
    %c0_i32_1 = arith.constant 0 : i32
    return %c0_i32, %c0_i32_0 : i32, i32
  }
  func.func @transform_5(%arg0: i32) -> (i32, i32) {
    %c0_i32 = arith.constant 0 : i32
    %c0_i32_0 = arith.constant 0 : i32
    return %arg0, %c0_i32 : i32, i32
  }
  func.func @transform_6(%arg0: i32) -> (i32, i32) {
    %c0_i32 = arith.constant 0 : i32
    %c0_i32_0 = arith.constant 0 : i32
    return %arg0, %c0_i32 : i32, i32
  }
  func.func @transform_7(%arg0: i32) -> (i32, i32) {
    %c0_i32 = arith.constant 0 : i32
    %c0_i32_0 = arith.constant 0 : i32
    return %arg0, %c0_i32 : i32, i32
  }
}

module attributes {stable_mosaic.version = 14 : i64} {
  func.func @_event_proj_body(%arg0: i32, %arg1: memref<2000x1xf32, #tpu.memory_space<vmem>>, %arg2: memref<1x100xf32, #tpu.memory_space<vmem>>, %arg3: memref<1x100xf32, #tpu.memory_space<vmem>>, %arg4: memref<2000x172xf32, #tpu.memory_space<vmem>>, %arg5: memref<100x128xf32, #tpu.memory_space<vmem>>, %arg6: memref<172x128xf32, #tpu.memory_space<vmem>>, %arg7: memref<2000x128xf32, #tpu.memory_space<vmem>>) attributes {dimension_semantics = [#tpu.dimension_semantics<arbitrary>], iteration_bounds = array<i64: 100>, scalar_prefetch = 0 : i64, scratch_operands = 0 : i64, tpu.core_type = #tpu.core_type<tc>, window_params = [{transform_indices = @transform_0, window_bounds = array<i64: 2000, 1>}, {pipeline_mode = #tpu.pipeline_mode<synchronous>, transform_indices = @transform_1, window_bounds = array<i64: 1, 100>}, {pipeline_mode = #tpu.pipeline_mode<synchronous>, transform_indices = @transform_2, window_bounds = array<i64: 1, 100>}, {transform_indices = @transform_3, window_bounds = array<i64: 2000, 172>}, {pipeline_mode = #tpu.pipeline_mode<synchronous>, transform_indices = @transform_4, window_bounds = array<i64: 100, 128>}, {pipeline_mode = #tpu.pipeline_mode<synchronous>, transform_indices = @transform_5, window_bounds = array<i64: 172, 128>}, {transform_indices = @transform_6, window_bounds = array<i64: 2000, 128>}]} {
    %get3A = arith.constant 0 : index
    %get3A_0 = arith.constant 0 : index
    %get3A_1 = vector.load %arg1[%get3A, %get3A_0] : memref<2000x1xf32, #tpu.memory_space<vmem>>, vector<2000x1xf32>
    %get3A_2 = arith.constant 0 : index
    %get3A_3 = arith.constant 0 : index
    %get3A_4 = vector.load %arg2[%get3A_2, %get3A_3] : memref<1x100xf32, #tpu.memory_space<vmem>>, vector<1x100xf32>
    %mul3A = vector.broadcast %get3A_1 : vector<2000x1xf32> to vector<2000x100xf32>
    %mul3A_5 = vector.broadcast %get3A_4 : vector<1x100xf32> to vector<2000x100xf32>
    %mul3A_6 = arith.mulf %mul3A, %mul3A_5 : vector<2000x100xf32>
    %get3A_7 = arith.constant 0 : index
    %get3A_8 = arith.constant 0 : index
    %get3A_9 = vector.load %arg3[%get3A_7, %get3A_8] : memref<1x100xf32, #tpu.memory_space<vmem>>, vector<1x100xf32>
    %add3A = vector.broadcast %get3A_9 : vector<1x100xf32> to vector<2000x100xf32>
    %add3A_10 = arith.addf %mul3A_6, %add3A : vector<2000x100xf32>
    %cos3A = math.cos %add3A_10 : vector<2000x100xf32>
    %get3A_11 = arith.constant 0 : index
    %get3A_12 = arith.constant 0 : index
    %get3A_13 = vector.load %arg5[%get3A_11, %get3A_12] : memref<100x128xf32, #tpu.memory_space<vmem>>, vector<100x128xf32>
    %dot_general3A = arith.constant dense<0.000000e+00> : vector<2000x128xf32>
    %dot_general3A_14 = tpu.matmul %cos3A, %get3A_13, %dot_general3A {dimension_numbers = #tpu.dot_dimension_numbers<[1], [0], [0], [1], [0, 0, 1, 1], [], []>, transpose_lhs_hint = false} : vector<2000x100xf32>, vector<100x128xf32>, vector<2000x128xf32> -> vector<2000x128xf32>
    %get3A_15 = arith.constant 0 : index
    %get3A_16 = arith.constant 0 : index
    %get3A_17 = vector.load %arg4[%get3A_15, %get3A_16] : memref<2000x172xf32, #tpu.memory_space<vmem>>, vector<2000x172xf32>
    %get3A_18 = arith.constant 0 : index
    %get3A_19 = arith.constant 0 : index
    %get3A_20 = vector.load %arg6[%get3A_18, %get3A_19] : memref<172x128xf32, #tpu.memory_space<vmem>>, vector<172x128xf32>
    %dot_general3A_21 = arith.constant dense<0.000000e+00> : vector<2000x128xf32>
    %dot_general3A_22 = tpu.matmul %get3A_17, %get3A_20, %dot_general3A_21 {dimension_numbers = #tpu.dot_dimension_numbers<[1], [0], [0], [1], [0, 0, 1, 1], [], []>, transpose_lhs_hint = false} : vector<2000x172xf32>, vector<172x128xf32>, vector<2000x128xf32> -> vector<2000x128xf32>
    %add3A_23 = arith.addf %dot_general3A_14, %dot_general3A_22 : vector<2000x128xf32>
    %swap3A = arith.constant 0 : index
    %swap3A_24 = arith.constant 0 : index
    %swap3A_25 = vector.load %arg7[%swap3A, %swap3A_24] : memref<2000x128xf32, #tpu.memory_space<vmem>>, vector<2000x128xf32>
    tpu.vector_store %arg7[%swap3A, %swap3A_24], %add3A_23 {strides = array<i32>} : memref<2000x128xf32, #tpu.memory_space<vmem>>, vector<2000x128xf32>,
    return
  }
  func.func @transform_0(%arg0: i32) -> (i32, i32) {
    %c0_i32 = arith.constant 0 : i32
    %c0_i32_0 = arith.constant 0 : i32
    return %arg0, %c0_i32 : i32, i32
  }
  func.func @transform_1(%arg0: i32) -> (i32, i32) {
    %c0_i32 = arith.constant 0 : i32
    %c0_i32_0 = arith.constant 0 : i32
    %c0_i32_1 = arith.constant 0 : i32
    return %c0_i32, %c0_i32_0 : i32, i32
  }
  func.func @transform_2(%arg0: i32) -> (i32, i32) {
    %c0_i32 = arith.constant 0 : i32
    %c0_i32_0 = arith.constant 0 : i32
    %c0_i32_1 = arith.constant 0 : i32
    return %c0_i32, %c0_i32_0 : i32, i32
  }
  func.func @transform_3(%arg0: i32) -> (i32, i32) {
    %c0_i32 = arith.constant 0 : i32
    %c0_i32_0 = arith.constant 0 : i32
    return %arg0, %c0_i32 : i32, i32
  }
  func.func @transform_4(%arg0: i32) -> (i32, i32) {
    %c0_i32 = arith.constant 0 : i32
    %c0_i32_0 = arith.constant 0 : i32
    %c0_i32_1 = arith.constant 0 : i32
    return %c0_i32, %c0_i32_0 : i32, i32
  }
  func.func @transform_5(%arg0: i32) -> (i32, i32) {
    %c0_i32 = arith.constant 0 : i32
    %c0_i32_0 = arith.constant 0 : i32
    %c0_i32_1 = arith.constant 0 : i32
    return %c0_i32, %c0_i32_0 : i32, i32
  }
  func.func @transform_6(%arg0: i32) -> (i32, i32) {
    %c0_i32 = arith.constant 0 : i32
    %c0_i32_0 = arith.constant 0 : i32
    return %arg0, %c0_i32 : i32, i32
  }
}

module attributes {stable_mosaic.version = 14 : i64} {
  func.func @_edge_math_body(%arg0: i32, %arg1: memref<2048x256xf32, #tpu.memory_space<vmem>>, %arg2: memref<2048x128xf32, #tpu.memory_space<vmem>>, %arg3: memref<2048x128xf32, #tpu.memory_space<vmem>>, %arg4: memref<2x2048x128xf32, #tpu.memory_space<vmem>>) attributes {dimension_semantics = [#tpu.dimension_semantics<arbitrary>], iteration_bounds = array<i64: 98>, scalar_prefetch = 0 : i64, scratch_operands = 0 : i64, tpu.core_type = #tpu.core_type<tc>, window_params = [{transform_indices = @transform_0, window_bounds = array<i64: 2048, 256>}, {transform_indices = @transform_1, window_bounds = array<i64: 2048, 128>}, {transform_indices = @transform_2, window_bounds = array<i64: 2048, 128>}, {transform_indices = @transform_3, window_bounds = array<i64: 2, 2048, 128>}]} {
    %get3A = arith.constant 0 : index
    %get3A_0 = arith.constant 0 : index
    %get3A_1 = vector.load %arg3[%get3A, %get3A_0] : memref<2048x128xf32, #tpu.memory_space<vmem>>, vector<2048x128xf32>
    %get3A_2 = arith.constant 0 : index
    %get3A_3 = arith.constant 0 : index
    %get3A_4 = vector.load %arg1[%get3A_2, %get3A_3] : memref<2048x256xf32, #tpu.memory_space<vmem>>, vector<2048x128xf32>
    %add3A = arith.addf %get3A_4, %get3A_1 : vector<2048x128xf32>
    %get3A_5 = arith.constant 0 : index
    %get3A_6 = arith.constant 128 : index
    %get3A_7 = vector.load %arg1[%get3A_5, %get3A_6] : memref<2048x256xf32, #tpu.memory_space<vmem>>, vector<2048x128xf32>
    %add3A_8 = arith.addf %get3A_7, %get3A_1 : vector<2048x128xf32>
    %get3A_9 = arith.constant 0 : index
    %get3A_10 = arith.constant 0 : index
    %get3A_11 = vector.load %arg2[%get3A_9, %get3A_10] : memref<2048x128xf32, #tpu.memory_space<vmem>>, vector<2048x128xf32>
    %mul3A = arith.mulf %get3A_11, %add3A : vector<2048x128xf32>
    %slice3A = vector.extract_strided_slice %mul3A {offsets = [0, 0], sizes = [2048, 64], strides = [1, 1]} : vector<2048x128xf32> to vector<2048x64xf32>
    %reduce_sum3A = arith.constant dense<0.000000e+00> : vector<2048xf32>
    %reduce_sum3A_12 = vector.multi_reduction <add>, %slice3A, %reduce_sum3A [1] : vector<2048x64xf32> to vector<2048xf32>
    %broadcast_in_dim3A = vector.shape_cast %reduce_sum3A_12 : vector<2048xf32> to vector<2048x1xf32>
    %mul3A_13 = arith.constant 1.250000e-01 : f32
    %mul3A_14 = vector.broadcast %mul3A_13 : f32 to vector<2048x1xf32>
    %mul3A_15 = arith.mulf %broadcast_in_dim3A, %mul3A_14 : vector<2048x1xf32>
    %slice3A_16 = vector.extract_strided_slice %mul3A {offsets = [0, 64], sizes = [2048, 64], strides = [1, 1]} : vector<2048x128xf32> to vector<2048x64xf32>
    %reduce_sum3A_17 = arith.constant dense<0.000000e+00> : vector<2048xf32>
    %reduce_sum3A_18 = vector.multi_reduction <add>, %slice3A_16, %reduce_sum3A_17 [1] : vector<2048x64xf32> to vector<2048xf32>
    %broadcast_in_dim3A_19 = vector.shape_cast %reduce_sum3A_18 : vector<2048xf32> to vector<2048x1xf32>
    %mul3A_20 = arith.constant 1.250000e-01 : f32
    %mul3A_21 = vector.broadcast %mul3A_20 : f32 to vector<2048x1xf32>
    %mul3A_22 = arith.mulf %broadcast_in_dim3A_19, %mul3A_21 : vector<2048x1xf32>
    %iota3A = tpu.iota {dimensions = array<i32: 0>} : vector<2048x1xi32>
    %mul3A_23 = arith.constant 2048 : i32
    %mul3A_24 = arith.muli %arg0, %mul3A_23 : i32
    %add3A_25 = vector.broadcast %mul3A_24 : i32 to vector<2048x1xi32>
    %add3A_26 = arith.addi %iota3A, %add3A_25 : vector<2048x1xi32>
    %lt3A = arith.constant 200000 : i32
    %lt3A_27 = vector.broadcast %lt3A : i32 to vector<2048x1xi32>
    %lt3A_28 = arith.cmpi slt, %add3A_26, %lt3A_27 : vector<2048x1xi32>
    %exp3A = math.exp %mul3A_15 : vector<2048x1xf32>
    %jit3A = arith.constant 0.000000e+00 : f32
    %broadcast_in_dim3A_29 = vector.broadcast %jit3A : f32 to vector<2048x1xf32>
    %select_n3A = arith.select %lt3A_28, %exp3A, %broadcast_in_dim3A_29 : vector<2048x1xi1>, vector<2048x1xf32>
    %exp3A_30 = math.exp %mul3A_22 : vector<2048x1xf32>
    %jit3A_31 = arith.constant 0.000000e+00 : f32
    %broadcast_in_dim3A_32 = vector.broadcast %jit3A_31 : f32 to vector<2048x1xf32>
    %select_n3A_33 = arith.select %lt3A_28, %exp3A_30, %broadcast_in_dim3A_32 : vector<2048x1xi1>, vector<2048x1xf32>
    %broadcast_in_dim3A_34 = arith.constant 0.000000e+00 : f32
    %broadcast_in_dim3A_35 = vector.broadcast %broadcast_in_dim3A_34 : f32 to vector<2048x63xf32>
    %slice3A_36 = vector.extract_strided_slice %add3A_8 {offsets = [0, 0], sizes = [2048, 64], strides = [1, 1]} : vector<2048x128xf32> to vector<2048x64xf32>
    %mul3A_37 = vector.broadcast %select_n3A : vector<2048x1xf32> to vector<2048x64xf32>
    %mul3A_38 = arith.mulf %mul3A_37, %slice3A_36 : vector<2048x64xf32>
    %concatenate3A = tpu.concatenate %mul3A_38, %select_n3A, %broadcast_in_dim3A_35 in 1 : vector<2048x64xf32>, vector<2048x1xf32>, vector<2048x63xf32> -> vector<2048x128xf32>
    %slice3A_39 = vector.extract_strided_slice %add3A_8 {offsets = [0, 64], sizes = [2048, 64], strides = [1, 1]} : vector<2048x128xf32> to vector<2048x64xf32>
    %mul3A_40 = vector.broadcast %select_n3A_33 : vector<2048x1xf32> to vector<2048x64xf32>
    %mul3A_41 = arith.mulf %mul3A_40, %slice3A_39 : vector<2048x64xf32>
    %concatenate3A_42 = tpu.concatenate %mul3A_41, %select_n3A_33, %broadcast_in_dim3A_35 in 1 : vector<2048x64xf32>, vector<2048x1xf32>, vector<2048x63xf32> -> vector<2048x128xf32>
    %stack3A = vector.shape_cast %concatenate3A : vector<2048x128xf32> to vector<1x2048x128xf32>
    %stack3A_43 = vector.shape_cast %concatenate3A_42 : vector<2048x128xf32> to vector<1x2048x128xf32>
    %stack3A_44 = tpu.concatenate %stack3A, %stack3A_43 in 0 : vector<1x2048x128xf32>, vector<1x2048x128xf32> -> vector<2x2048x128xf32>
    %swap3A = arith.constant 0 : index
    %swap3A_45 = arith.constant 0 : index
    %swap3A_46 = arith.constant 0 : index
    %swap3A_47 = vector.load %arg4[%swap3A, %swap3A_45, %swap3A_46] : memref<2x2048x128xf32, #tpu.memory_space<vmem>>, vector<2x2048x128xf32>
    tpu.vector_store %arg4[%swap3A, %swap3A_45, %swap3A_46], %stack3A_44 {strides = array<i32>} : memref<2x2048x128xf32, #tpu.memory_space<vmem>>, vector<2x2048x128xf32>,
    return
  }
  func.func @transform_0(%arg0: i32) -> (i32, i32) {
    %c0_i32 = arith.constant 0 : i32
    %c0_i32_0 = arith.constant 0 : i32
    return %arg0, %c0_i32 : i32, i32
  }
  func.func @transform_1(%arg0: i32) -> (i32, i32) {
    %c0_i32 = arith.constant 0 : i32
    %c0_i32_0 = arith.constant 0 : i32
    return %arg0, %c0_i32 : i32, i32
  }
  func.func @transform_2(%arg0: i32) -> (i32, i32) {
    %c0_i32 = arith.constant 0 : i32
    %c0_i32_0 = arith.constant 0 : i32
    return %arg0, %c0_i32 : i32, i32
  }
  func.func @transform_3(%arg0: i32) -> (i32, i32, i32) {
    %c0_i32 = arith.constant 0 : i32
    %c0_i32_0 = arith.constant 0 : i32
    %c0_i32_1 = arith.constant 0 : i32
    return %c0_i32, %arg0, %c0_i32_0 : i32, i32, i32
  }
}

module attributes {stable_mosaic.version = 14 : i64} {
  func.func @_z_comb_body(%arg0: i32, %arg1: memref<2x2000x128xf32, #tpu.memory_space<vmem>>, %arg2: memref<2000x128xf32, #tpu.memory_space<vmem>>, %arg3: memref<2000x128xf32, #tpu.memory_space<vmem>>) attributes {dimension_semantics = [#tpu.dimension_semantics<arbitrary>], iteration_bounds = array<i64: 10>, scalar_prefetch = 0 : i64, scratch_operands = 0 : i64, tpu.core_type = #tpu.core_type<tc>, window_params = [{transform_indices = @transform_0, window_bounds = array<i64: 2, 2000, 128>}, {transform_indices = @transform_1, window_bounds = array<i64: 2000, 128>}, {transform_indices = @transform_2, window_bounds = array<i64: 2000, 128>}]} {
    %get3A = arith.constant 0 : index
    %get3A_0 = arith.constant 0 : index
    %get3A_1 = arith.constant 0 : index
    %get3A_2 = vector.load %arg1[%get3A, %get3A_0, %get3A_1] : memref<2x2000x128xf32, #tpu.memory_space<vmem>>, vector<1x2000x128xf32>
    %get3A_3 = vector.shape_cast %get3A_2 : vector<1x2000x128xf32> to vector<2000x128xf32>
    %get3A_4 = arith.constant 1 : index
    %get3A_5 = arith.constant 0 : index
    %get3A_6 = arith.constant 0 : index
    %get3A_7 = vector.load %arg1[%get3A_4, %get3A_5, %get3A_6] : memref<2x2000x128xf32, #tpu.memory_space<vmem>>, vector<1x2000x128xf32>
    %get3A_8 = vector.shape_cast %get3A_7 : vector<1x2000x128xf32> to vector<2000x128xf32>
    %slice3A = vector.extract_strided_slice %get3A_3 {offsets = [0, 0], sizes = [2000, 64], strides = [1, 1]} : vector<2000x128xf32> to vector<2000x64xf32>
    %slice3A_9 = vector.extract_strided_slice %get3A_3 {offsets = [0, 64], sizes = [2000, 1], strides = [1, 1]} : vector<2000x128xf32> to vector<2000x1xf32>
    %add3A = arith.constant 1.000000e-16 : f32
    %add3A_10 = vector.broadcast %add3A : f32 to vector<2000x1xf32>
    %add3A_11 = arith.addf %slice3A_9, %add3A_10 : vector<2000x1xf32>
    %div3A = vector.broadcast %add3A_11 : vector<2000x1xf32> to vector<2000x64xf32>
    %div3A_12 = arith.divf %slice3A, %div3A : vector<2000x64xf32>
    %slice3A_13 = vector.extract_strided_slice %get3A_8 {offsets = [0, 0], sizes = [2000, 64], strides = [1, 1]} : vector<2000x128xf32> to vector<2000x64xf32>
    %slice3A_14 = vector.extract_strided_slice %get3A_8 {offsets = [0, 64], sizes = [2000, 1], strides = [1, 1]} : vector<2000x128xf32> to vector<2000x1xf32>
    %add3A_15 = arith.constant 1.000000e-16 : f32
    %add3A_16 = vector.broadcast %add3A_15 : f32 to vector<2000x1xf32>
    %add3A_17 = arith.addf %slice3A_14, %add3A_16 : vector<2000x1xf32>
    %div3A_18 = vector.broadcast %add3A_17 : vector<2000x1xf32> to vector<2000x64xf32>
    %div3A_19 = arith.divf %slice3A_13, %div3A_18 : vector<2000x64xf32>
    %concatenate3A = tpu.concatenate %div3A_12, %div3A_19 in 1 : vector<2000x64xf32>, vector<2000x64xf32> -> vector<2000x128xf32>
    %get3A_20 = arith.constant 0 : index
    %get3A_21 = arith.constant 0 : index
    %get3A_22 = vector.load %arg2[%get3A_20, %get3A_21] : memref<2000x128xf32, #tpu.memory_space<vmem>>, vector<2000x128xf32>
    %add3A_23 = arith.addf %concatenate3A, %get3A_22 : vector<2000x128xf32>
    %swap3A = arith.constant 0 : index
    %swap3A_24 = arith.constant 0 : index
    %swap3A_25 = vector.load %arg3[%swap3A, %swap3A_24] : memref<2000x128xf32, #tpu.memory_space<vmem>>, vector<2000x128xf32>
    tpu.vector_store %arg3[%swap3A, %swap3A_24], %add3A_23 {strides = array<i32>} : memref<2000x128xf32, #tpu.memory_space<vmem>>, vector<2000x128xf32>,
    return
  }
  func.func @transform_0(%arg0: i32) -> (i32, i32, i32) {
    %c0_i32 = arith.constant 0 : i32
    %c0_i32_0 = arith.constant 0 : i32
    %c0_i32_1 = arith.constant 0 : i32
    return %c0_i32, %arg0, %c0_i32_0 : i32, i32, i32
  }
  func.func @transform_1(%arg0: i32) -> (i32, i32) {
    %c0_i32 = arith.constant 0 : i32
    %c0_i32_0 = arith.constant 0 : i32
    return %arg0, %c0_i32 : i32, i32
  }
  func.func @transform_2(%arg0: i32) -> (i32, i32) {
    %c0_i32 = arith.constant 0 : i32
    %c0_i32_0 = arith.constant 0 : i32
    return %arg0, %c0_i32 : i32, i32
  }
}

module attributes {stable_mosaic.version = 14 : i64} {
  func.func @_pred_body(%arg0: memref<24576x128xf32, #tpu.memory_space<vmem>>, %arg1: memref<128x128xf32, #tpu.memory_space<vmem>>, %arg2: memref<128x128xf32, #tpu.memory_space<vmem>>, %arg3: memref<1x128xf32, #tpu.memory_space<vmem>>, %arg4: memref<128x1xf32, #tpu.memory_space<vmem>>, %arg5: memref<1x1xf32, #tpu.memory_space<vmem>>, %arg6: memref<1x1xf32, #tpu.memory_space<vmem>>) attributes {dimension_semantics = [], scalar_prefetch = 0 : i64, scratch_operands = 0 : i64, tpu.core_type = #tpu.core_type<tc>} {
    %get3A = arith.constant 0 : index
    %get3A_0 = arith.constant 0 : index
    %get3A_1 = vector.load %arg0[%get3A, %get3A_0] : memref<24576x128xf32, #tpu.memory_space<vmem>>, vector<8192x128xf32>
    %get3A_2 = arith.constant 8192 : index
    %get3A_3 = arith.constant 0 : index
    %get3A_4 = vector.load %arg0[%get3A_2, %get3A_3] : memref<24576x128xf32, #tpu.memory_space<vmem>>, vector<8192x128xf32>
    %get3A_5 = arith.constant 16384 : index
    %get3A_6 = arith.constant 0 : index
    %get3A_7 = vector.load %arg0[%get3A_5, %get3A_6] : memref<24576x128xf32, #tpu.memory_space<vmem>>, vector<8192x128xf32>
    %get3A_8 = arith.constant 0 : index
    %get3A_9 = arith.constant 0 : index
    %get3A_10 = vector.load %arg1[%get3A_8, %get3A_9] : memref<128x128xf32, #tpu.memory_space<vmem>>, vector<128x128xf32>
    %dot_general3A = arith.constant dense<0.000000e+00> : vector<8192x128xf32>
    %dot_general3A_11 = tpu.matmul %get3A_1, %get3A_10, %dot_general3A {dimension_numbers = #tpu.dot_dimension_numbers<[1], [0], [0], [1], [0, 0, 1, 1], [], []>, transpose_lhs_hint = false} : vector<8192x128xf32>, vector<128x128xf32>, vector<8192x128xf32> -> vector<8192x128xf32>
    %get3A_12 = arith.constant 0 : index
    %get3A_13 = arith.constant 0 : index
    %get3A_14 = vector.load %arg2[%get3A_12, %get3A_13] : memref<128x128xf32, #tpu.memory_space<vmem>>, vector<128x128xf32>
    %get3A_15 = arith.constant 0 : index
    %get3A_16 = arith.constant 0 : index
    %get3A_17 = vector.load %arg3[%get3A_15, %get3A_16] : memref<1x128xf32, #tpu.memory_space<vmem>>, vector<1x128xf32>
    %get3A_18 = arith.constant 0 : index
    %get3A_19 = arith.constant 0 : index
    %get3A_20 = vector.load %arg4[%get3A_18, %get3A_19] : memref<128x1xf32, #tpu.memory_space<vmem>>, vector<128x1xf32>
    %get3A_21 = arith.constant 0 : index
    %get3A_22 = arith.constant 0 : index
    %get3A_23 = vector.load %arg5[%get3A_21, %get3A_22] : memref<1x1xf32, #tpu.memory_space<vmem>>, vector<1x1xf32>
    %get3A_24 = vector.extract %get3A_23[0, 0] : f32 from vector<1x1xf32>
    %dot_general3A_25 = arith.constant dense<0.000000e+00> : vector<8192x128xf32>
    %dot_general3A_26 = tpu.matmul %get3A_4, %get3A_14, %dot_general3A_25 {dimension_numbers = #tpu.dot_dimension_numbers<[1], [0], [0], [1], [0, 0, 1, 1], [], []>, transpose_lhs_hint = false} : vector<8192x128xf32>, vector<128x128xf32>, vector<8192x128xf32> -> vector<8192x128xf32>
    %add3A = arith.addf %dot_general3A_11, %dot_general3A_26 : vector<8192x128xf32>
    %add3A_27 = vector.broadcast %get3A_17 : vector<1x128xf32> to vector<8192x128xf32>
    %add3A_28 = arith.addf %add3A, %add3A_27 : vector<8192x128xf32>
    %max3A = arith.constant 0.000000e+00 : f32
    %max3A_29 = vector.broadcast %max3A : f32 to vector<8192x128xf32>
    %max3A_30 = arith.maximumf %add3A_28, %max3A_29 : vector<8192x128xf32>
    %dot_general3A_31 = arith.constant dense<0.000000e+00> : vector<8192x128xf32>
    %dot_general3A_32 = tpu.matmul %get3A_7, %get3A_14, %dot_general3A_31 {dimension_numbers = #tpu.dot_dimension_numbers<[1], [0], [0], [1], [0, 0, 1, 1], [], []>, transpose_lhs_hint = false} : vector<8192x128xf32>, vector<128x128xf32>, vector<8192x128xf32> -> vector<8192x128xf32>
    %add3A_33 = arith.addf %dot_general3A_11, %dot_general3A_32 : vector<8192x128xf32>
    %add3A_34 = vector.broadcast %get3A_17 : vector<1x128xf32> to vector<8192x128xf32>
    %add3A_35 = arith.addf %add3A_33, %add3A_34 : vector<8192x128xf32>
    %max3A_36 = arith.constant 0.000000e+00 : f32
    %max3A_37 = vector.broadcast %max3A_36 : f32 to vector<8192x128xf32>
    %max3A_38 = arith.maximumf %add3A_35, %max3A_37 : vector<8192x128xf32>
    %dot_general3A_39 = arith.constant dense<0.000000e+00> : vector<8192x1xf32>
    %dot_general3A_40 = tpu.matmul %max3A_30, %get3A_20, %dot_general3A_39 {dimension_numbers = #tpu.dot_dimension_numbers<[1], [0], [0], [1], [0, 0, 1, 1], [], []>, transpose_lhs_hint = false} : vector<8192x128xf32>, vector<128x1xf32>, vector<8192x1xf32> -> vector<8192x1xf32>
    %add3A_41 = vector.broadcast %get3A_24 : f32 to vector<8192x1xf32>
    %add3A_42 = arith.addf %dot_general3A_40, %add3A_41 : vector<8192x1xf32>
    %dot_general3A_43 = arith.constant dense<0.000000e+00> : vector<8192x1xf32>
    %dot_general3A_44 = tpu.matmul %max3A_38, %get3A_20, %dot_general3A_43 {dimension_numbers = #tpu.dot_dimension_numbers<[1], [0], [0], [1], [0, 0, 1, 1], [], []>, transpose_lhs_hint = false} : vector<8192x128xf32>, vector<128x1xf32>, vector<8192x1xf32> -> vector<8192x1xf32>
    %add3A_45 = vector.broadcast %get3A_24 : f32 to vector<8192x1xf32>
    %add3A_46 = arith.addf %dot_general3A_44, %add3A_45 : vector<8192x1xf32>
    %neg3A = arith.constant 0.000000e+00 : f32
    %neg3A_47 = vector.broadcast %neg3A : f32 to vector<8192x1xf32>
    %neg3A_48 = arith.subf %neg3A_47, %add3A_42 : vector<8192x1xf32>
    %max3A_49 = arith.constant 0.000000e+00 : f32
    %max3A_50 = vector.broadcast %max3A_49 : f32 to vector<8192x1xf32>
    %max3A_51 = arith.maximumf %neg3A_48, %max3A_50 : vector<8192x1xf32>
    %abs3A = math.absf %neg3A_48 : vector<8192x1xf32>
    %neg3A_52 = arith.constant 0.000000e+00 : f32
    %neg3A_53 = vector.broadcast %neg3A_52 : f32 to vector<8192x1xf32>
    %neg3A_54 = arith.subf %neg3A_53, %abs3A : vector<8192x1xf32>
    %exp3A = math.exp %neg3A_54 : vector<8192x1xf32>
    %log1p3A = math.log1p %exp3A : vector<8192x1xf32>
    %add3A_55 = arith.addf %max3A_51, %log1p3A : vector<8192x1xf32>
    %reduce_sum3A = vector.shape_cast %add3A_55 : vector<8192x1xf32> to vector<1x8192x1xf32>
    %reduce_sum3A_56 = arith.constant dense<0.000000e+00> : vector<1xf32>
    %reduce_sum3A_57 = vector.multi_reduction <add>, %reduce_sum3A, %reduce_sum3A_56 [1, 2] : vector<1x8192x1xf32> to vector<1xf32>
    %reduce_sum3A_58 = vector.shape_cast %reduce_sum3A_57 : vector<1xf32> to vector<1x1x1xf32>
    %reduce_sum3A_59 = vector.extract %reduce_sum3A_58[0, 0, 0] : f32 from vector<1x1x1xf32>
    %div3A = arith.constant 8.192000e+03 : f32
    %div3A_60 = arith.divf %reduce_sum3A_59, %div3A : f32
    %max3A_61 = arith.constant 0.000000e+00 : f32
    %max3A_62 = vector.broadcast %max3A_61 : f32 to vector<8192x1xf32>
    %max3A_63 = arith.maximumf %add3A_46, %max3A_62 : vector<8192x1xf32>
    %abs3A_64 = math.absf %add3A_46 : vector<8192x1xf32>
    %neg3A_65 = arith.constant 0.000000e+00 : f32
    %neg3A_66 = vector.broadcast %neg3A_65 : f32 to vector<8192x1xf32>
    %neg3A_67 = arith.subf %neg3A_66, %abs3A_64 : vector<8192x1xf32>
    %exp3A_68 = math.exp %neg3A_67 : vector<8192x1xf32>
    %log1p3A_69 = math.log1p %exp3A_68 : vector<8192x1xf32>
    %add3A_70 = arith.addf %max3A_63, %log1p3A_69 : vector<8192x1xf32>
    %reduce_sum3A_71 = vector.shape_cast %add3A_70 : vector<8192x1xf32> to vector<1x8192x1xf32>
    %reduce_sum3A_72 = arith.constant dense<0.000000e+00> : vector<1xf32>
    %reduce_sum3A_73 = vector.multi_reduction <add>, %reduce_sum3A_71, %reduce_sum3A_72 [1, 2] : vector<1x8192x1xf32> to vector<1xf32>
    %reduce_sum3A_74 = vector.shape_cast %reduce_sum3A_73 : vector<1xf32> to vector<1x1x1xf32>
    %reduce_sum3A_75 = vector.extract %reduce_sum3A_74[0, 0, 0] : f32 from vector<1x1x1xf32>
    %div3A_76 = arith.constant 8.192000e+03 : f32
    %div3A_77 = arith.divf %reduce_sum3A_75, %div3A_76 : f32
    %add3A_78 = arith.addf %div3A_60, %div3A_77 : f32
    %broadcast_in_dim3A = vector.broadcast %add3A_78 : f32 to vector<1x1xf32>
    %swap3A = arith.constant 0 : index
    %swap3A_79 = arith.constant 0 : index
    %swap3A_80 = vector.load %arg6[%swap3A, %swap3A_79] : memref<1x1xf32, #tpu.memory_space<vmem>>, vector<1x1xf32>
    tpu.vector_store %arg6[%swap3A, %swap3A_79], %broadcast_in_dim3A {strides = array<i32>} : memref<1x1xf32, #tpu.memory_space<vmem>>, vector<1x1xf32>,
    return
  }
}

</mosaic_0001>

<sc_bundles>
// kernel: gather_offload_async_start
scs
__scs_entry_jumppad:
0x0: {  	(pc) =	sbr.rel $0x88, $3  }
0x1: {  	(tag) =	ssettag $0x0;
	lr =	simm.s32 $0x1  }
0x2: {  	[smem:$0x3F8C] =	sst lr;
	_ =	strace $0xD0000000  }
0x3: {  	_ = 	snop  }
0x4: {  	_ = 	snop  }
0x5: {  	_ = 	snop  }
0x6: {  	_ = 	snop  }
0x7: {  	_ = 	snop  }
__scs_overlays_trampoline_lowered:
0x8: {  	[smem:$0x3F9B] =	sst s0  }
0x9: {  	[smem:$0x3F9C] =	sst s1  }
0xa: {  	[smem:$0x3F9D] =	sst s2  }
0xb: {  	[smem:$0x3F9E] =	sst s3  }
0xc: {  	[smem:$0x3F9F] =	sst s4  }
0xd: {  	[smem:$0x3FA0] =	sst s5  }
0xe: {  	[smem:$0x3FA1] =	sst s6  }
0xf: {  	[smem:$0x3FA2] =	sst s7  }
0x10: {  	[smem:$0x3FA3] =	sst s8  }
0x11: {  	[smem:$0x3FA4] =	sst s9;
	s0 =	simm.s32 @!p0 $0x0  }
0x12: {  	s1 =	sld [smem:$0x3F8A];
	s0 =	simm.s32 @p0 $0x1  }
0x13: {  	[smem:$0x3FA5] =	sst s0;
	s0 =	simm.s32 @!p1 $0x0  }
0x14: {  	s2 =	sld [smem:$0x3F89];
	s0 =	simm.s32 @p1 $0x1  }
0x15: {  	[smem:$0x3FA6] =	sst s0;
	s0 =	simm.s32 @!p2 $0x0  }
0x16: {  	s3 =	sld [smem:$0x3FDB];
	s0 =	simm.s32 @p2 $0x1  }
0x17: {  	s4 =	simm.s32 $0x1BF5;
	[smem:$0x3FA8] =	sst s0  }
0x18: {  	s0 =	sld [smem:$0x3F8B];
	_ =	swait.ge [sflag:s4], $0x0  }
0x19: {  	s7 =	sld [smem:$0x3F8C]  }
0x1a: {  	s8 =	sadd.s32 $0xFFFFE003, lr  }
0x1b: {  	s9 =	sadd.s32 $0xFFFFFEF7, lr;
	s5 =	simm.s32 $0xFFFFFFFF;
	p2 =	slt.u32 s8, $0xFFFFF086  }
0x1c: {  	p1 =	slt.u32 s9, $0xF7A;
	s5 =	simm.s32 @!p2 $0x0  }
0x1d: {  	s5 =	simm.s32 @p1 $0x1;
	p0 =	seq.s32 s7, s2  }
0x1e: {  	s7 =	smul.u32 @!p0 $0xF7A, s2;
	p2 =	seq.s32 @!p0 s5, $0x0  }
0x1f: {  	s9 =	smul.u32 $0xF7A, s1;
	s8 =	simm.s32 @!p0 $0x1BF5;
	p2 =	por !p2, p0  }
0x20: {  	[sflag:s8] =	ssyncset.s32 @!p0 $0xFFFFF086;
	s6 =	sadd.s32 @!p0 s3, s7;
	s7 =	simm.s32 @!p0 $0x108  }
0x21: {  	s3 =	sadd.s32 s3, s9;
	s6 =	sadd.s32 @!p0 $0x88, s6;
	s7 =	simm.s32 @p2 $0x1082  }
0x22: {  	[simem:s7], [sflag:s8] =	dma.local @!p0 [hbm:s6], $0xF7A  }
0x23: {  	s9 =	sor.u32 $0xD0000000, s2;
	s6 =	simm.s32 $0x108;
	_ =	swait.ge @!p0 [sflag:s8], $0x0  }
0x24: {  	s3 =	sadd.s32 $0x88, s3;
	s6 =	simm.s32 @!p1 $0x1082;
	[sflag:s4] =	ssyncset.s32 $0xFFFFF086  }
0x25: {  	[simem:s6], [sflag:s4] =	dma.local [hbm:s3], $0xF7A  }
0x26: {  	[smem:$0x3F8C] =	sst s1;
	(tag) =	ssettag s2;
	_ =	strace s9  }
0x27: {  	s1 =	sld [smem:$0x3F9C]  }
0x28: {  	s2 =	sld [smem:$0x3F9D]  }
0x29: {  	s4 =	sld [smem:$0x3F9F]  }
0x2a: {  	p0 =	seq.s32 s5, $0x0;
	s5 =	sld [smem:$0x3FA0]  }
0x2b: {  	s6 =	sld [smem:$0x3FA1]  }
0x2c: {  	s7 =	sld [smem:$0x3FA2]  }
0x2d: {  	s3 =	simm.s32 $0x108;
	s8 =	sld [smem:$0x3FA3]  }
0x2e: {  	s3 =	simm.s32 @!p0 $0x1082;
	s9 =	sld [smem:$0x3FA4]  }
0x2f: {  	lr =	sadd.s32 s0, s3;
	s0 =	sld [smem:$0x3F9B]  }
0x30: {  	s3 =	sld [smem:$0x3F9E]  }
0x31: {  	[smem:$0x3FA7] =	sst s10  }
0x32: {  	s10 =	sld [smem:$0x3FA5];
	_ =	sdelay $0x3  }
0x33: {  	p0 =	seq.s32 s10, $0x1;
	s10 =	sld [smem:$0x3FA7];
	_ =	sdelay $0x3  }
0x34: {  	[smem:$0x3FA7] =	sst s10  }
0x35: {  	s10 =	sld [smem:$0x3FA6];
	_ =	sdelay $0x3  }
0x36: {  	p1 =	seq.s32 s10, $0x1;
	s10 =	sld [smem:$0x3FA7];
	_ =	sdelay $0x3  }
0x37: {  	[smem:$0x3FA7] =	sst s10  }
0x38: {  	s10 =	sld [smem:$0x3FA8]  }
0x39: {  	_ = 	snop;
	(pc) =	sbr.ind lr, $3  }
0x3a: {  	_ = 	snop  }
0x3b: {  	_ = 	snop  }
0x3c: {  	p2 =	seq.s32 s10, $0x1;
	s10 =	sld [smem:$0x3FA7]  }
0x3d: {  	_ =	shalt  }
0x3e: {  	_ =	shalt  }
0x3f: {  	_ =	shalt  }
0x40: {  	_ =	shalt  }
0x41: {  	_ =	shalt  }
0x42: {  	_ =	shalt  }
0x43: {  	_ =	shalt  }
0x44: {  	_ =	shalt  }
0x45: {  	_ =	shalt  }
0x46: {  	_ =	shalt  }
0x47: {  	_ =	shalt  }
0x48: {  	_ =	shalt  }
0x49: {  	_ =	shalt  }
0x4a: {  	_ =	shalt  }
0x4b: {  	_ =	shalt  }
0x4c: {  	_ =	shalt  }
0x4d: {  	_ =	shalt  }
0x4e: {  	_ =	shalt  }
0x4f: {  	_ =	shalt  }
0x50: {  	_ =	shalt  }
0x51: {  	_ =	shalt  }
0x52: {  	_ =	shalt  }
0x53: {  	_ =	shalt  }
0x54: {  	_ =	shalt  }
0x55: {  	_ =	shalt  }
0x56: {  	_ =	shalt  }
0x57: {  	_ =	shalt  }
0x58: {  	_ =	shalt  }
0x59: {  	_ =	shalt  }
0x5a: {  	_ =	shalt  }
0x5b: {  	_ =	shalt  }
0x5c: {  	_ =	shalt  }
0x5d: {  	_ =	shalt  }
0x5e: {  	_ =	shalt  }
0x5f: {  	_ =	shalt  }
0x60: {  	_ =	shalt  }
0x61: {  	_ =	shalt  }
0x62: {  	_ =	shalt  }
0x63: {  	_ =	shalt  }
0x64: {  	_ =	shalt  }
0x65: {  	_ =	shalt  }
0x66: {  	_ =	shalt  }
0x67: {  	_ =	shalt  }
0x68: {  	_ =	shalt  }
0x69: {  	_ =	shalt  }
0x6a: {  	_ =	shalt  }
0x6b: {  	_ =	shalt  }
0x6c: {  	_ =	shalt  }
0x6d: {  	_ =	shalt  }
0x6e: {  	_ =	shalt  }
0x6f: {  	_ =	shalt  }
0x70: {  	_ =	shalt  }
0x71: {  	_ =	shalt  }
0x72: {  	_ =	shalt  }
0x73: {  	_ =	shalt  }
0x74: {  	_ =	shalt  }
0x75: {  	_ =	shalt  }
0x76: {  	_ =	shalt  }
0x77: {  	_ =	shalt  }
0x78: {  	_ =	shalt  }
0x79: {  	_ =	shalt  }
0x7a: {  	_ =	shalt  }
0x7b: {  	_ =	shalt  }
0x7c: {  	_ =	shalt  }
0x7d: {  	_ =	shalt  }
0x7e: {  	_ =	shalt  }
0x7f: {  	_ =	shalt  }
0x80: {  	_ =	shalt  }
0x81: {  	_ =	shalt  }
0x82: {  	_ =	shalt  }
0x83: {  	_ =	shalt  }
0x84: {  	_ =	shalt  }
0x85: {  	_ =	shalt  }
0x86: {  	_ =	shalt  }
0x87: {  	_ =	shalt  }
.Lfunc_end0:
.L_simem_size_0:
called_computation_lowered:
.L_overlay_start_0:
0x88: {  	s2 =	sld [smem:$0x3FD9]  }
0x89: {  	s3 =	sld [smem:$0x3FFE];
	_ =	sdelay $0x1  }
0x8a: {  	s1 =	srdreg.scid  }
0x8b: {  	s0 =	sand.u32 $0x1, s1  }
0x8c: {  	s17 =	sshll.u32 s0, $0xA;
	s2 =	sadd.s32 s3, s2  }
0x8d: {  	s2 =	sadd.s32 s2, s17  }
0x8e: {  	[smem:$0x3FB3] =	sst s2  }
0x8f: {  	_ = 	snop  }
0x90: {  	(tm) =	ssettm $0x1  }
0x91: {  	s18 =	sld [smem:$0x3FFB];
	_ =	sdelay $0x3  }
0x92: {  	_ =	strace s18  }
0x93: {  	s2 =	sld [smem:$0x3FFC];
	_ =	sdelay $0x3  }
0x94: {  	_ =	strace s2  }
0x95: {  	s2 =	sld [smem:$0x3FFD];
	_ =	sdelay $0x3  }
0x96: {  	_ =	strace s2  }
0x97: {  	_ =	strace $0x8FFFFFFF  }
0x98: {  	s19 =	sld [smem:$0x3FDB];
	_ =	sdelay $0x1  }
0x99: {  	s20 =	simm.s32 $_scs_section_size  }
0x9a: {  	s4 =	simm.s32 $_size__tile_overlayer_lowered;
	s5 =	simm.s32 $_tile_overlayer_lowered  }
0x9b: {  	s6 =	simm.s32 $0x1BFF;
	s21 =	sshll.u32 s5, $0x1;
	s3 =	sadd.s32 s20, s19  }
0x9c: {  	s22 =	simm.s32 $0x0;
	s4 =	sshll.u32 s4, $0x1;
	s5 =	sadd.s32 s21, s3  }
0x9d: {  	[timem:s22], [sflag:s6] =	dma.local [hbm:s5], s4  }
0x9e: {  	_ =	swait.ge [sflag:s6], s4  }
0x9f: {  	s4 =	ssub.s32 $0x0, s4;
	[sflag:s6] =	ssyncset.done $0x0  }
0xa0: {  	[sflag:s6] =	ssyncadd.s32 s4;
	_ =	sdelay $0x1  }
0xa1: {  	s23 =	simm.s32 $0x1B8B  }
0xa2: {  	_ =	swait.ge [sflag:s23], $0x1  }
0xa3: {  	[sflag:s23] =	ssyncset.done $0x0  }
0xa4: {  	[sflag:s23] =	ssyncadd.s32 $0xFFFFFFFF  }
0xa5: {  	s4 =	sld [smem:$0x0]  }
0xa6: {  	s5 =	sand.u32 $0xFFFFFFFE, s1  }
0xa7: {  	p0 =	sne.s32 s1, s5  }
0xa8: {  	s5 =	sshll.u32 @p0 s5, $0xE  }
0xa9: {  	s5 =	sadd.s32 @p0 $0x11B8D, s5;
	s6 =	sshll.u32 @p0 s4, $0x11  }
0xaa: {  	s5 =	sor.u32 @p0 s6, s5  }
0xab: {  	[sflag:s5] =	ssyncadd.remote.s32 @p0 $0x1;
	_ =	sdelay $0x1  }
0xac: {  	s5 =	simm.s32 @p0 $0x1B8D  }
0xad: {  	_ =	swait.eq @p0 [sflag:s5], $0x1  }
0xae: {  	[sflag:s5] =	ssyncadd.s32 @p0 $0xFFFFFFFF  }
0xaf: {  	s6 =	sshll.u32 @!p0 s1, $0xE  }
0xb0: {  	s6 =	sor.u32 @!p0 $0x4000, s6;
	s5 =	simm.s32 @!p0 $0x1B8D  }
0xb1: {  	s4 =	sshll.u32 @!p0 s4, $0x11;
	s6 =	sadd.s32 @!p0 $0x11B8D, s6;
	_ =	swait.eq @!p0 [sflag:s5], $0x1  }
0xb2: {  	s4 =	sor.u32 @!p0 s4, s6;
	[sflag:s5] =	ssyncadd.s32 @!p0 $0xFFFFFFFF  }
0xb3: {  	s25 =	simm.s32 $0x1B8E;
	s24 =	sld [smem:$0x3FFE];
	[sflag:s4] =	ssyncadd.remote.s32 @!p0 $0x1  }
0xb4: {  	s26 =	simm.s32 $execute0_lowered;
	[smem:$0x3FD2] =	sst s25  }
0xb5: {  	s5 =	sshll.u32 s26, $0x1;
	_ =	strace $0x80000077;
	[dreg:$0x1] =	wrdreg $0xFFFFFFFF  }
0xb6: {  	s28 =	simm.s32 $_size_execute0_lowered;
	s3 =	sadd.s32 s3, s5;
	[dreg:$0x0] =	wrdreg $0x0  }
0xb7: {  	s5 =	sshll.u32 s28, $0x1;
	[dreg:$0x2] =	wrdreg s3  }
0xb8: {  	[dreg:$0x3] =	wrdreg s5  }
0xb9: {  	[dreg:$0x4] =	wrdreg $0xC0  }
0xba: {  	_ =	task [dreg:s22], $0x5FFFF  }
0xbb: {  	[dreg:$0x1] =	wrdreg $0xFFFFFFFF  }
0xbc: {  	[dreg:$0x0] =	wrdreg $0x60  }
0xbd: {  	[dreg:$0x2] =	wrdreg s24  }
0xbe: {  	[dreg:$0x3] =	wrdreg $0x9  }
0xbf: {  	_ =	task.clear_ibuf [dreg:s22], $0x4FFFF;
	_ =	strace $0x90000077  }
0xc0: {  	s29 =	simm.s32 $0x9;
	_ =	strace $0x80000079  }
0xc1: {  	_ =	swait.ge [sflag:s29], $0x1  }
0xc2: {  	[sflag:s29] =	ssyncadd.s32 $0xFFFFFFFF  }
0xc3: {  	_ =	strace $0x90000079  }
0xc4: {  	_ =	sfence  }
0xc5: {  	s30 =	sld [smem:$0x0];
	_ =	sdelay $0x2  }
0xc6: {  	s31 =	sshll.u32 s1, $0xD;
	s1 =	sshrl.u32 s1, $0x2  }
0xc7: {  	s4 =	sand.u32 $0x4000, s31;
	s1 =	sadd.s32 s1, s30  }
0xc8: {  	s0 =	sor.u32 s4, s0;
	s1 =	sshll.u32 s1, $0x11  }
0xc9: {  	s0 =	sor.u32 s1, s0  }
0xca: {  	s0 =	sadd.s32 $0x8F2B, s0  }
0xcb: {  	[sflag:s0] =	ssyncadd.remote.s32 $0x1  }
0xcc: {  	_ =	sfence.sel $0xFFFF  }
0xcd: {  	[dreg:$0x0] =	wrdreg $0xFFFFFFFF;
	(pc) =	sbr.abs _section_cstart, $3  }
0xce: {  	[dreg:$0x1] =	wrdreg $0xFFFFFFFF  }
0xcf: {  	_ =	task.clear_ibuf [dreg:s22], $0x2FFFF;
	_ =	strace $0x9FFFFFFF  }
0xd0: {  	(tm) =	ssettm $0x7FFFFFFF  }
0xd1: {  	_ =	shalt  }
tec
execute0_lowered:
.L_overlay_start_1:
0x0: {  	(tag) =	ssettag $0x1  }
0x1: {  	s0 =	srdreg.scid;
	s5 =	rddreg [dreg:$0x0]  }
0x2: {  	s1 =	stileid.u32;
	s6 =	simm.s32 $0x1;
	s9 =	simm.s32 $0x1  }
0x3: {  	s10 =	simm.s32 $0x3;
	s13 =	simm.s32 $0x0;
	s2 =	sshll.u32 s0, $0x9  }
0x4: {  	s12 =	simm.s32 $0x0;
	s3 =	sshll.u32 s1, $0xA;
	s2 =	sand.u32 $0x200, s2  }
0x5: {  	s0 =	rddreg [dreg:$0x1];
	_ =	strace $0x80000078;
	s2 =	sor.u32 s3, s2  }
0x6: {  	s4 =	sadd.s32 $0x8400, s5;
	[sflag:s6] =	ssyncpa.u1 $0x0;
	s8 =	ssub.s32 $0x6000, s2  }
.Ltmp0:
0x7: {  	s3 =	sadd.s32 $0x5200, s5;
	s7 =	sand.u32 $0x3E00, s8;
	(pc) =	sbr.rel .LBB2_1-.Ltmp0, $4  }
0x8: {  	s5 =	sadd.s32 $0x9000, s5;
	s11 =	smov.u32 s2;
	p0 =	sne.s32 s7, $0x0  }
0x9: {  	s8 =	sshrl.u32 s8, $0xE;
	s7 =	simm.s32 $0x2;
	s9 =	simm.s32 @!p0 $0x0  }
0xa: {  	[sflag:s7] =	ssyncpa.u1 $0x0;
	p0 =	por $0x0, $0x0;
	s8 =	sadd.s32 s9, s8  }
0xb: {  	vm0 =	vmmov $0xffff;
	[sflag:s10] =	ssyncpa.u1 $0x0;
	s10 =	simm.s32 $0x0;
	s9 =	sadd.s32 $0x1, s8  }
.LBB2_4:
0xc: {  	v2 =	vnsel vm1, $0x0, v2  }
0xd: {  	vm1 =	vgt.s32 v0, $0x0;
	v2 =	vmin.u32 v2, $0x1869F  }
0xe: {  	v0 =	vnsel vm1, $0x0, v0  }
0xf: {  	v0 =	vmin.u32 v0, $0x1869F  }
0x10: {  	[tilespmem:s15], [sflag:$0x1] =	stream.indirect_vreg.gather [hbm4b:s3+s10], $0x1, v1, vm0, $0x4038;
	[tilespmem:$0x800] =	vst v63  }
0x11: {  	(ifvalue) =	ssetifvalue $0x7FFFFFFF  }
0x12: {  	[tilespmem:s16], [sflag:$0x1] =	stream.indirect_vreg.gather [hbm4b:s3+s10], $0x1, v2, vm0, $0x4038;
	[tilespmem:$0x800] =	vst v63  }
0x13: {  	s29 =	sadd.s32 $0x10, s16;
	(ifvalue) =	ssetifvalue $0x7FFFFFFF  }
0x14: {  	[tilespmem:s29], [sflag:$0x1] =	stream.indirect_vreg.gather [hbm4b:s3+s10], $0x1, v0, vm0, $0x4038;
	[tilespmem:$0x800] =	vst v63  }
0x15: {  	_ =	swait.ge [sflag:s6], $0x200  }
0x16: {  	s30 =	sshrl.u32 s13, $0x3;
	[sflag:s6] =	ssyncset.done $0x0  }
0x17: {  	s31 =	sand.u32 $0x7, s13;
	s15 =	sadd.s32 s5, s30;
	[sflag:s6] =	ssyncadd.s32 $0xFFFFFE00  }
0x18: {  	[hbm4b:s15+s31] =	stream.linear.scatter [tilespmem:s14], [sflag:$0x3], $0x200, $0x38;
	[tilespmem:$0x800] =	vst v63  }
.LBB2_5:
0x19: {  	s15 =	sadd.s32 $0x4000, s11  }
0x1a: {  	p2 =	sgt.s32 s15, $0x5FFF  }
0x1b: {  	s15 =	smov.u32 @p2 s2;
	p2 =	sne.s32 s12, s9  }
.Ltmp1:
0x1c: {  	p1 =	slt.u32 s12, $0x2;
	(pc) =	sbr.rel @!p2 .LBB2_6-.Ltmp1, $4  }
0x1d: {  	s14 =	simm.s32 @!p1 $0x3  }
0x1e: {  	s16 =	sadd.s32 $0x1, s12;
	_ =	swait.ge @!p1 [sflag:s14], $0x200  }
0x1f: {  	s13 =	smov.u32 s11;
	p0 =	por !p0, !p0;
	[sflag:s14] =	ssyncset.done @!p1 $0x0  }
0x20: {  	s12 =	smov.u32 s16;
	s11 =	smov.u32 s15;
	[sflag:s14] =	ssyncadd.s32 @!p1 $0xFFFFFE00  }
.LBB2_1:
0x21: {  	p1 =	sge.u32 s12, s8  }
0x22: {  	s14 =	sxor.u32 @!p1 $0xFFFFFFFF, s12  }
0x23: {  	s31 =	sadd.s32 $0xFFFFFFFF, s12;
	s15 =	sshrl.u32 @!p1 s11, $0x3;
	s14 =	sshll.u32 @!p1 s14, $0x9  }
0x24: {  	s16 =	sand.u32 @!p1 $0x7, s11;
	s15 =	sadd.s32 @!p1 s4, s15;
	s14 =	sand.u32 @!p1 $0x200, s14  }
0x25: {  	[tilespmem:s14], [sflag:$0x2] =	stream.linear.gather @!p1 [hbm4b:s15+s16], $0x200, $0x38;
	[tilespmem:$0x800] =	vst v63  }
0x26: {  	p1 =	sge.u32 s31, s8  }
.Ltmp2:
0x27: {  	_ = 	snop;
	(pc) =	sbr.rel @p1 .LBB2_5-.Ltmp2, $1  }
0x28: {  	_ =	sdelay $0x3  }
0x29: {  	s14 =	simm.s32 $0x1  }
0x2a: {  	_ =	swait.ge [sflag:s7], $0x200;
	s14 =	simm.s32 @!p0 $0x0  }
0x2b: {  	[sflag:s7] =	ssyncset.done $0x0;
	s14 =	sshll.u32 s14, $0x9  }
0x2c: {  	[sflag:s7] =	ssyncadd.s32 $0xFFFFFE00;
	(ifvalue) =	ssetifvalue $0x7FFFFFFF;
	v0 =	vld.msk [tilespmem:s14+$0x0 ss:$0x1], $0xffff;
	_ =	sdelay $0x4  }
0x2d: {  	s15 =	sadd.s32 $0x10, s14;
	vm1 =	vgt.s32 v0, $0x0  }
0x2e: {  	v2 =	vld.msk [tilespmem:s15+$0x0 ss:$0x1], $0xffff;
	v1 =	vnsel vm1, $0x0, v0  }
0x2f: {  	v1 =	vmin.u32 v1, $0x1869F;
	_ =	sdelay $0x1  }
0x30: {  	s16 =	sshll.u32 s12, $0x9;
	s18 =	simm.s32 $0x20  }
0x31: {  	s16 =	sand.u32 $0x200, s16;
	s17 =	sadd.s32 $0x10, s15;
	s15 =	sor.u32 $0x400, s14  }
0x32: {  	s14 =	sor.u32 $0x400, s16;
	s16 =	sadd.s32 $0x10, s15;
	v0 =	vld.msk [tilespmem:s17+$0x0 ss:$0x1], $0xffff;
	vm1 =	vgt.s32 v2, $0x0;
	(ifvalue) =	ssetifvalue $0x7FFFFFFF  }
.LBB2_3:
0x33: {  	[tilespmem:s15], [sflag:$0x1] =	stream.indirect_vreg.gather [hbm4b:s3+s10], $0x1, v1, vm0, $0x4038;
	[tilespmem:$0x800] =	vst v63  }
0x34: {  	s18 =	sadd.s32 $0x10, s18  }
0x35: {  	v2 =	vnsel vm1, $0x0, v2;
	p1 =	slt.u32 s18, $0x1F0  }
.Ltmp3:
0x36: {  	s15 =	smov.u32 s16;
	v1 =	vmin.u32 v2, $0x1869F;
	(pc) =	sbr.rel @p1 .LBB2_3-.Ltmp3, $3  }
0x37: {  	_ =	sdelay $0x1  }
0x38: {  	s17 =	sadd.s32 $0x10, s17  }
0x39: {  	vm1 =	vgt.s32 v0, $0x0;
	s16 =	sadd.s32 $0x10, s16;
	v2 =	vmov v0;
	(ifvalue) =	ssetifvalue $0x7FFFFFFF;
	v0 =	vld.msk [tilespmem:s17+$0x0 ss:$0x1], $0xffff  }
.Ltmp4:
0x3a: {  	_ = 	snop;
	(pc) =	sbr.rel .LBB2_4-.Ltmp4, $1  }
0x3b: {  	_ =	sdelay $0x3  }
.LBB2_6:
0x3c: {  	_ =	sfence.sel $0x180000  }
0x3d: {  	s2 =	simm.s32 $0x2;
	[bflag:$0x0] =	sbarrier.arrive $0xFFFF  }
0x3e: {  	s30 =	simm.s32 $0x3;
	[sflag:s2] =	ssyncpa.u1 $0x1  }
0x3f: {  	s31 =	simm.s32 $0x1;
	[sflag:s30] =	ssyncpa.u1 $0x1  }
0x40: {  	[sflag:s31] =	ssyncpa.u1 $0x1  }
0x41: {  	p0 =	sne.s32 s1, $0x0;
	_ =	strace $0x90000078  }
0x42: {  	s0 =	sadd.s32 @!p0 $0x100000, s0;
	[bflag:$0x2] =	sbarrier.arrive $0xFFFF  }
0x43: {  	[sflag:s0] =	ssyncadd.tile.s32 @!p0 $0x1;
	_ =	shalt  }
.Lfunc_end2:
_tile_overlayer_lowered:
.L_overlay_start_2:
0x44: {  	(tag) =	ssettag $0x2  }
0x45: {  	s0 =	rddreg [dreg:$0x0];
	s2 =	stileid.u32  }
0x46: {  	s1 =	rddreg [dreg:$0x1];
	p0 =	sne.s32 s2, $0x0  }
0x47: {  	s3 =	rddreg [dreg:$0x2];
	[bflag:$0x3] =	sbarrier.arrive $0xFFFF;
	s2 =	simm.s32 @!p0 $0x1C01  }
0x48: {  	[timem:s3], [sflag:s2] =	dma.local @!p0 [hbm:s0], s1  }
0x49: {  	s0 =	simm.s32 @!p0 $0x1  }
0x4a: {  	_ =	swait.ge @!p0 [sflag:s0], s1  }
0x4b: {  	s1 =	ssub.s32 @!p0 $0x0, s1;
	[sflag:s0] =	ssyncset.done @!p0 $0x0  }
0x4c: {  	[sflag:s0] =	ssyncadd.s32 @!p0 s1  }
0x4d: {  	[bflag:$0x3] =	sbarrier.arrive $0xFFFF  }
0x4e: {  	_ =	shalt  }

// kernel: kernel.13.cloned.1.call-start
scs
__scs_entry_jumppad:
0x0: {  	(pc) =	sbr.rel $0x88, $3  }
0x1: {  	(tag) =	ssettag $0x0;
	lr =	simm.s32 $0x1  }
0x2: {  	[smem:$0x3F8C] =	sst lr;
	_ =	strace $0xD0000000  }
0x3: {  	_ = 	snop  }
0x4: {  	_ = 	snop  }
0x5: {  	_ = 	snop  }
0x6: {  	_ = 	snop  }
0x7: {  	_ = 	snop  }
__scs_overlays_trampoline_lowered:
0x8: {  	[smem:$0x3F9B] =	sst s0  }
0x9: {  	[smem:$0x3F9C] =	sst s1  }
0xa: {  	[smem:$0x3F9D] =	sst s2  }
0xb: {  	[smem:$0x3F9E] =	sst s3  }
0xc: {  	[smem:$0x3F9F] =	sst s4  }
0xd: {  	[smem:$0x3FA0] =	sst s5  }
0xe: {  	[smem:$0x3FA1] =	sst s6  }
0xf: {  	[smem:$0x3FA2] =	sst s7  }
0x10: {  	[smem:$0x3FA3] =	sst s8  }
0x11: {  	[smem:$0x3FA4] =	sst s9;
	s0 =	simm.s32 @!p0 $0x0  }
0x12: {  	s1 =	sld [smem:$0x3F8A];
	s0 =	simm.s32 @p0 $0x1  }
0x13: {  	[smem:$0x3FA5] =	sst s0;
	s0 =	simm.s32 @!p1 $0x0  }
0x14: {  	s2 =	sld [smem:$0x3F89];
	s0 =	simm.s32 @p1 $0x1  }
0x15: {  	[smem:$0x3FA6] =	sst s0;
	s0 =	simm.s32 @!p2 $0x0  }
0x16: {  	s3 =	sld [smem:$0x3FDB];
	s0 =	simm.s32 @p2 $0x1  }
0x17: {  	s4 =	simm.s32 $0x1BF5;
	[smem:$0x3FA8] =	sst s0  }
0x18: {  	s0 =	sld [smem:$0x3F8B];
	_ =	swait.ge [sflag:s4], $0x0  }
0x19: {  	s7 =	sld [smem:$0x3F8C]  }
0x1a: {  	s8 =	sadd.s32 $0xFFFFE003, lr  }
0x1b: {  	s9 =	sadd.s32 $0xFFFFFEF7, lr;
	s5 =	simm.s32 $0xFFFFFFFF;
	p2 =	slt.u32 s8, $0xFFFFF086  }
0x1c: {  	p1 =	slt.u32 s9, $0xF7A;
	s5 =	simm.s32 @!p2 $0x0  }
0x1d: {  	s5 =	simm.s32 @p1 $0x1;
	p0 =	seq.s32 s7, s2  }
0x1e: {  	s7 =	smul.u32 @!p0 $0xF7A, s2;
	p2 =	seq.s32 @!p0 s5, $0x0  }
0x1f: {  	s9 =	smul.u32 $0xF7A, s1;
	s8 =	simm.s32 @!p0 $0x1BF5;
	p2 =	por !p2, p0  }
0x20: {  	[sflag:s8] =	ssyncset.s32 @!p0 $0xFFFFF086;
	s6 =	sadd.s32 @!p0 s3, s7;
	s7 =	simm.s32 @!p0 $0x108  }
0x21: {  	s3 =	sadd.s32 s3, s9;
	s6 =	sadd.s32 @!p0 $0x88, s6;
	s7 =	simm.s32 @p2 $0x1082  }
0x22: {  	[simem:s7], [sflag:s8] =	dma.local @!p0 [hbm:s6], $0xF7A  }
0x23: {  	s9 =	sor.u32 $0xD0000000, s2;
	s6 =	simm.s32 $0x108;
	_ =	swait.ge @!p0 [sflag:s8], $0x0  }
0x24: {  	s3 =	sadd.s32 $0x88, s3;
	s6 =	simm.s32 @!p1 $0x1082;
	[sflag:s4] =	ssyncset.s32 $0xFFFFF086  }
0x25: {  	[simem:s6], [sflag:s4] =	dma.local [hbm:s3], $0xF7A  }
0x26: {  	[smem:$0x3F8C] =	sst s1;
	(tag) =	ssettag s2;
	_ =	strace s9  }
0x27: {  	s1 =	sld [smem:$0x3F9C]  }
0x28: {  	s2 =	sld [smem:$0x3F9D]  }
0x29: {  	s4 =	sld [smem:$0x3F9F]  }
0x2a: {  	p0 =	seq.s32 s5, $0x0;
	s5 =	sld [smem:$0x3FA0]  }
0x2b: {  	s6 =	sld [smem:$0x3FA1]  }
0x2c: {  	s7 =	sld [smem:$0x3FA2]  }
0x2d: {  	s3 =	simm.s32 $0x108;
	s8 =	sld [smem:$0x3FA3]  }
0x2e: {  	s3 =	simm.s32 @!p0 $0x1082;
	s9 =	sld [smem:$0x3FA4]  }
0x2f: {  	lr =	sadd.s32 s0, s3;
	s0 =	sld [smem:$0x3F9B]  }
0x30: {  	s3 =	sld [smem:$0x3F9E]  }
0x31: {  	[smem:$0x3FA7] =	sst s10  }
0x32: {  	s10 =	sld [smem:$0x3FA5];
	_ =	sdelay $0x3  }
0x33: {  	p0 =	seq.s32 s10, $0x1;
	s10 =	sld [smem:$0x3FA7];
	_ =	sdelay $0x3  }
0x34: {  	[smem:$0x3FA7] =	sst s10  }
0x35: {  	s10 =	sld [smem:$0x3FA6];
	_ =	sdelay $0x3  }
0x36: {  	p1 =	seq.s32 s10, $0x1;
	s10 =	sld [smem:$0x3FA7];
	_ =	sdelay $0x3  }
0x37: {  	[smem:$0x3FA7] =	sst s10  }
0x38: {  	s10 =	sld [smem:$0x3FA8]  }
0x39: {  	_ = 	snop;
	(pc) =	sbr.ind lr, $3  }
0x3a: {  	_ = 	snop  }
0x3b: {  	_ = 	snop  }
0x3c: {  	p2 =	seq.s32 s10, $0x1;
	s10 =	sld [smem:$0x3FA7]  }
0x3d: {  	_ =	shalt  }
0x3e: {  	_ =	shalt  }
0x3f: {  	_ =	shalt  }
0x40: {  	_ =	shalt  }
0x41: {  	_ =	shalt  }
0x42: {  	_ =	shalt  }
0x43: {  	_ =	shalt  }
0x44: {  	_ =	shalt  }
0x45: {  	_ =	shalt  }
0x46: {  	_ =	shalt  }
0x47: {  	_ =	shalt  }
0x48: {  	_ =	shalt  }
0x49: {  	_ =	shalt  }
0x4a: {  	_ =	shalt  }
0x4b: {  	_ =	shalt  }
0x4c: {  	_ =	shalt  }
0x4d: {  	_ =	shalt  }
0x4e: {  	_ =	shalt  }
0x4f: {  	_ =	shalt  }
0x50: {  	_ =	shalt  }
0x51: {  	_ =	shalt  }
0x52: {  	_ =	shalt  }
0x53: {  	_ =	shalt  }
0x54: {  	_ =	shalt  }
0x55: {  	_ =	shalt  }
0x56: {  	_ =	shalt  }
0x57: {  	_ =	shalt  }
0x58: {  	_ =	shalt  }
0x59: {  	_ =	shalt  }
0x5a: {  	_ =	shalt  }
0x5b: {  	_ =	shalt  }
0x5c: {  	_ =	shalt  }
0x5d: {  	_ =	shalt  }
0x5e: {  	_ =	shalt  }
0x5f: {  	_ =	shalt  }
0x60: {  	_ =	shalt  }
0x61: {  	_ =	shalt  }
0x62: {  	_ =	shalt  }
0x63: {  	_ =	shalt  }
0x64: {  	_ =	shalt  }
0x65: {  	_ =	shalt  }
0x66: {  	_ =	shalt  }
0x67: {  	_ =	shalt  }
0x68: {  	_ =	shalt  }
0x69: {  	_ =	shalt  }
0x6a: {  	_ =	shalt  }
0x6b: {  	_ =	shalt  }
0x6c: {  	_ =	shalt  }
0x6d: {  	_ =	shalt  }
0x6e: {  	_ =	shalt  }
0x6f: {  	_ =	shalt  }
0x70: {  	_ =	shalt  }
0x71: {  	_ =	shalt  }
0x72: {  	_ =	shalt  }
0x73: {  	_ =	shalt  }
0x74: {  	_ =	shalt  }
0x75: {  	_ =	shalt  }
0x76: {  	_ =	shalt  }
0x77: {  	_ =	shalt  }
0x78: {  	_ =	shalt  }
0x79: {  	_ =	shalt  }
0x7a: {  	_ =	shalt  }
0x7b: {  	_ =	shalt  }
0x7c: {  	_ =	shalt  }
0x7d: {  	_ =	shalt  }
0x7e: {  	_ =	shalt  }
0x7f: {  	_ =	shalt  }
0x80: {  	_ =	shalt  }
0x81: {  	_ =	shalt  }
0x82: {  	_ =	shalt  }
0x83: {  	_ =	shalt  }
0x84: {  	_ =	shalt  }
0x85: {  	_ =	shalt  }
0x86: {  	_ =	shalt  }
0x87: {  	_ =	shalt  }
.Lfunc_end0:
.L_simem_size_0:
called_computation.1_lowered:
.L_overlay_start_0:
0x88: {  	s2 =	sld [smem:$0x3FD9]  }
0x89: {  	s3 =	sld [smem:$0x3FFE];
	_ =	sdelay $0x1  }
0x8a: {  	s1 =	srdreg.scid  }
0x8b: {  	s0 =	sand.u32 $0x1, s1  }
0x8c: {  	s17 =	sshll.u32 s0, $0xA;
	s2 =	sadd.s32 s3, s2  }
0x8d: {  	s2 =	sadd.s32 s2, s17  }
0x8e: {  	[smem:$0x3FB3] =	sst s2  }
0x8f: {  	_ = 	snop  }
0x90: {  	(tm) =	ssettm $0x1  }
0x91: {  	s18 =	sld [smem:$0x3FFB];
	_ =	sdelay $0x3  }
0x92: {  	_ =	strace s18  }
0x93: {  	s2 =	sld [smem:$0x3FFC];
	_ =	sdelay $0x3  }
0x94: {  	_ =	strace s2  }
0x95: {  	s2 =	sld [smem:$0x3FFD];
	_ =	sdelay $0x3  }
0x96: {  	_ =	strace s2  }
0x97: {  	_ =	strace $0x8FFFFFFF  }
0x98: {  	s19 =	sld [smem:$0x3FDB];
	_ =	sdelay $0x1  }
0x99: {  	s20 =	simm.s32 $_scs_section_size  }
0x9a: {  	s4 =	simm.s32 $_size__tile_overlayer_lowered;
	s5 =	simm.s32 $_tile_overlayer_lowered  }
0x9b: {  	s6 =	simm.s32 $0x1BFF;
	s21 =	sshll.u32 s5, $0x1;
	s3 =	sadd.s32 s20, s19  }
0x9c: {  	s22 =	simm.s32 $0x0;
	s4 =	sshll.u32 s4, $0x1;
	s5 =	sadd.s32 s21, s3  }
0x9d: {  	[timem:s22], [sflag:s6] =	dma.local [hbm:s5], s4  }
0x9e: {  	_ =	swait.ge [sflag:s6], s4  }
0x9f: {  	s4 =	ssub.s32 $0x0, s4;
	[sflag:s6] =	ssyncset.done $0x0  }
0xa0: {  	[sflag:s6] =	ssyncadd.s32 s4;
	_ =	sdelay $0x1  }
0xa1: {  	s23 =	simm.s32 $0x1B8B  }
0xa2: {  	_ =	swait.ge [sflag:s23], $0x1  }
0xa3: {  	[sflag:s23] =	ssyncset.done $0x0  }
0xa4: {  	[sflag:s23] =	ssyncadd.s32 $0xFFFFFFFF  }
0xa5: {  	s4 =	sld [smem:$0x0]  }
0xa6: {  	s5 =	sand.u32 $0xFFFFFFFE, s1  }
0xa7: {  	p0 =	sne.s32 s1, s5  }
0xa8: {  	s5 =	sshll.u32 @p0 s5, $0xE  }
0xa9: {  	s5 =	sadd.s32 @p0 $0x11B8D, s5;
	s6 =	sshll.u32 @p0 s4, $0x11  }
0xaa: {  	s5 =	sor.u32 @p0 s6, s5  }
0xab: {  	[sflag:s5] =	ssyncadd.remote.s32 @p0 $0x1;
	_ =	sdelay $0x1  }
0xac: {  	s5 =	simm.s32 @p0 $0x1B8D  }
0xad: {  	_ =	swait.eq @p0 [sflag:s5], $0x1  }
0xae: {  	[sflag:s5] =	ssyncadd.s32 @p0 $0xFFFFFFFF  }
0xaf: {  	s6 =	sshll.u32 @!p0 s1, $0xE  }
0xb0: {  	s6 =	sor.u32 @!p0 $0x4000, s6;
	s5 =	simm.s32 @!p0 $0x1B8D  }
0xb1: {  	s4 =	sshll.u32 @!p0 s4, $0x11;
	s6 =	sadd.s32 @!p0 $0x11B8D, s6;
	_ =	swait.eq @!p0 [sflag:s5], $0x1  }
0xb2: {  	s4 =	sor.u32 @!p0 s4, s6;
	[sflag:s5] =	ssyncadd.s32 @!p0 $0xFFFFFFFF  }
0xb3: {  	s25 =	simm.s32 $0x1B8E;
	s24 =	sld [smem:$0x3FFE];
	[sflag:s4] =	ssyncadd.remote.s32 @!p0 $0x1  }
0xb4: {  	s26 =	simm.s32 $execute0_lowered;
	[smem:$0x3FD2] =	sst s25  }
0xb5: {  	s5 =	sshll.u32 s26, $0x1;
	_ =	strace $0x80000052;
	[dreg:$0x1] =	wrdreg $0xFFFFFFFF  }
0xb6: {  	s28 =	simm.s32 $_size_execute0_lowered;
	s3 =	sadd.s32 s3, s5;
	[dreg:$0x0] =	wrdreg $0x0  }
0xb7: {  	s5 =	sshll.u32 s28, $0x1;
	[dreg:$0x2] =	wrdreg s3  }
0xb8: {  	[dreg:$0x3] =	wrdreg s5  }
0xb9: {  	[dreg:$0x4] =	wrdreg $0xC0  }
0xba: {  	_ =	task [dreg:s22], $0x5FFFF  }
0xbb: {  	[dreg:$0x1] =	wrdreg $0xFFFFFFFF  }
0xbc: {  	[dreg:$0x0] =	wrdreg $0x60  }
0xbd: {  	[dreg:$0x2] =	wrdreg s24  }
0xbe: {  	[dreg:$0x3] =	wrdreg $0x9  }
0xbf: {  	_ =	task.clear_ibuf [dreg:s22], $0x4FFFF;
	_ =	strace $0x90000052  }
0xc0: {  	s29 =	simm.s32 $0x9;
	_ =	strace $0x8000005B  }
0xc1: {  	_ =	swait.ge [sflag:s29], $0x1  }
0xc2: {  	[sflag:s29] =	ssyncadd.s32 $0xFFFFFFFF  }
0xc3: {  	_ =	strace $0x9000005B  }
0xc4: {  	_ =	sfence  }
0xc5: {  	s30 =	sld [smem:$0x0];
	_ =	sdelay $0x2  }
0xc6: {  	s31 =	sshll.u32 s1, $0xD;
	s1 =	sshrl.u32 s1, $0x2  }
0xc7: {  	s4 =	sand.u32 $0x4000, s31;
	s1 =	sadd.s32 s1, s30  }
0xc8: {  	s0 =	sor.u32 s4, s0;
	s1 =	sshll.u32 s1, $0x11  }
0xc9: {  	s0 =	sor.u32 s1, s0  }
0xca: {  	s0 =	sadd.s32 $0x8F2B, s0  }
0xcb: {  	[sflag:s0] =	ssyncadd.remote.s32 $0x1  }
0xcc: {  	_ =	sfence.sel $0xFFFF  }
0xcd: {  	[dreg:$0x0] =	wrdreg $0xFFFFFFFF;
	(pc) =	sbr.abs _section_cstart, $3  }
0xce: {  	[dreg:$0x1] =	wrdreg $0xFFFFFFFF  }
0xcf: {  	_ =	task.clear_ibuf [dreg:s22], $0x2FFFF;
	_ =	strace $0x9FFFFFFF  }
0xd0: {  	(tm) =	ssettm $0x7FFFFFFF  }
0xd1: {  	_ =	shalt  }
tec
execute0_lowered:
.L_overlay_start_1:
0x0: {  	(tag) =	ssettag $0x1  }
0x1: {  	s4 =	rddreg [dreg:$0x0]  }
0x2: {  	s0 =	rddreg [dreg:$0x1];
	s1 =	simm.s32 $0x0  }
0x3: {  	s2 =	srdreg.scid;
	s10 =	simm.s32 $0x0;
	[smem:$0x7FF] =	sst s1  }
0x4: {  	s5 =	sand.u32 $0x1, s2;
	s2 =	stileid.u32;
	s3 =	sadd.s32 $0x61FC00, s4  }
0x5: {  	s7 =	sadd.s32 $0xA4A00, s4;
	s4 =	sadd.s32 $0x311E00, s4;
	s6 =	sshll.u32 s5, $0x4  }
0x6: {  	_ =	strace $0x80000053;
	s5 =	ssub.s32 $0x2, s5;
	s6 =	sor.u32 s2, s6  }
0x7: {  	v2 =	vlaneseq.u32;
	[dreg:$0x2] =	wrdreg s7;
	s8 =	sshrl.u32 s5, $0x1;
	s9 =	smul.u32 $0x50, s6  }
0x8: {  	vm0 =	vmmov $0xffff;
	v1 =	vshrl.u32 v2, $0x3;
	s31 =	ssub.s32 s5, s8;
	s5 =	smul.u32 $0x5, s6;
	s8 =	simm.s32 $0x5  }
0x9: {  	v0 =	vand.u32 $0x7, v2;
	v2 =	vor.u32 $0x8, v2;
	v1 =	vmul.u32 $0x8, v1;
	s7 =	smax.u32 s31, $0x1;
	s6 =	sadd.s32 s4, s9;
	s9 =	simm.s32 $0x3  }
.LBB2_1:
0xa: {  	_ =	strace $0x80000054;
	s11 =	simm.s32 $0x4  }
0xb: {  	s12 =	simm.s32 $0x0;
	s13 =	simm.s32 $0x0;
	s14 =	simm.s32 $0x0  }
0xc: {  	[tilespmem:s1], [sflag:$0x1] =	stream.linear.gather [hbm4b:s6+s1], $0x80, $0x200038;
	[tilespmem:$0x10100] =	vst v63  }
0xd: {  	s15 =	simm.s32 $0x0;
	s16 =	simm.s32 $0x1;
	_ =	strace $0x90000054  }
.LBB2_2:
0xe: {  	s17 =	smov.u32 s12;
	s12 =	sadd.s32 $0x1, s12  }
0xf: {  	p0 =	seq.s32 s12, $0x5  }
0x10: {  	s12 =	simm.s32 @p0 $0x0  }
0x11: {  	p6 =	sne.s32 s11, $0x0;
	p1 =	sne.s32 s17, s12  }
0x12: {  	p0 =	por !p6, !p1  }
0x13: {  	p0 =	por !p0, !p0  }
0x14: {  	s18 =	sadd.s32 @p0 s5, s12  }
0x15: {  	s19 =	sand.u32 @p0 $0x1, s16;
	s18 =	sshll.u32 @p0 s18, $0x4  }
0x16: {  	_ =	strace @p0 $0x80000055;
	s21 =	simm.s32 @p0 $0x0;
	s18 =	sand.u32 @p0 $0x1FFFFFF0, s18  }
0x17: {  	s20 =	sshll.u32 @p0 s19, $0x7;
	s19 =	sadd.s32 @p0 $0x1, s19;
	s18 =	sadd.s32 @p0 s4, s18  }
0x18: {  	[tilespmem:s20], [sflag:s19] =	stream.linear.gather @p0 [hbm4b:s18+s21], $0x80, $0x200038;
	[tilespmem:$0x10100] =	vst v63  }
0x19: {  	s24 =	sand.u32 $0x1, s15;
	_ =	strace @p0 $0x90000055  }
0x1a: {  	s18 =	sadd.s32 $0x1, s24;
	_ =	strace $0x80000056  }
0x1b: {  	_ =	swait.ge [sflag:s18], $0x80  }
0x1c: {  	[sflag:s18] =	ssyncset.done $0x0  }
0x1d: {  	[sflag:s18] =	ssyncadd.s32 $0xFFFFFF80  }
0x1e: {  	s25 =	sshll.u32 s15, $0x7;
	_ =	strace $0x90000056  }
0x1f: {  	s21 =	sand.u32 $0x80, s25;
	_ =	strace $0x80000057  }
0x20: {  	v3 =	vld [tilespmem:s21+$0x0];
	_ =	sdelay $0x4  }
0x21: {  	v4 =	vshll.u32 v3, $0x1  }
0x22: {  	v3 =	vand.u32 $0x7, v3;
	v4 =	vand.u32 $0xFFFFFFF0, v4  }
0x23: {  	v3 =	vor.u32 v3, v4  }
0x24: {  	v4 =	vperm.xlane v3, v0;
	_ =	sdelay $0x1  }
0x25: {  	v3 =	vperm.xlane v3, v2;
	v4 =	vadd.s32 v1, v4;
	_ =	sdelay $0x1  }
0x26: {  	s18 =	sand.u32 $0x1, s14;
	v3 =	vadd.s32 v1, v3  }
0x27: {  	s20 =	sshll.u32 s18, $0xF  }
0x28: {  	s19 =	sor.u32 $0x100, s20  }
0x29: {  	[tilespmem:s19], [sflag:$0x5] =	stream.indirect_vreg.gather [hbm4b:s3+s1], $0x80, v4, vm0, $0x2000b8;
	[tilespmem:$0x10100] =	vst v63  }
0x2a: {  	s22 =	sor.u32 $0x900, s20  }
0x2b: {  	[tilespmem:s22], [sflag:$0x5] =	stream.indirect_vreg.gather [hbm4b:s3+s1], $0x80, v3, vm0, $0x2000b8;
	[tilespmem:$0x10100] =	vst v63  }
0x2c: {  	v3 =	vld [tilespmem:s21+$0x10];
	_ =	sdelay $0x4  }
0x2d: {  	v57 =	vshll.u32 v3, $0x1  }
0x2e: {  	v3 =	vand.u32 $0x7, v3;
	v4 =	vand.u32 $0xFFFFFFF0, v57  }
0x2f: {  	v3 =	vor.u32 v3, v4  }
0x30: {  	v4 =	vperm.xlane v3, v0;
	_ =	sdelay $0x1  }
0x31: {  	v3 =	vperm.xlane v3, v2;
	v4 =	vadd.s32 v1, v4;
	_ =	sdelay $0x1  }
0x32: {  	v3 =	vadd.s32 v1, v3;
	_ =	sdelay $0x1  }
0x33: {  	s26 =	sor.u32 $0x1100, s20  }
0x34: {  	[tilespmem:s26], [sflag:$0x5] =	stream.indirect_vreg.gather [hbm4b:s3+s1], $0x80, v4, vm0, $0x2000b8;
	[tilespmem:$0x10100] =	vst v63  }
0x35: {  	s28 =	sor.u32 $0x1900, s20  }
0x36: {  	[tilespmem:s28], [sflag:$0x5] =	stream.indirect_vreg.gather [hbm4b:s3+s1], $0x80, v3, vm0, $0x2000b8;
	[tilespmem:$0x10100] =	vst v63  }
0x37: {  	v3 =	vld [tilespmem:s21+$0x20];
	_ =	sdelay $0x4  }
0x38: {  	v58 =	vshll.u32 v3, $0x1  }
0x39: {  	v3 =	vand.u32 $0x7, v3;
	v4 =	vand.u32 $0xFFFFFFF0, v58  }
0x3a: {  	v3 =	vor.u32 v3, v4  }
0x3b: {  	v4 =	vperm.xlane v3, v0;
	_ =	sdelay $0x1  }
0x3c: {  	v3 =	vperm.xlane v3, v2;
	v4 =	vadd.s32 v1, v4;
	_ =	sdelay $0x1  }
0x3d: {  	v3 =	vadd.s32 v1, v3;
	_ =	sdelay $0x1  }
0x3e: {  	s29 =	sor.u32 $0x2100, s20  }
0x3f: {  	[tilespmem:s29], [sflag:$0x5] =	stream.indirect_vreg.gather [hbm4b:s3+s1], $0x80, v4, vm0, $0x2000b8;
	[tilespmem:$0x10100] =	vst v63  }
0x40: {  	s30 =	sor.u32 $0x2900, s20  }
0x41: {  	[tilespmem:s30], [sflag:$0x5] =	stream.indirect_vreg.gather [hbm4b:s3+s1], $0x80, v3, vm0, $0x2000b8;
	[tilespmem:$0x10100] =	vst v63  }
0x42: {  	v3 =	vld [tilespmem:s21+$0x30];
	_ =	sdelay $0x4  }
0x43: {  	v59 =	vshll.u32 v3, $0x1  }
0x44: {  	v3 =	vand.u32 $0x7, v3;
	v4 =	vand.u32 $0xFFFFFFF0, v59  }
0x45: {  	v3 =	vor.u32 v3, v4  }
0x46: {  	v4 =	vperm.xlane v3, v0;
	_ =	sdelay $0x1  }
0x47: {  	v3 =	vperm.xlane v3, v2;
	v4 =	vadd.s32 v1, v4;
	_ =	sdelay $0x1  }
0x48: {  	v3 =	vadd.s32 v1, v3;
	_ =	sdelay $0x1  }
0x49: {  	s31 =	sor.u32 $0x3100, s20  }
0x4a: {  	[tilespmem:s31], [sflag:$0x5] =	stream.indirect_vreg.gather [hbm4b:s3+s1], $0x80, v4, vm0, $0x2000b8;
	[tilespmem:$0x10100] =	vst v63  }
0x4b: {  	s23 =	sor.u32 $0x3900, s20  }
0x4c: {  	[tilespmem:s23], [sflag:$0x5] =	stream.indirect_vreg.gather [hbm4b:s3+s1], $0x80, v3, vm0, $0x2000b8;
	[tilespmem:$0x10100] =	vst v63  }
0x4d: {  	v3 =	vld [tilespmem:s21+$0x40];
	_ =	sdelay $0x4  }
0x4e: {  	v60 =	vshll.u32 v3, $0x1  }
0x4f: {  	v3 =	vand.u32 $0x7, v3;
	v4 =	vand.u32 $0xFFFFFFF0, v60  }
0x50: {  	v3 =	vor.u32 v3, v4  }
0x51: {  	v4 =	vperm.xlane v3, v0;
	_ =	sdelay $0x1  }
0x52: {  	v3 =	vperm.xlane v3, v2;
	v4 =	vadd.s32 v1, v4;
	_ =	sdelay $0x1  }
0x53: {  	v3 =	vadd.s32 v1, v3;
	_ =	sdelay $0x1  }
0x54: {  	s24 =	sor.u32 $0x4100, s20  }
0x55: {  	[tilespmem:s24], [sflag:$0x5] =	stream.indirect_vreg.gather [hbm4b:s3+s1], $0x80, v4, vm0, $0x2000b8;
	[tilespmem:$0x10100] =	vst v63  }
0x56: {  	s25 =	sor.u32 $0x4900, s20  }
0x57: {  	[tilespmem:s25], [sflag:$0x5] =	stream.indirect_vreg.gather [hbm4b:s3+s1], $0x80, v3, vm0, $0x2000b8;
	[tilespmem:$0x10100] =	vst v63  }
0x58: {  	v3 =	vld [tilespmem:s21+$0x50];
	_ =	sdelay $0x4  }
0x59: {  	v61 =	vshll.u32 v3, $0x1  }
0x5a: {  	v3 =	vand.u32 $0x7, v3;
	v4 =	vand.u32 $0xFFFFFFF0, v61  }
0x5b: {  	v3 =	vor.u32 v3, v4  }
0x5c: {  	v4 =	vperm.xlane v3, v0;
	_ =	sdelay $0x1  }
0x5d: {  	v3 =	vperm.xlane v3, v2;
	v4 =	vadd.s32 v1, v4;
	_ =	sdelay $0x1  }
0x5e: {  	v3 =	vadd.s32 v1, v3;
	_ =	sdelay $0x1  }
0x5f: {  	s26 =	sor.u32 $0x5100, s20  }
0x60: {  	[tilespmem:s26], [sflag:$0x5] =	stream.indirect_vreg.gather [hbm4b:s3+s1], $0x80, v4, vm0, $0x2000b8;
	[tilespmem:$0x10100] =	vst v63  }
0x61: {  	s28 =	sor.u32 $0x5900, s20  }
0x62: {  	[tilespmem:s28], [sflag:$0x5] =	stream.indirect_vreg.gather [hbm4b:s3+s1], $0x80, v3, vm0, $0x2000b8;
	[tilespmem:$0x10100] =	vst v63  }
0x63: {  	v3 =	vld [tilespmem:s21+$0x60];
	_ =	sdelay $0x4  }
0x64: {  	v62 =	vshll.u32 v3, $0x1  }
0x65: {  	v3 =	vand.u32 $0x7, v3;
	v4 =	vand.u32 $0xFFFFFFF0, v62  }
0x66: {  	v3 =	vor.u32 v3, v4  }
0x67: {  	v4 =	vperm.xlane v3, v0;
	_ =	sdelay $0x1  }
0x68: {  	v3 =	vperm.xlane v3, v2;
	v4 =	vadd.s32 v1, v4;
	_ =	sdelay $0x1  }
0x69: {  	v3 =	vadd.s32 v1, v3;
	_ =	sdelay $0x1  }
0x6a: {  	s29 =	sor.u32 $0x6100, s20  }
0x6b: {  	[tilespmem:s29], [sflag:$0x5] =	stream.indirect_vreg.gather [hbm4b:s3+s1], $0x80, v4, vm0, $0x2000b8;
	[tilespmem:$0x10100] =	vst v63  }
0x6c: {  	s30 =	sor.u32 $0x6900, s20  }
0x6d: {  	[tilespmem:s30], [sflag:$0x5] =	stream.indirect_vreg.gather [hbm4b:s3+s1], $0x80, v3, vm0, $0x2000b8;
	[tilespmem:$0x10100] =	vst v63  }
0x6e: {  	v3 =	vld [tilespmem:s21+$0x70];
	_ =	sdelay $0x4  }
0x6f: {  	v63 =	vshll.u32 v3, $0x1  }
0x70: {  	v3 =	vand.u32 $0x7, v3;
	v4 =	vand.u32 $0xFFFFFFF0, v63  }
0x71: {  	v3 =	vor.u32 v3, v4  }
0x72: {  	v4 =	vperm.xlane v3, v0;
	_ =	sdelay $0x1  }
0x73: {  	v3 =	vperm.xlane v3, v2;
	v4 =	vadd.s32 v1, v4;
	_ =	sdelay $0x1  }
0x74: {  	v3 =	vadd.s32 v1, v3;
	_ =	sdelay $0x1  }
0x75: {  	s31 =	sor.u32 $0x7100, s20  }
0x76: {  	[tilespmem:s31], [sflag:$0x5] =	stream.indirect_vreg.gather [hbm4b:s3+s1], $0x80, v4, vm0, $0x2000b8;
	[tilespmem:$0x10100] =	vst v63  }
0x77: {  	s20 =	sor.u32 $0x7900, s20  }
0x78: {  	[tilespmem:s20], [sflag:$0x5] =	stream.indirect_vreg.gather [hbm4b:s3+s1], $0x80, v3, vm0, $0x2000b8;
	[tilespmem:$0x10100] =	vst v63  }
0x79: {  	_ =	swait.ge [sflag:s8], $0x8000  }
0x7a: {  	p2 =	seq.s32 s11, $0x0;
	[sflag:s8] =	ssyncset.done $0x0  }
0x7b: {  	s17 =	sadd.s32 s5, s17;
	p1 =	por p2, p1;
	[sflag:s8] =	ssyncadd.s32 $0xFFFF8000  }
0x7c: {  	s17 =	sshll.u32 @p1 s17, $0xC;
	_ =	strace $0x90000057  }
0x7d: {  	s17 =	sand.u32 @p1 $0x1FFFF000, s17;
	s21 =	simm.s32 $0x1;
	_ =	strace @p1 $0x80000058  }
0x7e: {  	s18 =	sadd.s32 @p1 $0x3, s18;
	s21 =	simm.s32 @!p0 $0x0;
	s20 =	rddreg [dreg:$0x2]  }
0x7f: {  	p0 =	seq.s32 s11, $0x4;
	s17 =	sadd.s32 @p1 s20, s17;
	s20 =	simm.s32 @p1 $0x0  }
0x80: {  	[hbm4b:s17+s20] =	stream.linear.scatter @p1 [tilespmem:s19], [sflag:s18], $0x8000, $0x200038;
	[tilespmem:$0x10100] =	vst v63  }
0x81: {  	s17 =	simm.s32 $0x1;
	s19 =	simm.s32 $0x1;
	_ =	strace @p1 $0x90000058  }
0x82: {  	s17 =	simm.s32 @!p1 $0x0;
	p1 =	sne.s32 s11, $0x4;
	s11 =	sadd.s32 $0xFFFFFFFF, s11  }
0x83: {  	s18 =	sand.u32 @!p0 $0x1, s13;
	s19 =	simm.s32 @!p1 $0x0;
	p1 =	sne.s32 s11, $0xFFFFFFFF  }
.Ltmp0:
0x84: {  	s18 =	sadd.s32 @!p0 $0x3, s18;
	_ =	strace @!p0 $0x80000059;
	(pc) =	sbr.rel @p1 .LBB2_2-.Ltmp0, $4  }
0x85: {  	_ =	swait.ge @!p0 [sflag:s18], $0x8000  }
0x86: {  	[sflag:s18] =	ssyncset.done @!p0 $0x0  }
0x87: {  	s16 =	sadd.s32 s21, s16;
	s14 =	sadd.s32 s17, s14;
	[sflag:s18] =	ssyncadd.s32 @!p0 $0xFFFF8000  }
0x88: {  	s15 =	sadd.s32 s17, s15;
	s13 =	sadd.s32 s19, s13;
	_ =	strace @!p0 $0x90000059  }
0x89: {  	s10 =	sadd.s32 $0x1, s10  }
0x8a: {  	p0 =	sne.s32 s10, s7  }
.Ltmp1:
0x8b: {  	_ =	strace $0x8000005A;
	(pc) =	sbr.rel @p0 .LBB2_1-.Ltmp1, $4  }
0x8c: {  	_ =	swait.ge [sflag:s9], $0x8000  }
0x8d: {  	[sflag:s9] =	ssyncset.done $0x0  }
0x8e: {  	[sflag:s9] =	ssyncadd.s32 $0xFFFF8000  }
0x8f: {  	_ =	strace $0x9000005A  }
0x90: {  	_ =	sfence.sel $0x180000  }
0x91: {  	[bflag:$0x0] =	sbarrier.arrive $0xFFFF  }
0x92: {  	p0 =	sne.s32 s2, $0x0;
	_ =	strace $0x90000053  }
0x93: {  	s0 =	sadd.s32 @!p0 $0x100000, s0;
	[bflag:$0x2] =	sbarrier.arrive $0xFFFF  }
0x94: {  	[sflag:s0] =	ssyncadd.tile.s32 @!p0 $0x1;
	_ =	shalt  }
.Lfunc_end2:
_tile_overlayer_lowered:
.L_overlay_start_2:
0x95: {  	(tag) =	ssettag $0x2  }
0x96: {  	s0 =	rddreg [dreg:$0x0];
	s2 =	stileid.u32  }
0x97: {  	s1 =	rddreg [dreg:$0x1];
	p0 =	sne.s32 s2, $0x0  }
0x98: {  	s3 =	rddreg [dreg:$0x2];
	[bflag:$0x3] =	sbarrier.arrive $0xFFFF;
	s2 =	simm.s32 @!p0 $0x1C01  }
0x99: {  	[timem:s3], [sflag:s2] =	dma.local @!p0 [hbm:s0], s1  }
0x9a: {  	s0 =	simm.s32 @!p0 $0x1  }
0x9b: {  	_ =	swait.ge @!p0 [sflag:s0], s1  }
0x9c: {  	s1 =	ssub.s32 @!p0 $0x0, s1;
	[sflag:s0] =	ssyncset.done @!p0 $0x0  }
0x9d: {  	[sflag:s0] =	ssyncadd.s32 @!p0 s1  }
0x9e: {  	[bflag:$0x3] =	sbarrier.arrive $0xFFFF  }
0x9f: {  	_ =	shalt  }

// kernel: kernel.16.cloned.1.call-start
scs
__scs_entry_jumppad:
0x0: {  	(pc) =	sbr.rel $0x88, $3  }
0x1: {  	(tag) =	ssettag $0x0;
	lr =	simm.s32 $0x1  }
0x2: {  	[smem:$0x3F8C] =	sst lr;
	_ =	strace $0xD0000000  }
0x3: {  	_ = 	snop  }
0x4: {  	_ = 	snop  }
0x5: {  	_ = 	snop  }
0x6: {  	_ = 	snop  }
0x7: {  	_ = 	snop  }
__scs_overlays_trampoline_lowered:
0x8: {  	[smem:$0x3F9B] =	sst s0  }
0x9: {  	[smem:$0x3F9C] =	sst s1  }
0xa: {  	[smem:$0x3F9D] =	sst s2  }
0xb: {  	[smem:$0x3F9E] =	sst s3  }
0xc: {  	[smem:$0x3F9F] =	sst s4  }
0xd: {  	[smem:$0x3FA0] =	sst s5  }
0xe: {  	[smem:$0x3FA1] =	sst s6  }
0xf: {  	[smem:$0x3FA2] =	sst s7  }
0x10: {  	[smem:$0x3FA3] =	sst s8  }
0x11: {  	[smem:$0x3FA4] =	sst s9;
	s0 =	simm.s32 @!p0 $0x0  }
0x12: {  	s1 =	sld [smem:$0x3F8A];
	s0 =	simm.s32 @p0 $0x1  }
0x13: {  	[smem:$0x3FA5] =	sst s0;
	s0 =	simm.s32 @!p1 $0x0  }
0x14: {  	s2 =	sld [smem:$0x3F89];
	s0 =	simm.s32 @p1 $0x1  }
0x15: {  	[smem:$0x3FA6] =	sst s0;
	s0 =	simm.s32 @!p2 $0x0  }
0x16: {  	s3 =	sld [smem:$0x3FDB];
	s0 =	simm.s32 @p2 $0x1  }
0x17: {  	s4 =	simm.s32 $0x1BF5;
	[smem:$0x3FA8] =	sst s0  }
0x18: {  	s0 =	sld [smem:$0x3F8B];
	_ =	swait.ge [sflag:s4], $0x0  }
0x19: {  	s7 =	sld [smem:$0x3F8C]  }
0x1a: {  	s8 =	sadd.s32 $0xFFFFE003, lr  }
0x1b: {  	s9 =	sadd.s32 $0xFFFFFEF7, lr;
	s5 =	simm.s32 $0xFFFFFFFF;
	p2 =	slt.u32 s8, $0xFFFFF086  }
0x1c: {  	p1 =	slt.u32 s9, $0xF7A;
	s5 =	simm.s32 @!p2 $0x0  }
0x1d: {  	s5 =	simm.s32 @p1 $0x1;
	p0 =	seq.s32 s7, s2  }
0x1e: {  	s7 =	smul.u32 @!p0 $0xF7A, s2;
	p2 =	seq.s32 @!p0 s5, $0x0  }
0x1f: {  	s9 =	smul.u32 $0xF7A, s1;
	s8 =	simm.s32 @!p0 $0x1BF5;
	p2 =	por !p2, p0  }
0x20: {  	[sflag:s8] =	ssyncset.s32 @!p0 $0xFFFFF086;
	s6 =	sadd.s32 @!p0 s3, s7;
	s7 =	simm.s32 @!p0 $0x108  }
0x21: {  	s3 =	sadd.s32 s3, s9;
	s6 =	sadd.s32 @!p0 $0x88, s6;
	s7 =	simm.s32 @p2 $0x1082  }
0x22: {  	[simem:s7], [sflag:s8] =	dma.local @!p0 [hbm:s6], $0xF7A  }
0x23: {  	s9 =	sor.u32 $0xD0000000, s2;
	s6 =	simm.s32 $0x108;
	_ =	swait.ge @!p0 [sflag:s8], $0x0  }
0x24: {  	s3 =	sadd.s32 $0x88, s3;
	s6 =	simm.s32 @!p1 $0x1082;
	[sflag:s4] =	ssyncset.s32 $0xFFFFF086  }
0x25: {  	[simem:s6], [sflag:s4] =	dma.local [hbm:s3], $0xF7A  }
0x26: {  	[smem:$0x3F8C] =	sst s1;
	(tag) =	ssettag s2;
	_ =	strace s9  }
0x27: {  	s1 =	sld [smem:$0x3F9C]  }
0x28: {  	s2 =	sld [smem:$0x3F9D]  }
0x29: {  	s4 =	sld [smem:$0x3F9F]  }
0x2a: {  	p0 =	seq.s32 s5, $0x0;
	s5 =	sld [smem:$0x3FA0]  }
0x2b: {  	s6 =	sld [smem:$0x3FA1]  }
0x2c: {  	s7 =	sld [smem:$0x3FA2]  }
0x2d: {  	s3 =	simm.s32 $0x108;
	s8 =	sld [smem:$0x3FA3]  }
0x2e: {  	s3 =	simm.s32 @!p0 $0x1082;
	s9 =	sld [smem:$0x3FA4]  }
0x2f: {  	lr =	sadd.s32 s0, s3;
	s0 =	sld [smem:$0x3F9B]  }
0x30: {  	s3 =	sld [smem:$0x3F9E]  }
0x31: {  	[smem:$0x3FA7] =	sst s10  }
0x32: {  	s10 =	sld [smem:$0x3FA5];
	_ =	sdelay $0x3  }
0x33: {  	p0 =	seq.s32 s10, $0x1;
	s10 =	sld [smem:$0x3FA7];
	_ =	sdelay $0x3  }
0x34: {  	[smem:$0x3FA7] =	sst s10  }
0x35: {  	s10 =	sld [smem:$0x3FA6];
	_ =	sdelay $0x3  }
0x36: {  	p1 =	seq.s32 s10, $0x1;
	s10 =	sld [smem:$0x3FA7];
	_ =	sdelay $0x3  }
0x37: {  	[smem:$0x3FA7] =	sst s10  }
0x38: {  	s10 =	sld [smem:$0x3FA8]  }
0x39: {  	_ = 	snop;
	(pc) =	sbr.ind lr, $3  }
0x3a: {  	_ = 	snop  }
0x3b: {  	_ = 	snop  }
0x3c: {  	p2 =	seq.s32 s10, $0x1;
	s10 =	sld [smem:$0x3FA7]  }
0x3d: {  	_ =	shalt  }
0x3e: {  	_ =	shalt  }
0x3f: {  	_ =	shalt  }
0x40: {  	_ =	shalt  }
0x41: {  	_ =	shalt  }
0x42: {  	_ =	shalt  }
0x43: {  	_ =	shalt  }
0x44: {  	_ =	shalt  }
0x45: {  	_ =	shalt  }
0x46: {  	_ =	shalt  }
0x47: {  	_ =	shalt  }
0x48: {  	_ =	shalt  }
0x49: {  	_ =	shalt  }
0x4a: {  	_ =	shalt  }
0x4b: {  	_ =	shalt  }
0x4c: {  	_ =	shalt  }
0x4d: {  	_ =	shalt  }
0x4e: {  	_ =	shalt  }
0x4f: {  	_ =	shalt  }
0x50: {  	_ =	shalt  }
0x51: {  	_ =	shalt  }
0x52: {  	_ =	shalt  }
0x53: {  	_ =	shalt  }
0x54: {  	_ =	shalt  }
0x55: {  	_ =	shalt  }
0x56: {  	_ =	shalt  }
0x57: {  	_ =	shalt  }
0x58: {  	_ =	shalt  }
0x59: {  	_ =	shalt  }
0x5a: {  	_ =	shalt  }
0x5b: {  	_ =	shalt  }
0x5c: {  	_ =	shalt  }
0x5d: {  	_ =	shalt  }
0x5e: {  	_ =	shalt  }
0x5f: {  	_ =	shalt  }
0x60: {  	_ =	shalt  }
0x61: {  	_ =	shalt  }
0x62: {  	_ =	shalt  }
0x63: {  	_ =	shalt  }
0x64: {  	_ =	shalt  }
0x65: {  	_ =	shalt  }
0x66: {  	_ =	shalt  }
0x67: {  	_ =	shalt  }
0x68: {  	_ =	shalt  }
0x69: {  	_ =	shalt  }
0x6a: {  	_ =	shalt  }
0x6b: {  	_ =	shalt  }
0x6c: {  	_ =	shalt  }
0x6d: {  	_ =	shalt  }
0x6e: {  	_ =	shalt  }
0x6f: {  	_ =	shalt  }
0x70: {  	_ =	shalt  }
0x71: {  	_ =	shalt  }
0x72: {  	_ =	shalt  }
0x73: {  	_ =	shalt  }
0x74: {  	_ =	shalt  }
0x75: {  	_ =	shalt  }
0x76: {  	_ =	shalt  }
0x77: {  	_ =	shalt  }
0x78: {  	_ =	shalt  }
0x79: {  	_ =	shalt  }
0x7a: {  	_ =	shalt  }
0x7b: {  	_ =	shalt  }
0x7c: {  	_ =	shalt  }
0x7d: {  	_ =	shalt  }
0x7e: {  	_ =	shalt  }
0x7f: {  	_ =	shalt  }
0x80: {  	_ =	shalt  }
0x81: {  	_ =	shalt  }
0x82: {  	_ =	shalt  }
0x83: {  	_ =	shalt  }
0x84: {  	_ =	shalt  }
0x85: {  	_ =	shalt  }
0x86: {  	_ =	shalt  }
0x87: {  	_ =	shalt  }
.Lfunc_end0:
.L_simem_size_0:
called_computation.2_lowered:
.L_overlay_start_0:
0x88: {  	s2 =	sld [smem:$0x3FD9]  }
0x89: {  	s3 =	sld [smem:$0x3FFE];
	_ =	sdelay $0x1  }
0x8a: {  	s1 =	srdreg.scid  }
0x8b: {  	s0 =	sand.u32 $0x1, s1  }
0x8c: {  	s16 =	sshll.u32 s0, $0xA;
	s2 =	sadd.s32 s3, s2  }
0x8d: {  	s2 =	sadd.s32 s2, s16  }
0x8e: {  	[smem:$0x3FB3] =	sst s2  }
0x8f: {  	_ = 	snop  }
0x90: {  	(tm) =	ssettm $0x1  }
0x91: {  	s17 =	sld [smem:$0x3FFB];
	_ =	sdelay $0x3  }
0x92: {  	_ =	strace s17  }
0x93: {  	s2 =	sld [smem:$0x3FFC];
	_ =	sdelay $0x3  }
0x94: {  	_ =	strace s2  }
0x95: {  	s2 =	sld [smem:$0x3FFD];
	_ =	sdelay $0x3  }
0x96: {  	_ =	strace s2  }
0x97: {  	_ =	strace $0x8FFFFFFF  }
0x98: {  	s18 =	sld [smem:$0x3FDB];
	_ =	sdelay $0x1  }
0x99: {  	s19 =	simm.s32 $_scs_section_size  }
0x9a: {  	s4 =	simm.s32 $_size__tile_overlayer_lowered;
	s5 =	simm.s32 $_tile_overlayer_lowered  }
0x9b: {  	s22 =	simm.s32 $0x1BFF;
	s21 =	sshll.u32 s5, $0x1;
	s2 =	sadd.s32 s19, s18  }
0x9c: {  	s6 =	simm.s32 $0x0;
	s20 =	sshll.u32 s4, $0x1;
	s4 =	sadd.s32 s21, s2  }
0x9d: {  	[timem:s6], [sflag:s22] =	dma.local [hbm:s4], s20  }
0x9e: {  	_ =	swait.ge [sflag:s22], s20  }
0x9f: {  	s3 =	ssub.s32 $0x0, s20;
	[sflag:s22] =	ssyncset.done $0x0  }
0xa0: {  	[sflag:s22] =	ssyncadd.s32 s3;
	_ =	sdelay $0x1  }
0xa1: {  	s23 =	simm.s32 $0x1B8B  }
0xa2: {  	_ =	swait.ge [sflag:s23], $0x1  }
0xa3: {  	[sflag:s23] =	ssyncset.done $0x0  }
0xa4: {  	s25 =	simm.s32 $0x1B8E;
	s24 =	sld [smem:$0x3FFE];
	[sflag:s23] =	ssyncadd.s32 $0xFFFFFFFF  }
0xa5: {  	s26 =	simm.s32 $execute0_lowered;
	[smem:$0x3FD2] =	sst s25  }
0xa6: {  	s4 =	sshll.u32 s26, $0x1;
	_ =	strace $0x80000046;
	[dreg:$0x1] =	wrdreg $0xFFFFFFFF  }
0xa7: {  	s28 =	simm.s32 $_size_execute0_lowered;
	s2 =	sadd.s32 s2, s4;
	[dreg:$0x0] =	wrdreg $0x0  }
0xa8: {  	s4 =	sshll.u32 s28, $0x1;
	[dreg:$0x2] =	wrdreg s2  }
0xa9: {  	[dreg:$0x3] =	wrdreg s4  }
0xaa: {  	[dreg:$0x4] =	wrdreg $0xC0  }
0xab: {  	_ =	task [dreg:s6], $0x5FFFF  }
0xac: {  	[dreg:$0x1] =	wrdreg $0xFFFFFFFF  }
0xad: {  	[dreg:$0x0] =	wrdreg $0x60  }
0xae: {  	[dreg:$0x2] =	wrdreg s24  }
0xaf: {  	[dreg:$0x3] =	wrdreg $0xA  }
0xb0: {  	_ =	task.clear_ibuf [dreg:s6], $0x4FFFF;
	_ =	strace $0x90000046  }
0xb1: {  	s29 =	simm.s32 $0xA;
	_ =	strace $0x80000051  }
0xb2: {  	_ =	swait.ge [sflag:s29], $0x1  }
0xb3: {  	[sflag:s29] =	ssyncadd.s32 $0xFFFFFFFF  }
0xb4: {  	_ =	strace $0x90000051  }
0xb5: {  	_ =	sfence  }
0xb6: {  	s30 =	sld [smem:$0x0];
	_ =	sdelay $0x2  }
0xb7: {  	s31 =	sshll.u32 s1, $0xD;
	s1 =	sshrl.u32 s1, $0x2  }
0xb8: {  	s3 =	sand.u32 $0x4000, s31;
	s1 =	sadd.s32 s1, s30  }
0xb9: {  	s0 =	sor.u32 s3, s0;
	s1 =	sshll.u32 s1, $0x11  }
0xba: {  	s0 =	sor.u32 s1, s0  }
0xbb: {  	s0 =	sadd.s32 $0x8F2B, s0  }
0xbc: {  	[sflag:s0] =	ssyncadd.remote.s32 $0x1  }
0xbd: {  	_ =	sfence.sel $0xFFFF  }
0xbe: {  	[dreg:$0x0] =	wrdreg $0xFFFFFFFF;
	(pc) =	sbr.abs _section_cstart, $3  }
0xbf: {  	[dreg:$0x1] =	wrdreg $0xFFFFFFFF  }
0xc0: {  	_ =	task.clear_ibuf [dreg:s6], $0x2FFFF;
	_ =	strace $0x9FFFFFFF  }
0xc1: {  	(tm) =	ssettm $0x7FFFFFFF  }
tec
execute0_lowered:
.L_overlay_start_1:
0x0: {  	(tag) =	ssettag $0x1  }
0x1: {  	s7 =	rddreg [dreg:$0x0]  }
0x2: {  	s0 =	rddreg [dreg:$0x1];
	s1 =	simm.s32 $0x0;
	s2 =	srdreg.scid  }
0x3: {  	s12 =	simm.s32 $0x7;
	s13 =	simm.s32 $0x0;
	[smem:$0x7FF] =	sst s1  }
0x4: {  	s5 =	sand.u32 $0x1, s2;
	s3 =	sadd.s32 $0x312800, s7;
	s2 =	stileid.u32  }
0x5: {  	s4 =	sadd.s32 $0x499200, s7;
	_ =	strace $0x80000047;
	s6 =	sshll.u32 s5, $0x4  }
0x6: {  	s8 =	ssub.s32 $0x2, s5;
	s5 =	sadd.s32 $0x311E00, s7;
	s9 =	sor.u32 s2, s6  }
0x7: {  	s10 =	sshrl.u32 s8, $0x1;
	s6 =	sadd.s32 $0x4A00, s7;
	s11 =	smul.u32 $0x50, s9  }
0x8: {  	s7 =	sadd.s32 $0x54A00, s7;
	s10 =	ssub.s32 s8, s10;
	s8 =	smul.u32 $0x5, s9  }
0x9: {  	s10 =	smax.u32 s10, $0x1;
	s9 =	sadd.s32 s5, s11;
	s11 =	simm.s32 $0x80  }
.LBB2_1:
0xa: {  	_ =	strace $0x80000048  }
0xb: {  	s15 =	simm.s32 $0x4;
	s22 =	simm.s32 $0x0;
	s14 =	simm.s32 $0x0  }
0xc: {  	s16 =	simm.s32 $0x0;
	s20 =	simm.s32 $0x0;
	s17 =	simm.s32 $0x0  }
0xd: {  	[tilespmem:s1], [sflag:$0x1] =	stream.linear.gather [hbm4b:s9+s1], $0x80, $0x200038;
	[tilespmem:$0x10100] =	vst v63  }
0xe: {  	s18 =	simm.s32 $0x0;
	s19 =	simm.s32 $0x1;
	_ =	strace $0x90000048  }
.LBB2_2:
0xf: {  	s21 =	sadd.s32 $0x1, s22  }
0x10: {  	p0 =	seq.s32 s21, $0x5  }
0x11: {  	s21 =	simm.s32 @p0 $0x0  }
0x12: {  	p1 =	sne.s32 s15, $0x0;
	p0 =	sne.s32 s22, s21  }
0x13: {  	p0 =	por !p1, !p0  }
0x14: {  	p0 =	por !p0, !p0  }
0x15: {  	s23 =	sadd.s32 @p0 s8, s21  }
0x16: {  	s24 =	sand.u32 @p0 $0x1, s19;
	s23 =	sshll.u32 @p0 s23, $0x4  }
0x17: {  	_ =	strace @p0 $0x80000049;
	s26 =	simm.s32 @p0 $0x0;
	s23 =	sand.u32 @p0 $0x1FFFFFF0, s23  }
0x18: {  	s25 =	sshll.u32 @p0 s24, $0x7;
	s24 =	sadd.s32 @p0 $0x1, s24;
	s23 =	sadd.s32 @p0 s5, s23  }
0x19: {  	[tilespmem:s25], [sflag:s24] =	stream.linear.gather @p0 [hbm4b:s23+s26], $0x80, $0x200038;
	[tilespmem:$0x10100] =	vst v63  }
0x1a: {  	s28 =	sand.u32 $0x1, s18;
	_ =	strace @p0 $0x90000049  }
0x1b: {  	s23 =	sadd.s32 $0x1, s28;
	_ =	strace $0x8000004A  }
0x1c: {  	_ =	swait.ge [sflag:s23], $0x80  }
0x1d: {  	[sflag:s23] =	ssyncset.done $0x0  }
0x1e: {  	s24 =	sand.u32 $0x1, s17;
	[sflag:s23] =	ssyncadd.s32 $0xFFFFFF80  }
0x1f: {  	s30 =	sshll.u32 s18, $0x7;
	s29 =	sshll.u32 s24, $0xE;
	_ =	strace $0x9000004A  }
0x20: {  	s31 =	sand.u32 $0x80, s30;
	s26 =	sor.u32 $0x100, s29;
	_ =	strace $0x8000004B  }
0x21: {  	[tilespmem:s26], [sflag:$0x7] =	stream.indirect.gather [hbm4b:s3+s11], $0x80, s31, s11, $0x2000b8;
	[tilespmem:$0x10100] =	vst v63  }
0x22: {  	s25 =	sand.u32 $0x1, s16;
	_ =	swait.ge [sflag:s12], $0x4000  }
0x23: {  	p1 =	seq.s32 s15, $0x0;
	s28 =	sshll.u32 s25, $0xE;
	[sflag:s12] =	ssyncset.done $0x0  }
0x24: {  	p2 =	seq.s32 @!p1 s22, s21;
	s28 =	sor.u32 $0x8100, s28;
	[sflag:s12] =	ssyncadd.s32 $0xFFFFC000  }
0x25: {  	[tilespmem:s28], [sflag:$0x7] =	stream.indirect.gather [hbm4b:s4+s11], $0x80, s31, s11, $0x2000b8;
	[tilespmem:$0x10100] =	vst v63  }
0x26: {  	p1 =	por p1, !p2;
	_ =	swait.ge [sflag:s12], $0x4000  }
0x27: {  	s22 =	sadd.s32 @p1 s8, s22;
	[sflag:s12] =	ssyncset.done $0x0  }
0x28: {  	s22 =	sshll.u32 @p1 s22, $0xB;
	[sflag:s12] =	ssyncadd.s32 $0xFFFFC000  }
0x29: {  	s22 =	sand.u32 @p1 $0x1FFFF800, s22;
	s23 =	simm.s32 $0x0;
	_ =	strace $0x9000004B  }
0x2a: {  	s23 =	sadd.s32 @p1 $0x3, s24;
	s24 =	sadd.s32 @p1 s6, s22;
	_ =	strace @p1 $0x8000004C  }
0x2b: {  	[hbm4b:s24+s1] =	stream.linear.scatter @p1 [tilespmem:s26], [sflag:s23], $0x4000, $0x200038;
	[tilespmem:$0x10100] =	vst v63  }
0x2c: {  	s17 =	sadd.s32 @p1 $0x1, s17;
	_ =	strace @p1 $0x9000004C  }
0x2d: {  	s22 =	sadd.s32 @p1 s7, s22;
	s23 =	sadd.s32 @p1 $0x5, s25;
	_ =	strace @p1 $0x8000004D  }
0x2e: {  	[hbm4b:s22+s1] =	stream.linear.scatter @p1 [tilespmem:s28], [sflag:s23], $0x4000, $0x200038;
	[tilespmem:$0x10100] =	vst v63  }
0x2f: {  	s23 =	simm.s32 @p1 $0x1;
	_ =	strace @p1 $0x9000004D;
	p1 =	seq.s32 s15, $0x4  }
0x30: {  	s22 =	sand.u32 @!p1 $0x1, s20  }
0x31: {  	_ =	strace @!p1 $0x8000004E;
	s22 =	sadd.s32 @!p1 $0x3, s22  }
0x32: {  	_ =	swait.ge @!p1 [sflag:s22], $0x4000  }
0x33: {  	s24 =	simm.s32 $0x1;
	[sflag:s22] =	ssyncset.done @!p1 $0x0  }
0x34: {  	s24 =	simm.s32 @!p0 $0x0;
	[sflag:s22] =	ssyncadd.s32 @!p1 $0xFFFFC000  }
0x35: {  	s15 =	sadd.s32 $0xFFFFFFFF, s15;
	s22 =	sand.u32 @!p1 $0x1, s14;
	_ =	strace @!p1 $0x9000004E  }
0x36: {  	p0 =	sne.s32 s15, $0xFFFFFFFF;
	s22 =	sadd.s32 @!p1 $0x5, s22;
	_ =	strace @!p1 $0x8000004F  }
.Ltmp0:
0x37: {  	s19 =	sadd.s32 s24, s19;
	_ =	swait.ge @!p1 [sflag:s22], $0x4000;
	(pc) =	sbr.rel @p0 .LBB2_2-.Ltmp0, $4  }
0x38: {  	s16 =	sadd.s32 s16, s23;
	s24 =	sadd.s32 @!p1 $0x1, s20;
	[sflag:s22] =	ssyncset.done @!p1 $0x0  }
0x39: {  	s24 =	smov.u32 @p1 s20;
	[sflag:s22] =	ssyncadd.s32 @!p1 $0xFFFFC000;
	s22 =	simm.s32 @!p1 $0x1  }
0x3a: {  	s18 =	sadd.s32 s18, s23;
	s20 =	smov.u32 s24;
	s22 =	simm.s32 @p1 $0x0  }
0x3b: {  	_ =	strace @!p1 $0x9000004F;
	s14 =	sadd.s32 s14, s22;
	s22 =	smov.u32 s21  }
0x3c: {  	s15 =	sand.u32 $0x1, s24  }
0x3d: {  	_ =	strace $0x80000050;
	s15 =	sadd.s32 $0x3, s15  }
0x3e: {  	s13 =	sadd.s32 $0x1, s13;
	_ =	swait.ge [sflag:s15], $0x4000  }
0x3f: {  	s14 =	sand.u32 $0x1, s14;
	p0 =	sne.s32 s13, s10;
	[sflag:s15] =	ssyncset.done $0x0  }
.Ltmp1:
0x40: {  	s14 =	sadd.s32 $0x5, s14;
	[sflag:s15] =	ssyncadd.s32 $0xFFFFC000;
	(pc) =	sbr.rel @p0 .LBB2_1-.Ltmp1, $4  }
0x41: {  	_ =	swait.ge [sflag:s14], $0x4000  }
0x42: {  	[sflag:s14] =	ssyncset.done $0x0  }
0x43: {  	[sflag:s14] =	ssyncadd.s32 $0xFFFFC000  }
0x44: {  	_ =	strace $0x90000050  }
0x45: {  	_ =	sfence.sel $0x180000  }
0x46: {  	[bflag:$0x0] =	sbarrier.arrive $0xFFFF  }
0x47: {  	p0 =	sne.s32 s2, $0x0;
	_ =	strace $0x90000047  }
0x48: {  	s0 =	sadd.s32 @!p0 $0x100000, s0;
	[bflag:$0x2] =	sbarrier.arrive $0xFFFF  }
0x49: {  	[sflag:s0] =	ssyncadd.tile.s32 @!p0 $0x1;
	_ =	shalt  }
.Lfunc_end2:
_tile_overlayer_lowered:
.L_overlay_start_2:
0x4a: {  	(tag) =	ssettag $0x2  }
0x4b: {  	s0 =	rddreg [dreg:$0x0];
	s2 =	stileid.u32  }
0x4c: {  	s1 =	rddreg [dreg:$0x1];
	p0 =	sne.s32 s2, $0x0  }
0x4d: {  	s3 =	rddreg [dreg:$0x2];
	[bflag:$0x3] =	sbarrier.arrive $0xFFFF;
	s2 =	simm.s32 @!p0 $0x1C01  }
0x4e: {  	[timem:s3], [sflag:s2] =	dma.local @!p0 [hbm:s0], s1  }
0x4f: {  	s0 =	simm.s32 @!p0 $0x1  }
0x50: {  	_ =	swait.ge @!p0 [sflag:s0], s1  }
0x51: {  	s1 =	ssub.s32 @!p0 $0x0, s1;
	[sflag:s0] =	ssyncset.done @!p0 $0x0  }
0x52: {  	[sflag:s0] =	ssyncadd.s32 @!p0 s1  }
0x53: {  	[bflag:$0x3] =	sbarrier.arrive $0xFFFF  }
0x54: {  	_ =	shalt  }

// kernel: kernel.19.cloned.1.call-start
scs
__scs_entry_jumppad:
0x0: {  	(pc) =	sbr.rel $0x88, $3  }
0x1: {  	(tag) =	ssettag $0x0;
	lr =	simm.s32 $0x1  }
0x2: {  	[smem:$0x3F8C] =	sst lr;
	_ =	strace $0xD0000000  }
0x3: {  	_ = 	snop  }
0x4: {  	_ = 	snop  }
0x5: {  	_ = 	snop  }
0x6: {  	_ = 	snop  }
0x7: {  	_ = 	snop  }
__scs_overlays_trampoline_lowered:
0x8: {  	[smem:$0x3F9B] =	sst s0  }
0x9: {  	[smem:$0x3F9C] =	sst s1  }
0xa: {  	[smem:$0x3F9D] =	sst s2  }
0xb: {  	[smem:$0x3F9E] =	sst s3  }
0xc: {  	[smem:$0x3F9F] =	sst s4  }
0xd: {  	[smem:$0x3FA0] =	sst s5  }
0xe: {  	[smem:$0x3FA1] =	sst s6  }
0xf: {  	[smem:$0x3FA2] =	sst s7  }
0x10: {  	[smem:$0x3FA3] =	sst s8  }
0x11: {  	[smem:$0x3FA4] =	sst s9;
	s0 =	simm.s32 @!p0 $0x0  }
0x12: {  	s1 =	sld [smem:$0x3F8A];
	s0 =	simm.s32 @p0 $0x1  }
0x13: {  	[smem:$0x3FA5] =	sst s0;
	s0 =	simm.s32 @!p1 $0x0  }
0x14: {  	s2 =	sld [smem:$0x3F89];
	s0 =	simm.s32 @p1 $0x1  }
0x15: {  	[smem:$0x3FA6] =	sst s0;
	s0 =	simm.s32 @!p2 $0x0  }
0x16: {  	s3 =	sld [smem:$0x3FDB];
	s0 =	simm.s32 @p2 $0x1  }
0x17: {  	s4 =	simm.s32 $0x1BF5;
	[smem:$0x3FA8] =	sst s0  }
0x18: {  	s0 =	sld [smem:$0x3F8B];
	_ =	swait.ge [sflag:s4], $0x0  }
0x19: {  	s7 =	sld [smem:$0x3F8C]  }
0x1a: {  	s8 =	sadd.s32 $0xFFFFE003, lr  }
0x1b: {  	s9 =	sadd.s32 $0xFFFFFEF7, lr;
	s5 =	simm.s32 $0xFFFFFFFF;
	p2 =	slt.u32 s8, $0xFFFFF086  }
0x1c: {  	p1 =	slt.u32 s9, $0xF7A;
	s5 =	simm.s32 @!p2 $0x0  }
0x1d: {  	s5 =	simm.s32 @p1 $0x1;
	p0 =	seq.s32 s7, s2  }
0x1e: {  	s7 =	smul.u32 @!p0 $0xF7A, s2;
	p2 =	seq.s32 @!p0 s5, $0x0  }
0x1f: {  	s9 =	smul.u32 $0xF7A, s1;
	s8 =	simm.s32 @!p0 $0x1BF5;
	p2 =	por !p2, p0  }
0x20: {  	[sflag:s8] =	ssyncset.s32 @!p0 $0xFFFFF086;
	s6 =	sadd.s32 @!p0 s3, s7;
	s7 =	simm.s32 @!p0 $0x108  }
0x21: {  	s3 =	sadd.s32 s3, s9;
	s6 =	sadd.s32 @!p0 $0x88, s6;
	s7 =	simm.s32 @p2 $0x1082  }
0x22: {  	[simem:s7], [sflag:s8] =	dma.local @!p0 [hbm:s6], $0xF7A  }
0x23: {  	s9 =	sor.u32 $0xD0000000, s2;
	s6 =	simm.s32 $0x108;
	_ =	swait.ge @!p0 [sflag:s8], $0x0  }
0x24: {  	s3 =	sadd.s32 $0x88, s3;
	s6 =	simm.s32 @!p1 $0x1082;
	[sflag:s4] =	ssyncset.s32 $0xFFFFF086  }
0x25: {  	[simem:s6], [sflag:s4] =	dma.local [hbm:s3], $0xF7A  }
0x26: {  	[smem:$0x3F8C] =	sst s1;
	(tag) =	ssettag s2;
	_ =	strace s9  }
0x27: {  	s1 =	sld [smem:$0x3F9C]  }
0x28: {  	s2 =	sld [smem:$0x3F9D]  }
0x29: {  	s4 =	sld [smem:$0x3F9F]  }
0x2a: {  	p0 =	seq.s32 s5, $0x0;
	s5 =	sld [smem:$0x3FA0]  }
0x2b: {  	s6 =	sld [smem:$0x3FA1]  }
0x2c: {  	s7 =	sld [smem:$0x3FA2]  }
0x2d: {  	s3 =	simm.s32 $0x108;
	s8 =	sld [smem:$0x3FA3]  }
0x2e: {  	s3 =	simm.s32 @!p0 $0x1082;
	s9 =	sld [smem:$0x3FA4]  }
0x2f: {  	lr =	sadd.s32 s0, s3;
	s0 =	sld [smem:$0x3F9B]  }
0x30: {  	s3 =	sld [smem:$0x3F9E]  }
0x31: {  	[smem:$0x3FA7] =	sst s10  }
0x32: {  	s10 =	sld [smem:$0x3FA5];
	_ =	sdelay $0x3  }
0x33: {  	p0 =	seq.s32 s10, $0x1;
	s10 =	sld [smem:$0x3FA7];
	_ =	sdelay $0x3  }
0x34: {  	[smem:$0x3FA7] =	sst s10  }
0x35: {  	s10 =	sld [smem:$0x3FA6];
	_ =	sdelay $0x3  }
0x36: {  	p1 =	seq.s32 s10, $0x1;
	s10 =	sld [smem:$0x3FA7];
	_ =	sdelay $0x3  }
0x37: {  	[smem:$0x3FA7] =	sst s10  }
0x38: {  	s10 =	sld [smem:$0x3FA8]  }
0x39: {  	_ = 	snop;
	(pc) =	sbr.ind lr, $3  }
0x3a: {  	_ = 	snop  }
0x3b: {  	_ = 	snop  }
0x3c: {  	p2 =	seq.s32 s10, $0x1;
	s10 =	sld [smem:$0x3FA7]  }
0x3d: {  	_ =	shalt  }
0x3e: {  	_ =	shalt  }
0x3f: {  	_ =	shalt  }
0x40: {  	_ =	shalt  }
0x41: {  	_ =	shalt  }
0x42: {  	_ =	shalt  }
0x43: {  	_ =	shalt  }
0x44: {  	_ =	shalt  }
0x45: {  	_ =	shalt  }
0x46: {  	_ =	shalt  }
0x47: {  	_ =	shalt  }
0x48: {  	_ =	shalt  }
0x49: {  	_ =	shalt  }
0x4a: {  	_ =	shalt  }
0x4b: {  	_ =	shalt  }
0x4c: {  	_ =	shalt  }
0x4d: {  	_ =	shalt  }
0x4e: {  	_ =	shalt  }
0x4f: {  	_ =	shalt  }
0x50: {  	_ =	shalt  }
0x51: {  	_ =	shalt  }
0x52: {  	_ =	shalt  }
0x53: {  	_ =	shalt  }
0x54: {  	_ =	shalt  }
0x55: {  	_ =	shalt  }
0x56: {  	_ =	shalt  }
0x57: {  	_ =	shalt  }
0x58: {  	_ =	shalt  }
0x59: {  	_ =	shalt  }
0x5a: {  	_ =	shalt  }
0x5b: {  	_ =	shalt  }
0x5c: {  	_ =	shalt  }
0x5d: {  	_ =	shalt  }
0x5e: {  	_ =	shalt  }
0x5f: {  	_ =	shalt  }
0x60: {  	_ =	shalt  }
0x61: {  	_ =	shalt  }
0x62: {  	_ =	shalt  }
0x63: {  	_ =	shalt  }
0x64: {  	_ =	shalt  }
0x65: {  	_ =	shalt  }
0x66: {  	_ =	shalt  }
0x67: {  	_ =	shalt  }
0x68: {  	_ =	shalt  }
0x69: {  	_ =	shalt  }
0x6a: {  	_ =	shalt  }
0x6b: {  	_ =	shalt  }
0x6c: {  	_ =	shalt  }
0x6d: {  	_ =	shalt  }
0x6e: {  	_ =	shalt  }
0x6f: {  	_ =	shalt  }
0x70: {  	_ =	shalt  }
0x71: {  	_ =	shalt  }
0x72: {  	_ =	shalt  }
0x73: {  	_ =	shalt  }
0x74: {  	_ =	shalt  }
0x75: {  	_ =	shalt  }
0x76: {  	_ =	shalt  }
0x77: {  	_ =	shalt  }
0x78: {  	_ =	shalt  }
0x79: {  	_ =	shalt  }
0x7a: {  	_ =	shalt  }
0x7b: {  	_ =	shalt  }
0x7c: {  	_ =	shalt  }
0x7d: {  	_ =	shalt  }
0x7e: {  	_ =	shalt  }
0x7f: {  	_ =	shalt  }
0x80: {  	_ =	shalt  }
0x81: {  	_ =	shalt  }
0x82: {  	_ =	shalt  }
0x83: {  	_ =	shalt  }
0x84: {  	_ =	shalt  }
0x85: {  	_ =	shalt  }
0x86: {  	_ =	shalt  }
0x87: {  	_ =	shalt  }
.Lfunc_end0:
.L_simem_size_0:
called_computation.3_lowered:
.L_overlay_start_0:
0x88: {  	s2 =	sld [smem:$0x3FD9]  }
0x89: {  	s3 =	sld [smem:$0x3FFE];
	_ =	sdelay $0x1  }
0x8a: {  	s1 =	srdreg.scid  }
0x8b: {  	s0 =	sand.u32 $0x1, s1  }
0x8c: {  	s17 =	sshll.u32 s0, $0xA;
	s2 =	sadd.s32 s3, s2  }
0x8d: {  	s2 =	sadd.s32 s2, s17  }
0x8e: {  	[smem:$0x3FB3] =	sst s2  }
0x8f: {  	_ = 	snop  }
0x90: {  	(tm) =	ssettm $0x1  }
0x91: {  	s18 =	sld [smem:$0x3FFB];
	_ =	sdelay $0x3  }
0x92: {  	_ =	strace s18  }
0x93: {  	s2 =	sld [smem:$0x3FFC];
	_ =	sdelay $0x3  }
0x94: {  	_ =	strace s2  }
0x95: {  	s2 =	sld [smem:$0x3FFD];
	_ =	sdelay $0x3  }
0x96: {  	_ =	strace s2  }
0x97: {  	_ =	strace $0x8FFFFFFF  }
0x98: {  	s19 =	sld [smem:$0x3FDB];
	_ =	sdelay $0x1  }
0x99: {  	s20 =	simm.s32 $_scs_section_size  }
0x9a: {  	s4 =	simm.s32 $_size__tile_overlayer_lowered;
	s5 =	simm.s32 $_tile_overlayer_lowered  }
0x9b: {  	s6 =	simm.s32 $0x1BFF;
	s21 =	sshll.u32 s5, $0x1;
	s3 =	sadd.s32 s20, s19  }
0x9c: {  	s22 =	simm.s32 $0x0;
	s4 =	sshll.u32 s4, $0x1;
	s5 =	sadd.s32 s21, s3  }
0x9d: {  	[timem:s22], [sflag:s6] =	dma.local [hbm:s5], s4  }
0x9e: {  	_ =	swait.ge [sflag:s6], s4  }
0x9f: {  	s4 =	ssub.s32 $0x0, s4;
	[sflag:s6] =	ssyncset.done $0x0  }
0xa0: {  	[sflag:s6] =	ssyncadd.s32 s4;
	_ =	sdelay $0x1  }
0xa1: {  	s23 =	simm.s32 $0x1B8B  }
0xa2: {  	_ =	swait.ge [sflag:s23], $0x1  }
0xa3: {  	[sflag:s23] =	ssyncset.done $0x0  }
0xa4: {  	[sflag:s23] =	ssyncadd.s32 $0xFFFFFFFF  }
0xa5: {  	s4 =	sld [smem:$0x0]  }
0xa6: {  	s5 =	sand.u32 $0xFFFFFFFE, s1  }
0xa7: {  	p0 =	sne.s32 s1, s5  }
0xa8: {  	s5 =	sshll.u32 @p0 s5, $0xE  }
0xa9: {  	s5 =	sadd.s32 @p0 $0x11B8D, s5;
	s6 =	sshll.u32 @p0 s4, $0x11  }
0xaa: {  	s5 =	sor.u32 @p0 s6, s5  }
0xab: {  	[sflag:s5] =	ssyncadd.remote.s32 @p0 $0x1;
	_ =	sdelay $0x1  }
0xac: {  	s5 =	simm.s32 @p0 $0x1B8D  }
0xad: {  	_ =	swait.eq @p0 [sflag:s5], $0x1  }
0xae: {  	[sflag:s5] =	ssyncadd.s32 @p0 $0xFFFFFFFF  }
0xaf: {  	s6 =	sshll.u32 @!p0 s1, $0xE  }
0xb0: {  	s6 =	sor.u32 @!p0 $0x4000, s6;
	s5 =	simm.s32 @!p0 $0x1B8D  }
0xb1: {  	s4 =	sshll.u32 @!p0 s4, $0x11;
	s6 =	sadd.s32 @!p0 $0x11B8D, s6;
	_ =	swait.eq @!p0 [sflag:s5], $0x1  }
0xb2: {  	s4 =	sor.u32 @!p0 s4, s6;
	[sflag:s5] =	ssyncadd.s32 @!p0 $0xFFFFFFFF  }
0xb3: {  	s25 =	simm.s32 $0x1B8E;
	s24 =	sld [smem:$0x3FFE];
	[sflag:s4] =	ssyncadd.remote.s32 @!p0 $0x1  }
0xb4: {  	s26 =	simm.s32 $execute0_lowered;
	[smem:$0x3FD2] =	sst s25  }
0xb5: {  	s5 =	sshll.u32 s26, $0x1;
	_ =	strace $0x8000006A;
	[dreg:$0x1] =	wrdreg $0xFFFFFFFF  }
0xb6: {  	s28 =	simm.s32 $_size_execute0_lowered;
	s3 =	sadd.s32 s3, s5;
	[dreg:$0x0] =	wrdreg $0x0  }
0xb7: {  	s5 =	sshll.u32 s28, $0x1;
	[dreg:$0x2] =	wrdreg s3  }
0xb8: {  	[dreg:$0x3] =	wrdreg s5  }
0xb9: {  	[dreg:$0x4] =	wrdreg $0xC0  }
0xba: {  	_ =	task [dreg:s22], $0x5FFFF  }
0xbb: {  	[dreg:$0x1] =	wrdreg $0xFFFFFFFF  }
0xbc: {  	[dreg:$0x0] =	wrdreg $0x60  }
0xbd: {  	[dreg:$0x2] =	wrdreg s24  }
0xbe: {  	[dreg:$0x3] =	wrdreg $0x9  }
0xbf: {  	_ =	task.clear_ibuf [dreg:s22], $0x4FFFF;
	_ =	strace $0x9000006A  }
0xc0: {  	s29 =	simm.s32 $0x9;
	_ =	strace $0x80000073  }
0xc1: {  	_ =	swait.ge [sflag:s29], $0x1  }
0xc2: {  	[sflag:s29] =	ssyncadd.s32 $0xFFFFFFFF  }
0xc3: {  	_ =	strace $0x90000073  }
0xc4: {  	_ =	sfence  }
0xc5: {  	s30 =	sld [smem:$0x0];
	_ =	sdelay $0x2  }
0xc6: {  	s31 =	sshll.u32 s1, $0xD;
	s1 =	sshrl.u32 s1, $0x2  }
0xc7: {  	s4 =	sand.u32 $0x4000, s31;
	s1 =	sadd.s32 s1, s30  }
0xc8: {  	s0 =	sor.u32 s4, s0;
	s1 =	sshll.u32 s1, $0x11  }
0xc9: {  	s0 =	sor.u32 s1, s0  }
0xca: {  	s0 =	sadd.s32 $0x8F2B, s0  }
0xcb: {  	[sflag:s0] =	ssyncadd.remote.s32 $0x1  }
0xcc: {  	_ =	sfence.sel $0xFFFF  }
0xcd: {  	[dreg:$0x0] =	wrdreg $0xFFFFFFFF;
	(pc) =	sbr.abs _section_cstart, $3  }
0xce: {  	[dreg:$0x1] =	wrdreg $0xFFFFFFFF  }
0xcf: {  	_ =	task.clear_ibuf [dreg:s22], $0x2FFFF;
	_ =	strace $0x9FFFFFFF  }
0xd0: {  	(tm) =	ssettm $0x7FFFFFFF  }
0xd1: {  	_ =	shalt  }
tec
execute0_lowered:
.L_overlay_start_1:
0x0: {  	(tag) =	ssettag $0x1  }
0x1: {  	s4 =	rddreg [dreg:$0x0]  }
0x2: {  	s0 =	rddreg [dreg:$0x1];
	s1 =	simm.s32 $0x0  }
0x3: {  	s2 =	srdreg.scid;
	s10 =	simm.s32 $0x0;
	[smem:$0x7FF] =	sst s1  }
0x4: {  	s5 =	sand.u32 $0x1, s2;
	s2 =	stileid.u32;
	s3 =	sadd.s32 $0xA4A00, s4  }
0x5: {  	s7 =	sadd.s32 $0x157000, s4;
	s4 =	sadd.s32 $0x144A00, s4;
	s6 =	sshll.u32 s5, $0x4  }
0x6: {  	_ =	strace $0x8000006B;
	s5 =	ssub.s32 $0x2, s5;
	s6 =	sor.u32 s2, s6  }
0x7: {  	v2 =	vlaneseq.u32;
	[dreg:$0x2] =	wrdreg s7;
	s8 =	sshrl.u32 s5, $0x1;
	s9 =	smul.u32 $0x310, s6  }
0x8: {  	vm0 =	vmmov $0xffff;
	v1 =	vshrl.u32 v2, $0x3;
	s31 =	ssub.s32 s5, s8;
	s5 =	smul.u32 $0x31, s6;
	s8 =	simm.s32 $0x5  }
0x9: {  	v0 =	vand.u32 $0x7, v2;
	v2 =	vor.u32 $0x8, v2;
	v1 =	vmul.u32 $0x8, v1;
	s7 =	smax.u32 s31, $0x1;
	s6 =	sadd.s32 s4, s9;
	s9 =	simm.s32 $0x3  }
.LBB2_1:
0xa: {  	_ =	strace $0x8000006C;
	s11 =	simm.s32 $0x31  }
0xb: {  	s12 =	simm.s32 $0x0;
	s13 =	simm.s32 $0x0;
	s14 =	simm.s32 $0x0  }
0xc: {  	[tilespmem:s1], [sflag:$0x1] =	stream.linear.gather [hbm4b:s6+s1], $0x80, $0x200038;
	[tilespmem:$0x10100] =	vst v63  }
0xd: {  	s15 =	simm.s32 $0x0;
	s16 =	simm.s32 $0x1;
	_ =	strace $0x9000006C  }
.LBB2_2:
0xe: {  	s17 =	smov.u32 s12;
	s12 =	sadd.s32 $0x1, s12  }
0xf: {  	p0 =	seq.s32 s12, $0x31  }
0x10: {  	s12 =	simm.s32 @p0 $0x0  }
0x11: {  	p6 =	sne.s32 s11, $0x1;
	p1 =	sne.s32 s17, s12  }
0x12: {  	p0 =	por !p6, !p1  }
0x13: {  	p0 =	por !p0, !p0  }
0x14: {  	s18 =	sadd.s32 @p0 s5, s12  }
0x15: {  	s19 =	sand.u32 @p0 $0x1, s16;
	s18 =	sshll.u32 @p0 s18, $0x4  }
0x16: {  	_ =	strace @p0 $0x8000006D;
	s21 =	simm.s32 @p0 $0x0;
	s18 =	sand.u32 @p0 $0x1FFFFFF0, s18  }
0x17: {  	s20 =	sshll.u32 @p0 s19, $0x7;
	s19 =	sadd.s32 @p0 $0x1, s19;
	s18 =	sadd.s32 @p0 s4, s18  }
0x18: {  	[tilespmem:s20], [sflag:s19] =	stream.linear.gather @p0 [hbm4b:s18+s21], $0x80, $0x200038;
	[tilespmem:$0x10100] =	vst v63  }
0x19: {  	s24 =	sand.u32 $0x1, s15;
	_ =	strace @p0 $0x9000006D  }
0x1a: {  	s18 =	sadd.s32 $0x1, s24;
	_ =	strace $0x8000006E  }
0x1b: {  	_ =	swait.ge [sflag:s18], $0x80  }
0x1c: {  	[sflag:s18] =	ssyncset.done $0x0  }
0x1d: {  	[sflag:s18] =	ssyncadd.s32 $0xFFFFFF80  }
0x1e: {  	s25 =	sshll.u32 s15, $0x7;
	_ =	strace $0x9000006E  }
0x1f: {  	s21 =	sand.u32 $0x80, s25;
	_ =	strace $0x8000006F  }
0x20: {  	v3 =	vld [tilespmem:s21+$0x0];
	_ =	sdelay $0x4  }
0x21: {  	v4 =	vshll.u32 v3, $0x1  }
0x22: {  	v3 =	vand.u32 $0x7, v3;
	v4 =	vand.u32 $0xFFFFFFF0, v4  }
0x23: {  	v3 =	vor.u32 v3, v4  }
0x24: {  	v4 =	vperm.xlane v3, v0;
	_ =	sdelay $0x1  }
0x25: {  	v3 =	vperm.xlane v3, v2;
	v4 =	vadd.s32 v1, v4;
	_ =	sdelay $0x1  }
0x26: {  	s18 =	sand.u32 $0x1, s14;
	v3 =	vadd.s32 v1, v3  }
0x27: {  	s20 =	sshll.u32 s18, $0xF  }
0x28: {  	s19 =	sor.u32 $0x100, s20  }
0x29: {  	[tilespmem:s19], [sflag:$0x5] =	stream.indirect_vreg.gather [hbm4b:s3+s1], $0x80, v4, vm0, $0x2000b8;
	[tilespmem:$0x10100] =	vst v63  }
0x2a: {  	s22 =	sor.u32 $0x900, s20  }
0x2b: {  	[tilespmem:s22], [sflag:$0x5] =	stream.indirect_vreg.gather [hbm4b:s3+s1], $0x80, v3, vm0, $0x2000b8;
	[tilespmem:$0x10100] =	vst v63  }
0x2c: {  	v3 =	vld [tilespmem:s21+$0x10];
	_ =	sdelay $0x4  }
0x2d: {  	v57 =	vshll.u32 v3, $0x1  }
0x2e: {  	v3 =	vand.u32 $0x7, v3;
	v4 =	vand.u32 $0xFFFFFFF0, v57  }
0x2f: {  	v3 =	vor.u32 v3, v4  }
0x30: {  	v4 =	vperm.xlane v3, v0;
	_ =	sdelay $0x1  }
0x31: {  	v3 =	vperm.xlane v3, v2;
	v4 =	vadd.s32 v1, v4;
	_ =	sdelay $0x1  }
0x32: {  	v3 =	vadd.s32 v1, v3;
	_ =	sdelay $0x1  }
0x33: {  	s26 =	sor.u32 $0x1100, s20  }
0x34: {  	[tilespmem:s26], [sflag:$0x5] =	stream.indirect_vreg.gather [hbm4b:s3+s1], $0x80, v4, vm0, $0x2000b8;
	[tilespmem:$0x10100] =	vst v63  }
0x35: {  	s28 =	sor.u32 $0x1900, s20  }
0x36: {  	[tilespmem:s28], [sflag:$0x5] =	stream.indirect_vreg.gather [hbm4b:s3+s1], $0x80, v3, vm0, $0x2000b8;
	[tilespmem:$0x10100] =	vst v63  }
0x37: {  	v3 =	vld [tilespmem:s21+$0x20];
	_ =	sdelay $0x4  }
0x38: {  	v58 =	vshll.u32 v3, $0x1  }
0x39: {  	v3 =	vand.u32 $0x7, v3;
	v4 =	vand.u32 $0xFFFFFFF0, v58  }
0x3a: {  	v3 =	vor.u32 v3, v4  }
0x3b: {  	v4 =	vperm.xlane v3, v0;
	_ =	sdelay $0x1  }
0x3c: {  	v3 =	vperm.xlane v3, v2;
	v4 =	vadd.s32 v1, v4;
	_ =	sdelay $0x1  }
0x3d: {  	v3 =	vadd.s32 v1, v3;
	_ =	sdelay $0x1  }
0x3e: {  	s29 =	sor.u32 $0x2100, s20  }
0x3f: {  	[tilespmem:s29], [sflag:$0x5] =	stream.indirect_vreg.gather [hbm4b:s3+s1], $0x80, v4, vm0, $0x2000b8;
	[tilespmem:$0x10100] =	vst v63  }
0x40: {  	s30 =	sor.u32 $0x2900, s20  }
0x41: {  	[tilespmem:s30], [sflag:$0x5] =	stream.indirect_vreg.gather [hbm4b:s3+s1], $0x80, v3, vm0, $0x2000b8;
	[tilespmem:$0x10100] =	vst v63  }
0x42: {  	v3 =	vld [tilespmem:s21+$0x30];
	_ =	sdelay $0x4  }
0x43: {  	v59 =	vshll.u32 v3, $0x1  }
0x44: {  	v3 =	vand.u32 $0x7, v3;
	v4 =	vand.u32 $0xFFFFFFF0, v59  }
0x45: {  	v3 =	vor.u32 v3, v4  }
0x46: {  	v4 =	vperm.xlane v3, v0;
	_ =	sdelay $0x1  }
0x47: {  	v3 =	vperm.xlane v3, v2;
	v4 =	vadd.s32 v1, v4;
	_ =	sdelay $0x1  }
0x48: {  	v3 =	vadd.s32 v1, v3;
	_ =	sdelay $0x1  }
0x49: {  	s31 =	sor.u32 $0x3100, s20  }
0x4a: {  	[tilespmem:s31], [sflag:$0x5] =	stream.indirect_vreg.gather [hbm4b:s3+s1], $0x80, v4, vm0, $0x2000b8;
	[tilespmem:$0x10100] =	vst v63  }
0x4b: {  	s23 =	sor.u32 $0x3900, s20  }
0x4c: {  	[tilespmem:s23], [sflag:$0x5] =	stream.indirect_vreg.gather [hbm4b:s3+s1], $0x80, v3, vm0, $0x2000b8;
	[tilespmem:$0x10100] =	vst v63  }
0x4d: {  	v3 =	vld [tilespmem:s21+$0x40];
	_ =	sdelay $0x4  }
0x4e: {  	v60 =	vshll.u32 v3, $0x1  }
0x4f: {  	v3 =	vand.u32 $0x7, v3;
	v4 =	vand.u32 $0xFFFFFFF0, v60  }
0x50: {  	v3 =	vor.u32 v3, v4  }
0x51: {  	v4 =	vperm.xlane v3, v0;
	_ =	sdelay $0x1  }
0x52: {  	v3 =	vperm.xlane v3, v2;
	v4 =	vadd.s32 v1, v4;
	_ =	sdelay $0x1  }
0x53: {  	v3 =	vadd.s32 v1, v3;
	_ =	sdelay $0x1  }
0x54: {  	s24 =	sor.u32 $0x4100, s20  }
0x55: {  	[tilespmem:s24], [sflag:$0x5] =	stream.indirect_vreg.gather [hbm4b:s3+s1], $0x80, v4, vm0, $0x2000b8;
	[tilespmem:$0x10100] =	vst v63  }
0x56: {  	s25 =	sor.u32 $0x4900, s20  }
0x57: {  	[tilespmem:s25], [sflag:$0x5] =	stream.indirect_vreg.gather [hbm4b:s3+s1], $0x80, v3, vm0, $0x2000b8;
	[tilespmem:$0x10100] =	vst v63  }
0x58: {  	v3 =	vld [tilespmem:s21+$0x50];
	_ =	sdelay $0x4  }
0x59: {  	v61 =	vshll.u32 v3, $0x1  }
0x5a: {  	v3 =	vand.u32 $0x7, v3;
	v4 =	vand.u32 $0xFFFFFFF0, v61  }
0x5b: {  	v3 =	vor.u32 v3, v4  }
0x5c: {  	v4 =	vperm.xlane v3, v0;
	_ =	sdelay $0x1  }
0x5d: {  	v3 =	vperm.xlane v3, v2;
	v4 =	vadd.s32 v1, v4;
	_ =	sdelay $0x1  }
0x5e: {  	v3 =	vadd.s32 v1, v3;
	_ =	sdelay $0x1  }
0x5f: {  	s26 =	sor.u32 $0x5100, s20  }
0x60: {  	[tilespmem:s26], [sflag:$0x5] =	stream.indirect_vreg.gather [hbm4b:s3+s1], $0x80, v4, vm0, $0x2000b8;
	[tilespmem:$0x10100] =	vst v63  }
0x61: {  	s28 =	sor.u32 $0x5900, s20  }
0x62: {  	[tilespmem:s28], [sflag:$0x5] =	stream.indirect_vreg.gather [hbm4b:s3+s1], $0x80, v3, vm0, $0x2000b8;
	[tilespmem:$0x10100] =	vst v63  }
0x63: {  	v3 =	vld [tilespmem:s21+$0x60];
	_ =	sdelay $0x4  }
0x64: {  	v62 =	vshll.u32 v3, $0x1  }
0x65: {  	v3 =	vand.u32 $0x7, v3;
	v4 =	vand.u32 $0xFFFFFFF0, v62  }
0x66: {  	v3 =	vor.u32 v3, v4  }
0x67: {  	v4 =	vperm.xlane v3, v0;
	_ =	sdelay $0x1  }
0x68: {  	v3 =	vperm.xlane v3, v2;
	v4 =	vadd.s32 v1, v4;
	_ =	sdelay $0x1  }
0x69: {  	v3 =	vadd.s32 v1, v3;
	_ =	sdelay $0x1  }
0x6a: {  	s29 =	sor.u32 $0x6100, s20  }
0x6b: {  	[tilespmem:s29], [sflag:$0x5] =	stream.indirect_vreg.gather [hbm4b:s3+s1], $0x80, v4, vm0, $0x2000b8;
	[tilespmem:$0x10100] =	vst v63  }
0x6c: {  	s30 =	sor.u32 $0x6900, s20  }
0x6d: {  	[tilespmem:s30], [sflag:$0x5] =	stream.indirect_vreg.gather [hbm4b:s3+s1], $0x80, v3, vm0, $0x2000b8;
	[tilespmem:$0x10100] =	vst v63  }
0x6e: {  	v3 =	vld [tilespmem:s21+$0x70];
	_ =	sdelay $0x4  }
0x6f: {  	v63 =	vshll.u32 v3, $0x1  }
0x70: {  	v3 =	vand.u32 $0x7, v3;
	v4 =	vand.u32 $0xFFFFFFF0, v63  }
0x71: {  	v3 =	vor.u32 v3, v4  }
0x72: {  	v4 =	vperm.xlane v3, v0;
	_ =	sdelay $0x1  }
0x73: {  	v3 =	vperm.xlane v3, v2;
	v4 =	vadd.s32 v1, v4;
	_ =	sdelay $0x1  }
0x74: {  	v3 =	vadd.s32 v1, v3;
	_ =	sdelay $0x1  }
0x75: {  	s31 =	sor.u32 $0x7100, s20  }
0x76: {  	[tilespmem:s31], [sflag:$0x5] =	stream.indirect_vreg.gather [hbm4b:s3+s1], $0x80, v4, vm0, $0x2000b8;
	[tilespmem:$0x10100] =	vst v63  }
0x77: {  	s20 =	sor.u32 $0x7900, s20  }
0x78: {  	[tilespmem:s20], [sflag:$0x5] =	stream.indirect_vreg.gather [hbm4b:s3+s1], $0x80, v3, vm0, $0x2000b8;
	[tilespmem:$0x10100] =	vst v63  }
0x79: {  	_ =	swait.ge [sflag:s8], $0x8000  }
0x7a: {  	p2 =	seq.s32 s11, $0x1;
	[sflag:s8] =	ssyncset.done $0x0  }
0x7b: {  	s17 =	sadd.s32 s5, s17;
	p1 =	por p2, p1;
	[sflag:s8] =	ssyncadd.s32 $0xFFFF8000  }
0x7c: {  	s17 =	sshll.u32 @p1 s17, $0xC;
	_ =	strace $0x9000006F  }
0x7d: {  	s17 =	sand.u32 @p1 $0x1FFFF000, s17;
	s21 =	simm.s32 $0x1;
	_ =	strace @p1 $0x80000070  }
0x7e: {  	s18 =	sadd.s32 @p1 $0x3, s18;
	s21 =	simm.s32 @!p0 $0x0;
	s20 =	rddreg [dreg:$0x2]  }
0x7f: {  	p0 =	seq.s32 s11, $0x31;
	s17 =	sadd.s32 @p1 s20, s17;
	s20 =	simm.s32 @p1 $0x0  }
0x80: {  	[hbm4b:s17+s20] =	stream.linear.scatter @p1 [tilespmem:s19], [sflag:s18], $0x8000, $0x200038;
	[tilespmem:$0x10100] =	vst v63  }
0x81: {  	s17 =	simm.s32 $0x1;
	s19 =	simm.s32 $0x1;
	_ =	strace @p1 $0x90000070  }
0x82: {  	s17 =	simm.s32 @!p1 $0x0;
	p1 =	sne.s32 s11, $0x31;
	s11 =	sadd.s32 $0xFFFFFFFF, s11  }
0x83: {  	s18 =	sand.u32 @!p0 $0x1, s13;
	s19 =	simm.s32 @!p1 $0x0;
	p1 =	sne.s32 s11, $0x0  }
.Ltmp0:
0x84: {  	s18 =	sadd.s32 @!p0 $0x3, s18;
	_ =	strace @!p0 $0x80000071;
	(pc) =	sbr.rel @p1 .LBB2_2-.Ltmp0, $4  }
0x85: {  	_ =	swait.ge @!p0 [sflag:s18], $0x8000  }
0x86: {  	[sflag:s18] =	ssyncset.done @!p0 $0x0  }
0x87: {  	s16 =	sadd.s32 s21, s16;
	s14 =	sadd.s32 s17, s14;
	[sflag:s18] =	ssyncadd.s32 @!p0 $0xFFFF8000  }
0x88: {  	s15 =	sadd.s32 s17, s15;
	s13 =	sadd.s32 s19, s13;
	_ =	strace @!p0 $0x90000071  }
0x89: {  	s10 =	sadd.s32 $0x1, s10  }
0x8a: {  	p0 =	sne.s32 s10, s7  }
.Ltmp1:
0x8b: {  	_ =	strace $0x80000072;
	(pc) =	sbr.rel @p0 .LBB2_1-.Ltmp1, $4  }
0x8c: {  	_ =	swait.ge [sflag:s9], $0x8000  }
0x8d: {  	[sflag:s9] =	ssyncset.done $0x0  }
0x8e: {  	[sflag:s9] =	ssyncadd.s32 $0xFFFF8000  }
0x8f: {  	_ =	strace $0x90000072  }
0x90: {  	_ =	sfence.sel $0x180000  }
0x91: {  	[bflag:$0x0] =	sbarrier.arrive $0xFFFF  }
0x92: {  	p0 =	sne.s32 s2, $0x0;
	_ =	strace $0x9000006B  }
0x93: {  	s0 =	sadd.s32 @!p0 $0x100000, s0;
	[bflag:$0x2] =	sbarrier.arrive $0xFFFF  }
0x94: {  	[sflag:s0] =	ssyncadd.tile.s32 @!p0 $0x1;
	_ =	shalt  }
.Lfunc_end2:
_tile_overlayer_lowered:
.L_overlay_start_2:
0x95: {  	(tag) =	ssettag $0x2  }
0x96: {  	s0 =	rddreg [dreg:$0x0];
	s2 =	stileid.u32  }
0x97: {  	s1 =	rddreg [dreg:$0x1];
	p0 =	sne.s32 s2, $0x0  }
0x98: {  	s3 =	rddreg [dreg:$0x2];
	[bflag:$0x3] =	sbarrier.arrive $0xFFFF;
	s2 =	simm.s32 @!p0 $0x1C01  }
0x99: {  	[timem:s3], [sflag:s2] =	dma.local @!p0 [hbm:s0], s1  }
0x9a: {  	s0 =	simm.s32 @!p0 $0x1  }
0x9b: {  	_ =	swait.ge @!p0 [sflag:s0], s1  }
0x9c: {  	s1 =	ssub.s32 @!p0 $0x0, s1;
	[sflag:s0] =	ssyncset.done @!p0 $0x0  }
0x9d: {  	[sflag:s0] =	ssyncadd.s32 @!p0 s1  }
0x9e: {  	[bflag:$0x3] =	sbarrier.arrive $0xFFFF  }
0x9f: {  	_ =	shalt  }

// kernel: kernel.22.cloned.1.call-start
scs
__scs_entry_jumppad:
0x0: {  	(pc) =	sbr.rel $0x88, $3  }
0x1: {  	(tag) =	ssettag $0x0;
	lr =	simm.s32 $0x1  }
0x2: {  	[smem:$0x3F8C] =	sst lr;
	_ =	strace $0xD0000000  }
0x3: {  	_ = 	snop  }
0x4: {  	_ = 	snop  }
0x5: {  	_ = 	snop  }
0x6: {  	_ = 	snop  }
0x7: {  	_ = 	snop  }
__scs_overlays_trampoline_lowered:
0x8: {  	[smem:$0x3F9B] =	sst s0  }
0x9: {  	[smem:$0x3F9C] =	sst s1  }
0xa: {  	[smem:$0x3F9D] =	sst s2  }
0xb: {  	[smem:$0x3F9E] =	sst s3  }
0xc: {  	[smem:$0x3F9F] =	sst s4  }
0xd: {  	[smem:$0x3FA0] =	sst s5  }
0xe: {  	[smem:$0x3FA1] =	sst s6  }
0xf: {  	[smem:$0x3FA2] =	sst s7  }
0x10: {  	[smem:$0x3FA3] =	sst s8  }
0x11: {  	[smem:$0x3FA4] =	sst s9;
	s0 =	simm.s32 @!p0 $0x0  }
0x12: {  	s1 =	sld [smem:$0x3F8A];
	s0 =	simm.s32 @p0 $0x1  }
0x13: {  	[smem:$0x3FA5] =	sst s0;
	s0 =	simm.s32 @!p1 $0x0  }
0x14: {  	s2 =	sld [smem:$0x3F89];
	s0 =	simm.s32 @p1 $0x1  }
0x15: {  	[smem:$0x3FA6] =	sst s0;
	s0 =	simm.s32 @!p2 $0x0  }
0x16: {  	s3 =	sld [smem:$0x3FDB];
	s0 =	simm.s32 @p2 $0x1  }
0x17: {  	s4 =	simm.s32 $0x1BF5;
	[smem:$0x3FA8] =	sst s0  }
0x18: {  	s0 =	sld [smem:$0x3F8B];
	_ =	swait.ge [sflag:s4], $0x0  }
0x19: {  	s7 =	sld [smem:$0x3F8C]  }
0x1a: {  	s8 =	sadd.s32 $0xFFFFE003, lr  }
0x1b: {  	s9 =	sadd.s32 $0xFFFFFEF7, lr;
	s5 =	simm.s32 $0xFFFFFFFF;
	p2 =	slt.u32 s8, $0xFFFFF086  }
0x1c: {  	p1 =	slt.u32 s9, $0xF7A;
	s5 =	simm.s32 @!p2 $0x0  }
0x1d: {  	s5 =	simm.s32 @p1 $0x1;
	p0 =	seq.s32 s7, s2  }
0x1e: {  	s7 =	smul.u32 @!p0 $0xF7A, s2;
	p2 =	seq.s32 @!p0 s5, $0x0  }
0x1f: {  	s9 =	smul.u32 $0xF7A, s1;
	s8 =	simm.s32 @!p0 $0x1BF5;
	p2 =	por !p2, p0  }
0x20: {  	[sflag:s8] =	ssyncset.s32 @!p0 $0xFFFFF086;
	s6 =	sadd.s32 @!p0 s3, s7;
	s7 =	simm.s32 @!p0 $0x108  }
0x21: {  	s3 =	sadd.s32 s3, s9;
	s6 =	sadd.s32 @!p0 $0x88, s6;
	s7 =	simm.s32 @p2 $0x1082  }
0x22: {  	[simem:s7], [sflag:s8] =	dma.local @!p0 [hbm:s6], $0xF7A  }
0x23: {  	s9 =	sor.u32 $0xD0000000, s2;
	s6 =	simm.s32 $0x108;
	_ =	swait.ge @!p0 [sflag:s8], $0x0  }
0x24: {  	s3 =	sadd.s32 $0x88, s3;
	s6 =	simm.s32 @!p1 $0x1082;
	[sflag:s4] =	ssyncset.s32 $0xFFFFF086  }
0x25: {  	[simem:s6], [sflag:s4] =	dma.local [hbm:s3], $0xF7A  }
0x26: {  	[smem:$0x3F8C] =	sst s1;
	(tag) =	ssettag s2;
	_ =	strace s9  }
0x27: {  	s1 =	sld [smem:$0x3F9C]  }
0x28: {  	s2 =	sld [smem:$0x3F9D]  }
0x29: {  	s4 =	sld [smem:$0x3F9F]  }
0x2a: {  	p0 =	seq.s32 s5, $0x0;
	s5 =	sld [smem:$0x3FA0]  }
0x2b: {  	s6 =	sld [smem:$0x3FA1]  }
0x2c: {  	s7 =	sld [smem:$0x3FA2]  }
0x2d: {  	s3 =	simm.s32 $0x108;
	s8 =	sld [smem:$0x3FA3]  }
0x2e: {  	s3 =	simm.s32 @!p0 $0x1082;
	s9 =	sld [smem:$0x3FA4]  }
0x2f: {  	lr =	sadd.s32 s0, s3;
	s0 =	sld [smem:$0x3F9B]  }
0x30: {  	s3 =	sld [smem:$0x3F9E]  }
0x31: {  	[smem:$0x3FA7] =	sst s10  }
0x32: {  	s10 =	sld [smem:$0x3FA5];
	_ =	sdelay $0x3  }
0x33: {  	p0 =	seq.s32 s10, $0x1;
	s10 =	sld [smem:$0x3FA7];
	_ =	sdelay $0x3  }
0x34: {  	[smem:$0x3FA7] =	sst s10  }
0x35: {  	s10 =	sld [smem:$0x3FA6];
	_ =	sdelay $0x3  }
0x36: {  	p1 =	seq.s32 s10, $0x1;
	s10 =	sld [smem:$0x3FA7];
	_ =	sdelay $0x3  }
0x37: {  	[smem:$0x3FA7] =	sst s10  }
0x38: {  	s10 =	sld [smem:$0x3FA8]  }
0x39: {  	_ = 	snop;
	(pc) =	sbr.ind lr, $3  }
0x3a: {  	_ = 	snop  }
0x3b: {  	_ = 	snop  }
0x3c: {  	p2 =	seq.s32 s10, $0x1;
	s10 =	sld [smem:$0x3FA7]  }
0x3d: {  	_ =	shalt  }
0x3e: {  	_ =	shalt  }
0x3f: {  	_ =	shalt  }
0x40: {  	_ =	shalt  }
0x41: {  	_ =	shalt  }
0x42: {  	_ =	shalt  }
0x43: {  	_ =	shalt  }
0x44: {  	_ =	shalt  }
0x45: {  	_ =	shalt  }
0x46: {  	_ =	shalt  }
0x47: {  	_ =	shalt  }
0x48: {  	_ =	shalt  }
0x49: {  	_ =	shalt  }
0x4a: {  	_ =	shalt  }
0x4b: {  	_ =	shalt  }
0x4c: {  	_ =	shalt  }
0x4d: {  	_ =	shalt  }
0x4e: {  	_ =	shalt  }
0x4f: {  	_ =	shalt  }
0x50: {  	_ =	shalt  }
0x51: {  	_ =	shalt  }
0x52: {  	_ =	shalt  }
0x53: {  	_ =	shalt  }
0x54: {  	_ =	shalt  }
0x55: {  	_ =	shalt  }
0x56: {  	_ =	shalt  }
0x57: {  	_ =	shalt  }
0x58: {  	_ =	shalt  }
0x59: {  	_ =	shalt  }
0x5a: {  	_ =	shalt  }
0x5b: {  	_ =	shalt  }
0x5c: {  	_ =	shalt  }
0x5d: {  	_ =	shalt  }
0x5e: {  	_ =	shalt  }
0x5f: {  	_ =	shalt  }
0x60: {  	_ =	shalt  }
0x61: {  	_ =	shalt  }
0x62: {  	_ =	shalt  }
0x63: {  	_ =	shalt  }
0x64: {  	_ =	shalt  }
0x65: {  	_ =	shalt  }
0x66: {  	_ =	shalt  }
0x67: {  	_ =	shalt  }
0x68: {  	_ =	shalt  }
0x69: {  	_ =	shalt  }
0x6a: {  	_ =	shalt  }
0x6b: {  	_ =	shalt  }
0x6c: {  	_ =	shalt  }
0x6d: {  	_ =	shalt  }
0x6e: {  	_ =	shalt  }
0x6f: {  	_ =	shalt  }
0x70: {  	_ =	shalt  }
0x71: {  	_ =	shalt  }
0x72: {  	_ =	shalt  }
0x73: {  	_ =	shalt  }
0x74: {  	_ =	shalt  }
0x75: {  	_ =	shalt  }
0x76: {  	_ =	shalt  }
0x77: {  	_ =	shalt  }
0x78: {  	_ =	shalt  }
0x79: {  	_ =	shalt  }
0x7a: {  	_ =	shalt  }
0x7b: {  	_ =	shalt  }
0x7c: {  	_ =	shalt  }
0x7d: {  	_ =	shalt  }
0x7e: {  	_ =	shalt  }
0x7f: {  	_ =	shalt  }
0x80: {  	_ =	shalt  }
0x81: {  	_ =	shalt  }
0x82: {  	_ =	shalt  }
0x83: {  	_ =	shalt  }
0x84: {  	_ =	shalt  }
0x85: {  	_ =	shalt  }
0x86: {  	_ =	shalt  }
0x87: {  	_ =	shalt  }
.Lfunc_end0:
.L_simem_size_0:
called_computation.4_lowered:
.L_overlay_start_0:
0x88: {  	s2 =	sld [smem:$0x3FD9]  }
0x89: {  	s3 =	sld [smem:$0x3FFE];
	_ =	sdelay $0x1  }
0x8a: {  	s1 =	srdreg.scid  }
0x8b: {  	s0 =	sand.u32 $0x1, s1  }
0x8c: {  	s17 =	sshll.u32 s0, $0xA;
	s2 =	sadd.s32 s3, s2  }
0x8d: {  	s2 =	sadd.s32 s2, s17  }
0x8e: {  	[smem:$0x3FB3] =	sst s2  }
0x8f: {  	_ = 	snop  }
0x90: {  	(tm) =	ssettm $0x1  }
0x91: {  	s18 =	sld [smem:$0x3FFB];
	_ =	sdelay $0x3  }
0x92: {  	_ =	strace s18  }
0x93: {  	s2 =	sld [smem:$0x3FFC];
	_ =	sdelay $0x3  }
0x94: {  	_ =	strace s2  }
0x95: {  	s2 =	sld [smem:$0x3FFD];
	_ =	sdelay $0x3  }
0x96: {  	_ =	strace s2  }
0x97: {  	_ =	strace $0x8FFFFFFF  }
0x98: {  	s19 =	sld [smem:$0x3FDB];
	_ =	sdelay $0x1  }
0x99: {  	s20 =	simm.s32 $_scs_section_size  }
0x9a: {  	s4 =	simm.s32 $_size__tile_overlayer_lowered;
	s5 =	simm.s32 $_tile_overlayer_lowered  }
0x9b: {  	s6 =	simm.s32 $0x1BFF;
	s21 =	sshll.u32 s5, $0x1;
	s3 =	sadd.s32 s20, s19  }
0x9c: {  	s22 =	simm.s32 $0x0;
	s4 =	sshll.u32 s4, $0x1;
	s5 =	sadd.s32 s21, s3  }
0x9d: {  	[timem:s22], [sflag:s6] =	dma.local [hbm:s5], s4  }
0x9e: {  	_ =	swait.ge [sflag:s6], s4  }
0x9f: {  	s4 =	ssub.s32 $0x0, s4;
	[sflag:s6] =	ssyncset.done $0x0  }
0xa0: {  	[sflag:s6] =	ssyncadd.s32 s4;
	_ =	sdelay $0x1  }
0xa1: {  	s23 =	simm.s32 $0x1B8B  }
0xa2: {  	_ =	swait.ge [sflag:s23], $0x1  }
0xa3: {  	[sflag:s23] =	ssyncset.done $0x0  }
0xa4: {  	[sflag:s23] =	ssyncadd.s32 $0xFFFFFFFF  }
0xa5: {  	s4 =	sld [smem:$0x0]  }
0xa6: {  	s5 =	sand.u32 $0xFFFFFFFE, s1  }
0xa7: {  	p0 =	sne.s32 s1, s5  }
0xa8: {  	s5 =	sshll.u32 @p0 s5, $0xE  }
0xa9: {  	s5 =	sadd.s32 @p0 $0x11B8D, s5;
	s6 =	sshll.u32 @p0 s4, $0x11  }
0xaa: {  	s5 =	sor.u32 @p0 s6, s5  }
0xab: {  	[sflag:s5] =	ssyncadd.remote.s32 @p0 $0x1;
	_ =	sdelay $0x1  }
0xac: {  	s5 =	simm.s32 @p0 $0x1B8D  }
0xad: {  	_ =	swait.eq @p0 [sflag:s5], $0x1  }
0xae: {  	[sflag:s5] =	ssyncadd.s32 @p0 $0xFFFFFFFF  }
0xaf: {  	s6 =	sshll.u32 @!p0 s1, $0xE  }
0xb0: {  	s6 =	sor.u32 @!p0 $0x4000, s6;
	s5 =	simm.s32 @!p0 $0x1B8D  }
0xb1: {  	s4 =	sshll.u32 @!p0 s4, $0x11;
	s6 =	sadd.s32 @!p0 $0x11B8D, s6;
	_ =	swait.eq @!p0 [sflag:s5], $0x1  }
0xb2: {  	s4 =	sor.u32 @!p0 s4, s6;
	[sflag:s5] =	ssyncadd.s32 @!p0 $0xFFFFFFFF  }
0xb3: {  	s25 =	simm.s32 $0x1B8E;
	s24 =	sld [smem:$0x3FFE];
	[sflag:s4] =	ssyncadd.remote.s32 @!p0 $0x1  }
0xb4: {  	s26 =	simm.s32 $execute0_lowered;
	[smem:$0x3FD2] =	sst s25  }
0xb5: {  	s5 =	sshll.u32 s26, $0x1;
	_ =	strace $0x8000005C;
	[dreg:$0x1] =	wrdreg $0xFFFFFFFF  }
0xb6: {  	s28 =	simm.s32 $_size_execute0_lowered;
	s3 =	sadd.s32 s3, s5;
	[dreg:$0x0] =	wrdreg $0x0  }
0xb7: {  	s5 =	sshll.u32 s28, $0x1;
	[dreg:$0x2] =	wrdreg s3  }
0xb8: {  	[dreg:$0x3] =	wrdreg s5  }
0xb9: {  	[dreg:$0x4] =	wrdreg $0xC0  }
0xba: {  	_ =	task [dreg:s22], $0x5FFFF  }
0xbb: {  	[dreg:$0x1] =	wrdreg $0xFFFFFFFF  }
0xbc: {  	[dreg:$0x0] =	wrdreg $0x60  }
0xbd: {  	[dreg:$0x2] =	wrdreg s24  }
0xbe: {  	[dreg:$0x3] =	wrdreg $0xA  }
0xbf: {  	_ =	task.clear_ibuf [dreg:s22], $0x4FFFF;
	_ =	strace $0x9000005C  }
0xc0: {  	s29 =	simm.s32 $0xA;
	_ =	strace $0x80000069  }
0xc1: {  	_ =	swait.ge [sflag:s29], $0x1  }
0xc2: {  	[sflag:s29] =	ssyncadd.s32 $0xFFFFFFFF  }
0xc3: {  	_ =	strace $0x90000069  }
0xc4: {  	_ =	sfence  }
0xc5: {  	s30 =	sld [smem:$0x0];
	_ =	sdelay $0x2  }
0xc6: {  	s31 =	sshll.u32 s1, $0xD;
	s1 =	sshrl.u32 s1, $0x2  }
0xc7: {  	s4 =	sand.u32 $0x4000, s31;
	s1 =	sadd.s32 s1, s30  }
0xc8: {  	s0 =	sor.u32 s4, s0;
	s1 =	sshll.u32 s1, $0x11  }
0xc9: {  	s0 =	sor.u32 s1, s0  }
0xca: {  	s0 =	sadd.s32 $0x8F2B, s0  }
0xcb: {  	[sflag:s0] =	ssyncadd.remote.s32 $0x1  }
0xcc: {  	_ =	sfence.sel $0xFFFF  }
0xcd: {  	[dreg:$0x0] =	wrdreg $0xFFFFFFFF;
	(pc) =	sbr.abs _section_cstart, $3  }
0xce: {  	[dreg:$0x1] =	wrdreg $0xFFFFFFFF  }
0xcf: {  	_ =	task.clear_ibuf [dreg:s22], $0x2FFFF;
	_ =	strace $0x9FFFFFFF  }
0xd0: {  	(tm) =	ssettm $0x7FFFFFFF  }
0xd1: {  	_ =	shalt  }
tec
execute0_lowered:
.L_overlay_start_1:
0x0: {  	(tag) =	ssettag $0x1  }
0x1: {  	s0 =	rddreg [dreg:$0x0];
	s1 =	simm.s32 $0x0  }
0x2: {  	s2 =	srdreg.scid;
	s7 =	stileid.u32;
	s14 =	simm.s32 $0x80  }
0x3: {  	s15 =	simm.s32 $0x9;
	s16 =	simm.s32 $0x0;
	[smem:$0x7FF] =	sst s1  }
0x4: {  	s2 =	sand.u32 $0x1, s2;
	s3 =	sadd.s32 $0x4A00, s0;
	s4 =	sadd.s32 $0x1254C00, s0  }
0x5: {  	s5 =	sadd.s32 $0x14AC00, s0;
	s8 =	sadd.s32 $0xC3D000, s0;
	s6 =	sshll.u32 s2, $0x4  }
0x6: {  	_ =	strace $0x8000005D;
	s2 =	ssub.s32 $0x2, s2;
	s9 =	sor.u32 s7, s6  }
0x7: {  	s6 =	sadd.s32 $0x150E00, s0;
	s31 =	sshrl.u32 s2, $0x1;
	s11 =	smul.u32 $0x310, s9  }
0x8: {  	s7 =	sadd.s32 $0x92D000, s0;
	s0 =	ssub.s32 s2, s31;
	s9 =	smul.u32 $0x31, s9  }
0x9: {  	s12 =	smax.u32 s0, $0x1;
	s10 =	sadd.s32 s5, s11;
	s11 =	sadd.s32 s6, s11  }
.LBB2_1:
0xa: {  	_ =	strace $0x8000005E  }
0xb: {  	s0 =	simm.s32 $0x100;
	s26 =	simm.s32 $0x1;
	s18 =	simm.s32 $0x31  }
0xc: {  	s28 =	simm.s32 $0x0;
	s17 =	simm.s32 $0x0;
	s19 =	simm.s32 $0x0  }
0xd: {  	[tilespmem:s1], [sflag:$0x1] =	stream.linear.gather [hbm4b:s10+s1], $0x80, $0x200038;
	[tilespmem:$0x10200] =	vst v63  }
0xe: {  	s24 =	simm.s32 $0x0;
	s20 =	simm.s32 $0x0;
	s21 =	simm.s32 $0x0  }
0xf: {  	[tilespmem:s0], [sflag:$0x3] =	stream.linear.gather [hbm4b:s11+s1], $0x80, $0x200038;
	[tilespmem:$0x10200] =	vst v63  }
0x10: {  	s22 =	simm.s32 $0x1;
	s23 =	simm.s32 $0x0;
	_ =	strace $0x9000005E  }
.LBB2_2:
0x11: {  	s25 =	sadd.s32 $0x1, s28  }
0x12: {  	p0 =	seq.s32 s25, $0x31  }
0x13: {  	s25 =	simm.s32 @p0 $0x0;
	p0 =	seq.s32 s18, $0x1  }
0x14: {  	p1 =	seq.s32 @!p0 s28, s25  }
0x15: {  	p2 =	por p1, p0  }
0x16: {  	s0 =	sadd.s32 @!p2 s9, s25  }
0x17: {  	s2 =	sand.u32 @!p2 $0x1, s26;
	s0 =	sshll.u32 @!p2 s0, $0x4  }
0x18: {  	_ =	strace @!p2 $0x8000005F;
	s31 =	simm.s32 @!p2 $0x0;
	s0 =	sand.u32 @!p2 $0x1FFFFFF0, s0  }
0x19: {  	s29 =	sshll.u32 @!p2 s2, $0x7;
	s2 =	sadd.s32 @!p2 $0x1, s2;
	s30 =	sadd.s32 @!p2 s5, s0  }
0x1a: {  	[tilespmem:s29], [sflag:s2] =	stream.linear.gather @!p2 [hbm4b:s30+s31], $0x80, $0x200038;
	[tilespmem:$0x10200] =	vst v63  }
0x1b: {  	s2 =	sand.u32 @!p2 $0x1, s22  }
0x1c: {  	s0 =	sadd.s32 @!p2 s6, s0;
	_ =	strace @!p2 $0x9000005F;
	s29 =	sshll.u32 @!p2 s2, $0x7  }
0x1d: {  	s2 =	sadd.s32 @!p2 $0x3, s2;
	_ =	strace @!p2 $0x80000060;
	s29 =	sor.u32 @!p2 $0x100, s29  }
0x1e: {  	[tilespmem:s29], [sflag:s2] =	stream.linear.gather @!p2 [hbm4b:s0+s31], $0x80, $0x200038;
	[tilespmem:$0x10200] =	vst v63  }
0x1f: {  	s2 =	sand.u32 $0x1, s23;
	_ =	strace @!p2 $0x90000060  }
0x20: {  	s0 =	sadd.s32 $0x1, s2;
	_ =	strace $0x80000061  }
0x21: {  	_ =	swait.ge [sflag:s0], $0x80  }
0x22: {  	[sflag:s0] =	ssyncset.done $0x0  }
0x23: {  	[sflag:s0] =	ssyncadd.s32 $0xFFFFFF80  }
0x24: {  	s13 =	sand.u32 $0x1, s21;
	_ =	strace $0x90000061  }
0x25: {  	s0 =	sadd.s32 $0x3, s13;
	_ =	strace $0x80000062  }
0x26: {  	_ =	swait.ge [sflag:s0], $0x80  }
0x27: {  	[sflag:s0] =	ssyncset.done $0x0  }
0x28: {  	s30 =	sand.u32 $0x1, s20;
	[sflag:s0] =	ssyncadd.s32 $0xFFFFFF80  }
0x29: {  	s29 =	sshll.u32 s30, $0xE;
	s31 =	sshll.u32 s23, $0x7;
	_ =	strace $0x90000062  }
0x2a: {  	s2 =	sand.u32 $0x80, s31;
	s0 =	sor.u32 $0x200, s29;
	_ =	strace $0x80000063  }
0x2b: {  	[tilespmem:s0], [sflag:$0x9] =	stream.indirect.gather [hbm4b:s3+s14], $0x80, s2, s14, $0x2000b8;
	[tilespmem:$0x10200] =	vst v63  }
0x2c: {  	s31 =	sand.u32 $0x1, s19;
	s13 =	sshll.u32 s21, $0x7;
	_ =	swait.ge [sflag:s15], $0x4000  }
0x2d: {  	s13 =	sand.u32 $0x80, s13;
	s29 =	sshll.u32 s31, $0xE;
	[sflag:s15] =	ssyncset.done $0x0  }
0x2e: {  	s13 =	sor.u32 $0x100, s13;
	s2 =	sor.u32 $0x8200, s29;
	[sflag:s15] =	ssyncadd.s32 $0xFFFFC000  }
0x2f: {  	[tilespmem:s2], [sflag:$0x9] =	stream.indirect.gather [hbm4b:s4+s14], $0x80, s13, s14, $0x2000b8;
	[tilespmem:$0x10200] =	vst v63  }
0x30: {  	p3 =	por p0, !p1;
	_ =	swait.ge [sflag:s15], $0x4000  }
0x31: {  	s13 =	sadd.s32 @p3 s9, s28;
	[sflag:s15] =	ssyncset.done $0x0  }
0x32: {  	s13 =	sshll.u32 @p3 s13, $0xB;
	[sflag:s15] =	ssyncadd.s32 $0xFFFFC000  }
0x33: {  	s29 =	simm.s32 $0x0;
	s13 =	sand.u32 @p3 $0x1FFFF800, s13;
	_ =	strace $0x90000063  }
0x34: {  	s28 =	sadd.s32 @p3 $0x5, s30;
	s29 =	sadd.s32 @p3 s7, s13;
	_ =	strace @p3 $0x80000064  }
0x35: {  	[hbm4b:s29+s1] =	stream.linear.scatter @p3 [tilespmem:s0], [sflag:s28], $0x4000, $0x200038;
	[tilespmem:$0x10200] =	vst v63  }
0x36: {  	p1 =	por !p1, p0;
	s20 =	sadd.s32 @p3 $0x1, s20;
	_ =	strace @p3 $0x90000064  }
0x37: {  	s13 =	sadd.s32 @p3 s8, s13;
	s0 =	sadd.s32 @p3 $0x7, s31;
	_ =	strace @p3 $0x80000065  }
0x38: {  	[hbm4b:s13+s1] =	stream.linear.scatter @p3 [tilespmem:s2], [sflag:s0], $0x4000, $0x200038;
	[tilespmem:$0x10200] =	vst v63  }
0x39: {  	s29 =	simm.s32 @p3 $0x1;
	_ =	strace @p3 $0x90000065;
	p3 =	seq.s32 s18, $0x31  }
0x3a: {  	s30 =	smov.u32 s26;
	s28 =	smov.u32 s25;
	s0 =	sand.u32 @!p3 $0x1, s24  }
0x3b: {  	s19 =	sadd.s32 s19, s29;
	_ =	strace @!p3 $0x80000066;
	s0 =	sadd.s32 @!p3 $0x5, s0  }
0x3c: {  	s23 =	sadd.s32 s23, s29;
	s2 =	sadd.s32 @!p2 $0x1, s26;
	_ =	swait.ge @!p3 [sflag:s0], $0x4000  }
0x3d: {  	s30 =	smov.u32 @p1 s2;
	s18 =	sadd.s32 $0xFFFFFFFF, s18;
	[sflag:s0] =	ssyncset.done @!p3 $0x0  }
0x3e: {  	s13 =	sand.u32 @!p3 $0x1, s17;
	[sflag:s0] =	ssyncadd.s32 @!p3 $0xFFFFC000;
	s0 =	simm.s32 $0x0  }
0x3f: {  	s30 =	smov.u32 @p0 s26;
	s2 =	simm.s32 @!p3 $0x1;
	s0 =	simm.s32 @p1 $0x1  }
0x40: {  	_ =	strace @!p3 $0x90000066;
	s0 =	simm.s32 @p0 $0x0;
	p0 =	sne.s32 s18, $0x0  }
.Ltmp0:
0x41: {  	s13 =	sadd.s32 @!p3 $0x7, s13;
	_ =	strace @!p3 $0x80000067;
	(pc) =	sbr.rel @p0 .LBB2_2-.Ltmp0, $4  }
0x42: {  	s21 =	sadd.s32 s21, s29;
	s2 =	simm.s32 @p3 $0x0;
	_ =	swait.ge @!p3 [sflag:s13], $0x4000  }
0x43: {  	s22 =	sadd.s32 s22, s0;
	s0 =	sadd.s32 @!p3 $0x1, s24;
	[sflag:s13] =	ssyncset.done @!p3 $0x0  }
0x44: {  	s26 =	smov.u32 s30;
	s0 =	smov.u32 @p3 s24;
	[sflag:s13] =	ssyncadd.s32 @!p3 $0xFFFFC000  }
0x45: {  	s17 =	sadd.s32 s17, s2;
	s24 =	smov.u32 s0;
	_ =	strace @!p3 $0x90000067  }
0x46: {  	s0 =	sand.u32 $0x1, s0  }
0x47: {  	_ =	strace $0x80000068;
	s0 =	sadd.s32 $0x5, s0  }
0x48: {  	s16 =	sadd.s32 $0x1, s16;
	_ =	swait.ge [sflag:s0], $0x4000  }
0x49: {  	s2 =	sand.u32 $0x1, s17;
	p0 =	sne.s32 s16, s12;
	[sflag:s0] =	ssyncset.done $0x0  }
.Ltmp1:
0x4a: {  	s31 =	sadd.s32 $0x7, s2;
	[sflag:s0] =	ssyncadd.s32 $0xFFFFC000;
	(pc) =	sbr.rel @p0 .LBB2_1-.Ltmp1, $4  }
0x4b: {  	_ =	swait.ge [sflag:s31], $0x4000  }
0x4c: {  	[sflag:s31] =	ssyncset.done $0x0  }
0x4d: {  	[sflag:s31] =	ssyncadd.s32 $0xFFFFC000  }
0x4e: {  	_ =	strace $0x90000068  }
0x4f: {  	_ =	sfence.sel $0x180000  }
0x50: {  	[bflag:$0x0] =	sbarrier.arrive $0xFFFF  }
0x51: {  	_ =	strace $0x9000005D  }
0x52: {  	s0 =	stileid.u32;
	[bflag:$0x2] =	sbarrier.arrive $0xFFFF  }
0x53: {  	p0 =	sne.s32 s0, $0x0;
	s0 =	rddreg [dreg:$0x1]  }
0x54: {  	s0 =	sadd.s32 @!p0 $0x100000, s0  }
0x55: {  	[sflag:s0] =	ssyncadd.tile.s32 @!p0 $0x1;
	_ =	shalt  }
.Lfunc_end2:
_tile_overlayer_lowered:
.L_overlay_start_2:
0x56: {  	(tag) =	ssettag $0x2  }
0x57: {  	s0 =	rddreg [dreg:$0x0];
	s2 =	stileid.u32  }
0x58: {  	s1 =	rddreg [dreg:$0x1];
	p0 =	sne.s32 s2, $0x0  }
0x59: {  	s3 =	rddreg [dreg:$0x2];
	[bflag:$0x3] =	sbarrier.arrive $0xFFFF;
	s2 =	simm.s32 @!p0 $0x1C01  }
0x5a: {  	[timem:s3], [sflag:s2] =	dma.local @!p0 [hbm:s0], s1  }
0x5b: {  	s0 =	simm.s32 @!p0 $0x1  }
0x5c: {  	_ =	swait.ge @!p0 [sflag:s0], s1  }
0x5d: {  	s1 =	ssub.s32 @!p0 $0x0, s1;
	[sflag:s0] =	ssyncset.done @!p0 $0x0  }
0x5e: {  	[sflag:s0] =	ssyncadd.s32 @!p0 s1  }
0x5f: {  	[bflag:$0x3] =	sbarrier.arrive $0xFFFF  }
0x60: {  	_ =	shalt  }

// kernel: kernel.25.cloned.1.call-start
scs
__scs_entry_jumppad:
0x0: {  	(pc) =	sbr.rel $0x88, $3  }
0x1: {  	(tag) =	ssettag $0x0;
	lr =	simm.s32 $0x1  }
0x2: {  	[smem:$0x3F8C] =	sst lr;
	_ =	strace $0xD0000000  }
0x3: {  	_ = 	snop  }
0x4: {  	_ = 	snop  }
0x5: {  	_ = 	snop  }
0x6: {  	_ = 	snop  }
0x7: {  	_ = 	snop  }
__scs_overlays_trampoline_lowered:
0x8: {  	[smem:$0x3F9B] =	sst s0  }
0x9: {  	[smem:$0x3F9C] =	sst s1  }
0xa: {  	[smem:$0x3F9D] =	sst s2  }
0xb: {  	[smem:$0x3F9E] =	sst s3  }
0xc: {  	[smem:$0x3F9F] =	sst s4  }
0xd: {  	[smem:$0x3FA0] =	sst s5  }
0xe: {  	[smem:$0x3FA1] =	sst s6  }
0xf: {  	[smem:$0x3FA2] =	sst s7  }
0x10: {  	[smem:$0x3FA3] =	sst s8  }
0x11: {  	[smem:$0x3FA4] =	sst s9;
	s0 =	simm.s32 @!p0 $0x0  }
0x12: {  	s1 =	sld [smem:$0x3F8A];
	s0 =	simm.s32 @p0 $0x1  }
0x13: {  	[smem:$0x3FA5] =	sst s0;
	s0 =	simm.s32 @!p1 $0x0  }
0x14: {  	s2 =	sld [smem:$0x3F89];
	s0 =	simm.s32 @p1 $0x1  }
0x15: {  	[smem:$0x3FA6] =	sst s0;
	s0 =	simm.s32 @!p2 $0x0  }
0x16: {  	s3 =	sld [smem:$0x3FDB];
	s0 =	simm.s32 @p2 $0x1  }
0x17: {  	s4 =	simm.s32 $0x1BF5;
	[smem:$0x3FA8] =	sst s0  }
0x18: {  	s0 =	sld [smem:$0x3F8B];
	_ =	swait.ge [sflag:s4], $0x0  }
0x19: {  	s7 =	sld [smem:$0x3F8C]  }
0x1a: {  	s8 =	sadd.s32 $0xFFFFE003, lr  }
0x1b: {  	s9 =	sadd.s32 $0xFFFFFEF7, lr;
	s5 =	simm.s32 $0xFFFFFFFF;
	p2 =	slt.u32 s8, $0xFFFFF086  }
0x1c: {  	p1 =	slt.u32 s9, $0xF7A;
	s5 =	simm.s32 @!p2 $0x0  }
0x1d: {  	s5 =	simm.s32 @p1 $0x1;
	p0 =	seq.s32 s7, s2  }
0x1e: {  	s7 =	smul.u32 @!p0 $0xF7A, s2;
	p2 =	seq.s32 @!p0 s5, $0x0  }
0x1f: {  	s9 =	smul.u32 $0xF7A, s1;
	s8 =	simm.s32 @!p0 $0x1BF5;
	p2 =	por !p2, p0  }
0x20: {  	[sflag:s8] =	ssyncset.s32 @!p0 $0xFFFFF086;
	s6 =	sadd.s32 @!p0 s3, s7;
	s7 =	simm.s32 @!p0 $0x108  }
0x21: {  	s3 =	sadd.s32 s3, s9;
	s6 =	sadd.s32 @!p0 $0x88, s6;
	s7 =	simm.s32 @p2 $0x1082  }
0x22: {  	[simem:s7], [sflag:s8] =	dma.local @!p0 [hbm:s6], $0xF7A  }
0x23: {  	s9 =	sor.u32 $0xD0000000, s2;
	s6 =	simm.s32 $0x108;
	_ =	swait.ge @!p0 [sflag:s8], $0x0  }
0x24: {  	s3 =	sadd.s32 $0x88, s3;
	s6 =	simm.s32 @!p1 $0x1082;
	[sflag:s4] =	ssyncset.s32 $0xFFFFF086  }
0x25: {  	[simem:s6], [sflag:s4] =	dma.local [hbm:s3], $0xF7A  }
0x26: {  	[smem:$0x3F8C] =	sst s1;
	(tag) =	ssettag s2;
	_ =	strace s9  }
0x27: {  	s1 =	sld [smem:$0x3F9C]  }
0x28: {  	s2 =	sld [smem:$0x3F9D]  }
0x29: {  	s4 =	sld [smem:$0x3F9F]  }
0x2a: {  	p0 =	seq.s32 s5, $0x0;
	s5 =	sld [smem:$0x3FA0]  }
0x2b: {  	s6 =	sld [smem:$0x3FA1]  }
0x2c: {  	s7 =	sld [smem:$0x3FA2]  }
0x2d: {  	s3 =	simm.s32 $0x108;
	s8 =	sld [smem:$0x3FA3]  }
0x2e: {  	s3 =	simm.s32 @!p0 $0x1082;
	s9 =	sld [smem:$0x3FA4]  }
0x2f: {  	lr =	sadd.s32 s0, s3;
	s0 =	sld [smem:$0x3F9B]  }
0x30: {  	s3 =	sld [smem:$0x3F9E]  }
0x31: {  	[smem:$0x3FA7] =	sst s10  }
0x32: {  	s10 =	sld [smem:$0x3FA5];
	_ =	sdelay $0x3  }
0x33: {  	p0 =	seq.s32 s10, $0x1;
	s10 =	sld [smem:$0x3FA7];
	_ =	sdelay $0x3  }
0x34: {  	[smem:$0x3FA7] =	sst s10  }
0x35: {  	s10 =	sld [smem:$0x3FA6];
	_ =	sdelay $0x3  }
0x36: {  	p1 =	seq.s32 s10, $0x1;
	s10 =	sld [smem:$0x3FA7];
	_ =	sdelay $0x3  }
0x37: {  	[smem:$0x3FA7] =	sst s10  }
0x38: {  	s10 =	sld [smem:$0x3FA8]  }
0x39: {  	_ = 	snop;
	(pc) =	sbr.ind lr, $3  }
0x3a: {  	_ = 	snop  }
0x3b: {  	_ = 	snop  }
0x3c: {  	p2 =	seq.s32 s10, $0x1;
	s10 =	sld [smem:$0x3FA7]  }
0x3d: {  	_ =	shalt  }
0x3e: {  	_ =	shalt  }
0x3f: {  	_ =	shalt  }
0x40: {  	_ =	shalt  }
0x41: {  	_ =	shalt  }
0x42: {  	_ =	shalt  }
0x43: {  	_ =	shalt  }
0x44: {  	_ =	shalt  }
0x45: {  	_ =	shalt  }
0x46: {  	_ =	shalt  }
0x47: {  	_ =	shalt  }
0x48: {  	_ =	shalt  }
0x49: {  	_ =	shalt  }
0x4a: {  	_ =	shalt  }
0x4b: {  	_ =	shalt  }
0x4c: {  	_ =	shalt  }
0x4d: {  	_ =	shalt  }
0x4e: {  	_ =	shalt  }
0x4f: {  	_ =	shalt  }
0x50: {  	_ =	shalt  }
0x51: {  	_ =	shalt  }
0x52: {  	_ =	shalt  }
0x53: {  	_ =	shalt  }
0x54: {  	_ =	shalt  }
0x55: {  	_ =	shalt  }
0x56: {  	_ =	shalt  }
0x57: {  	_ =	shalt  }
0x58: {  	_ =	shalt  }
0x59: {  	_ =	shalt  }
0x5a: {  	_ =	shalt  }
0x5b: {  	_ =	shalt  }
0x5c: {  	_ =	shalt  }
0x5d: {  	_ =	shalt  }
0x5e: {  	_ =	shalt  }
0x5f: {  	_ =	shalt  }
0x60: {  	_ =	shalt  }
0x61: {  	_ =	shalt  }
0x62: {  	_ =	shalt  }
0x63: {  	_ =	shalt  }
0x64: {  	_ =	shalt  }
0x65: {  	_ =	shalt  }
0x66: {  	_ =	shalt  }
0x67: {  	_ =	shalt  }
0x68: {  	_ =	shalt  }
0x69: {  	_ =	shalt  }
0x6a: {  	_ =	shalt  }
0x6b: {  	_ =	shalt  }
0x6c: {  	_ =	shalt  }
0x6d: {  	_ =	shalt  }
0x6e: {  	_ =	shalt  }
0x6f: {  	_ =	shalt  }
0x70: {  	_ =	shalt  }
0x71: {  	_ =	shalt  }
0x72: {  	_ =	shalt  }
0x73: {  	_ =	shalt  }
0x74: {  	_ =	shalt  }
0x75: {  	_ =	shalt  }
0x76: {  	_ =	shalt  }
0x77: {  	_ =	shalt  }
0x78: {  	_ =	shalt  }
0x79: {  	_ =	shalt  }
0x7a: {  	_ =	shalt  }
0x7b: {  	_ =	shalt  }
0x7c: {  	_ =	shalt  }
0x7d: {  	_ =	shalt  }
0x7e: {  	_ =	shalt  }
0x7f: {  	_ =	shalt  }
0x80: {  	_ =	shalt  }
0x81: {  	_ =	shalt  }
0x82: {  	_ =	shalt  }
0x83: {  	_ =	shalt  }
0x84: {  	_ =	shalt  }
0x85: {  	_ =	shalt  }
0x86: {  	_ =	shalt  }
0x87: {  	_ =	shalt  }
.Lfunc_end0:
.L_simem_size_0:
called_computation.5_lowered:
.L_overlay_start_0:
0x88: {  	s2 =	sld [smem:$0x3FD9]  }
0x89: {  	s3 =	sld [smem:$0x3FFE];
	_ =	sdelay $0x1  }
0x8a: {  	s1 =	srdreg.scid  }
0x8b: {  	s0 =	sand.u32 $0x1, s1  }
0x8c: {  	s16 =	sshll.u32 s0, $0xA;
	s2 =	sadd.s32 s3, s2  }
0x8d: {  	s2 =	sadd.s32 s2, s16  }
0x8e: {  	[smem:$0x3FB3] =	sst s2  }
0x8f: {  	_ = 	snop  }
0x90: {  	(tm) =	ssettm $0x1  }
0x91: {  	s17 =	sld [smem:$0x3FFB];
	_ =	sdelay $0x3  }
0x92: {  	_ =	strace s17  }
0x93: {  	s2 =	sld [smem:$0x3FFC];
	_ =	sdelay $0x3  }
0x94: {  	_ =	strace s2  }
0x95: {  	s2 =	sld [smem:$0x3FFD];
	_ =	sdelay $0x3  }
0x96: {  	_ =	strace s2  }
0x97: {  	_ =	strace $0x8FFFFFFF  }
0x98: {  	s18 =	sld [smem:$0x3FDB];
	_ =	sdelay $0x1  }
0x99: {  	s19 =	simm.s32 $_scs_section_size  }
0x9a: {  	s4 =	simm.s32 $_size__tile_overlayer_lowered;
	s5 =	simm.s32 $_tile_overlayer_lowered  }
0x9b: {  	s22 =	simm.s32 $0x1BFF;
	s21 =	sshll.u32 s5, $0x1;
	s2 =	sadd.s32 s19, s18  }
0x9c: {  	s6 =	simm.s32 $0x0;
	s20 =	sshll.u32 s4, $0x1;
	s4 =	sadd.s32 s21, s2  }
0x9d: {  	[timem:s6], [sflag:s22] =	dma.local [hbm:s4], s20  }
0x9e: {  	_ =	swait.ge [sflag:s22], s20  }
0x9f: {  	s3 =	ssub.s32 $0x0, s20;
	[sflag:s22] =	ssyncset.done $0x0  }
0xa0: {  	[sflag:s22] =	ssyncadd.s32 s3;
	_ =	sdelay $0x1  }
0xa1: {  	s23 =	simm.s32 $0x1B8B  }
0xa2: {  	_ =	swait.ge [sflag:s23], $0x1  }
0xa3: {  	[sflag:s23] =	ssyncset.done $0x0  }
0xa4: {  	s25 =	simm.s32 $0x1B8E;
	s24 =	sld [smem:$0x3FFE];
	[sflag:s23] =	ssyncadd.s32 $0xFFFFFFFF  }
0xa5: {  	s26 =	simm.s32 $execute0_lowered;
	[smem:$0x3FD2] =	sst s25  }
0xa6: {  	s4 =	sshll.u32 s26, $0x1;
	_ =	strace $0x80000074;
	[dreg:$0x1] =	wrdreg $0xFFFFFFFF  }
0xa7: {  	s28 =	simm.s32 $_size_execute0_lowered;
	s2 =	sadd.s32 s2, s4;
	[dreg:$0x0] =	wrdreg $0x0  }
0xa8: {  	s4 =	sshll.u32 s28, $0x1;
	[dreg:$0x2] =	wrdreg s2  }
0xa9: {  	[dreg:$0x3] =	wrdreg s4  }
0xaa: {  	[dreg:$0x4] =	wrdreg $0xC0  }
0xab: {  	_ =	task [dreg:s6], $0x5FFFF  }
0xac: {  	[dreg:$0x1] =	wrdreg $0xFFFFFFFF  }
0xad: {  	[dreg:$0x0] =	wrdreg $0x60  }
0xae: {  	[dreg:$0x2] =	wrdreg s24  }
0xaf: {  	[dreg:$0x3] =	wrdreg $0xB4000  }
0xb0: {  	[dreg:$0x4] =	wrdreg $0xA  }
0xb1: {  	_ =	task.clear_ibuf [dreg:s6], $0x5FFFF;
	_ =	strace $0x90000074  }
0xb2: {  	s29 =	simm.s32 $0xA;
	_ =	strace $0x80000076  }
0xb3: {  	_ =	swait.ge [sflag:s29], $0x1  }
0xb4: {  	[sflag:s29] =	ssyncadd.s32 $0xFFFFFFFF  }
0xb5: {  	_ =	strace $0x90000076  }
0xb6: {  	_ =	sfence  }
0xb7: {  	s30 =	sld [smem:$0x0];
	_ =	sdelay $0x2  }
0xb8: {  	s31 =	sshll.u32 s1, $0xD;
	s1 =	sshrl.u32 s1, $0x2  }
0xb9: {  	s3 =	sand.u32 $0x4000, s31;
	s1 =	sadd.s32 s1, s30  }
0xba: {  	s0 =	sor.u32 s3, s0;
	s1 =	sshll.u32 s1, $0x11  }
0xbb: {  	s0 =	sor.u32 s1, s0  }
0xbc: {  	s0 =	sadd.s32 $0x8F2B, s0  }
0xbd: {  	[sflag:s0] =	ssyncadd.remote.s32 $0x1  }
0xbe: {  	_ =	sfence.sel $0xFFFF  }
0xbf: {  	[dreg:$0x0] =	wrdreg $0xFFFFFFFF;
	(pc) =	sbr.abs _section_cstart, $3  }
0xc0: {  	[dreg:$0x1] =	wrdreg $0xFFFFFFFF  }
0xc1: {  	_ =	task.clear_ibuf [dreg:s6], $0x2FFFF;
	_ =	strace $0x9FFFFFFF  }
0xc2: {  	(tm) =	ssettm $0x7FFFFFFF  }
0xc3: {  	_ =	shalt  }
tec
execute0_lowered:
.L_overlay_start_1:
0x0: {  	(tag) =	ssettag $0x1  }
0x1: {  	s0 =	srdreg.scid  }
0x2: {  	s4 =	rddreg [dreg:$0x0];
	s7 =	stileid.u32  }
0x3: {  	s1 =	rddreg [dreg:$0x1];
	s2 =	simm.s32 $0x0;
	s5 =	smul.u32 $0x188000, s7  }
0x4: {  	s28 =	simm.s32 $0x7400;
	s29 =	simm.s32 $0x1;
	s23 =	smul.u32 $0x680, s7  }
0x5: {  	s30 =	simm.s32 $0x3400;
	s31 =	simm.s32 $0x80;
	s9 =	smul.u32 $0x50000, s7  }
0x6: {  	s0 =	sand.u32 $0x1, s0;
	[smem:$0x7FF] =	sst s2;
	s17 =	smul.u32 $0x14000, s7  }
0x7: {  	s16 =	sadd.s32 $0xA4A00, s4;
	p0 =	sne.s32 s7, $0x0;
	s3 =	smul.u32 $0x1880000, s0  }
0x8: {  	_ =	strace $0x80000075;
	s6 =	ssub.s32 $0x2, s0;
	s0 =	smul.u32 $0x280000, s0  }
0x9: {  	s8 =	sshrl.u32 s6, $0x1;
	s24 =	sshrl.u32 s9, $0x2;
	s13 =	sadd.s32 $0x4000, s17  }
0xa: {  	s18 =	sadd.s32 $0x8000, s17;
	s19 =	sadd.s32 $0xC000, s17;
	s20 =	sadd.s32 $0x10000, s17  }
0xb: {  	s3 =	sadd.s32 s5, s3;
	s5 =	sadd.s32 s23, s4;
	s8 =	ssub.s32 s6, s8  }
0xc: {  	s6 =	sadd.s32 $0x140000, s1;
	s11 =	sadd.s32 s0, s17;
	s15 =	sadd.s32 s0, s13  }
0xd: {  	s13 =	sadd.s32 s13, s1;
	s26 =	sadd.s32 s0, s19;
	s17 =	sadd.s32 s19, s1  }
0xe: {  	s19 =	sadd.s32 s20, s1;
	s3 =	sshrl.u32 s3, $0x3;
	s8 =	smax.u32 s8, $0x1  }
0xf: {  	s12 =	sshrl.u32 s11, $0x3;
	s15 =	sshrl.u32 s15, $0x3;
	s14 =	sadd.s32 s3, s4  }
0x10: {  	s3 =	sadd.s32 $0x4A00, s4;
	s4 =	sadd.s32 $0x777000, s5;
	s5 =	sadd.s32 s24, s1  }
0x11: {  	[dreg:$0x3] =	wrdreg s8;
	s12 =	sadd.s32 s16, s12;
	s15 =	sadd.s32 s16, s15  }
0x12: {  	s8 =	sadd.s32 $0x4000, s5;
	s9 =	sadd.s32 $0x8000, s5;
	s10 =	sadd.s32 $0xC000, s5  }
0x13: {  	s11 =	sadd.s32 $0x10000, s5;
	[dreg:$0x4] =	wrdreg s15;
	s15 =	sadd.s32 s18, s1  }
0x14: {  	s18 =	sadd.s32 s0, s18;
	s0 =	sadd.s32 s0, s20;
	s21 =	sadd.s32 $0x28000, s12  }
0x15: {  	s22 =	sadd.s32 $0x28800, s12;
	s23 =	sadd.s32 $0x29000, s12;
	s18 =	sshrl.u32 s18, $0x3  }
0x16: {  	s24 =	sadd.s32 $0x29800, s12;
	s0 =	sshrl.u32 s0, $0x3;
	s25 =	sadd.s32 s16, s18  }
0x17: {  	s18 =	sshrl.u32 s26, $0x3;
	s0 =	sadd.s32 s16, s0;
	[dreg:$0x5] =	wrdreg s25  }
0x18: {  	s14 =	sadd.s32 $0xF4D000, s14;
	s18 =	sadd.s32 s16, s18;
	[dreg:$0x7] =	wrdreg s0  }
0x19: {  	s26 =	sadd.s32 $0x2A000, s12;
	s0 =	simm.s32 $0x0;
	[dreg:$0x6] =	wrdreg s18  }
.LBB2_1:
0x1a: {  	[tilespmem:s28], [sflag:$0x1] =	stream.linear.gather [hbm4b:s3+s2], $0x4000, $0x38;
	[tilespmem:$0x1F440] =	vst v63  }
0x1b: {  	_ =	swait.ge [sflag:s29], $0x4000  }
0x1c: {  	[sflag:s29] =	ssyncset.done $0x0  }
0x1d: {  	[sflag:s29] =	ssyncadd.s32 $0xFFFFC000  }
0x1e: {  	[tilespmem:s2], [sflag:$0x1] =	stream.linear.gather [hbm4b:s4+s2], $0x3100, $0x38;
	[tilespmem:$0x1F440] =	vst v63  }
0x1f: {  	s7 =	sand.u32 $0xFE00, s2;
	_ =	swait.ge [sflag:s29], $0x3100  }
0x20: {  	s16 =	sand.u32 $0x70, s2;
	s7 =	sshrl.u32 s7, $0x2;
	[sflag:s29] =	ssyncset.done $0x0  }
0x21: {  	s7 =	sor.u32 s16, s7;
	[sflag:s29] =	ssyncadd.s32 $0xFFFFCF00  }
0x22: {  	v0 =	vld [tilespmem:s7+$0x0];
	_ =	sdelay $0x2  }
0x23: {  	s18 =	simm.s32 $0x40  }
0x24: {  	s25 =	simm.s32 $0x80;
	s18 =	sand.u32 $0xFE00, s18;
	s16 =	simm.s32 $0x10  }
.LBB2_2:
0x25: {  	p1 =	sne.s32 s25, $0xC3C0;
	s20 =	sand.u32 $0x70, s16;
	s18 =	sshrl.u32 s18, $0x2;
	v0 =	vmin.u32 v0, $0x2800  }
0x26: {  	[tilespmem:s7+$0x0] =	vst v0;
	s7 =	sor.u32 s20, s18  }
.Ltmp0:
0x27: {  	v0 =	vld [tilespmem:s7+$0x0];
	(pc) =	sbr.rel @p1 .LBB2_2-.Ltmp0, $2  }
0x28: {  	_ =	sdelay $0x2  }
0x29: {  	s16 =	sadd.s32 $0x10, s16;
	s18 =	sand.u32 $0xFE00, s25;
	s25 =	sadd.s32 $0x40, s25  }
0x2a: {  	s16 =	sand.u32 $0x70, s16;
	s18 =	sshrl.u32 s18, $0x2;
	v0 =	vmin.u32 v0, $0x2800  }
0x2b: {  	s16 =	sor.u32 s16, s18;
	[tilespmem:s7+$0x0] =	vst v0  }
0x2c: {  	v0 =	vld [tilespmem:s16+$0x0];
	_ =	sdelay $0x4  }
0x2d: {  	v0 =	vmin.u32 v0, $0x2800  }
0x2e: {  	[tilespmem:s16+$0x0] =	vst v0  }
0x2f: {  	[spmem:s5] =	stream.linear.scatter [tilespmem:s28], [sflag:$0x1], $0x4000, $0x38;
	[tilespmem:$0x1F440] =	vst v63  }
0x30: {  	_ =	swait.ge [sflag:s29], $0x4000  }
0x31: {  	[sflag:s29] =	ssyncset.done $0x0  }
0x32: {  	[sflag:s29] =	ssyncadd.s32 $0xFFFFC000  }
0x33: {  	[spmem:s8] =	stream.linear.scatter [tilespmem:s28], [sflag:$0x1], $0x4000, $0x38;
	[tilespmem:$0x1F440] =	vst v63  }
0x34: {  	_ =	swait.ge [sflag:s29], $0x4000  }
0x35: {  	[sflag:s29] =	ssyncset.done $0x0  }
0x36: {  	[sflag:s29] =	ssyncadd.s32 $0xFFFFC000  }
0x37: {  	[spmem:s9] =	stream.linear.scatter [tilespmem:s28], [sflag:$0x1], $0x4000, $0x38;
	[tilespmem:$0x1F440] =	vst v63  }
0x38: {  	_ =	swait.ge [sflag:s29], $0x4000  }
0x39: {  	[sflag:s29] =	ssyncset.done $0x0  }
0x3a: {  	[sflag:s29] =	ssyncadd.s32 $0xFFFFC000  }
0x3b: {  	[spmem:s10] =	stream.linear.scatter [tilespmem:s28], [sflag:$0x1], $0x4000, $0x38;
	[tilespmem:$0x1F440] =	vst v63  }
0x3c: {  	_ =	swait.ge [sflag:s29], $0x4000  }
0x3d: {  	[sflag:s29] =	ssyncset.done $0x0  }
0x3e: {  	[sflag:s29] =	ssyncadd.s32 $0xFFFFC000  }
0x3f: {  	[spmem:s11] =	stream.linear.scatter [tilespmem:s28], [sflag:$0x1], $0x4000, $0x38;
	[tilespmem:$0x1F440] =	vst v63  }
0x40: {  	_ =	swait.ge [sflag:s29], $0x4000  }
0x41: {  	[sflag:s29] =	ssyncset.done $0x0  }
0x42: {  	s7 =	simm.s32 @!p0 $0x7400;
	[sflag:s29] =	ssyncadd.s32 $0xFFFFC000  }
0x43: {  	[spmem:s6] =	stream.linear.scatter @!p0 [tilespmem:s7], [sflag:$0x1], $0x400, $0x38;
	[tilespmem:$0x1F440] =	vst v63  }
0x44: {  	s7 =	simm.s32 @!p0 $0x1  }
0x45: {  	_ =	swait.ge @!p0 [sflag:s7], $0x400  }
0x46: {  	[sflag:s7] =	ssyncset.done @!p0 $0x0  }
0x47: {  	[sflag:s7] =	ssyncadd.s32 @!p0 $0xFFFFFC00  }
0x48: {  	[bflag:$0x0] =	sbarrier.arrive $0xFFFF  }
0x49: {  	[tilespmem:s30], [sflag:$0x1] =	stream.linear.gather [hbm4b:s14+s2], $0x4000, $0x38;
	[tilespmem:$0x1F440] =	vst v63  }
0x4a: {  	_ =	swait.ge [sflag:s29], $0x4000  }
0x4b: {  	[sflag:s29] =	ssyncset.done $0x0  }
0x4c: {  	s25 =	simm.s32 $0x0;
	[sflag:s29] =	ssyncadd.s32 $0xFFFFC000  }
0x4d: {  	[spmem:s1] =	stream.indirect.scatter.add.f32 [tilespmem:s30], [sflag:$0x1], $0x80, s25, s31, $0xb8;
	[tilespmem:$0x1F440] =	vst v63  }
0x4e: {  	_ =	swait.ge [sflag:s29], $0x4000  }
0x4f: {  	s7 =	simm.s32 $0x200;
	s25 =	smov.u32 s14;
	[sflag:s29] =	ssyncset.done $0x0  }
.LBB2_4:
0x50: {  	p1 =	sne.s32 s7, $0xC200;
	[sflag:s29] =	ssyncadd.s32 $0xFFFFC000;
	s25 =	sadd.s32 $0x800, s25  }
0x51: {  	[tilespmem:s30], [sflag:$0x1] =	stream.linear.gather [hbm4b:s25+s2], $0x4000, $0x38;
	[tilespmem:$0x1F440] =	vst v63  }
0x52: {  	s16 =	smov.u32 s7;
	s7 =	sadd.s32 $0x200, s7;
	_ =	swait.ge [sflag:s29], $0x4000  }
.Ltmp1:
0x53: {  	[sflag:s29] =	ssyncset.done $0x0;
	(pc) =	sbr.rel @p1 .LBB2_4-.Ltmp1, $4  }
0x54: {  	s16 =	sshra.s32 s16, $0x2;
	[sflag:s29] =	ssyncadd.s32 $0xFFFFC000  }
0x55: {  	[spmem:s1] =	stream.indirect.scatter.add.f32 [tilespmem:s30], [sflag:$0x1], $0x80, s16, s31, $0xb8;
	[tilespmem:$0x1F440] =	vst v63  }
0x56: {  	_ =	swait.ge [sflag:s29], $0x4000  }
0x57: {  	[sflag:s29] =	ssyncset.done $0x0  }
0x58: {  	[sflag:s29] =	ssyncadd.s32 $0xFFFFC000  }
0x59: {  	[bflag:$0x0] =	sbarrier.arrive $0xFFFF  }
0x5a: {  	[tilespmem:s28], [sflag:$0x1] =	stream.linear.gather [spmem:s5], $0x4000, $0x38;
	[tilespmem:$0x1F440] =	vst v63  }
0x5b: {  	_ =	swait.ge [sflag:s29], $0x4000  }
0x5c: {  	[sflag:s29] =	ssyncset.done $0x0  }
0x5d: {  	s7 =	simm.s32 $0x0;
	[sflag:s29] =	ssyncadd.s32 $0xFFFFC000  }
0x5e: {  	[hbm4b:s12+s7] =	stream.linear.scatter [tilespmem:s28], [sflag:$0x1], $0x4000, $0x38;
	[tilespmem:$0x1F440] =	vst v63  }
0x5f: {  	_ =	swait.ge [sflag:s29], $0x4000  }
0x60: {  	[sflag:s29] =	ssyncset.done $0x0  }
0x61: {  	[sflag:s29] =	ssyncadd.s32 $0xFFFFC000  }
0x62: {  	[tilespmem:s28], [sflag:$0x1] =	stream.linear.gather [spmem:s13], $0x4000, $0x38;
	[tilespmem:$0x1F440] =	vst v63  }
0x63: {  	_ =	swait.ge [sflag:s29], $0x4000  }
0x64: {  	[sflag:s29] =	ssyncset.done $0x0  }
0x65: {  	s16 =	rddreg [dreg:$0x4];
	[sflag:s29] =	ssyncadd.s32 $0xFFFFC000  }
0x66: {  	[hbm4b:s16+s7] =	stream.linear.scatter [tilespmem:s28], [sflag:$0x1], $0x4000, $0x38;
	[tilespmem:$0x1F440] =	vst v63  }
0x67: {  	_ =	swait.ge [sflag:s29], $0x4000  }
0x68: {  	[sflag:s29] =	ssyncset.done $0x0  }
0x69: {  	[sflag:s29] =	ssyncadd.s32 $0xFFFFC000  }
0x6a: {  	[tilespmem:s28], [sflag:$0x1] =	stream.linear.gather [spmem:s15], $0x4000, $0x38;
	[tilespmem:$0x1F440] =	vst v63  }
0x6b: {  	_ =	swait.ge [sflag:s29], $0x4000  }
0x6c: {  	[sflag:s29] =	ssyncset.done $0x0  }
0x6d: {  	s20 =	rddreg [dreg:$0x5];
	[sflag:s29] =	ssyncadd.s32 $0xFFFFC000  }
0x6e: {  	[hbm4b:s20+s7] =	stream.linear.scatter [tilespmem:s28], [sflag:$0x1], $0x4000, $0x38;
	[tilespmem:$0x1F440] =	vst v63  }
0x6f: {  	_ =	swait.ge [sflag:s29], $0x4000  }
0x70: {  	[sflag:s29] =	ssyncset.done $0x0  }
0x71: {  	[sflag:s29] =	ssyncadd.s32 $0xFFFFC000  }
0x72: {  	[tilespmem:s28], [sflag:$0x1] =	stream.linear.gather [spmem:s17], $0x4000, $0x38;
	[tilespmem:$0x1F440] =	vst v63  }
0x73: {  	_ =	swait.ge [sflag:s29], $0x4000  }
0x74: {  	[sflag:s29] =	ssyncset.done $0x0  }
0x75: {  	s25 =	rddreg [dreg:$0x6];
	[sflag:s29] =	ssyncadd.s32 $0xFFFFC000  }
0x76: {  	[hbm4b:s25+s7] =	stream.linear.scatter [tilespmem:s28], [sflag:$0x1], $0x4000, $0x38;
	[tilespmem:$0x1F440] =	vst v63  }
0x77: {  	_ =	swait.ge [sflag:s29], $0x4000  }
0x78: {  	[sflag:s29] =	ssyncset.done $0x0  }
0x79: {  	[sflag:s29] =	ssyncadd.s32 $0xFFFFC000  }
0x7a: {  	[tilespmem:s28], [sflag:$0x1] =	stream.linear.gather [spmem:s19], $0x4000, $0x38;
	[tilespmem:$0x1F440] =	vst v63  }
0x7b: {  	_ =	swait.ge [sflag:s29], $0x4000  }
0x7c: {  	[sflag:s29] =	ssyncset.done $0x0  }
0x7d: {  	s18 =	rddreg [dreg:$0x7];
	[sflag:s29] =	ssyncadd.s32 $0xFFFFC000  }
0x7e: {  	[hbm4b:s18+s7] =	stream.linear.scatter [tilespmem:s28], [sflag:$0x1], $0x4000, $0x38;
	[tilespmem:$0x1F440] =	vst v63  }
0x7f: {  	_ =	swait.ge [sflag:s29], $0x4000  }
0x80: {  	[sflag:s29] =	ssyncset.done $0x0  }
0x81: {  	[sflag:s29] =	ssyncadd.s32 $0xFFFFC000  }
0x82: {  	[tilespmem:s28], [sflag:$0x1] =	stream.linear.gather [hbm4b:s3+s7], $0x4000, $0x38;
	[tilespmem:$0x1F440] =	vst v63  }
0x83: {  	_ =	swait.ge [sflag:s29], $0x4000  }
0x84: {  	[sflag:s29] =	ssyncset.done $0x0  }
0x85: {  	[sflag:s29] =	ssyncadd.s32 $0xFFFFC000  }
0x86: {  	[tilespmem:s7], [sflag:$0x1] =	stream.linear.gather [hbm4b:s4+s7], $0x3100, $0x38;
	[tilespmem:$0x1F440] =	vst v63  }
0x87: {  	s20 =	sand.u32 $0xFE00, s7;
	_ =	swait.ge [sflag:s29], $0x3100  }
0x88: {  	s16 =	sshrl.u32 s20, $0x2;
	s7 =	sand.u32 $0x70, s7;
	[sflag:s29] =	ssyncset.done $0x0  }
0x89: {  	s7 =	sor.u32 s7, s16;
	[sflag:s29] =	ssyncadd.s32 $0xFFFFCF00  }
0x8a: {  	v0 =	vld [tilespmem:s7+$0x0];
	_ =	sdelay $0x3  }
0x8b: {  	s25 =	simm.s32 $0x40  }
0x8c: {  	s18 =	sand.u32 $0xFE00, s25;
	s25 =	simm.s32 $0x80;
	s16 =	simm.s32 $0x10;
	v0 =	vadd.s32 $0xFFFFD800, v0  }
.LBB2_6:
0x8d: {  	p1 =	sne.s32 s25, $0xC3C0;
	s20 =	sand.u32 $0x70, s16;
	s18 =	sshrl.u32 s18, $0x2;
	v0 =	vmin.u32 v0, $0x2800  }
0x8e: {  	[tilespmem:s7+$0x0] =	vst v0;
	s7 =	sor.u32 s20, s18  }
0x8f: {  	v0 =	vld [tilespmem:s7+$0x0]  }
.Ltmp2:
0x90: {  	(pc) =	sbr.rel @p1 .LBB2_6-.Ltmp2, $2  }
0x91: {  	_ =	sdelay $0x2  }
0x92: {  	s16 =	sadd.s32 $0x10, s16;
	s18 =	sand.u32 $0xFE00, s25;
	s25 =	sadd.s32 $0x40, s25;
	v0 =	vadd.s32 $0xFFFFD800, v0  }
0x93: {  	s16 =	sand.u32 $0x70, s16;
	s18 =	sshrl.u32 s18, $0x2;
	v0 =	vmin.u32 v0, $0x2800  }
0x94: {  	s16 =	sor.u32 s16, s18;
	[tilespmem:s7+$0x0] =	vst v0  }
0x95: {  	v0 =	vld [tilespmem:s16+$0x0];
	_ =	sdelay $0x4  }
0x96: {  	v0 =	vadd.s32 $0xFFFFD800, v0  }
0x97: {  	v0 =	vmin.u32 v0, $0x2800  }
0x98: {  	[tilespmem:s16+$0x0] =	vst v0  }
0x99: {  	[spmem:s5] =	stream.linear.scatter [tilespmem:s28], [sflag:$0x1], $0x4000, $0x38;
	[tilespmem:$0x1F440] =	vst v63  }
0x9a: {  	_ =	swait.ge [sflag:s29], $0x4000  }
0x9b: {  	[sflag:s29] =	ssyncset.done $0x0  }
0x9c: {  	[sflag:s29] =	ssyncadd.s32 $0xFFFFC000  }
0x9d: {  	[spmem:s8] =	stream.linear.scatter [tilespmem:s28], [sflag:$0x1], $0x4000, $0x38;
	[tilespmem:$0x1F440] =	vst v63  }
0x9e: {  	_ =	swait.ge [sflag:s29], $0x4000  }
0x9f: {  	[sflag:s29] =	ssyncset.done $0x0  }
0xa0: {  	[sflag:s29] =	ssyncadd.s32 $0xFFFFC000  }
0xa1: {  	[spmem:s9] =	stream.linear.scatter [tilespmem:s28], [sflag:$0x1], $0x4000, $0x38;
	[tilespmem:$0x1F440] =	vst v63  }
0xa2: {  	_ =	swait.ge [sflag:s29], $0x4000  }
0xa3: {  	[sflag:s29] =	ssyncset.done $0x0  }
0xa4: {  	[sflag:s29] =	ssyncadd.s32 $0xFFFFC000  }
0xa5: {  	[spmem:s10] =	stream.linear.scatter [tilespmem:s28], [sflag:$0x1], $0x4000, $0x38;
	[tilespmem:$0x1F440] =	vst v63  }
0xa6: {  	_ =	swait.ge [sflag:s29], $0x4000  }
0xa7: {  	[sflag:s29] =	ssyncset.done $0x0  }
0xa8: {  	[sflag:s29] =	ssyncadd.s32 $0xFFFFC000  }
0xa9: {  	[spmem:s11] =	stream.linear.scatter [tilespmem:s28], [sflag:$0x1], $0x4000, $0x38;
	[tilespmem:$0x1F440] =	vst v63  }
0xaa: {  	_ =	swait.ge [sflag:s29], $0x4000  }
0xab: {  	[sflag:s29] =	ssyncset.done $0x0  }
0xac: {  	s7 =	simm.s32 @!p0 $0x7400;
	[sflag:s29] =	ssyncadd.s32 $0xFFFFC000  }
0xad: {  	[spmem:s6] =	stream.linear.scatter @!p0 [tilespmem:s7], [sflag:$0x1], $0x400, $0x38;
	[tilespmem:$0x1F440] =	vst v63  }
0xae: {  	s7 =	simm.s32 @!p0 $0x1  }
0xaf: {  	_ =	swait.ge @!p0 [sflag:s7], $0x400  }
0xb0: {  	[sflag:s7] =	ssyncset.done @!p0 $0x0  }
0xb1: {  	[sflag:s7] =	ssyncadd.s32 @!p0 $0xFFFFFC00  }
0xb2: {  	[bflag:$0x0] =	sbarrier.arrive $0xFFFF  }
0xb3: {  	[tilespmem:s30], [sflag:$0x1] =	stream.linear.gather [hbm4b:s14+s2], $0x4000, $0x38;
	[tilespmem:$0x1F440] =	vst v63  }
0xb4: {  	_ =	swait.ge [sflag:s29], $0x4000  }
0xb5: {  	[sflag:s29] =	ssyncset.done $0x0  }
0xb6: {  	s25 =	simm.s32 $0x0;
	[sflag:s29] =	ssyncadd.s32 $0xFFFFC000  }
0xb7: {  	[spmem:s1] =	stream.indirect.scatter.add.f32 [tilespmem:s30], [sflag:$0x1], $0x80, s25, s31, $0xb8;
	[tilespmem:$0x1F440] =	vst v63  }
0xb8: {  	_ =	swait.ge [sflag:s29], $0x4000  }
0xb9: {  	s7 =	simm.s32 $0x200;
	s25 =	smov.u32 s14;
	[sflag:s29] =	ssyncset.done $0x0  }
.LBB2_8:
0xba: {  	p1 =	sne.s32 s7, $0xC200;
	[sflag:s29] =	ssyncadd.s32 $0xFFFFC000;
	s25 =	sadd.s32 $0x800, s25  }
0xbb: {  	[tilespmem:s30], [sflag:$0x1] =	stream.linear.gather [hbm4b:s25+s2], $0x4000, $0x38;
	[tilespmem:$0x1F440] =	vst v63  }
0xbc: {  	s16 =	smov.u32 s7;
	s7 =	sadd.s32 $0x200, s7;
	_ =	swait.ge [sflag:s29], $0x4000  }
.Ltmp3:
0xbd: {  	[sflag:s29] =	ssyncset.done $0x0;
	(pc) =	sbr.rel @p1 .LBB2_8-.Ltmp3, $4  }
0xbe: {  	s16 =	sshra.s32 s16, $0x2;
	[sflag:s29] =	ssyncadd.s32 $0xFFFFC000  }
0xbf: {  	[spmem:s1] =	stream.indirect.scatter.add.f32 [tilespmem:s30], [sflag:$0x1], $0x80, s16, s31, $0xb8;
	[tilespmem:$0x1F440] =	vst v63  }
0xc0: {  	_ =	swait.ge [sflag:s29], $0x4000  }
0xc1: {  	[sflag:s29] =	ssyncset.done $0x0  }
0xc2: {  	[sflag:s29] =	ssyncadd.s32 $0xFFFFC000  }
0xc3: {  	[bflag:$0x0] =	sbarrier.arrive $0xFFFF  }
0xc4: {  	[tilespmem:s28], [sflag:$0x1] =	stream.linear.gather [spmem:s5], $0x4000, $0x38;
	[tilespmem:$0x1F440] =	vst v63  }
0xc5: {  	_ =	swait.ge [sflag:s29], $0x4000  }
0xc6: {  	[sflag:s29] =	ssyncset.done $0x0  }
0xc7: {  	[sflag:s29] =	ssyncadd.s32 $0xFFFFC000  }
0xc8: {  	[hbm4b:s21+s2] =	stream.linear.scatter [tilespmem:s28], [sflag:$0x1], $0x4000, $0x38;
	[tilespmem:$0x1F440] =	vst v63  }
0xc9: {  	_ =	swait.ge [sflag:s29], $0x4000  }
0xca: {  	[sflag:s29] =	ssyncset.done $0x0  }
0xcb: {  	[sflag:s29] =	ssyncadd.s32 $0xFFFFC000  }
0xcc: {  	[tilespmem:s28], [sflag:$0x1] =	stream.linear.gather [spmem:s13], $0x4000, $0x38;
	[tilespmem:$0x1F440] =	vst v63  }
0xcd: {  	_ =	swait.ge [sflag:s29], $0x4000  }
0xce: {  	[sflag:s29] =	ssyncset.done $0x0  }
0xcf: {  	[sflag:s29] =	ssyncadd.s32 $0xFFFFC000  }
0xd0: {  	[hbm4b:s22+s2] =	stream.linear.scatter [tilespmem:s28], [sflag:$0x1], $0x4000, $0x38;
	[tilespmem:$0x1F440] =	vst v63  }
0xd1: {  	_ =	swait.ge [sflag:s29], $0x4000  }
0xd2: {  	[sflag:s29] =	ssyncset.done $0x0  }
0xd3: {  	[sflag:s29] =	ssyncadd.s32 $0xFFFFC000  }
0xd4: {  	[tilespmem:s28], [sflag:$0x1] =	stream.linear.gather [spmem:s15], $0x4000, $0x38;
	[tilespmem:$0x1F440] =	vst v63  }
0xd5: {  	_ =	swait.ge [sflag:s29], $0x4000  }
0xd6: {  	[sflag:s29] =	ssyncset.done $0x0  }
0xd7: {  	[sflag:s29] =	ssyncadd.s32 $0xFFFFC000  }
0xd8: {  	[hbm4b:s23+s2] =	stream.linear.scatter [tilespmem:s28], [sflag:$0x1], $0x4000, $0x38;
	[tilespmem:$0x1F440] =	vst v63  }
0xd9: {  	_ =	swait.ge [sflag:s29], $0x4000  }
0xda: {  	[sflag:s29] =	ssyncset.done $0x0  }
0xdb: {  	[sflag:s29] =	ssyncadd.s32 $0xFFFFC000  }
0xdc: {  	[tilespmem:s28], [sflag:$0x1] =	stream.linear.gather [spmem:s17], $0x4000, $0x38;
	[tilespmem:$0x1F440] =	vst v63  }
0xdd: {  	_ =	swait.ge [sflag:s29], $0x4000  }
0xde: {  	[sflag:s29] =	ssyncset.done $0x0  }
0xdf: {  	[sflag:s29] =	ssyncadd.s32 $0xFFFFC000  }
0xe0: {  	[hbm4b:s24+s2] =	stream.linear.scatter [tilespmem:s28], [sflag:$0x1], $0x4000, $0x38;
	[tilespmem:$0x1F440] =	vst v63  }
0xe1: {  	_ =	swait.ge [sflag:s29], $0x4000  }
0xe2: {  	[sflag:s29] =	ssyncset.done $0x0  }
0xe3: {  	[sflag:s29] =	ssyncadd.s32 $0xFFFFC000  }
0xe4: {  	[tilespmem:s28], [sflag:$0x1] =	stream.linear.gather [spmem:s19], $0x4000, $0x38;
	[tilespmem:$0x1F440] =	vst v63  }
0xe5: {  	_ =	swait.ge [sflag:s29], $0x4000  }
0xe6: {  	[sflag:s29] =	ssyncset.done $0x0  }
0xe7: {  	[sflag:s29] =	ssyncadd.s32 $0xFFFFC000  }
0xe8: {  	[hbm4b:s26+s2] =	stream.linear.scatter [tilespmem:s28], [sflag:$0x1], $0x4000, $0x38;
	[tilespmem:$0x1F440] =	vst v63  }
0xe9: {  	_ =	swait.ge [sflag:s29], $0x4000  }
0xea: {  	[sflag:s29] =	ssyncset.done $0x0  }
0xeb: {  	[sflag:s29] =	ssyncadd.s32 $0xFFFFC000  }
0xec: {  	[tilespmem:s28], [sflag:$0x1] =	stream.linear.gather [hbm4b:s3+s2], $0x4000, $0x38;
	[tilespmem:$0x1F440] =	vst v63  }
0xed: {  	_ =	swait.ge [sflag:s29], $0x4000  }
0xee: {  	s0 =	sadd.s32 $0x1, s0;
	s7 =	rddreg [dreg:$0x3]  }
0xef: {  	p1 =	sne.s32 s0, s7  }
.Ltmp4:
0xf0: {  	_ = 	snop;
	(pc) =	sbr.rel @p1 .LBB2_1-.Ltmp4, $3  }
0xf1: {  	_ =	sdelay $0x1  }
0xf2: {  	[sflag:s29] =	ssyncset.done $0x0  }
0xf3: {  	[sflag:s29] =	ssyncadd.s32 $0xFFFFC000  }
0xf4: {  	_ =	sfence.sel $0x180000  }
0xf5: {  	[bflag:$0x0] =	sbarrier.arrive $0xFFFF  }
0xf6: {  	_ =	strace $0x90000075  }
0xf7: {  	[bflag:$0x2] =	sbarrier.arrive $0xFFFF  }
0xf8: {  	s0 =	rddreg [dreg:$0x2]  }
0xf9: {  	s0 =	sadd.s32 @!p0 $0x100000, s0  }
0xfa: {  	[sflag:s0] =	ssyncadd.tile.s32 @!p0 $0x1;
	_ =	shalt  }
.Lfunc_end2:
_tile_overlayer_lowered:
.L_overlay_start_2:
0xfb: {  	(tag) =	ssettag $0x2  }
0xfc: {  	s0 =	rddreg [dreg:$0x0];
	s2 =	stileid.u32  }
0xfd: {  	s1 =	rddreg [dreg:$0x1];
	p0 =	sne.s32 s2, $0x0  }
0xfe: {  	s3 =	rddreg [dreg:$0x2];
	[bflag:$0x3] =	sbarrier.arrive $0xFFFF;
	s2 =	simm.s32 @!p0 $0x1C01  }
0xff: {  	[timem:s3], [sflag:s2] =	dma.local @!p0 [hbm:s0], s1  }
0x100: {  	s0 =	simm.s32 @!p0 $0x1  }
0x101: {  	_ =	swait.ge @!p0 [sflag:s0], s1  }
0x102: {  	s1 =	ssub.s32 @!p0 $0x0, s1;
	[sflag:s0] =	ssyncset.done @!p0 $0x0  }
0x103: {  	[sflag:s0] =	ssyncadd.s32 @!p0 s1  }
0x104: {  	[bflag:$0x3] =	sbarrier.arrive $0xFFFF  }
0x105: {  	_ =	shalt  }

// kernel: kernel.28.cloned.1.call-start
scs
__scs_entry_jumppad:
0x0: {  	(pc) =	sbr.rel $0x88, $3  }
0x1: {  	(tag) =	ssettag $0x0;
	lr =	simm.s32 $0x1  }
0x2: {  	[smem:$0x3F8C] =	sst lr;
	_ =	strace $0xD0000000  }
0x3: {  	_ = 	snop  }
0x4: {  	_ = 	snop  }
0x5: {  	_ = 	snop  }
0x6: {  	_ = 	snop  }
0x7: {  	_ = 	snop  }
__scs_overlays_trampoline_lowered:
0x8: {  	[smem:$0x3F9B] =	sst s0  }
0x9: {  	[smem:$0x3F9C] =	sst s1  }
0xa: {  	[smem:$0x3F9D] =	sst s2  }
0xb: {  	[smem:$0x3F9E] =	sst s3  }
0xc: {  	[smem:$0x3F9F] =	sst s4  }
0xd: {  	[smem:$0x3FA0] =	sst s5  }
0xe: {  	[smem:$0x3FA1] =	sst s6  }
0xf: {  	[smem:$0x3FA2] =	sst s7  }
0x10: {  	[smem:$0x3FA3] =	sst s8  }
0x11: {  	[smem:$0x3FA4] =	sst s9;
	s0 =	simm.s32 @!p0 $0x0  }
0x12: {  	s1 =	sld [smem:$0x3F8A];
	s0 =	simm.s32 @p0 $0x1  }
0x13: {  	[smem:$0x3FA5] =	sst s0;
	s0 =	simm.s32 @!p1 $0x0  }
0x14: {  	s2 =	sld [smem:$0x3F89];
	s0 =	simm.s32 @p1 $0x1  }
0x15: {  	[smem:$0x3FA6] =	sst s0;
	s0 =	simm.s32 @!p2 $0x0  }
0x16: {  	s3 =	sld [smem:$0x3FDB];
	s0 =	simm.s32 @p2 $0x1  }
0x17: {  	s4 =	simm.s32 $0x1BF5;
	[smem:$0x3FA8] =	sst s0  }
0x18: {  	s0 =	sld [smem:$0x3F8B];
	_ =	swait.ge [sflag:s4], $0x0  }
0x19: {  	s7 =	sld [smem:$0x3F8C]  }
0x1a: {  	s8 =	sadd.s32 $0xFFFFE003, lr  }
0x1b: {  	s9 =	sadd.s32 $0xFFFFFEF7, lr;
	s5 =	simm.s32 $0xFFFFFFFF;
	p2 =	slt.u32 s8, $0xFFFFF086  }
0x1c: {  	p1 =	slt.u32 s9, $0xF7A;
	s5 =	simm.s32 @!p2 $0x0  }
0x1d: {  	s5 =	simm.s32 @p1 $0x1;
	p0 =	seq.s32 s7, s2  }
0x1e: {  	s7 =	smul.u32 @!p0 $0xF7A, s2;
	p2 =	seq.s32 @!p0 s5, $0x0  }
0x1f: {  	s9 =	smul.u32 $0xF7A, s1;
	s8 =	simm.s32 @!p0 $0x1BF5;
	p2 =	por !p2, p0  }
0x20: {  	[sflag:s8] =	ssyncset.s32 @!p0 $0xFFFFF086;
	s6 =	sadd.s32 @!p0 s3, s7;
	s7 =	simm.s32 @!p0 $0x108  }
0x21: {  	s3 =	sadd.s32 s3, s9;
	s6 =	sadd.s32 @!p0 $0x88, s6;
	s7 =	simm.s32 @p2 $0x1082  }
0x22: {  	[simem:s7], [sflag:s8] =	dma.local @!p0 [hbm:s6], $0xF7A  }
0x23: {  	s9 =	sor.u32 $0xD0000000, s2;
	s6 =	simm.s32 $0x108;
	_ =	swait.ge @!p0 [sflag:s8], $0x0  }
0x24: {  	s3 =	sadd.s32 $0x88, s3;
	s6 =	simm.s32 @!p1 $0x1082;
	[sflag:s4] =	ssyncset.s32 $0xFFFFF086  }
0x25: {  	[simem:s6], [sflag:s4] =	dma.local [hbm:s3], $0xF7A  }
0x26: {  	[smem:$0x3F8C] =	sst s1;
	(tag) =	ssettag s2;
	_ =	strace s9  }
0x27: {  	s1 =	sld [smem:$0x3F9C]  }
0x28: {  	s2 =	sld [smem:$0x3F9D]  }
0x29: {  	s4 =	sld [smem:$0x3F9F]  }
0x2a: {  	p0 =	seq.s32 s5, $0x0;
	s5 =	sld [smem:$0x3FA0]  }
0x2b: {  	s6 =	sld [smem:$0x3FA1]  }
0x2c: {  	s7 =	sld [smem:$0x3FA2]  }
0x2d: {  	s3 =	simm.s32 $0x108;
	s8 =	sld [smem:$0x3FA3]  }
0x2e: {  	s3 =	simm.s32 @!p0 $0x1082;
	s9 =	sld [smem:$0x3FA4]  }
0x2f: {  	lr =	sadd.s32 s0, s3;
	s0 =	sld [smem:$0x3F9B]  }
0x30: {  	s3 =	sld [smem:$0x3F9E]  }
0x31: {  	[smem:$0x3FA7] =	sst s10  }
0x32: {  	s10 =	sld [smem:$0x3FA5];
	_ =	sdelay $0x3  }
0x33: {  	p0 =	seq.s32 s10, $0x1;
	s10 =	sld [smem:$0x3FA7];
	_ =	sdelay $0x3  }
0x34: {  	[smem:$0x3FA7] =	sst s10  }
0x35: {  	s10 =	sld [smem:$0x3FA6];
	_ =	sdelay $0x3  }
0x36: {  	p1 =	seq.s32 s10, $0x1;
	s10 =	sld [smem:$0x3FA7];
	_ =	sdelay $0x3  }
0x37: {  	[smem:$0x3FA7] =	sst s10  }
0x38: {  	s10 =	sld [smem:$0x3FA8]  }
0x39: {  	_ = 	snop;
	(pc) =	sbr.ind lr, $3  }
0x3a: {  	_ = 	snop  }
0x3b: {  	_ = 	snop  }
0x3c: {  	p2 =	seq.s32 s10, $0x1;
	s10 =	sld [smem:$0x3FA7]  }
0x3d: {  	_ =	shalt  }
0x3e: {  	_ =	shalt  }
0x3f: {  	_ =	shalt  }
0x40: {  	_ =	shalt  }
0x41: {  	_ =	shalt  }
0x42: {  	_ =	shalt  }
0x43: {  	_ =	shalt  }
0x44: {  	_ =	shalt  }
0x45: {  	_ =	shalt  }
0x46: {  	_ =	shalt  }
0x47: {  	_ =	shalt  }
0x48: {  	_ =	shalt  }
0x49: {  	_ =	shalt  }
0x4a: {  	_ =	shalt  }
0x4b: {  	_ =	shalt  }
0x4c: {  	_ =	shalt  }
0x4d: {  	_ =	shalt  }
0x4e: {  	_ =	shalt  }
0x4f: {  	_ =	shalt  }
0x50: {  	_ =	shalt  }
0x51: {  	_ =	shalt  }
0x52: {  	_ =	shalt  }
0x53: {  	_ =	shalt  }
0x54: {  	_ =	shalt  }
0x55: {  	_ =	shalt  }
0x56: {  	_ =	shalt  }
0x57: {  	_ =	shalt  }
0x58: {  	_ =	shalt  }
0x59: {  	_ =	shalt  }
0x5a: {  	_ =	shalt  }
0x5b: {  	_ =	shalt  }
0x5c: {  	_ =	shalt  }
0x5d: {  	_ =	shalt  }
0x5e: {  	_ =	shalt  }
0x5f: {  	_ =	shalt  }
0x60: {  	_ =	shalt  }
0x61: {  	_ =	shalt  }
0x62: {  	_ =	shalt  }
0x63: {  	_ =	shalt  }
0x64: {  	_ =	shalt  }
0x65: {  	_ =	shalt  }
0x66: {  	_ =	shalt  }
0x67: {  	_ =	shalt  }
0x68: {  	_ =	shalt  }
0x69: {  	_ =	shalt  }
0x6a: {  	_ =	shalt  }
0x6b: {  	_ =	shalt  }
0x6c: {  	_ =	shalt  }
0x6d: {  	_ =	shalt  }
0x6e: {  	_ =	shalt  }
0x6f: {  	_ =	shalt  }
0x70: {  	_ =	shalt  }
0x71: {  	_ =	shalt  }
0x72: {  	_ =	shalt  }
0x73: {  	_ =	shalt  }
0x74: {  	_ =	shalt  }
0x75: {  	_ =	shalt  }
0x76: {  	_ =	shalt  }
0x77: {  	_ =	shalt  }
0x78: {  	_ =	shalt  }
0x79: {  	_ =	shalt  }
0x7a: {  	_ =	shalt  }
0x7b: {  	_ =	shalt  }
0x7c: {  	_ =	shalt  }
0x7d: {  	_ =	shalt  }
0x7e: {  	_ =	shalt  }
0x7f: {  	_ =	shalt  }
0x80: {  	_ =	shalt  }
0x81: {  	_ =	shalt  }
0x82: {  	_ =	shalt  }
0x83: {  	_ =	shalt  }
0x84: {  	_ =	shalt  }
0x85: {  	_ =	shalt  }
0x86: {  	_ =	shalt  }
0x87: {  	_ =	shalt  }
.Lfunc_end0:
.L_simem_size_0:
called_computation.6_lowered:
.L_overlay_start_0:
0x88: {  	s2 =	sld [smem:$0x3FD9]  }
0x89: {  	s3 =	sld [smem:$0x3FFE];
	_ =	sdelay $0x1  }
0x8a: {  	s1 =	srdreg.scid  }
0x8b: {  	s0 =	sand.u32 $0x1, s1  }
0x8c: {  	s16 =	sshll.u32 s0, $0xA;
	s2 =	sadd.s32 s3, s2  }
0x8d: {  	s2 =	sadd.s32 s2, s16  }
0x8e: {  	[smem:$0x3FB3] =	sst s2  }
0x8f: {  	_ = 	snop  }
0x90: {  	(tm) =	ssettm $0x1  }
0x91: {  	s17 =	sld [smem:$0x3FFB];
	_ =	sdelay $0x3  }
0x92: {  	_ =	strace s17  }
0x93: {  	s2 =	sld [smem:$0x3FFC];
	_ =	sdelay $0x3  }
0x94: {  	_ =	strace s2  }
0x95: {  	s2 =	sld [smem:$0x3FFD];
	_ =	sdelay $0x3  }
0x96: {  	_ =	strace s2  }
0x97: {  	_ =	strace $0x8FFFFFFF  }
0x98: {  	s18 =	sld [smem:$0x3FDB];
	_ =	sdelay $0x1  }
0x99: {  	s19 =	simm.s32 $_scs_section_size  }
0x9a: {  	s4 =	simm.s32 $_size__tile_overlayer_lowered;
	s5 =	simm.s32 $_tile_overlayer_lowered  }
0x9b: {  	s22 =	simm.s32 $0x1BFF;
	s21 =	sshll.u32 s5, $0x1;
	s2 =	sadd.s32 s19, s18  }
0x9c: {  	s6 =	simm.s32 $0x0;
	s20 =	sshll.u32 s4, $0x1;
	s4 =	sadd.s32 s21, s2  }
0x9d: {  	[timem:s6], [sflag:s22] =	dma.local [hbm:s4], s20  }
0x9e: {  	_ =	swait.ge [sflag:s22], s20  }
0x9f: {  	s3 =	ssub.s32 $0x0, s20;
	[sflag:s22] =	ssyncset.done $0x0  }
0xa0: {  	[sflag:s22] =	ssyncadd.s32 s3;
	_ =	sdelay $0x1  }
0xa1: {  	s23 =	simm.s32 $0x1B8B  }
0xa2: {  	_ =	swait.ge [sflag:s23], $0x1  }
0xa3: {  	[sflag:s23] =	ssyncset.done $0x0  }
0xa4: {  	s25 =	simm.s32 $0x1B8E;
	s24 =	sld [smem:$0x3FFE];
	[sflag:s23] =	ssyncadd.s32 $0xFFFFFFFF  }
0xa5: {  	s26 =	simm.s32 $execute0_lowered;
	[smem:$0x3FD2] =	sst s25  }
0xa6: {  	s4 =	sshll.u32 s26, $0x1;
	_ =	strace $0x8000007A;
	[dreg:$0x1] =	wrdreg $0xFFFFFFFF  }
0xa7: {  	s28 =	simm.s32 $_size_execute0_lowered;
	s2 =	sadd.s32 s2, s4;
	[dreg:$0x0] =	wrdreg $0x0  }
0xa8: {  	s4 =	sshll.u32 s28, $0x1;
	[dreg:$0x2] =	wrdreg s2  }
0xa9: {  	[dreg:$0x3] =	wrdreg s4  }
0xaa: {  	[dreg:$0x4] =	wrdreg $0xC0  }
0xab: {  	_ =	task [dreg:s6], $0x5FFFF  }
0xac: {  	[dreg:$0x1] =	wrdreg $0xFFFFFFFF  }
0xad: {  	[dreg:$0x0] =	wrdreg $0x60  }
0xae: {  	[dreg:$0x2] =	wrdreg s24  }
0xaf: {  	[dreg:$0x3] =	wrdreg $0x9  }
0xb0: {  	_ =	task.clear_ibuf [dreg:s6], $0x4FFFF;
	_ =	strace $0x9000007A  }
0xb1: {  	s29 =	simm.s32 $0x9;
	_ =	strace $0x80000083  }
0xb2: {  	_ =	swait.ge [sflag:s29], $0x1  }
0xb3: {  	[sflag:s29] =	ssyncadd.s32 $0xFFFFFFFF  }
0xb4: {  	_ =	strace $0x90000083  }
0xb5: {  	_ =	sfence  }
0xb6: {  	s30 =	sld [smem:$0x0];
	_ =	sdelay $0x2  }
0xb7: {  	s31 =	sshll.u32 s1, $0xD;
	s1 =	sshrl.u32 s1, $0x2  }
0xb8: {  	s3 =	sand.u32 $0x4000, s31;
	s1 =	sadd.s32 s1, s30  }
0xb9: {  	s0 =	sor.u32 s3, s0;
	s1 =	sshll.u32 s1, $0x11  }
0xba: {  	s0 =	sor.u32 s1, s0  }
0xbb: {  	s0 =	sadd.s32 $0x8F2B, s0  }
0xbc: {  	[sflag:s0] =	ssyncadd.remote.s32 $0x1  }
0xbd: {  	_ =	sfence.sel $0xFFFF  }
0xbe: {  	[dreg:$0x0] =	wrdreg $0xFFFFFFFF;
	(pc) =	sbr.abs _section_cstart, $3  }
0xbf: {  	[dreg:$0x1] =	wrdreg $0xFFFFFFFF  }
0xc0: {  	_ =	task.clear_ibuf [dreg:s6], $0x2FFFF;
	_ =	strace $0x9FFFFFFF  }
0xc1: {  	(tm) =	ssettm $0x7FFFFFFF  }
tec
execute0_lowered:
.L_overlay_start_1:
0x0: {  	(tag) =	ssettag $0x1  }
0x1: {  	s0 =	srdreg.scid  }
0x2: {  	s24 =	sand.u32 $0x1, s0  }
0x3: {  	s0 =	stileid.u32;
	s1 =	sshll.u32 s24, $0x4  }
0x4: {  	s11 =	sor.u32 s0, s1  }
0x5: {  	s10 =	rddreg [dreg:$0x0];
	s2 =	simm.s32 $0x0;
	s3 =	smul.u32 $0x60, s11  }
0x6: {  	[smem:$0x7FF] =	sst s2  }
0x7: {  	s1 =	rddreg [dreg:$0x1];
	_ =	strace $0x8000007B;
	s21 =	sadd.s32 s3, s10  }
0x8: {  	_ =	strace $0x8000007C;
	s3 =	sadd.s32 $0x9000, s21  }
0x9: {  	[tilespmem:s2], [sflag:$0x1] =	stream.linear.gather [hbm4b:s3+s2], $0x80, $0x200038;
	[tilespmem:$0x8100] =	vst v63  }
0xa: {  	_ =	strace $0x9000007C  }
0xb: {  	s5 =	simm.s32 $0x80;
	s4 =	sadd.s32 $0x9010, s21;
	_ =	strace $0x8000007D  }
0xc: {  	[tilespmem:s5], [sflag:$0x2] =	stream.linear.gather [hbm4b:s4+s2], $0x80, $0x200038;
	[tilespmem:$0x8100] =	vst v63  }
0xd: {  	_ =	strace $0x9000007D  }
0xe: {  	s6 =	simm.s32 $0x1;
	_ =	strace $0x8000007E  }
0xf: {  	_ =	swait.ge [sflag:s6], $0x80  }
0x10: {  	[sflag:s6] =	ssyncset.done $0x0  }
0x11: {  	[sflag:s6] =	ssyncadd.s32 $0xFFFFFF80  }
0x12: {  	s8 =	simm.s32 $0x100;
	_ =	strace $0x9000007E  }
0x13: {  	s9 =	simm.s32 $0x5;
	s7 =	sadd.s32 $0x9C00, s10;
	_ =	strace $0x8000007F  }
0x14: {  	[tilespmem:s8], [sflag:$0x5] =	stream.indirect.gather [hbm4b:s7+s5], $0x80, s2, s5, $0x2000b8;
	[tilespmem:$0x8100] =	vst v63  }
0x15: {  	_ =	swait.ge [sflag:s9], $0x4000  }
0x16: {  	s11 =	smul.u32 $0x3000, s11;
	[sflag:s9] =	ssyncset.done $0x0  }
0x17: {  	[sflag:s9] =	ssyncadd.s32 $0xFFFFC000  }
0x18: {  	s23 =	sadd.s32 s11, s10;
	_ =	strace $0x9000007F  }
0x19: {  	s10 =	sadd.s32 $0x57E00, s23;
	_ =	strace $0x80000080  }
0x1a: {  	[hbm4b:s10+s2] =	stream.linear.scatter [tilespmem:s8], [sflag:$0x3], $0x4000, $0x200038;
	[tilespmem:$0x8100] =	vst v63  }
0x1b: {  	_ =	strace $0x90000080  }
0x1c: {  	s11 =	sadd.s32 $0x9020, s21;
	_ =	strace $0x8000007D  }
0x1d: {  	[tilespmem:s2], [sflag:$0x1] =	stream.linear.gather [hbm4b:s11+s2], $0x80, $0x200038;
	[tilespmem:$0x8100] =	vst v63  }
0x1e: {  	_ =	strace $0x9000007D  }
0x1f: {  	s12 =	simm.s32 $0x2;
	_ =	strace $0x8000007E  }
0x20: {  	_ =	swait.ge [sflag:s12], $0x80  }
0x21: {  	[sflag:s12] =	ssyncset.done $0x0  }
0x22: {  	[sflag:s12] =	ssyncadd.s32 $0xFFFFFF80  }
0x23: {  	_ =	strace $0x9000007E  }
0x24: {  	s13 =	simm.s32 $0x4100;
	_ =	strace $0x8000007F  }
0x25: {  	[tilespmem:s13], [sflag:$0x5] =	stream.indirect.gather [hbm4b:s7+s5], $0x80, s5, s5, $0x2000b8;
	[tilespmem:$0x8100] =	vst v63  }
0x26: {  	_ =	swait.ge [sflag:s9], $0x4000  }
0x27: {  	[sflag:s9] =	ssyncset.done $0x0  }
0x28: {  	[sflag:s9] =	ssyncadd.s32 $0xFFFFC000  }
0x29: {  	_ =	strace $0x9000007F  }
0x2a: {  	s14 =	sadd.s32 $0x58600, s23;
	_ =	strace $0x80000080  }
0x2b: {  	[hbm4b:s14+s2] =	stream.linear.scatter [tilespmem:s13], [sflag:$0x4], $0x4000, $0x200038;
	[tilespmem:$0x8100] =	vst v63  }
0x2c: {  	_ =	strace $0x90000080  }
0x2d: {  	s15 =	simm.s32 $0x3;
	_ =	strace $0x80000081  }
0x2e: {  	_ =	swait.ge [sflag:s15], $0x4000  }
0x2f: {  	[sflag:s15] =	ssyncset.done $0x0  }
0x30: {  	[sflag:s15] =	ssyncadd.s32 $0xFFFFC000  }
0x31: {  	_ =	strace $0x90000081  }
0x32: {  	s16 =	sadd.s32 $0x9030, s21;
	_ =	strace $0x8000007D  }
0x33: {  	[tilespmem:s5], [sflag:$0x2] =	stream.linear.gather [hbm4b:s16+s2], $0x80, $0x200038;
	[tilespmem:$0x8100] =	vst v63  }
0x34: {  	_ =	strace $0x9000007D  }
0x35: {  	_ =	strace $0x8000007E  }
0x36: {  	_ =	swait.ge [sflag:s6], $0x80  }
0x37: {  	[sflag:s6] =	ssyncset.done $0x0  }
0x38: {  	[sflag:s6] =	ssyncadd.s32 $0xFFFFFF80  }
0x39: {  	_ =	strace $0x9000007E  }
0x3a: {  	_ =	strace $0x8000007F  }
0x3b: {  	[tilespmem:s8], [sflag:$0x5] =	stream.indirect.gather [hbm4b:s7+s5], $0x80, s2, s5, $0x2000b8;
	[tilespmem:$0x8100] =	vst v63  }
0x3c: {  	_ =	swait.ge [sflag:s9], $0x4000  }
0x3d: {  	[sflag:s9] =	ssyncset.done $0x0  }
0x3e: {  	[sflag:s9] =	ssyncadd.s32 $0xFFFFC000  }
0x3f: {  	_ =	strace $0x9000007F  }
0x40: {  	s17 =	sadd.s32 $0x58E00, s23;
	_ =	strace $0x80000080  }
0x41: {  	[hbm4b:s17+s2] =	stream.linear.scatter [tilespmem:s8], [sflag:$0x3], $0x4000, $0x200038;
	[tilespmem:$0x8100] =	vst v63  }
0x42: {  	_ =	strace $0x90000080  }
0x43: {  	s18 =	simm.s32 $0x4;
	_ =	strace $0x80000081  }
0x44: {  	_ =	swait.ge [sflag:s18], $0x4000  }
0x45: {  	[sflag:s18] =	ssyncset.done $0x0  }
0x46: {  	[sflag:s18] =	ssyncadd.s32 $0xFFFFC000  }
0x47: {  	_ =	strace $0x90000081  }
0x48: {  	s19 =	sadd.s32 $0x9040, s21;
	_ =	strace $0x8000007D  }
0x49: {  	[tilespmem:s2], [sflag:$0x1] =	stream.linear.gather [hbm4b:s19+s2], $0x80, $0x200038;
	[tilespmem:$0x8100] =	vst v63  }
0x4a: {  	_ =	strace $0x9000007D  }
0x4b: {  	_ =	strace $0x8000007E  }
0x4c: {  	_ =	swait.ge [sflag:s12], $0x80  }
0x4d: {  	[sflag:s12] =	ssyncset.done $0x0  }
0x4e: {  	[sflag:s12] =	ssyncadd.s32 $0xFFFFFF80  }
0x4f: {  	_ =	strace $0x9000007E  }
0x50: {  	_ =	strace $0x8000007F  }
0x51: {  	[tilespmem:s13], [sflag:$0x5] =	stream.indirect.gather [hbm4b:s7+s5], $0x80, s5, s5, $0x2000b8;
	[tilespmem:$0x8100] =	vst v63  }
0x52: {  	_ =	swait.ge [sflag:s9], $0x4000  }
0x53: {  	[sflag:s9] =	ssyncset.done $0x0  }
0x54: {  	[sflag:s9] =	ssyncadd.s32 $0xFFFFC000  }
0x55: {  	_ =	strace $0x9000007F  }
0x56: {  	s20 =	sadd.s32 $0x59600, s23;
	_ =	strace $0x80000080  }
0x57: {  	[hbm4b:s20+s2] =	stream.linear.scatter [tilespmem:s13], [sflag:$0x4], $0x4000, $0x200038;
	[tilespmem:$0x8100] =	vst v63  }
0x58: {  	_ =	strace $0x90000080  }
0x59: {  	_ =	strace $0x80000081  }
0x5a: {  	_ =	swait.ge [sflag:s15], $0x4000  }
0x5b: {  	[sflag:s15] =	ssyncset.done $0x0  }
0x5c: {  	[sflag:s15] =	ssyncadd.s32 $0xFFFFC000  }
0x5d: {  	_ =	strace $0x90000081  }
0x5e: {  	s21 =	sadd.s32 $0x9050, s21;
	_ =	strace $0x8000007D  }
0x5f: {  	[tilespmem:s5], [sflag:$0x2] =	stream.linear.gather [hbm4b:s21+s2], $0x80, $0x200038;
	[tilespmem:$0x8100] =	vst v63  }
0x60: {  	_ =	strace $0x9000007D  }
0x61: {  	_ =	strace $0x8000007E  }
0x62: {  	_ =	swait.ge [sflag:s6], $0x80  }
0x63: {  	[sflag:s6] =	ssyncset.done $0x0  }
0x64: {  	[sflag:s6] =	ssyncadd.s32 $0xFFFFFF80  }
0x65: {  	_ =	strace $0x9000007E  }
0x66: {  	_ =	strace $0x8000007F  }
0x67: {  	[tilespmem:s8], [sflag:$0x5] =	stream.indirect.gather [hbm4b:s7+s5], $0x80, s2, s5, $0x2000b8;
	[tilespmem:$0x8100] =	vst v63  }
0x68: {  	_ =	swait.ge [sflag:s9], $0x4000  }
0x69: {  	[sflag:s9] =	ssyncset.done $0x0  }
0x6a: {  	[sflag:s9] =	ssyncadd.s32 $0xFFFFC000  }
0x6b: {  	_ =	strace $0x9000007F  }
0x6c: {  	s22 =	sadd.s32 $0x59E00, s23;
	_ =	strace $0x80000080  }
0x6d: {  	[hbm4b:s22+s2] =	stream.linear.scatter [tilespmem:s8], [sflag:$0x3], $0x4000, $0x200038;
	[tilespmem:$0x8100] =	vst v63  }
0x6e: {  	_ =	strace $0x90000080  }
0x6f: {  	_ =	strace $0x80000081  }
0x70: {  	_ =	swait.ge [sflag:s18], $0x4000  }
0x71: {  	[sflag:s18] =	ssyncset.done $0x0  }
0x72: {  	[sflag:s18] =	ssyncadd.s32 $0xFFFFC000  }
0x73: {  	_ =	strace $0x90000081  }
0x74: {  	_ =	strace $0x8000007E  }
0x75: {  	_ =	swait.ge [sflag:s12], $0x80  }
0x76: {  	[sflag:s12] =	ssyncset.done $0x0  }
0x77: {  	[sflag:s12] =	ssyncadd.s32 $0xFFFFFF80  }
0x78: {  	_ =	strace $0x9000007E  }
0x79: {  	_ =	strace $0x8000007F  }
0x7a: {  	[tilespmem:s13], [sflag:$0x5] =	stream.indirect.gather [hbm4b:s7+s5], $0x80, s5, s5, $0x2000b8;
	[tilespmem:$0x8100] =	vst v63  }
0x7b: {  	_ =	swait.ge [sflag:s9], $0x4000  }
0x7c: {  	[sflag:s9] =	ssyncset.done $0x0  }
0x7d: {  	[sflag:s9] =	ssyncadd.s32 $0xFFFFC000  }
0x7e: {  	_ =	strace $0x9000007F  }
0x7f: {  	s23 =	sadd.s32 $0x5A600, s23;
	_ =	strace $0x80000080  }
0x80: {  	[hbm4b:s23+s2] =	stream.linear.scatter [tilespmem:s13], [sflag:$0x4], $0x4000, $0x200038;
	[tilespmem:$0x8100] =	vst v63  }
0x81: {  	s24 =	ssub.s32 $0x2, s24;
	_ =	strace $0x90000080  }
0x82: {  	s25 =	sshrl.u32 s24, $0x1;
	_ =	strace $0x80000081  }
0x83: {  	s24 =	ssub.s32 s24, s25;
	_ =	swait.ge [sflag:s15], $0x4000  }
0x84: {  	s24 =	smax.u32 s24, $0x1;
	[sflag:s15] =	ssyncset.done $0x0  }
0x85: {  	p0 =	sne.s32 s24, $0x1;
	[sflag:s15] =	ssyncadd.s32 $0xFFFFC000  }
.Ltmp0:
0x86: {  	_ =	strace $0x90000081;
	(pc) =	sbr.rel @!p0 .LBB2_2-.Ltmp0, $4  }
0x87: {  	_ =	strace $0x80000082  }
0x88: {  	_ =	swait.ge [sflag:s18], $0x4000  }
0x89: {  	[sflag:s18] =	ssyncset.done $0x0  }
0x8a: {  	s24 =	sadd.s32 $0xFFFFFFFF, s24;
	[sflag:s18] =	ssyncadd.s32 $0xFFFFC000  }
.LBB2_1:
0x8b: {  	p0 =	sne.s32 s24, $0x1;
	s24 =	sadd.s32 $0xFFFFFFFF, s24;
	_ =	strace $0x90000082  }
0x8c: {  	_ =	strace $0x8000007C  }
0x8d: {  	[tilespmem:s2], [sflag:$0x1] =	stream.linear.gather [hbm4b:s3+s2], $0x80, $0x200038;
	[tilespmem:$0x8100] =	vst v63  }
0x8e: {  	_ =	strace $0x9000007C  }
0x8f: {  	_ =	strace $0x8000007D  }
0x90: {  	[tilespmem:s5], [sflag:$0x2] =	stream.linear.gather [hbm4b:s4+s2], $0x80, $0x200038;
	[tilespmem:$0x8100] =	vst v63  }
0x91: {  	_ =	strace $0x9000007D  }
0x92: {  	_ =	strace $0x8000007E  }
0x93: {  	_ =	swait.ge [sflag:s6], $0x80  }
0x94: {  	[sflag:s6] =	ssyncset.done $0x0  }
0x95: {  	[sflag:s6] =	ssyncadd.s32 $0xFFFFFF80  }
0x96: {  	_ =	strace $0x9000007E  }
0x97: {  	_ =	strace $0x8000007F  }
0x98: {  	[tilespmem:s8], [sflag:$0x5] =	stream.indirect.gather [hbm4b:s7+s5], $0x80, s2, s5, $0x2000b8;
	[tilespmem:$0x8100] =	vst v63  }
0x99: {  	_ =	swait.ge [sflag:s9], $0x4000  }
0x9a: {  	[sflag:s9] =	ssyncset.done $0x0  }
0x9b: {  	[sflag:s9] =	ssyncadd.s32 $0xFFFFC000  }
0x9c: {  	_ =	strace $0x9000007F  }
0x9d: {  	_ =	strace $0x80000080  }
0x9e: {  	[hbm4b:s10+s2] =	stream.linear.scatter [tilespmem:s8], [sflag:$0x3], $0x4000, $0x200038;
	[tilespmem:$0x8100] =	vst v63  }
0x9f: {  	_ =	strace $0x90000080  }
0xa0: {  	_ =	strace $0x8000007D  }
0xa1: {  	[tilespmem:s2], [sflag:$0x1] =	stream.linear.gather [hbm4b:s11+s2], $0x80, $0x200038;
	[tilespmem:$0x8100] =	vst v63  }
0xa2: {  	_ =	strace $0x9000007D  }
0xa3: {  	_ =	strace $0x8000007E  }
0xa4: {  	_ =	swait.ge [sflag:s12], $0x80  }
0xa5: {  	[sflag:s12] =	ssyncset.done $0x0  }
0xa6: {  	[sflag:s12] =	ssyncadd.s32 $0xFFFFFF80  }
0xa7: {  	_ =	strace $0x9000007E  }
0xa8: {  	_ =	strace $0x8000007F  }
0xa9: {  	[tilespmem:s13], [sflag:$0x5] =	stream.indirect.gather [hbm4b:s7+s5], $0x80, s5, s5, $0x2000b8;
	[tilespmem:$0x8100] =	vst v63  }
0xaa: {  	_ =	swait.ge [sflag:s9], $0x4000  }
0xab: {  	[sflag:s9] =	ssyncset.done $0x0  }
0xac: {  	[sflag:s9] =	ssyncadd.s32 $0xFFFFC000  }
0xad: {  	_ =	strace $0x9000007F  }
0xae: {  	_ =	strace $0x80000080  }
0xaf: {  	[hbm4b:s14+s2] =	stream.linear.scatter [tilespmem:s13], [sflag:$0x4], $0x4000, $0x200038;
	[tilespmem:$0x8100] =	vst v63  }
0xb0: {  	_ =	strace $0x90000080  }
0xb1: {  	_ =	strace $0x80000081  }
0xb2: {  	_ =	swait.ge [sflag:s15], $0x4000  }
0xb3: {  	[sflag:s15] =	ssyncset.done $0x0  }
0xb4: {  	[sflag:s15] =	ssyncadd.s32 $0xFFFFC000  }
0xb5: {  	_ =	strace $0x90000081  }
0xb6: {  	_ =	strace $0x8000007D  }
0xb7: {  	[tilespmem:s5], [sflag:$0x2] =	stream.linear.gather [hbm4b:s16+s2], $0x80, $0x200038;
	[tilespmem:$0x8100] =	vst v63  }
0xb8: {  	_ =	strace $0x9000007D  }
0xb9: {  	_ =	strace $0x8000007E  }
0xba: {  	_ =	swait.ge [sflag:s6], $0x80  }
0xbb: {  	[sflag:s6] =	ssyncset.done $0x0  }
0xbc: {  	[sflag:s6] =	ssyncadd.s32 $0xFFFFFF80  }
0xbd: {  	_ =	strace $0x9000007E  }
0xbe: {  	_ =	strace $0x8000007F  }
0xbf: {  	[tilespmem:s8], [sflag:$0x5] =	stream.indirect.gather [hbm4b:s7+s5], $0x80, s2, s5, $0x2000b8;
	[tilespmem:$0x8100] =	vst v63  }
0xc0: {  	_ =	swait.ge [sflag:s9], $0x4000  }
0xc1: {  	[sflag:s9] =	ssyncset.done $0x0  }
0xc2: {  	[sflag:s9] =	ssyncadd.s32 $0xFFFFC000  }
0xc3: {  	_ =	strace $0x9000007F  }
0xc4: {  	_ =	strace $0x80000080  }
0xc5: {  	[hbm4b:s17+s2] =	stream.linear.scatter [tilespmem:s8], [sflag:$0x3], $0x4000, $0x200038;
	[tilespmem:$0x8100] =	vst v63  }
0xc6: {  	_ =	strace $0x90000080  }
0xc7: {  	_ =	strace $0x80000081  }
0xc8: {  	_ =	swait.ge [sflag:s18], $0x4000  }
0xc9: {  	[sflag:s18] =	ssyncset.done $0x0  }
0xca: {  	[sflag:s18] =	ssyncadd.s32 $0xFFFFC000  }
0xcb: {  	_ =	strace $0x90000081  }
0xcc: {  	_ =	strace $0x8000007D  }
0xcd: {  	[tilespmem:s2], [sflag:$0x1] =	stream.linear.gather [hbm4b:s19+s2], $0x80, $0x200038;
	[tilespmem:$0x8100] =	vst v63  }
0xce: {  	_ =	strace $0x9000007D  }
0xcf: {  	_ =	strace $0x8000007E  }
0xd0: {  	_ =	swait.ge [sflag:s12], $0x80  }
0xd1: {  	[sflag:s12] =	ssyncset.done $0x0  }
0xd2: {  	[sflag:s12] =	ssyncadd.s32 $0xFFFFFF80  }
0xd3: {  	_ =	strace $0x9000007E  }
0xd4: {  	_ =	strace $0x8000007F  }
0xd5: {  	[tilespmem:s13], [sflag:$0x5] =	stream.indirect.gather [hbm4b:s7+s5], $0x80, s5, s5, $0x2000b8;
	[tilespmem:$0x8100] =	vst v63  }
0xd6: {  	_ =	swait.ge [sflag:s9], $0x4000  }
0xd7: {  	[sflag:s9] =	ssyncset.done $0x0  }
0xd8: {  	[sflag:s9] =	ssyncadd.s32 $0xFFFFC000  }
0xd9: {  	_ =	strace $0x9000007F  }
0xda: {  	_ =	strace $0x80000080  }
0xdb: {  	[hbm4b:s20+s2] =	stream.linear.scatter [tilespmem:s13], [sflag:$0x4], $0x4000, $0x200038;
	[tilespmem:$0x8100] =	vst v63  }
0xdc: {  	_ =	strace $0x90000080  }
0xdd: {  	_ =	strace $0x80000081  }
0xde: {  	_ =	swait.ge [sflag:s15], $0x4000  }
0xdf: {  	[sflag:s15] =	ssyncset.done $0x0  }
0xe0: {  	[sflag:s15] =	ssyncadd.s32 $0xFFFFC000  }
0xe1: {  	_ =	strace $0x90000081  }
0xe2: {  	_ =	strace $0x8000007D  }
0xe3: {  	[tilespmem:s5], [sflag:$0x2] =	stream.linear.gather [hbm4b:s21+s2], $0x80, $0x200038;
	[tilespmem:$0x8100] =	vst v63  }
0xe4: {  	_ =	strace $0x9000007D  }
0xe5: {  	_ =	strace $0x8000007E  }
0xe6: {  	_ =	swait.ge [sflag:s6], $0x80  }
0xe7: {  	[sflag:s6] =	ssyncset.done $0x0  }
0xe8: {  	[sflag:s6] =	ssyncadd.s32 $0xFFFFFF80  }
0xe9: {  	_ =	strace $0x9000007E  }
0xea: {  	_ =	strace $0x8000007F  }
0xeb: {  	[tilespmem:s8], [sflag:$0x5] =	stream.indirect.gather [hbm4b:s7+s5], $0x80, s2, s5, $0x2000b8;
	[tilespmem:$0x8100] =	vst v63  }
0xec: {  	_ =	swait.ge [sflag:s9], $0x4000  }
0xed: {  	[sflag:s9] =	ssyncset.done $0x0  }
0xee: {  	[sflag:s9] =	ssyncadd.s32 $0xFFFFC000  }
0xef: {  	_ =	strace $0x9000007F  }
0xf0: {  	_ =	strace $0x80000080  }
0xf1: {  	[hbm4b:s22+s2] =	stream.linear.scatter [tilespmem:s8], [sflag:$0x3], $0x4000, $0x200038;
	[tilespmem:$0x8100] =	vst v63  }
0xf2: {  	_ =	strace $0x90000080  }
0xf3: {  	_ =	strace $0x80000081  }
0xf4: {  	_ =	swait.ge [sflag:s18], $0x4000  }
0xf5: {  	[sflag:s18] =	ssyncset.done $0x0  }
0xf6: {  	[sflag:s18] =	ssyncadd.s32 $0xFFFFC000  }
0xf7: {  	_ =	strace $0x90000081  }
0xf8: {  	_ =	strace $0x8000007E  }
0xf9: {  	_ =	swait.ge [sflag:s12], $0x80  }
0xfa: {  	[sflag:s12] =	ssyncset.done $0x0  }
0xfb: {  	[sflag:s12] =	ssyncadd.s32 $0xFFFFFF80  }
0xfc: {  	_ =	strace $0x9000007E  }
0xfd: {  	_ =	strace $0x8000007F  }
0xfe: {  	[tilespmem:s13], [sflag:$0x5] =	stream.indirect.gather [hbm4b:s7+s5], $0x80, s5, s5, $0x2000b8;
	[tilespmem:$0x8100] =	vst v63  }
0xff: {  	_ =	swait.ge [sflag:s9], $0x4000  }
0x100: {  	[sflag:s9] =	ssyncset.done $0x0  }
0x101: {  	[sflag:s9] =	ssyncadd.s32 $0xFFFFC000  }
0x102: {  	_ =	strace $0x9000007F  }
0x103: {  	_ =	strace $0x80000080  }
0x104: {  	[hbm4b:s23+s2] =	stream.linear.scatter [tilespmem:s13], [sflag:$0x4], $0x4000, $0x200038;
	[tilespmem:$0x8100] =	vst v63  }
0x105: {  	_ =	strace $0x90000080  }
0x106: {  	_ =	strace $0x80000081  }
0x107: {  	_ =	swait.ge [sflag:s15], $0x4000  }
0x108: {  	[sflag:s15] =	ssyncset.done $0x0  }
0x109: {  	[sflag:s15] =	ssyncadd.s32 $0xFFFFC000  }
.Ltmp1:
0x10a: {  	_ =	strace $0x90000081;
	(pc) =	sbr.rel @p0 .LBB2_1-.Ltmp1, $4  }
0x10b: {  	_ =	strace $0x80000082  }
0x10c: {  	_ =	swait.ge [sflag:s18], $0x4000  }
0x10d: {  	[sflag:s18] =	ssyncset.done $0x0  }
0x10e: {  	[sflag:s18] =	ssyncadd.s32 $0xFFFFC000  }
.LBB2_2:
0x10f: {  	_ =	strace $0x90000082  }
0x110: {  	_ =	sfence.sel $0x180000  }
0x111: {  	[bflag:$0x0] =	sbarrier.arrive $0xFFFF  }
0x112: {  	p0 =	sne.s32 s0, $0x0;
	_ =	strace $0x9000007B  }
0x113: {  	s0 =	sadd.s32 @!p0 $0x100000, s1;
	[bflag:$0x2] =	sbarrier.arrive $0xFFFF  }
0x114: {  	[sflag:s0] =	ssyncadd.tile.s32 @!p0 $0x1;
	_ =	shalt  }
.Lfunc_end2:
_tile_overlayer_lowered:
.L_overlay_start_2:
0x115: {  	(tag) =	ssettag $0x2  }
0x116: {  	s0 =	rddreg [dreg:$0x0];
	s2 =	stileid.u32  }
0x117: {  	s1 =	rddreg [dreg:$0x1];
	p0 =	sne.s32 s2, $0x0  }
0x118: {  	s3 =	rddreg [dreg:$0x2];
	[bflag:$0x3] =	sbarrier.arrive $0xFFFF;
	s2 =	simm.s32 @!p0 $0x1C01  }
0x119: {  	[timem:s3], [sflag:s2] =	dma.local @!p0 [hbm:s0], s1  }
0x11a: {  	s0 =	simm.s32 @!p0 $0x1  }
0x11b: {  	_ =	swait.ge @!p0 [sflag:s0], s1  }
0x11c: {  	s1 =	ssub.s32 @!p0 $0x0, s1;
	[sflag:s0] =	ssyncset.done @!p0 $0x0  }
0x11d: {  	[sflag:s0] =	ssyncadd.s32 @!p0 s1  }
0x11e: {  	[bflag:$0x3] =	sbarrier.arrive $0xFFFF  }
0x11f: {  	_ =	shalt  }

</sc_bundles>
